<compile_context>
chip_gen: v7x
topology: tpu7x:2x2x1
jax: 0.10.2.dev20260603
libtpu: 0.0.44.dev20260713+nightly
codegen_flags: <defaults>
</compile_context>

<pallas_src>
import functools

import jax
import jax.numpy as jnp
from jax import lax
from jax.experimental import pallas as pl
from jax.experimental.pallas import tpu as pltpu
from jax.experimental.pallas import tpu_sc as plsc

BATCH = 16384
DIM = 32
LTILE = 128
NC = 2
NS = 16
NW = NC * NS
BPW = BATCH // NW
GRP = 16
NSLOT = 8
NGRP = BPW // GRP


def _body(ut_hbm, it_hbm, xt_hbm, out_hbm,
          x_v, wu, wi, uex, iex, outv, sem_u, sem_i):
    wid = lax.axis_index("s") * NC + lax.axis_index("c")
    base = wid * BPW

    pltpu.sync_copy(xt_hbm.at[:, pl.ds(base, BPW)], x_v)

    d_lo = lax.iota(jnp.int32, GRP)
    d_hi = d_lo + GRP

    def load_cts(g):
        off = pl.multiple_of(g * GRP, GRP)
        uv = x_v[0, pl.ds(off, GRP)]
        iv = x_v[1, pl.ds(off, GRP)]
        return (uv >> 7, uv & 127, iv >> 7, iv & 127)

    def fire(uct, ict, p, j):
        ou = pl.multiple_of(uct[p] * LTILE, LTILE)
        pltpu.async_copy(ut_hbm.at[:, pl.ds(ou, LTILE)], wu.at[j], sem_u)
        oi = pl.multiple_of(ict[p] * LTILE, LTILE)
        pltpu.async_copy(it_hbm.at[:, pl.ds(oi, LTILE)], wi.at[j], sem_i)

    def drain():
        for j in range(NSLOT):
            pltpu.make_async_copy(
                ut_hbm.at[:, pl.ds(0, LTILE)], wu.at[j], sem_u).wait()
            pltpu.make_async_copy(
                it_hbm.at[:, pl.ds(0, LTILE)], wi.at[j], sem_i).wait()

    def extract(ulan, ilan, p, j):
        slot = jnp.full((GRP,), j, jnp.int32)
        col = jnp.full((GRP,), p, jnp.int32)
        ul = jnp.full((GRP,), ulan[p], jnp.int32)
        plsc.store_scatter(
            uex, [d_lo, col], plsc.load_gather(wu, [slot, d_lo, ul]))
        plsc.store_scatter(
            uex, [d_hi, col], plsc.load_gather(wu, [slot, d_hi, ul]))
        il = jnp.full((GRP,), ilan[p], jnp.int32)
        plsc.store_scatter(
            iex, [d_lo, col], plsc.load_gather(wi, [slot, d_lo, il]))
        plsc.store_scatter(
            iex, [d_hi, col], plsc.load_gather(wi, [slot, d_hi, il]))

    uct0, _, ict0, _ = load_cts(0)
    for j in range(NSLOT):
        fire(uct0, ict0, j, j)

    def group(g, _):
        uct, ulan, ict, ilan = load_cts(g)
        gn = lax.min(g + 1, NGRP - 1)
        uctn, _, ictn, _ = load_cts(gn)

        drain()
        for j in range(NSLOT):
            extract(ulan, ilan, j, j)
            fire(uct, ict, NSLOT + j, j)
        drain()
        for j in range(NSLOT):
            extract(ulan, ilan, NSLOT + j, j)
            fire(uctn, ictn, j, j)

        acc = jnp.zeros((GRP,), jnp.float32)
        for d in range(DIM):
            acc = acc + uex[d, pl.ds(0, GRP)] * iex[d, pl.ds(0, GRP)]
        outv[pl.ds(pl.multiple_of(g * GRP, GRP), GRP)] = acc
        return 0

    lax.fori_loop(0, NGRP, group, 0)
    drain()
    pltpu.sync_copy(outv, out_hbm.at[pl.ds(base, BPW)])


@jax.jit
def _cf_dot(ut, it, xt):
    mesh = plsc.VectorSubcoreMesh(core_axis_name="c", subcore_axis_name="s")
    k = functools.partial(
        pl.kernel,
        mesh=mesh,
        out_type=jax.ShapeDtypeStruct((BATCH,), jnp.float32),
        scratch_types=[
            pltpu.VMEM((2, BPW), jnp.int32),
            pltpu.VMEM((NSLOT, DIM, LTILE), jnp.float32),
            pltpu.VMEM((NSLOT, DIM, LTILE), jnp.float32),
            pltpu.VMEM((DIM, GRP), jnp.float32),
            pltpu.VMEM((DIM, GRP), jnp.float32),
            pltpu.VMEM((BPW,), jnp.float32),
            pltpu.SemaphoreType.DMA,
            pltpu.SemaphoreType.DMA,
        ],
        compiler_params=pltpu.CompilerParams(
            needs_layout_passes=False, use_tc_tiling_on_sc=True),
    )(_body)
    return k(ut, it, xt)


def kernel(x, user_emb, item_emb):
    xt = x.astype(jnp.int32).T
    return _cf_dot(user_emb.T, item_emb.T, xt)

# --- scband reference (transcript-rebuilt; emitter-appended) ---
"""Pipeline reference for scband-cfmodule-29721173689028 (READ-ONLY COPY).

The authoritative reference and input builder live on the scoring server;
editing this copy changes nothing except your own understanding.
"""

import jax, jax.numpy as jnp
import numpy as np

NUM_USER = 1000000
NUM_ITEM = 1000000
DIM = 32
BATCH = 16384

def setup_inputs(seed: int = 0) -> dict:
    key = jax.random.key(seed)
    k1, k2, k3 = jax.random.split(key, 3)
    x = jax.random.randint(k1, (BATCH, 2), 0, NUM_USER, dtype=jnp.int64) if jax.config.jax_enable_x64 else jax.random.randint(k1, (BATCH, 2), 0, NUM_USER, dtype=jnp.int32)
    user_emb = jax.random.normal(k2, (NUM_USER, DIM), dtype=jnp.float32) * 0.05
    item_emb = jax.random.normal(k3, (NUM_ITEM, DIM), dtype=jnp.float32) * 0.05
    return {"x": x, "user_emb": user_emb, "item_emb": item_emb}

def reference(x, user_emb, item_emb):
    user_x = jnp.take(user_emb, x[:, 0], axis=0)
    item_x = jnp.take(item_emb, x[:, 1], axis=0)
    out = jnp.einsum('ij,ij->i', user_x, item_x)
    return out

if __name__ == "__main__":
    import jax
    _d = setup_inputs()
    print(jax.jit(kernel)(*tuple(_d.values())))

</pallas_src>

<mosaic_0001>
#map = affine_map<(d0, d1) -> (0, 0)>
#map1 = affine_map<(d0, d1) -> (0)>
module attributes {stable_mosaic.version = 14 : i64} {
  func.func @_body(%arg0: i32, %arg1: i32, %arg2: memref<32x1000000xf32, #tpu.memory_space<hbm>>, %arg3: memref<32x1000000xf32, #tpu.memory_space<hbm>>, %arg4: memref<2x16384xi32, #tpu.memory_space<hbm>>, %arg5: memref<16384xf32, #tpu.memory_space<hbm>>, %arg6: memref<2x512xi32, #tpu.memory_space<vmem>>, %arg7: memref<8x32x128xf32, #tpu.memory_space<vmem>>, %arg8: memref<8x32x128xf32, #tpu.memory_space<vmem>>, %arg9: memref<32x16xf32, #tpu.memory_space<vmem>>, %arg10: memref<32x16xf32, #tpu.memory_space<vmem>>, %arg11: memref<512xf32, #tpu.memory_space<vmem>>, %arg12: memref<!tpu.dma_semaphore, #tpu.memory_space<semaphore_mem>>, %arg13: memref<!tpu.dma_semaphore, #tpu.memory_space<semaphore_mem>>) attributes {dimension_semantics = [#tpu.dimension_semantics<core_parallel>, #tpu.dimension_semantics<subcore_parallel>], iteration_bounds = array<i64: 2, 16>, scalar_prefetch = 0 : i64, scratch_operands = 8 : i64, tpu.core_type = #tpu.core_type<sc_vector_subcore>, window_params = [{transform_indices = #map}, {transform_indices = #map}, {transform_indices = #map}, {transform_indices = #map1}]} {
    %mul3A = arith.constant 2 : i32
    %mul3A_0 = arith.muli %arg1, %mul3A : i32
    %add3A = arith.addi %mul3A_0, %arg0 : i32
    %mul3A_1 = arith.constant 512 : i32
    %mul3A_2 = arith.muli %add3A, %mul3A_1 : i32
    "tpu.region"() ({
      %run_scoped3A = tpu.sem_alloc : memref<!tpu.dma_semaphore, #tpu.memory_space<semaphore_mem>>
      %dma_start3A_554 = arith.constant 0 : i32
      %dma_start3A_555 = tpu.memref_slice %arg4[%dma_start3A_554, %mul3A_2] : memref<2x16384xi32, #tpu.memory_space<hbm>> -> memref<2x512xi32, #tpu.memory_space<hbm>>
      %dma_start3A_556 = arith.constant 0 : i32
      %dma_start3A_557 = tpu.memref_slice %arg4[%dma_start3A_556, %mul3A_2] : memref<2x16384xi32, #tpu.memory_space<hbm>> -> memref<2x512xi32, #tpu.memory_space<hbm>>
      tpu.enqueue_dma source(%dma_start3A_557 : memref<2x512xi32, #tpu.memory_space<hbm>>) target(%arg6 : memref<2x512xi32, #tpu.memory_space<vmem>>) target_semaphore(%run_scoped3A : memref<!tpu.dma_semaphore, #tpu.memory_space<semaphore_mem>>)
      %dma_wait3A_558 = arith.constant 0 : i32
      %dma_wait3A_559 = tpu.memref_slice %arg4[%dma_wait3A_558, %mul3A_2] : memref<2x16384xi32, #tpu.memory_space<hbm>> -> memref<2x512xi32, #tpu.memory_space<hbm>>
      %dma_wait3A_560 = arith.constant 0 : i32
      %dma_wait3A_561 = tpu.memref_slice %arg4[%dma_wait3A_560, %mul3A_2] : memref<2x16384xi32, #tpu.memory_space<hbm>> -> memref<2x512xi32, #tpu.memory_space<hbm>>
      tpu.wait_dma2 semaphore(%run_scoped3A : memref<!tpu.dma_semaphore, #tpu.memory_space<semaphore_mem>>) src(%dma_wait3A_561 : memref<2x512xi32, #tpu.memory_space<hbm>>) dst(%arg6 : memref<2x512xi32, #tpu.memory_space<vmem>>)
      tpu.yield
    }) : () -> ()
    %iota3A = tpu.iota {dimensions = array<i32: 0>} : vector<16xi32>
    %add3A_3 = arith.constant 16 : i32
    %add3A_4 = vector.broadcast %add3A_3 : i32 to vector<16xi32>
    %add3A_5 = arith.addi %iota3A, %add3A_4 : vector<16xi32>
    %multiple_of3A = arith.constant 0 : i32
    %multiple_of3A_6 = tpu.assume_multiple %multiple_of3A, 16 : i32
    %get3A = arith.constant 0 : i32
    %get3A_7 = arith.index_cast %get3A : i32 to index
    %get3A_8 = arith.index_cast %multiple_of3A_6 : i32 to index
    %get3A_9 = tpu.vector_load %arg6[%get3A_7, %get3A_8] {strides = array<i32>} : memref<2x512xi32, #tpu.memory_space<vmem>>, vector<16xi32>,
    %get3A_10 = arith.constant 1 : i32
    %get3A_11 = arith.index_cast %get3A_10 : i32 to index
    %get3A_12 = arith.index_cast %multiple_of3A_6 : i32 to index
    %get3A_13 = tpu.vector_load %arg6[%get3A_11, %get3A_12] {strides = array<i32>} : memref<2x512xi32, #tpu.memory_space<vmem>>, vector<16xi32>,
    %shift_right_arithmetic3A = arith.constant 7 : i32
    %shift_right_arithmetic3A_14 = vector.broadcast %shift_right_arithmetic3A : i32 to vector<16xi32>
    %shift_right_arithmetic3A_15 = arith.shrsi %get3A_9, %shift_right_arithmetic3A_14 : vector<16xi32>
    %and3A = arith.constant 127 : i32
    %and3A_16 = vector.broadcast %and3A : i32 to vector<16xi32>
    %and3A_17 = arith.andi %get3A_9, %and3A_16 : vector<16xi32>
    %shift_right_arithmetic3A_18 = arith.constant 7 : i32
    %shift_right_arithmetic3A_19 = vector.broadcast %shift_right_arithmetic3A_18 : i32 to vector<16xi32>
    %shift_right_arithmetic3A_20 = arith.shrsi %get3A_13, %shift_right_arithmetic3A_19 : vector<16xi32>
    %and3A_21 = arith.constant 127 : i32
    %and3A_22 = vector.broadcast %and3A_21 : i32 to vector<16xi32>
    %and3A_23 = arith.andi %get3A_13, %and3A_22 : vector<16xi32>
    %slice3A = vector.extract_strided_slice %shift_right_arithmetic3A_15 {offsets = [0], sizes = [1], strides = [1]} : vector<16xi32> to vector<1xi32>
    %squeeze3A = vector.extract %slice3A[0] : i32 from vector<1xi32>
    %mul3A_24 = arith.constant 128 : i32
    %mul3A_25 = arith.muli %squeeze3A, %mul3A_24 : i32
    %multiple_of3A_26 = tpu.assume_multiple %mul3A_25, 128 : i32
    %dma_start3A = arith.constant 0 : i32
    %dma_start3A_27 = arith.constant 0 : i32
    %dma_start3A_28 = arith.constant 0 : i32
    %dma_start3A_29 = tpu.memref_slice %arg7[%dma_start3A, %dma_start3A_27, %dma_start3A_28] : memref<8x32x128xf32, #tpu.memory_space<vmem>> -> memref<1x32x128xf32, #tpu.memory_space<vmem>>
    %dma_start3A_30 = tpu.memref_squeeze %dma_start3A_29 : memref<1x32x128xf32, #tpu.memory_space<vmem>> -> memref<32x128xf32, #tpu.memory_space<vmem>>
    %dma_start3A_31 = arith.constant 0 : i32
    %dma_start3A_32 = tpu.memref_slice %arg2[%dma_start3A_31, %multiple_of3A_26] : memref<32x1000000xf32, #tpu.memory_space<hbm>> -> memref<32x128xf32, #tpu.memory_space<hbm>>
    %dma_start3A_33 = arith.constant 0 : i32
    %dma_start3A_34 = arith.constant 0 : i32
    %dma_start3A_35 = tpu.memref_slice %arg7[%dma_start3A, %dma_start3A_33, %dma_start3A_34] : memref<8x32x128xf32, #tpu.memory_space<vmem>> -> memref<1x32x128xf32, #tpu.memory_space<vmem>>
    %dma_start3A_36 = tpu.memref_squeeze %dma_start3A_35 : memref<1x32x128xf32, #tpu.memory_space<vmem>> -> memref<32x128xf32, #tpu.memory_space<vmem>>
    %dma_start3A_37 = arith.constant 0 : i32
    %dma_start3A_38 = tpu.memref_slice %arg2[%dma_start3A_37, %multiple_of3A_26] : memref<32x1000000xf32, #tpu.memory_space<hbm>> -> memref<32x128xf32, #tpu.memory_space<hbm>>
    tpu.enqueue_dma source(%dma_start3A_38 : memref<32x128xf32, #tpu.memory_space<hbm>>) target(%dma_start3A_36 : memref<32x128xf32, #tpu.memory_space<vmem>>) target_semaphore(%arg12 : memref<!tpu.dma_semaphore, #tpu.memory_space<semaphore_mem>>)
    %slice3A_39 = vector.extract_strided_slice %shift_right_arithmetic3A_20 {offsets = [0], sizes = [1], strides = [1]} : vector<16xi32> to vector<1xi32>
    %squeeze3A_40 = vector.extract %slice3A_39[0] : i32 from vector<1xi32>
    %mul3A_41 = arith.constant 128 : i32
    %mul3A_42 = arith.muli %squeeze3A_40, %mul3A_41 : i32
    %multiple_of3A_43 = tpu.assume_multiple %mul3A_42, 128 : i32
    %dma_start3A_44 = arith.constant 0 : i32
    %dma_start3A_45 = arith.constant 0 : i32
    %dma_start3A_46 = arith.constant 0 : i32
    %dma_start3A_47 = tpu.memref_slice %arg8[%dma_start3A_44, %dma_start3A_45, %dma_start3A_46] : memref<8x32x128xf32, #tpu.memory_space<vmem>> -> memref<1x32x128xf32, #tpu.memory_space<vmem>>
    %dma_start3A_48 = tpu.memref_squeeze %dma_start3A_47 : memref<1x32x128xf32, #tpu.memory_space<vmem>> -> memref<32x128xf32, #tpu.memory_space<vmem>>
    %dma_start3A_49 = arith.constant 0 : i32
    %dma_start3A_50 = tpu.memref_slice %arg3[%dma_start3A_49, %multiple_of3A_43] : memref<32x1000000xf32, #tpu.memory_space<hbm>> -> memref<32x128xf32, #tpu.memory_space<hbm>>
    %dma_start3A_51 = arith.constant 0 : i32
    %dma_start3A_52 = arith.constant 0 : i32
    %dma_start3A_53 = tpu.memref_slice %arg8[%dma_start3A_44, %dma_start3A_51, %dma_start3A_52] : memref<8x32x128xf32, #tpu.memory_space<vmem>> -> memref<1x32x128xf32, #tpu.memory_space<vmem>>
    %dma_start3A_54 = tpu.memref_squeeze %dma_start3A_53 : memref<1x32x128xf32, #tpu.memory_space<vmem>> -> memref<32x128xf32, #tpu.memory_space<vmem>>
    %dma_start3A_55 = arith.constant 0 : i32
    %dma_start3A_56 = tpu.memref_slice %arg3[%dma_start3A_55, %multiple_of3A_43] : memref<32x1000000xf32, #tpu.memory_space<hbm>> -> memref<32x128xf32, #tpu.memory_space<hbm>>
    tpu.enqueue_dma source(%dma_start3A_56 : memref<32x128xf32, #tpu.memory_space<hbm>>) target(%dma_start3A_54 : memref<32x128xf32, #tpu.memory_space<vmem>>) target_semaphore(%arg13 : memref<!tpu.dma_semaphore, #tpu.memory_space<semaphore_mem>>)
    %slice3A_57 = vector.extract_strided_slice %shift_right_arithmetic3A_15 {offsets = [1], sizes = [1], strides = [1]} : vector<16xi32> to vector<1xi32>
    %squeeze3A_58 = vector.extract %slice3A_57[0] : i32 from vector<1xi32>
    %mul3A_59 = arith.constant 128 : i32
    %mul3A_60 = arith.muli %squeeze3A_58, %mul3A_59 : i32
    %multiple_of3A_61 = tpu.assume_multiple %mul3A_60, 128 : i32
    %dma_start3A_62 = arith.constant 1 : i32
    %dma_start3A_63 = arith.constant 0 : i32
    %dma_start3A_64 = arith.constant 0 : i32
    %dma_start3A_65 = tpu.memref_slice %arg7[%dma_start3A_62, %dma_start3A_63, %dma_start3A_64] : memref<8x32x128xf32, #tpu.memory_space<vmem>> -> memref<1x32x128xf32, #tpu.memory_space<vmem>>
    %dma_start3A_66 = tpu.memref_squeeze %dma_start3A_65 : memref<1x32x128xf32, #tpu.memory_space<vmem>> -> memref<32x128xf32, #tpu.memory_space<vmem>>
    %dma_start3A_67 = arith.constant 0 : i32
    %dma_start3A_68 = tpu.memref_slice %arg2[%dma_start3A_67, %multiple_of3A_61] : memref<32x1000000xf32, #tpu.memory_space<hbm>> -> memref<32x128xf32, #tpu.memory_space<hbm>>
    %dma_start3A_69 = arith.constant 0 : i32
    %dma_start3A_70 = arith.constant 0 : i32
    %dma_start3A_71 = tpu.memref_slice %arg7[%dma_start3A_62, %dma_start3A_69, %dma_start3A_70] : memref<8x32x128xf32, #tpu.memory_space<vmem>> -> memref<1x32x128xf32, #tpu.memory_space<vmem>>
    %dma_start3A_72 = tpu.memref_squeeze %dma_start3A_71 : memref<1x32x128xf32, #tpu.memory_space<vmem>> -> memref<32x128xf32, #tpu.memory_space<vmem>>
    %dma_start3A_73 = arith.constant 0 : i32
    %dma_start3A_74 = tpu.memref_slice %arg2[%dma_start3A_73, %multiple_of3A_61] : memref<32x1000000xf32, #tpu.memory_space<hbm>> -> memref<32x128xf32, #tpu.memory_space<hbm>>
    tpu.enqueue_dma source(%dma_start3A_74 : memref<32x128xf32, #tpu.memory_space<hbm>>) target(%dma_start3A_72 : memref<32x128xf32, #tpu.memory_space<vmem>>) target_semaphore(%arg12 : memref<!tpu.dma_semaphore, #tpu.memory_space<semaphore_mem>>)
    %slice3A_75 = vector.extract_strided_slice %shift_right_arithmetic3A_20 {offsets = [1], sizes = [1], strides = [1]} : vector<16xi32> to vector<1xi32>
    %squeeze3A_76 = vector.extract %slice3A_75[0] : i32 from vector<1xi32>
    %mul3A_77 = arith.constant 128 : i32
    %mul3A_78 = arith.muli %squeeze3A_76, %mul3A_77 : i32
    %multiple_of3A_79 = tpu.assume_multiple %mul3A_78, 128 : i32
    %dma_start3A_80 = arith.constant 1 : i32
    %dma_start3A_81 = arith.constant 0 : i32
    %dma_start3A_82 = arith.constant 0 : i32
    %dma_start3A_83 = tpu.memref_slice %arg8[%dma_start3A_80, %dma_start3A_81, %dma_start3A_82] : memref<8x32x128xf32, #tpu.memory_space<vmem>> -> memref<1x32x128xf32, #tpu.memory_space<vmem>>
    %dma_start3A_84 = tpu.memref_squeeze %dma_start3A_83 : memref<1x32x128xf32, #tpu.memory_space<vmem>> -> memref<32x128xf32, #tpu.memory_space<vmem>>
    %dma_start3A_85 = arith.constant 0 : i32
    %dma_start3A_86 = tpu.memref_slice %arg3[%dma_start3A_85, %multiple_of3A_79] : memref<32x1000000xf32, #tpu.memory_space<hbm>> -> memref<32x128xf32, #tpu.memory_space<hbm>>
    %dma_start3A_87 = arith.constant 0 : i32
    %dma_start3A_88 = arith.constant 0 : i32
    %dma_start3A_89 = tpu.memref_slice %arg8[%dma_start3A_80, %dma_start3A_87, %dma_start3A_88] : memref<8x32x128xf32, #tpu.memory_space<vmem>> -> memref<1x32x128xf32, #tpu.memory_space<vmem>>
    %dma_start3A_90 = tpu.memref_squeeze %dma_start3A_89 : memref<1x32x128xf32, #tpu.memory_space<vmem>> -> memref<32x128xf32, #tpu.memory_space<vmem>>
    %dma_start3A_91 = arith.constant 0 : i32
    %dma_start3A_92 = tpu.memref_slice %arg3[%dma_start3A_91, %multiple_of3A_79] : memref<32x1000000xf32, #tpu.memory_space<hbm>> -> memref<32x128xf32, #tpu.memory_space<hbm>>
    tpu.enqueue_dma source(%dma_start3A_92 : memref<32x128xf32, #tpu.memory_space<hbm>>) target(%dma_start3A_90 : memref<32x128xf32, #tpu.memory_space<vmem>>) target_semaphore(%arg13 : memref<!tpu.dma_semaphore, #tpu.memory_space<semaphore_mem>>)
    %slice3A_93 = vector.extract_strided_slice %shift_right_arithmetic3A_15 {offsets = [2], sizes = [1], strides = [1]} : vector<16xi32> to vector<1xi32>
    %squeeze3A_94 = vector.extract %slice3A_93[0] : i32 from vector<1xi32>
    %mul3A_95 = arith.constant 128 : i32
    %mul3A_96 = arith.muli %squeeze3A_94, %mul3A_95 : i32
    %multiple_of3A_97 = tpu.assume_multiple %mul3A_96, 128 : i32
    %dma_start3A_98 = arith.constant 2 : i32
    %dma_start3A_99 = arith.constant 0 : i32
    %dma_start3A_100 = arith.constant 0 : i32
    %dma_start3A_101 = tpu.memref_slice %arg7[%dma_start3A_98, %dma_start3A_99, %dma_start3A_100] : memref<8x32x128xf32, #tpu.memory_space<vmem>> -> memref<1x32x128xf32, #tpu.memory_space<vmem>>
    %dma_start3A_102 = tpu.memref_squeeze %dma_start3A_101 : memref<1x32x128xf32, #tpu.memory_space<vmem>> -> memref<32x128xf32, #tpu.memory_space<vmem>>
    %dma_start3A_103 = arith.constant 0 : i32
    %dma_start3A_104 = tpu.memref_slice %arg2[%dma_start3A_103, %multiple_of3A_97] : memref<32x1000000xf32, #tpu.memory_space<hbm>> -> memref<32x128xf32, #tpu.memory_space<hbm>>
    %dma_start3A_105 = arith.constant 0 : i32
    %dma_start3A_106 = arith.constant 0 : i32
    %dma_start3A_107 = tpu.memref_slice %arg7[%dma_start3A_98, %dma_start3A_105, %dma_start3A_106] : memref<8x32x128xf32, #tpu.memory_space<vmem>> -> memref<1x32x128xf32, #tpu.memory_space<vmem>>
    %dma_start3A_108 = tpu.memref_squeeze %dma_start3A_107 : memref<1x32x128xf32, #tpu.memory_space<vmem>> -> memref<32x128xf32, #tpu.memory_space<vmem>>
    %dma_start3A_109 = arith.constant 0 : i32
    %dma_start3A_110 = tpu.memref_slice %arg2[%dma_start3A_109, %multiple_of3A_97] : memref<32x1000000xf32, #tpu.memory_space<hbm>> -> memref<32x128xf32, #tpu.memory_space<hbm>>
    tpu.enqueue_dma source(%dma_start3A_110 : memref<32x128xf32, #tpu.memory_space<hbm>>) target(%dma_start3A_108 : memref<32x128xf32, #tpu.memory_space<vmem>>) target_semaphore(%arg12 : memref<!tpu.dma_semaphore, #tpu.memory_space<semaphore_mem>>)
    %slice3A_111 = vector.extract_strided_slice %shift_right_arithmetic3A_20 {offsets = [2], sizes = [1], strides = [1]} : vector<16xi32> to vector<1xi32>
    %squeeze3A_112 = vector.extract %slice3A_111[0] : i32 from vector<1xi32>
    %mul3A_113 = arith.constant 128 : i32
    %mul3A_114 = arith.muli %squeeze3A_112, %mul3A_113 : i32
    %multiple_of3A_115 = tpu.assume_multiple %mul3A_114, 128 : i32
    %dma_start3A_116 = arith.constant 2 : i32
    %dma_start3A_117 = arith.constant 0 : i32
    %dma_start3A_118 = arith.constant 0 : i32
    %dma_start3A_119 = tpu.memref_slice %arg8[%dma_start3A_116, %dma_start3A_117, %dma_start3A_118] : memref<8x32x128xf32, #tpu.memory_space<vmem>> -> memref<1x32x128xf32, #tpu.memory_space<vmem>>
    %dma_start3A_120 = tpu.memref_squeeze %dma_start3A_119 : memref<1x32x128xf32, #tpu.memory_space<vmem>> -> memref<32x128xf32, #tpu.memory_space<vmem>>
    %dma_start3A_121 = arith.constant 0 : i32
    %dma_start3A_122 = tpu.memref_slice %arg3[%dma_start3A_121, %multiple_of3A_115] : memref<32x1000000xf32, #tpu.memory_space<hbm>> -> memref<32x128xf32, #tpu.memory_space<hbm>>
    %dma_start3A_123 = arith.constant 0 : i32
    %dma_start3A_124 = arith.constant 0 : i32
    %dma_start3A_125 = tpu.memref_slice %arg8[%dma_start3A_116, %dma_start3A_123, %dma_start3A_124] : memref<8x32x128xf32, #tpu.memory_space<vmem>> -> memref<1x32x128xf32, #tpu.memory_space<vmem>>
    %dma_start3A_126 = tpu.memref_squeeze %dma_start3A_125 : memref<1x32x128xf32, #tpu.memory_space<vmem>> -> memref<32x128xf32, #tpu.memory_space<vmem>>
    %dma_start3A_127 = arith.constant 0 : i32
    %dma_start3A_128 = tpu.memref_slice %arg3[%dma_start3A_127, %multiple_of3A_115] : memref<32x1000000xf32, #tpu.memory_space<hbm>> -> memref<32x128xf32, #tpu.memory_space<hbm>>
    tpu.enqueue_dma source(%dma_start3A_128 : memref<32x128xf32, #tpu.memory_space<hbm>>) target(%dma_start3A_126 : memref<32x128xf32, #tpu.memory_space<vmem>>) target_semaphore(%arg13 : memref<!tpu.dma_semaphore, #tpu.memory_space<semaphore_mem>>)
    %slice3A_129 = vector.extract_strided_slice %shift_right_arithmetic3A_15 {offsets = [3], sizes = [1], strides = [1]} : vector<16xi32> to vector<1xi32>
    %squeeze3A_130 = vector.extract %slice3A_129[0] : i32 from vector<1xi32>
    %mul3A_131 = arith.constant 128 : i32
    %mul3A_132 = arith.muli %squeeze3A_130, %mul3A_131 : i32
    %multiple_of3A_133 = tpu.assume_multiple %mul3A_132, 128 : i32
    %dma_start3A_134 = arith.constant 3 : i32
    %dma_start3A_135 = arith.constant 0 : i32
    %dma_start3A_136 = arith.constant 0 : i32
    %dma_start3A_137 = tpu.memref_slice %arg7[%dma_start3A_134, %dma_start3A_135, %dma_start3A_136] : memref<8x32x128xf32, #tpu.memory_space<vmem>> -> memref<1x32x128xf32, #tpu.memory_space<vmem>>
    %dma_start3A_138 = tpu.memref_squeeze %dma_start3A_137 : memref<1x32x128xf32, #tpu.memory_space<vmem>> -> memref<32x128xf32, #tpu.memory_space<vmem>>
    %dma_start3A_139 = arith.constant 0 : i32
    %dma_start3A_140 = tpu.memref_slice %arg2[%dma_start3A_139, %multiple_of3A_133] : memref<32x1000000xf32, #tpu.memory_space<hbm>> -> memref<32x128xf32, #tpu.memory_space<hbm>>
    %dma_start3A_141 = arith.constant 0 : i32
    %dma_start3A_142 = arith.constant 0 : i32
    %dma_start3A_143 = tpu.memref_slice %arg7[%dma_start3A_134, %dma_start3A_141, %dma_start3A_142] : memref<8x32x128xf32, #tpu.memory_space<vmem>> -> memref<1x32x128xf32, #tpu.memory_space<vmem>>
    %dma_start3A_144 = tpu.memref_squeeze %dma_start3A_143 : memref<1x32x128xf32, #tpu.memory_space<vmem>> -> memref<32x128xf32, #tpu.memory_space<vmem>>
    %dma_start3A_145 = arith.constant 0 : i32
    %dma_start3A_146 = tpu.memref_slice %arg2[%dma_start3A_145, %multiple_of3A_133] : memref<32x1000000xf32, #tpu.memory_space<hbm>> -> memref<32x128xf32, #tpu.memory_space<hbm>>
    tpu.enqueue_dma source(%dma_start3A_146 : memref<32x128xf32, #tpu.memory_space<hbm>>) target(%dma_start3A_144 : memref<32x128xf32, #tpu.memory_space<vmem>>) target_semaphore(%arg12 : memref<!tpu.dma_semaphore, #tpu.memory_space<semaphore_mem>>)
    %slice3A_147 = vector.extract_strided_slice %shift_right_arithmetic3A_20 {offsets = [3], sizes = [1], strides = [1]} : vector<16xi32> to vector<1xi32>
    %squeeze3A_148 = vector.extract %slice3A_147[0] : i32 from vector<1xi32>
    %mul3A_149 = arith.constant 128 : i32
    %mul3A_150 = arith.muli %squeeze3A_148, %mul3A_149 : i32
    %multiple_of3A_151 = tpu.assume_multiple %mul3A_150, 128 : i32
    %dma_start3A_152 = arith.constant 3 : i32
    %dma_start3A_153 = arith.constant 0 : i32
    %dma_start3A_154 = arith.constant 0 : i32
    %dma_start3A_155 = tpu.memref_slice %arg8[%dma_start3A_152, %dma_start3A_153, %dma_start3A_154] : memref<8x32x128xf32, #tpu.memory_space<vmem>> -> memref<1x32x128xf32, #tpu.memory_space<vmem>>
    %dma_start3A_156 = tpu.memref_squeeze %dma_start3A_155 : memref<1x32x128xf32, #tpu.memory_space<vmem>> -> memref<32x128xf32, #tpu.memory_space<vmem>>
    %dma_start3A_157 = arith.constant 0 : i32
    %dma_start3A_158 = tpu.memref_slice %arg3[%dma_start3A_157, %multiple_of3A_151] : memref<32x1000000xf32, #tpu.memory_space<hbm>> -> memref<32x128xf32, #tpu.memory_space<hbm>>
    %dma_start3A_159 = arith.constant 0 : i32
    %dma_start3A_160 = arith.constant 0 : i32
    %dma_start3A_161 = tpu.memref_slice %arg8[%dma_start3A_152, %dma_start3A_159, %dma_start3A_160] : memref<8x32x128xf32, #tpu.memory_space<vmem>> -> memref<1x32x128xf32, #tpu.memory_space<vmem>>
    %dma_start3A_162 = tpu.memref_squeeze %dma_start3A_161 : memref<1x32x128xf32, #tpu.memory_space<vmem>> -> memref<32x128xf32, #tpu.memory_space<vmem>>
    %dma_start3A_163 = arith.constant 0 : i32
    %dma_start3A_164 = tpu.memref_slice %arg3[%dma_start3A_163, %multiple_of3A_151] : memref<32x1000000xf32, #tpu.memory_space<hbm>> -> memref<32x128xf32, #tpu.memory_space<hbm>>
    tpu.enqueue_dma source(%dma_start3A_164 : memref<32x128xf32, #tpu.memory_space<hbm>>) target(%dma_start3A_162 : memref<32x128xf32, #tpu.memory_space<vmem>>) target_semaphore(%arg13 : memref<!tpu.dma_semaphore, #tpu.memory_space<semaphore_mem>>)
    %slice3A_165 = vector.extract_strided_slice %shift_right_arithmetic3A_15 {offsets = [4], sizes = [1], strides = [1]} : vector<16xi32> to vector<1xi32>
    %squeeze3A_166 = vector.extract %slice3A_165[0] : i32 from vector<1xi32>
    %mul3A_167 = arith.constant 128 : i32
    %mul3A_168 = arith.muli %squeeze3A_166, %mul3A_167 : i32
    %multiple_of3A_169 = tpu.assume_multiple %mul3A_168, 128 : i32
    %dma_start3A_170 = arith.constant 4 : i32
    %dma_start3A_171 = arith.constant 0 : i32
    %dma_start3A_172 = arith.constant 0 : i32
    %dma_start3A_173 = tpu.memref_slice %arg7[%dma_start3A_170, %dma_start3A_171, %dma_start3A_172] : memref<8x32x128xf32, #tpu.memory_space<vmem>> -> memref<1x32x128xf32, #tpu.memory_space<vmem>>
    %dma_start3A_174 = tpu.memref_squeeze %dma_start3A_173 : memref<1x32x128xf32, #tpu.memory_space<vmem>> -> memref<32x128xf32, #tpu.memory_space<vmem>>
    %dma_start3A_175 = arith.constant 0 : i32
    %dma_start3A_176 = tpu.memref_slice %arg2[%dma_start3A_175, %multiple_of3A_169] : memref<32x1000000xf32, #tpu.memory_space<hbm>> -> memref<32x128xf32, #tpu.memory_space<hbm>>
    %dma_start3A_177 = arith.constant 0 : i32
    %dma_start3A_178 = arith.constant 0 : i32
    %dma_start3A_179 = tpu.memref_slice %arg7[%dma_start3A_170, %dma_start3A_177, %dma_start3A_178] : memref<8x32x128xf32, #tpu.memory_space<vmem>> -> memref<1x32x128xf32, #tpu.memory_space<vmem>>
    %dma_start3A_180 = tpu.memref_squeeze %dma_start3A_179 : memref<1x32x128xf32, #tpu.memory_space<vmem>> -> memref<32x128xf32, #tpu.memory_space<vmem>>
    %dma_start3A_181 = arith.constant 0 : i32
    %dma_start3A_182 = tpu.memref_slice %arg2[%dma_start3A_181, %multiple_of3A_169] : memref<32x1000000xf32, #tpu.memory_space<hbm>> -> memref<32x128xf32, #tpu.memory_space<hbm>>
    tpu.enqueue_dma source(%dma_start3A_182 : memref<32x128xf32, #tpu.memory_space<hbm>>) target(%dma_start3A_180 : memref<32x128xf32, #tpu.memory_space<vmem>>) target_semaphore(%arg12 : memref<!tpu.dma_semaphore, #tpu.memory_space<semaphore_mem>>)
    %slice3A_183 = vector.extract_strided_slice %shift_right_arithmetic3A_20 {offsets = [4], sizes = [1], strides = [1]} : vector<16xi32> to vector<1xi32>
    %squeeze3A_184 = vector.extract %slice3A_183[0] : i32 from vector<1xi32>
    %mul3A_185 = arith.constant 128 : i32
    %mul3A_186 = arith.muli %squeeze3A_184, %mul3A_185 : i32
    %multiple_of3A_187 = tpu.assume_multiple %mul3A_186, 128 : i32
    %dma_start3A_188 = arith.constant 4 : i32
    %dma_start3A_189 = arith.constant 0 : i32
    %dma_start3A_190 = arith.constant 0 : i32
    %dma_start3A_191 = tpu.memref_slice %arg8[%dma_start3A_188, %dma_start3A_189, %dma_start3A_190] : memref<8x32x128xf32, #tpu.memory_space<vmem>> -> memref<1x32x128xf32, #tpu.memory_space<vmem>>
    %dma_start3A_192 = tpu.memref_squeeze %dma_start3A_191 : memref<1x32x128xf32, #tpu.memory_space<vmem>> -> memref<32x128xf32, #tpu.memory_space<vmem>>
    %dma_start3A_193 = arith.constant 0 : i32
    %dma_start3A_194 = tpu.memref_slice %arg3[%dma_start3A_193, %multiple_of3A_187] : memref<32x1000000xf32, #tpu.memory_space<hbm>> -> memref<32x128xf32, #tpu.memory_space<hbm>>
    %dma_start3A_195 = arith.constant 0 : i32
    %dma_start3A_196 = arith.constant 0 : i32
    %dma_start3A_197 = tpu.memref_slice %arg8[%dma_start3A_188, %dma_start3A_195, %dma_start3A_196] : memref<8x32x128xf32, #tpu.memory_space<vmem>> -> memref<1x32x128xf32, #tpu.memory_space<vmem>>
    %dma_start3A_198 = tpu.memref_squeeze %dma_start3A_197 : memref<1x32x128xf32, #tpu.memory_space<vmem>> -> memref<32x128xf32, #tpu.memory_space<vmem>>
    %dma_start3A_199 = arith.constant 0 : i32
    %dma_start3A_200 = tpu.memref_slice %arg3[%dma_start3A_199, %multiple_of3A_187] : memref<32x1000000xf32, #tpu.memory_space<hbm>> -> memref<32x128xf32, #tpu.memory_space<hbm>>
    tpu.enqueue_dma source(%dma_start3A_200 : memref<32x128xf32, #tpu.memory_space<hbm>>) target(%dma_start3A_198 : memref<32x128xf32, #tpu.memory_space<vmem>>) target_semaphore(%arg13 : memref<!tpu.dma_semaphore, #tpu.memory_space<semaphore_mem>>)
    %slice3A_201 = vector.extract_strided_slice %shift_right_arithmetic3A_15 {offsets = [5], sizes = [1], strides = [1]} : vector<16xi32> to vector<1xi32>
    %squeeze3A_202 = vector.extract %slice3A_201[0] : i32 from vector<1xi32>
    %mul3A_203 = arith.constant 128 : i32
    %mul3A_204 = arith.muli %squeeze3A_202, %mul3A_203 : i32
    %multiple_of3A_205 = tpu.assume_multiple %mul3A_204, 128 : i32
    %dma_start3A_206 = arith.constant 5 : i32
    %dma_start3A_207 = arith.constant 0 : i32
    %dma_start3A_208 = arith.constant 0 : i32
    %dma_start3A_209 = tpu.memref_slice %arg7[%dma_start3A_206, %dma_start3A_207, %dma_start3A_208] : memref<8x32x128xf32, #tpu.memory_space<vmem>> -> memref<1x32x128xf32, #tpu.memory_space<vmem>>
    %dma_start3A_210 = tpu.memref_squeeze %dma_start3A_209 : memref<1x32x128xf32, #tpu.memory_space<vmem>> -> memref<32x128xf32, #tpu.memory_space<vmem>>
    %dma_start3A_211 = arith.constant 0 : i32
    %dma_start3A_212 = tpu.memref_slice %arg2[%dma_start3A_211, %multiple_of3A_205] : memref<32x1000000xf32, #tpu.memory_space<hbm>> -> memref<32x128xf32, #tpu.memory_space<hbm>>
    %dma_start3A_213 = arith.constant 0 : i32
    %dma_start3A_214 = arith.constant 0 : i32
    %dma_start3A_215 = tpu.memref_slice %arg7[%dma_start3A_206, %dma_start3A_213, %dma_start3A_214] : memref<8x32x128xf32, #tpu.memory_space<vmem>> -> memref<1x32x128xf32, #tpu.memory_space<vmem>>
    %dma_start3A_216 = tpu.memref_squeeze %dma_start3A_215 : memref<1x32x128xf32, #tpu.memory_space<vmem>> -> memref<32x128xf32, #tpu.memory_space<vmem>>
    %dma_start3A_217 = arith.constant 0 : i32
    %dma_start3A_218 = tpu.memref_slice %arg2[%dma_start3A_217, %multiple_of3A_205] : memref<32x1000000xf32, #tpu.memory_space<hbm>> -> memref<32x128xf32, #tpu.memory_space<hbm>>
    tpu.enqueue_dma source(%dma_start3A_218 : memref<32x128xf32, #tpu.memory_space<hbm>>) target(%dma_start3A_216 : memref<32x128xf32, #tpu.memory_space<vmem>>) target_semaphore(%arg12 : memref<!tpu.dma_semaphore, #tpu.memory_space<semaphore_mem>>)
    %slice3A_219 = vector.extract_strided_slice %shift_right_arithmetic3A_20 {offsets = [5], sizes = [1], strides = [1]} : vector<16xi32> to vector<1xi32>
    %squeeze3A_220 = vector.extract %slice3A_219[0] : i32 from vector<1xi32>
    %mul3A_221 = arith.constant 128 : i32
    %mul3A_222 = arith.muli %squeeze3A_220, %mul3A_221 : i32
    %multiple_of3A_223 = tpu.assume_multiple %mul3A_222, 128 : i32
    %dma_start3A_224 = arith.constant 5 : i32
    %dma_start3A_225 = arith.constant 0 : i32
    %dma_start3A_226 = arith.constant 0 : i32
    %dma_start3A_227 = tpu.memref_slice %arg8[%dma_start3A_224, %dma_start3A_225, %dma_start3A_226] : memref<8x32x128xf32, #tpu.memory_space<vmem>> -> memref<1x32x128xf32, #tpu.memory_space<vmem>>
    %dma_start3A_228 = tpu.memref_squeeze %dma_start3A_227 : memref<1x32x128xf32, #tpu.memory_space<vmem>> -> memref<32x128xf32, #tpu.memory_space<vmem>>
    %dma_start3A_229 = arith.constant 0 : i32
    %dma_start3A_230 = tpu.memref_slice %arg3[%dma_start3A_229, %multiple_of3A_223] : memref<32x1000000xf32, #tpu.memory_space<hbm>> -> memref<32x128xf32, #tpu.memory_space<hbm>>
    %dma_start3A_231 = arith.constant 0 : i32
    %dma_start3A_232 = arith.constant 0 : i32
    %dma_start3A_233 = tpu.memref_slice %arg8[%dma_start3A_224, %dma_start3A_231, %dma_start3A_232] : memref<8x32x128xf32, #tpu.memory_space<vmem>> -> memref<1x32x128xf32, #tpu.memory_space<vmem>>
    %dma_start3A_234 = tpu.memref_squeeze %dma_start3A_233 : memref<1x32x128xf32, #tpu.memory_space<vmem>> -> memref<32x128xf32, #tpu.memory_space<vmem>>
    %dma_start3A_235 = arith.constant 0 : i32
    %dma_start3A_236 = tpu.memref_slice %arg3[%dma_start3A_235, %multiple_of3A_223] : memref<32x1000000xf32, #tpu.memory_space<hbm>> -> memref<32x128xf32, #tpu.memory_space<hbm>>
    tpu.enqueue_dma source(%dma_start3A_236 : memref<32x128xf32, #tpu.memory_space<hbm>>) target(%dma_start3A_234 : memref<32x128xf32, #tpu.memory_space<vmem>>) target_semaphore(%arg13 : memref<!tpu.dma_semaphore, #tpu.memory_space<semaphore_mem>>)
    %slice3A_237 = vector.extract_strided_slice %shift_right_arithmetic3A_15 {offsets = [6], sizes = [1], strides = [1]} : vector<16xi32> to vector<1xi32>
    %squeeze3A_238 = vector.extract %slice3A_237[0] : i32 from vector<1xi32>
    %mul3A_239 = arith.constant 128 : i32
    %mul3A_240 = arith.muli %squeeze3A_238, %mul3A_239 : i32
    %multiple_of3A_241 = tpu.assume_multiple %mul3A_240, 128 : i32
    %dma_start3A_242 = arith.constant 6 : i32
    %dma_start3A_243 = arith.constant 0 : i32
    %dma_start3A_244 = arith.constant 0 : i32
    %dma_start3A_245 = tpu.memref_slice %arg7[%dma_start3A_242, %dma_start3A_243, %dma_start3A_244] : memref<8x32x128xf32, #tpu.memory_space<vmem>> -> memref<1x32x128xf32, #tpu.memory_space<vmem>>
    %dma_start3A_246 = tpu.memref_squeeze %dma_start3A_245 : memref<1x32x128xf32, #tpu.memory_space<vmem>> -> memref<32x128xf32, #tpu.memory_space<vmem>>
    %dma_start3A_247 = arith.constant 0 : i32
    %dma_start3A_248 = tpu.memref_slice %arg2[%dma_start3A_247, %multiple_of3A_241] : memref<32x1000000xf32, #tpu.memory_space<hbm>> -> memref<32x128xf32, #tpu.memory_space<hbm>>
    %dma_start3A_249 = arith.constant 0 : i32
    %dma_start3A_250 = arith.constant 0 : i32
    %dma_start3A_251 = tpu.memref_slice %arg7[%dma_start3A_242, %dma_start3A_249, %dma_start3A_250] : memref<8x32x128xf32, #tpu.memory_space<vmem>> -> memref<1x32x128xf32, #tpu.memory_space<vmem>>
    %dma_start3A_252 = tpu.memref_squeeze %dma_start3A_251 : memref<1x32x128xf32, #tpu.memory_space<vmem>> -> memref<32x128xf32, #tpu.memory_space<vmem>>
    %dma_start3A_253 = arith.constant 0 : i32
    %dma_start3A_254 = tpu.memref_slice %arg2[%dma_start3A_253, %multiple_of3A_241] : memref<32x1000000xf32, #tpu.memory_space<hbm>> -> memref<32x128xf32, #tpu.memory_space<hbm>>
    tpu.enqueue_dma source(%dma_start3A_254 : memref<32x128xf32, #tpu.memory_space<hbm>>) target(%dma_start3A_252 : memref<32x128xf32, #tpu.memory_space<vmem>>) target_semaphore(%arg12 : memref<!tpu.dma_semaphore, #tpu.memory_space<semaphore_mem>>)
    %slice3A_255 = vector.extract_strided_slice %shift_right_arithmetic3A_20 {offsets = [6], sizes = [1], strides = [1]} : vector<16xi32> to vector<1xi32>
    %squeeze3A_256 = vector.extract %slice3A_255[0] : i32 from vector<1xi32>
    %mul3A_257 = arith.constant 128 : i32
    %mul3A_258 = arith.muli %squeeze3A_256, %mul3A_257 : i32
    %multiple_of3A_259 = tpu.assume_multiple %mul3A_258, 128 : i32
    %dma_start3A_260 = arith.constant 6 : i32
    %dma_start3A_261 = arith.constant 0 : i32
    %dma_start3A_262 = arith.constant 0 : i32
    %dma_start3A_263 = tpu.memref_slice %arg8[%dma_start3A_260, %dma_start3A_261, %dma_start3A_262] : memref<8x32x128xf32, #tpu.memory_space<vmem>> -> memref<1x32x128xf32, #tpu.memory_space<vmem>>
    %dma_start3A_264 = tpu.memref_squeeze %dma_start3A_263 : memref<1x32x128xf32, #tpu.memory_space<vmem>> -> memref<32x128xf32, #tpu.memory_space<vmem>>
    %dma_start3A_265 = arith.constant 0 : i32
    %dma_start3A_266 = tpu.memref_slice %arg3[%dma_start3A_265, %multiple_of3A_259] : memref<32x1000000xf32, #tpu.memory_space<hbm>> -> memref<32x128xf32, #tpu.memory_space<hbm>>
    %dma_start3A_267 = arith.constant 0 : i32
    %dma_start3A_268 = arith.constant 0 : i32
    %dma_start3A_269 = tpu.memref_slice %arg8[%dma_start3A_260, %dma_start3A_267, %dma_start3A_268] : memref<8x32x128xf32, #tpu.memory_space<vmem>> -> memref<1x32x128xf32, #tpu.memory_space<vmem>>
    %dma_start3A_270 = tpu.memref_squeeze %dma_start3A_269 : memref<1x32x128xf32, #tpu.memory_space<vmem>> -> memref<32x128xf32, #tpu.memory_space<vmem>>
    %dma_start3A_271 = arith.constant 0 : i32
    %dma_start3A_272 = tpu.memref_slice %arg3[%dma_start3A_271, %multiple_of3A_259] : memref<32x1000000xf32, #tpu.memory_space<hbm>> -> memref<32x128xf32, #tpu.memory_space<hbm>>
    tpu.enqueue_dma source(%dma_start3A_272 : memref<32x128xf32, #tpu.memory_space<hbm>>) target(%dma_start3A_270 : memref<32x128xf32, #tpu.memory_space<vmem>>) target_semaphore(%arg13 : memref<!tpu.dma_semaphore, #tpu.memory_space<semaphore_mem>>)
    %slice3A_273 = vector.extract_strided_slice %shift_right_arithmetic3A_15 {offsets = [7], sizes = [1], strides = [1]} : vector<16xi32> to vector<1xi32>
    %squeeze3A_274 = vector.extract %slice3A_273[0] : i32 from vector<1xi32>
    %mul3A_275 = arith.constant 128 : i32
    %mul3A_276 = arith.muli %squeeze3A_274, %mul3A_275 : i32
    %multiple_of3A_277 = tpu.assume_multiple %mul3A_276, 128 : i32
    %dma_start3A_278 = arith.constant 7 : i32
    %dma_start3A_279 = arith.constant 0 : i32
    %dma_start3A_280 = arith.constant 0 : i32
    %dma_start3A_281 = tpu.memref_slice %arg7[%dma_start3A_278, %dma_start3A_279, %dma_start3A_280] : memref<8x32x128xf32, #tpu.memory_space<vmem>> -> memref<1x32x128xf32, #tpu.memory_space<vmem>>
    %dma_start3A_282 = tpu.memref_squeeze %dma_start3A_281 : memref<1x32x128xf32, #tpu.memory_space<vmem>> -> memref<32x128xf32, #tpu.memory_space<vmem>>
    %dma_start3A_283 = arith.constant 0 : i32
    %dma_start3A_284 = tpu.memref_slice %arg2[%dma_start3A_283, %multiple_of3A_277] : memref<32x1000000xf32, #tpu.memory_space<hbm>> -> memref<32x128xf32, #tpu.memory_space<hbm>>
    %dma_start3A_285 = arith.constant 0 : i32
    %dma_start3A_286 = arith.constant 0 : i32
    %dma_start3A_287 = tpu.memref_slice %arg7[%dma_start3A_278, %dma_start3A_285, %dma_start3A_286] : memref<8x32x128xf32, #tpu.memory_space<vmem>> -> memref<1x32x128xf32, #tpu.memory_space<vmem>>
    %dma_start3A_288 = tpu.memref_squeeze %dma_start3A_287 : memref<1x32x128xf32, #tpu.memory_space<vmem>> -> memref<32x128xf32, #tpu.memory_space<vmem>>
    %dma_start3A_289 = arith.constant 0 : i32
    %dma_start3A_290 = tpu.memref_slice %arg2[%dma_start3A_289, %multiple_of3A_277] : memref<32x1000000xf32, #tpu.memory_space<hbm>> -> memref<32x128xf32, #tpu.memory_space<hbm>>
    tpu.enqueue_dma source(%dma_start3A_290 : memref<32x128xf32, #tpu.memory_space<hbm>>) target(%dma_start3A_288 : memref<32x128xf32, #tpu.memory_space<vmem>>) target_semaphore(%arg12 : memref<!tpu.dma_semaphore, #tpu.memory_space<semaphore_mem>>)
    %slice3A_291 = vector.extract_strided_slice %shift_right_arithmetic3A_20 {offsets = [7], sizes = [1], strides = [1]} : vector<16xi32> to vector<1xi32>
    %squeeze3A_292 = vector.extract %slice3A_291[0] : i32 from vector<1xi32>
    %mul3A_293 = arith.constant 128 : i32
    %mul3A_294 = arith.muli %squeeze3A_292, %mul3A_293 : i32
    %multiple_of3A_295 = tpu.assume_multiple %mul3A_294, 128 : i32
    %dma_start3A_296 = arith.constant 7 : i32
    %dma_start3A_297 = arith.constant 0 : i32
    %dma_start3A_298 = arith.constant 0 : i32
    %dma_start3A_299 = tpu.memref_slice %arg8[%dma_start3A_296, %dma_start3A_297, %dma_start3A_298] : memref<8x32x128xf32, #tpu.memory_space<vmem>> -> memref<1x32x128xf32, #tpu.memory_space<vmem>>
    %dma_start3A_300 = tpu.memref_squeeze %dma_start3A_299 : memref<1x32x128xf32, #tpu.memory_space<vmem>> -> memref<32x128xf32, #tpu.memory_space<vmem>>
    %dma_start3A_301 = arith.constant 0 : i32
    %dma_start3A_302 = tpu.memref_slice %arg3[%dma_start3A_301, %multiple_of3A_295] : memref<32x1000000xf32, #tpu.memory_space<hbm>> -> memref<32x128xf32, #tpu.memory_space<hbm>>
    %dma_start3A_303 = arith.constant 0 : i32
    %dma_start3A_304 = arith.constant 0 : i32
    %dma_start3A_305 = tpu.memref_slice %arg8[%dma_start3A_296, %dma_start3A_303, %dma_start3A_304] : memref<8x32x128xf32, #tpu.memory_space<vmem>> -> memref<1x32x128xf32, #tpu.memory_space<vmem>>
    %dma_start3A_306 = tpu.memref_squeeze %dma_start3A_305 : memref<1x32x128xf32, #tpu.memory_space<vmem>> -> memref<32x128xf32, #tpu.memory_space<vmem>>
    %dma_start3A_307 = arith.constant 0 : i32
    %dma_start3A_308 = tpu.memref_slice %arg3[%dma_start3A_307, %multiple_of3A_295] : memref<32x1000000xf32, #tpu.memory_space<hbm>> -> memref<32x128xf32, #tpu.memory_space<hbm>>
    tpu.enqueue_dma source(%dma_start3A_308 : memref<32x128xf32, #tpu.memory_space<hbm>>) target(%dma_start3A_306 : memref<32x128xf32, #tpu.memory_space<vmem>>) target_semaphore(%arg13 : memref<!tpu.dma_semaphore, #tpu.memory_space<semaphore_mem>>)
    %scan3A = arith.constant 0 : i32
    %scan3A_309 = arith.constant 0 : i32
    %scan3A_310 = arith.constant 32 : i32
    %scan3A_311 = arith.addi %scan3A_309, %scan3A_310 : i32
    %scan3A_312 = arith.constant 1 : i32
    %scan3A_313 = scf.for %scan3A_554 = %scan3A_309 to %scan3A_311 step %scan3A_312 iter_args(%scan3A_555 = %scan3A) -> (i32)  : i32 {
      %mul3A_556 = arith.constant 16 : i32
      %mul3A_557 = arith.muli %scan3A_554, %mul3A_556 : i32
      %multiple_of3A_558 = tpu.assume_multiple %mul3A_557, 16 : i32
      %get3A_559 = arith.constant 0 : i32
      %get3A_560 = arith.index_cast %get3A_559 : i32 to index
      %get3A_561 = arith.index_cast %multiple_of3A_558 : i32 to index
      %get3A_562 = tpu.vector_load %arg6[%get3A_560, %get3A_561] {strides = array<i32>} : memref<2x512xi32, #tpu.memory_space<vmem>>, vector<16xi32>,
      %get3A_563 = arith.constant 1 : i32
      %get3A_564 = arith.index_cast %get3A_563 : i32 to index
      %get3A_565 = arith.index_cast %multiple_of3A_558 : i32 to index
      %get3A_566 = tpu.vector_load %arg6[%get3A_564, %get3A_565] {strides = array<i32>} : memref<2x512xi32, #tpu.memory_space<vmem>>, vector<16xi32>,
      %shift_right_arithmetic3A_567 = arith.constant 7 : i32
      %shift_right_arithmetic3A_568 = vector.broadcast %shift_right_arithmetic3A_567 : i32 to vector<16xi32>
      %shift_right_arithmetic3A_569 = arith.shrsi %get3A_562, %shift_right_arithmetic3A_568 : vector<16xi32>
      %and3A_570 = arith.constant 127 : i32
      %and3A_571 = vector.broadcast %and3A_570 : i32 to vector<16xi32>
      %and3A_572 = arith.andi %get3A_562, %and3A_571 : vector<16xi32>
      %shift_right_arithmetic3A_573 = arith.constant 7 : i32
      %shift_right_arithmetic3A_574 = vector.broadcast %shift_right_arithmetic3A_573 : i32 to vector<16xi32>
      %shift_right_arithmetic3A_575 = arith.shrsi %get3A_566, %shift_right_arithmetic3A_574 : vector<16xi32>
      %and3A_576 = arith.constant 127 : i32
      %and3A_577 = vector.broadcast %and3A_576 : i32 to vector<16xi32>
      %and3A_578 = arith.andi %get3A_566, %and3A_577 : vector<16xi32>
      %add3A_579 = arith.constant 1 : i32
      %add3A_580 = arith.addi %scan3A_554, %add3A_579 : i32
      %min3A = arith.constant 31 : i32
      %min3A_581 = arith.minsi %add3A_580, %min3A : i32
      %mul3A_582 = arith.constant 16 : i32
      %mul3A_583 = arith.muli %min3A_581, %mul3A_582 : i32
      %multiple_of3A_584 = tpu.assume_multiple %mul3A_583, 16 : i32
      %get3A_585 = arith.constant 0 : i32
      %get3A_586 = arith.index_cast %get3A_585 : i32 to index
      %get3A_587 = arith.index_cast %multiple_of3A_584 : i32 to index
      %get3A_588 = tpu.vector_load %arg6[%get3A_586, %get3A_587] {strides = array<i32>} : memref<2x512xi32, #tpu.memory_space<vmem>>, vector<16xi32>,
      %get3A_589 = arith.constant 1 : i32
      %get3A_590 = arith.index_cast %get3A_589 : i32 to index
      %get3A_591 = arith.index_cast %multiple_of3A_584 : i32 to index
      %get3A_592 = tpu.vector_load %arg6[%get3A_590, %get3A_591] {strides = array<i32>} : memref<2x512xi32, #tpu.memory_space<vmem>>, vector<16xi32>,
      %shift_right_arithmetic3A_593 = arith.constant 7 : i32
      %shift_right_arithmetic3A_594 = vector.broadcast %shift_right_arithmetic3A_593 : i32 to vector<16xi32>
      %shift_right_arithmetic3A_595 = arith.shrsi %get3A_588, %shift_right_arithmetic3A_594 : vector<16xi32>
      %and3A_596 = arith.constant 127 : i32
      %and3A_597 = vector.broadcast %and3A_596 : i32 to vector<16xi32>
      %and3A_598 = arith.andi %get3A_588, %and3A_597 : vector<16xi32>
      %shift_right_arithmetic3A_599 = arith.constant 7 : i32
      %shift_right_arithmetic3A_600 = vector.broadcast %shift_right_arithmetic3A_599 : i32 to vector<16xi32>
      %shift_right_arithmetic3A_601 = arith.shrsi %get3A_592, %shift_right_arithmetic3A_600 : vector<16xi32>
      %and3A_602 = arith.constant 127 : i32
      %and3A_603 = vector.broadcast %and3A_602 : i32 to vector<16xi32>
      %and3A_604 = arith.andi %get3A_592, %and3A_603 : vector<16xi32>
      %dma_wait3A_605 = arith.constant 0 : i32
      %dma_wait3A_606 = arith.constant 0 : i32
      %dma_wait3A_607 = arith.constant 0 : i32
      %dma_wait3A_608 = tpu.memref_slice %arg7[%dma_wait3A_605, %dma_wait3A_606, %dma_wait3A_607] : memref<8x32x128xf32, #tpu.memory_space<vmem>> -> memref<1x32x128xf32, #tpu.memory_space<vmem>>
      %dma_wait3A_609 = tpu.memref_squeeze %dma_wait3A_608 : memref<1x32x128xf32, #tpu.memory_space<vmem>> -> memref<32x128xf32, #tpu.memory_space<vmem>>
      %dma_wait3A_610 = arith.constant 0 : i32
      %dma_wait3A_611 = arith.constant 0 : i32
      %dma_wait3A_612 = tpu.memref_slice %arg2[%dma_wait3A_610, %dma_wait3A_611] : memref<32x1000000xf32, #tpu.memory_space<hbm>> -> memref<32x128xf32, #tpu.memory_space<hbm>>
      %dma_wait3A_613 = arith.constant 0 : i32
      %dma_wait3A_614 = arith.constant 0 : i32
      %dma_wait3A_615 = tpu.memref_slice %arg7[%dma_wait3A_605, %dma_wait3A_613, %dma_wait3A_614] : memref<8x32x128xf32, #tpu.memory_space<vmem>> -> memref<1x32x128xf32, #tpu.memory_space<vmem>>
      %dma_wait3A_616 = tpu.memref_squeeze %dma_wait3A_615 : memref<1x32x128xf32, #tpu.memory_space<vmem>> -> memref<32x128xf32, #tpu.memory_space<vmem>>
      %dma_wait3A_617 = arith.constant 0 : i32
      %dma_wait3A_618 = arith.constant 0 : i32
      %dma_wait3A_619 = tpu.memref_slice %arg2[%dma_wait3A_617, %dma_wait3A_618] : memref<32x1000000xf32, #tpu.memory_space<hbm>> -> memref<32x128xf32, #tpu.memory_space<hbm>>
      tpu.wait_dma2 semaphore(%arg12 : memref<!tpu.dma_semaphore, #tpu.memory_space<semaphore_mem>>) src(%dma_wait3A_619 : memref<32x128xf32, #tpu.memory_space<hbm>>) dst(%dma_wait3A_616 : memref<32x128xf32, #tpu.memory_space<vmem>>)
      %dma_wait3A_620 = arith.constant 0 : i32
      %dma_wait3A_621 = arith.constant 0 : i32
      %dma_wait3A_622 = arith.constant 0 : i32
      %dma_wait3A_623 = tpu.memref_slice %arg8[%dma_wait3A_620, %dma_wait3A_621, %dma_wait3A_622] : memref<8x32x128xf32, #tpu.memory_space<vmem>> -> memref<1x32x128xf32, #tpu.memory_space<vmem>>
      %dma_wait3A_624 = tpu.memref_squeeze %dma_wait3A_623 : memref<1x32x128xf32, #tpu.memory_space<vmem>> -> memref<32x128xf32, #tpu.memory_space<vmem>>
      %dma_wait3A_625 = arith.constant 0 : i32
      %dma_wait3A_626 = arith.constant 0 : i32
      %dma_wait3A_627 = tpu.memref_slice %arg3[%dma_wait3A_625, %dma_wait3A_626] : memref<32x1000000xf32, #tpu.memory_space<hbm>> -> memref<32x128xf32, #tpu.memory_space<hbm>>
      %dma_wait3A_628 = arith.constant 0 : i32
      %dma_wait3A_629 = arith.constant 0 : i32
      %dma_wait3A_630 = tpu.memref_slice %arg8[%dma_wait3A_620, %dma_wait3A_628, %dma_wait3A_629] : memref<8x32x128xf32, #tpu.memory_space<vmem>> -> memref<1x32x128xf32, #tpu.memory_space<vmem>>
      %dma_wait3A_631 = tpu.memref_squeeze %dma_wait3A_630 : memref<1x32x128xf32, #tpu.memory_space<vmem>> -> memref<32x128xf32, #tpu.memory_space<vmem>>
      %dma_wait3A_632 = arith.constant 0 : i32
      %dma_wait3A_633 = arith.constant 0 : i32
      %dma_wait3A_634 = tpu.memref_slice %arg3[%dma_wait3A_632, %dma_wait3A_633] : memref<32x1000000xf32, #tpu.memory_space<hbm>> -> memref<32x128xf32, #tpu.memory_space<hbm>>
      tpu.wait_dma2 semaphore(%arg13 : memref<!tpu.dma_semaphore, #tpu.memory_space<semaphore_mem>>) src(%dma_wait3A_634 : memref<32x128xf32, #tpu.memory_space<hbm>>) dst(%dma_wait3A_631 : memref<32x128xf32, #tpu.memory_space<vmem>>)
      %dma_wait3A_635 = arith.constant 1 : i32
      %dma_wait3A_636 = arith.constant 0 : i32
      %dma_wait3A_637 = arith.constant 0 : i32
      %dma_wait3A_638 = tpu.memref_slice %arg7[%dma_wait3A_635, %dma_wait3A_636, %dma_wait3A_637] : memref<8x32x128xf32, #tpu.memory_space<vmem>> -> memref<1x32x128xf32, #tpu.memory_space<vmem>>
      %dma_wait3A_639 = tpu.memref_squeeze %dma_wait3A_638 : memref<1x32x128xf32, #tpu.memory_space<vmem>> -> memref<32x128xf32, #tpu.memory_space<vmem>>
      %dma_wait3A_640 = arith.constant 0 : i32
      %dma_wait3A_641 = arith.constant 0 : i32
      %dma_wait3A_642 = tpu.memref_slice %arg2[%dma_wait3A_640, %dma_wait3A_641] : memref<32x1000000xf32, #tpu.memory_space<hbm>> -> memref<32x128xf32, #tpu.memory_space<hbm>>
      %dma_wait3A_643 = arith.constant 0 : i32
      %dma_wait3A_644 = arith.constant 0 : i32
      %dma_wait3A_645 = tpu.memref_slice %arg7[%dma_wait3A_635, %dma_wait3A_643, %dma_wait3A_644] : memref<8x32x128xf32, #tpu.memory_space<vmem>> -> memref<1x32x128xf32, #tpu.memory_space<vmem>>
      %dma_wait3A_646 = tpu.memref_squeeze %dma_wait3A_645 : memref<1x32x128xf32, #tpu.memory_space<vmem>> -> memref<32x128xf32, #tpu.memory_space<vmem>>
      %dma_wait3A_647 = arith.constant 0 : i32
      %dma_wait3A_648 = arith.constant 0 : i32
      %dma_wait3A_649 = tpu.memref_slice %arg2[%dma_wait3A_647, %dma_wait3A_648] : memref<32x1000000xf32, #tpu.memory_space<hbm>> -> memref<32x128xf32, #tpu.memory_space<hbm>>
      tpu.wait_dma2 semaphore(%arg12 : memref<!tpu.dma_semaphore, #tpu.memory_space<semaphore_mem>>) src(%dma_wait3A_649 : memref<32x128xf32, #tpu.memory_space<hbm>>) dst(%dma_wait3A_646 : memref<32x128xf32, #tpu.memory_space<vmem>>)
      %dma_wait3A_650 = arith.constant 1 : i32
      %dma_wait3A_651 = arith.constant 0 : i32
      %dma_wait3A_652 = arith.constant 0 : i32
      %dma_wait3A_653 = tpu.memref_slice %arg8[%dma_wait3A_650, %dma_wait3A_651, %dma_wait3A_652] : memref<8x32x128xf32, #tpu.memory_space<vmem>> -> memref<1x32x128xf32, #tpu.memory_space<vmem>>
      %dma_wait3A_654 = tpu.memref_squeeze %dma_wait3A_653 : memref<1x32x128xf32, #tpu.memory_space<vmem>> -> memref<32x128xf32, #tpu.memory_space<vmem>>
      %dma_wait3A_655 = arith.constant 0 : i32
      %dma_wait3A_656 = arith.constant 0 : i32
      %dma_wait3A_657 = tpu.memref_slice %arg3[%dma_wait3A_655, %dma_wait3A_656] : memref<32x1000000xf32, #tpu.memory_space<hbm>> -> memref<32x128xf32, #tpu.memory_space<hbm>>
      %dma_wait3A_658 = arith.constant 0 : i32
      %dma_wait3A_659 = arith.constant 0 : i32
      %dma_wait3A_660 = tpu.memref_slice %arg8[%dma_wait3A_650, %dma_wait3A_658, %dma_wait3A_659] : memref<8x32x128xf32, #tpu.memory_space<vmem>> -> memref<1x32x128xf32, #tpu.memory_space<vmem>>
      %dma_wait3A_661 = tpu.memref_squeeze %dma_wait3A_660 : memref<1x32x128xf32, #tpu.memory_space<vmem>> -> memref<32x128xf32, #tpu.memory_space<vmem>>
      %dma_wait3A_662 = arith.constant 0 : i32
      %dma_wait3A_663 = arith.constant 0 : i32
      %dma_wait3A_664 = tpu.memref_slice %arg3[%dma_wait3A_662, %dma_wait3A_663] : memref<32x1000000xf32, #tpu.memory_space<hbm>> -> memref<32x128xf32, #tpu.memory_space<hbm>>
      tpu.wait_dma2 semaphore(%arg13 : memref<!tpu.dma_semaphore, #tpu.memory_space<semaphore_mem>>) src(%dma_wait3A_664 : memref<32x128xf32, #tpu.memory_space<hbm>>) dst(%dma_wait3A_661 : memref<32x128xf32, #tpu.memory_space<vmem>>)
      %dma_wait3A_665 = arith.constant 2 : i32
      %dma_wait3A_666 = arith.constant 0 : i32
      %dma_wait3A_667 = arith.constant 0 : i32
      %dma_wait3A_668 = tpu.memref_slice %arg7[%dma_wait3A_665, %dma_wait3A_666, %dma_wait3A_667] : memref<8x32x128xf32, #tpu.memory_space<vmem>> -> memref<1x32x128xf32, #tpu.memory_space<vmem>>
      %dma_wait3A_669 = tpu.memref_squeeze %dma_wait3A_668 : memref<1x32x128xf32, #tpu.memory_space<vmem>> -> memref<32x128xf32, #tpu.memory_space<vmem>>
      %dma_wait3A_670 = arith.constant 0 : i32
      %dma_wait3A_671 = arith.constant 0 : i32
      %dma_wait3A_672 = tpu.memref_slice %arg2[%dma_wait3A_670, %dma_wait3A_671] : memref<32x1000000xf32, #tpu.memory_space<hbm>> -> memref<32x128xf32, #tpu.memory_space<hbm>>
      %dma_wait3A_673 = arith.constant 0 : i32
      %dma_wait3A_674 = arith.constant 0 : i32
      %dma_wait3A_675 = tpu.memref_slice %arg7[%dma_wait3A_665, %dma_wait3A_673, %dma_wait3A_674] : memref<8x32x128xf32, #tpu.memory_space<vmem>> -> memref<1x32x128xf32, #tpu.memory_space<vmem>>
      %dma_wait3A_676 = tpu.memref_squeeze %dma_wait3A_675 : memref<1x32x128xf32, #tpu.memory_space<vmem>> -> memref<32x128xf32, #tpu.memory_space<vmem>>
      %dma_wait3A_677 = arith.constant 0 : i32
      %dma_wait3A_678 = arith.constant 0 : i32
      %dma_wait3A_679 = tpu.memref_slice %arg2[%dma_wait3A_677, %dma_wait3A_678] : memref<32x1000000xf32, #tpu.memory_space<hbm>> -> memref<32x128xf32, #tpu.memory_space<hbm>>
      tpu.wait_dma2 semaphore(%arg12 : memref<!tpu.dma_semaphore, #tpu.memory_space<semaphore_mem>>) src(%dma_wait3A_679 : memref<32x128xf32, #tpu.memory_space<hbm>>) dst(%dma_wait3A_676 : memref<32x128xf32, #tpu.memory_space<vmem>>)
      %dma_wait3A_680 = arith.constant 2 : i32
      %dma_wait3A_681 = arith.constant 0 : i32
      %dma_wait3A_682 = arith.constant 0 : i32
      %dma_wait3A_683 = tpu.memref_slice %arg8[%dma_wait3A_680, %dma_wait3A_681, %dma_wait3A_682] : memref<8x32x128xf32, #tpu.memory_space<vmem>> -> memref<1x32x128xf32, #tpu.memory_space<vmem>>
      %dma_wait3A_684 = tpu.memref_squeeze %dma_wait3A_683 : memref<1x32x128xf32, #tpu.memory_space<vmem>> -> memref<32x128xf32, #tpu.memory_space<vmem>>
      %dma_wait3A_685 = arith.constant 0 : i32
      %dma_wait3A_686 = arith.constant 0 : i32
      %dma_wait3A_687 = tpu.memref_slice %arg3[%dma_wait3A_685, %dma_wait3A_686] : memref<32x1000000xf32, #tpu.memory_space<hbm>> -> memref<32x128xf32, #tpu.memory_space<hbm>>
      %dma_wait3A_688 = arith.constant 0 : i32
      %dma_wait3A_689 = arith.constant 0 : i32
      %dma_wait3A_690 = tpu.memref_slice %arg8[%dma_wait3A_680, %dma_wait3A_688, %dma_wait3A_689] : memref<8x32x128xf32, #tpu.memory_space<vmem>> -> memref<1x32x128xf32, #tpu.memory_space<vmem>>
      %dma_wait3A_691 = tpu.memref_squeeze %dma_wait3A_690 : memref<1x32x128xf32, #tpu.memory_space<vmem>> -> memref<32x128xf32, #tpu.memory_space<vmem>>
      %dma_wait3A_692 = arith.constant 0 : i32
      %dma_wait3A_693 = arith.constant 0 : i32
      %dma_wait3A_694 = tpu.memref_slice %arg3[%dma_wait3A_692, %dma_wait3A_693] : memref<32x1000000xf32, #tpu.memory_space<hbm>> -> memref<32x128xf32, #tpu.memory_space<hbm>>
      tpu.wait_dma2 semaphore(%arg13 : memref<!tpu.dma_semaphore, #tpu.memory_space<semaphore_mem>>) src(%dma_wait3A_694 : memref<32x128xf32, #tpu.memory_space<hbm>>) dst(%dma_wait3A_691 : memref<32x128xf32, #tpu.memory_space<vmem>>)
      %dma_wait3A_695 = arith.constant 3 : i32
      %dma_wait3A_696 = arith.constant 0 : i32
      %dma_wait3A_697 = arith.constant 0 : i32
      %dma_wait3A_698 = tpu.memref_slice %arg7[%dma_wait3A_695, %dma_wait3A_696, %dma_wait3A_697] : memref<8x32x128xf32, #tpu.memory_space<vmem>> -> memref<1x32x128xf32, #tpu.memory_space<vmem>>
      %dma_wait3A_699 = tpu.memref_squeeze %dma_wait3A_698 : memref<1x32x128xf32, #tpu.memory_space<vmem>> -> memref<32x128xf32, #tpu.memory_space<vmem>>
      %dma_wait3A_700 = arith.constant 0 : i32
      %dma_wait3A_701 = arith.constant 0 : i32
      %dma_wait3A_702 = tpu.memref_slice %arg2[%dma_wait3A_700, %dma_wait3A_701] : memref<32x1000000xf32, #tpu.memory_space<hbm>> -> memref<32x128xf32, #tpu.memory_space<hbm>>
      %dma_wait3A_703 = arith.constant 0 : i32
      %dma_wait3A_704 = arith.constant 0 : i32
      %dma_wait3A_705 = tpu.memref_slice %arg7[%dma_wait3A_695, %dma_wait3A_703, %dma_wait3A_704] : memref<8x32x128xf32, #tpu.memory_space<vmem>> -> memref<1x32x128xf32, #tpu.memory_space<vmem>>
      %dma_wait3A_706 = tpu.memref_squeeze %dma_wait3A_705 : memref<1x32x128xf32, #tpu.memory_space<vmem>> -> memref<32x128xf32, #tpu.memory_space<vmem>>
      %dma_wait3A_707 = arith.constant 0 : i32
      %dma_wait3A_708 = arith.constant 0 : i32
      %dma_wait3A_709 = tpu.memref_slice %arg2[%dma_wait3A_707, %dma_wait3A_708] : memref<32x1000000xf32, #tpu.memory_space<hbm>> -> memref<32x128xf32, #tpu.memory_space<hbm>>
      tpu.wait_dma2 semaphore(%arg12 : memref<!tpu.dma_semaphore, #tpu.memory_space<semaphore_mem>>) src(%dma_wait3A_709 : memref<32x128xf32, #tpu.memory_space<hbm>>) dst(%dma_wait3A_706 : memref<32x128xf32, #tpu.memory_space<vmem>>)
      %dma_wait3A_710 = arith.constant 3 : i32
      %dma_wait3A_711 = arith.constant 0 : i32
      %dma_wait3A_712 = arith.constant 0 : i32
      %dma_wait3A_713 = tpu.memref_slice %arg8[%dma_wait3A_710, %dma_wait3A_711, %dma_wait3A_712] : memref<8x32x128xf32, #tpu.memory_space<vmem>> -> memref<1x32x128xf32, #tpu.memory_space<vmem>>
      %dma_wait3A_714 = tpu.memref_squeeze %dma_wait3A_713 : memref<1x32x128xf32, #tpu.memory_space<vmem>> -> memref<32x128xf32, #tpu.memory_space<vmem>>
      %dma_wait3A_715 = arith.constant 0 : i32
      %dma_wait3A_716 = arith.constant 0 : i32
      %dma_wait3A_717 = tpu.memref_slice %arg3[%dma_wait3A_715, %dma_wait3A_716] : memref<32x1000000xf32, #tpu.memory_space<hbm>> -> memref<32x128xf32, #tpu.memory_space<hbm>>
      %dma_wait3A_718 = arith.constant 0 : i32
      %dma_wait3A_719 = arith.constant 0 : i32
      %dma_wait3A_720 = tpu.memref_slice %arg8[%dma_wait3A_710, %dma_wait3A_718, %dma_wait3A_719] : memref<8x32x128xf32, #tpu.memory_space<vmem>> -> memref<1x32x128xf32, #tpu.memory_space<vmem>>
      %dma_wait3A_721 = tpu.memref_squeeze %dma_wait3A_720 : memref<1x32x128xf32, #tpu.memory_space<vmem>> -> memref<32x128xf32, #tpu.memory_space<vmem>>
      %dma_wait3A_722 = arith.constant 0 : i32
      %dma_wait3A_723 = arith.constant 0 : i32
      %dma_wait3A_724 = tpu.memref_slice %arg3[%dma_wait3A_722, %dma_wait3A_723] : memref<32x1000000xf32, #tpu.memory_space<hbm>> -> memref<32x128xf32, #tpu.memory_space<hbm>>
      tpu.wait_dma2 semaphore(%arg13 : memref<!tpu.dma_semaphore, #tpu.memory_space<semaphore_mem>>) src(%dma_wait3A_724 : memref<32x128xf32, #tpu.memory_space<hbm>>) dst(%dma_wait3A_721 : memref<32x128xf32, #tpu.memory_space<vmem>>)
      %dma_wait3A_725 = arith.constant 4 : i32
      %dma_wait3A_726 = arith.constant 0 : i32
      %dma_wait3A_727 = arith.constant 0 : i32
      %dma_wait3A_728 = tpu.memref_slice %arg7[%dma_wait3A_725, %dma_wait3A_726, %dma_wait3A_727] : memref<8x32x128xf32, #tpu.memory_space<vmem>> -> memref<1x32x128xf32, #tpu.memory_space<vmem>>
      %dma_wait3A_729 = tpu.memref_squeeze %dma_wait3A_728 : memref<1x32x128xf32, #tpu.memory_space<vmem>> -> memref<32x128xf32, #tpu.memory_space<vmem>>
      %dma_wait3A_730 = arith.constant 0 : i32
      %dma_wait3A_731 = arith.constant 0 : i32
      %dma_wait3A_732 = tpu.memref_slice %arg2[%dma_wait3A_730, %dma_wait3A_731] : memref<32x1000000xf32, #tpu.memory_space<hbm>> -> memref<32x128xf32, #tpu.memory_space<hbm>>
      %dma_wait3A_733 = arith.constant 0 : i32
      %dma_wait3A_734 = arith.constant 0 : i32
      %dma_wait3A_735 = tpu.memref_slice %arg7[%dma_wait3A_725, %dma_wait3A_733, %dma_wait3A_734] : memref<8x32x128xf32, #tpu.memory_space<vmem>> -> memref<1x32x128xf32, #tpu.memory_space<vmem>>
      %dma_wait3A_736 = tpu.memref_squeeze %dma_wait3A_735 : memref<1x32x128xf32, #tpu.memory_space<vmem>> -> memref<32x128xf32, #tpu.memory_space<vmem>>
      %dma_wait3A_737 = arith.constant 0 : i32
      %dma_wait3A_738 = arith.constant 0 : i32
      %dma_wait3A_739 = tpu.memref_slice %arg2[%dma_wait3A_737, %dma_wait3A_738] : memref<32x1000000xf32, #tpu.memory_space<hbm>> -> memref<32x128xf32, #tpu.memory_space<hbm>>
      tpu.wait_dma2 semaphore(%arg12 : memref<!tpu.dma_semaphore, #tpu.memory_space<semaphore_mem>>) src(%dma_wait3A_739 : memref<32x128xf32, #tpu.memory_space<hbm>>) dst(%dma_wait3A_736 : memref<32x128xf32, #tpu.memory_space<vmem>>)
      %dma_wait3A_740 = arith.constant 4 : i32
      %dma_wait3A_741 = arith.constant 0 : i32
      %dma_wait3A_742 = arith.constant 0 : i32
      %dma_wait3A_743 = tpu.memref_slice %arg8[%dma_wait3A_740, %dma_wait3A_741, %dma_wait3A_742] : memref<8x32x128xf32, #tpu.memory_space<vmem>> -> memref<1x32x128xf32, #tpu.memory_space<vmem>>
      %dma_wait3A_744 = tpu.memref_squeeze %dma_wait3A_743 : memref<1x32x128xf32, #tpu.memory_space<vmem>> -> memref<32x128xf32, #tpu.memory_space<vmem>>
      %dma_wait3A_745 = arith.constant 0 : i32
      %dma_wait3A_746 = arith.constant 0 : i32
      %dma_wait3A_747 = tpu.memref_slice %arg3[%dma_wait3A_745, %dma_wait3A_746] : memref<32x1000000xf32, #tpu.memory_space<hbm>> -> memref<32x128xf32, #tpu.memory_space<hbm>>
      %dma_wait3A_748 = arith.constant 0 : i32
      %dma_wait3A_749 = arith.constant 0 : i32
      %dma_wait3A_750 = tpu.memref_slice %arg8[%dma_wait3A_740, %dma_wait3A_748, %dma_wait3A_749] : memref<8x32x128xf32, #tpu.memory_space<vmem>> -> memref<1x32x128xf32, #tpu.memory_space<vmem>>
      %dma_wait3A_751 = tpu.memref_squeeze %dma_wait3A_750 : memref<1x32x128xf32, #tpu.memory_space<vmem>> -> memref<32x128xf32, #tpu.memory_space<vmem>>
      %dma_wait3A_752 = arith.constant 0 : i32
      %dma_wait3A_753 = arith.constant 0 : i32
      %dma_wait3A_754 = tpu.memref_slice %arg3[%dma_wait3A_752, %dma_wait3A_753] : memref<32x1000000xf32, #tpu.memory_space<hbm>> -> memref<32x128xf32, #tpu.memory_space<hbm>>
      tpu.wait_dma2 semaphore(%arg13 : memref<!tpu.dma_semaphore, #tpu.memory_space<semaphore_mem>>) src(%dma_wait3A_754 : memref<32x128xf32, #tpu.memory_space<hbm>>) dst(%dma_wait3A_751 : memref<32x128xf32, #tpu.memory_space<vmem>>)
      %dma_wait3A_755 = arith.constant 5 : i32
      %dma_wait3A_756 = arith.constant 0 : i32
      %dma_wait3A_757 = arith.constant 0 : i32
      %dma_wait3A_758 = tpu.memref_slice %arg7[%dma_wait3A_755, %dma_wait3A_756, %dma_wait3A_757] : memref<8x32x128xf32, #tpu.memory_space<vmem>> -> memref<1x32x128xf32, #tpu.memory_space<vmem>>
      %dma_wait3A_759 = tpu.memref_squeeze %dma_wait3A_758 : memref<1x32x128xf32, #tpu.memory_space<vmem>> -> memref<32x128xf32, #tpu.memory_space<vmem>>
      %dma_wait3A_760 = arith.constant 0 : i32
      %dma_wait3A_761 = arith.constant 0 : i32
      %dma_wait3A_762 = tpu.memref_slice %arg2[%dma_wait3A_760, %dma_wait3A_761] : memref<32x1000000xf32, #tpu.memory_space<hbm>> -> memref<32x128xf32, #tpu.memory_space<hbm>>
      %dma_wait3A_763 = arith.constant 0 : i32
      %dma_wait3A_764 = arith.constant 0 : i32
      %dma_wait3A_765 = tpu.memref_slice %arg7[%dma_wait3A_755, %dma_wait3A_763, %dma_wait3A_764] : memref<8x32x128xf32, #tpu.memory_space<vmem>> -> memref<1x32x128xf32, #tpu.memory_space<vmem>>
      %dma_wait3A_766 = tpu.memref_squeeze %dma_wait3A_765 : memref<1x32x128xf32, #tpu.memory_space<vmem>> -> memref<32x128xf32, #tpu.memory_space<vmem>>
      %dma_wait3A_767 = arith.constant 0 : i32
      %dma_wait3A_768 = arith.constant 0 : i32
      %dma_wait3A_769 = tpu.memref_slice %arg2[%dma_wait3A_767, %dma_wait3A_768] : memref<32x1000000xf32, #tpu.memory_space<hbm>> -> memref<32x128xf32, #tpu.memory_space<hbm>>
      tpu.wait_dma2 semaphore(%arg12 : memref<!tpu.dma_semaphore, #tpu.memory_space<semaphore_mem>>) src(%dma_wait3A_769 : memref<32x128xf32, #tpu.memory_space<hbm>>) dst(%dma_wait3A_766 : memref<32x128xf32, #tpu.memory_space<vmem>>)
      %dma_wait3A_770 = arith.constant 5 : i32
      %dma_wait3A_771 = arith.constant 0 : i32
      %dma_wait3A_772 = arith.constant 0 : i32
      %dma_wait3A_773 = tpu.memref_slice %arg8[%dma_wait3A_770, %dma_wait3A_771, %dma_wait3A_772] : memref<8x32x128xf32, #tpu.memory_space<vmem>> -> memref<1x32x128xf32, #tpu.memory_space<vmem>>
      %dma_wait3A_774 = tpu.memref_squeeze %dma_wait3A_773 : memref<1x32x128xf32, #tpu.memory_space<vmem>> -> memref<32x128xf32, #tpu.memory_space<vmem>>
      %dma_wait3A_775 = arith.constant 0 : i32
      %dma_wait3A_776 = arith.constant 0 : i32
      %dma_wait3A_777 = tpu.memref_slice %arg3[%dma_wait3A_775, %dma_wait3A_776] : memref<32x1000000xf32, #tpu.memory_space<hbm>> -> memref<32x128xf32, #tpu.memory_space<hbm>>
      %dma_wait3A_778 = arith.constant 0 : i32
      %dma_wait3A_779 = arith.constant 0 : i32
      %dma_wait3A_780 = tpu.memref_slice %arg8[%dma_wait3A_770, %dma_wait3A_778, %dma_wait3A_779] : memref<8x32x128xf32, #tpu.memory_space<vmem>> -> memref<1x32x128xf32, #tpu.memory_space<vmem>>
      %dma_wait3A_781 = tpu.memref_squeeze %dma_wait3A_780 : memref<1x32x128xf32, #tpu.memory_space<vmem>> -> memref<32x128xf32, #tpu.memory_space<vmem>>
      %dma_wait3A_782 = arith.constant 0 : i32
      %dma_wait3A_783 = arith.constant 0 : i32
      %dma_wait3A_784 = tpu.memref_slice %arg3[%dma_wait3A_782, %dma_wait3A_783] : memref<32x1000000xf32, #tpu.memory_space<hbm>> -> memref<32x128xf32, #tpu.memory_space<hbm>>
      tpu.wait_dma2 semaphore(%arg13 : memref<!tpu.dma_semaphore, #tpu.memory_space<semaphore_mem>>) src(%dma_wait3A_784 : memref<32x128xf32, #tpu.memory_space<hbm>>) dst(%dma_wait3A_781 : memref<32x128xf32, #tpu.memory_space<vmem>>)
      %dma_wait3A_785 = arith.constant 6 : i32
      %dma_wait3A_786 = arith.constant 0 : i32
      %dma_wait3A_787 = arith.constant 0 : i32
      %dma_wait3A_788 = tpu.memref_slice %arg7[%dma_wait3A_785, %dma_wait3A_786, %dma_wait3A_787] : memref<8x32x128xf32, #tpu.memory_space<vmem>> -> memref<1x32x128xf32, #tpu.memory_space<vmem>>
      %dma_wait3A_789 = tpu.memref_squeeze %dma_wait3A_788 : memref<1x32x128xf32, #tpu.memory_space<vmem>> -> memref<32x128xf32, #tpu.memory_space<vmem>>
      %dma_wait3A_790 = arith.constant 0 : i32
      %dma_wait3A_791 = arith.constant 0 : i32
      %dma_wait3A_792 = tpu.memref_slice %arg2[%dma_wait3A_790, %dma_wait3A_791] : memref<32x1000000xf32, #tpu.memory_space<hbm>> -> memref<32x128xf32, #tpu.memory_space<hbm>>
      %dma_wait3A_793 = arith.constant 0 : i32
      %dma_wait3A_794 = arith.constant 0 : i32
      %dma_wait3A_795 = tpu.memref_slice %arg7[%dma_wait3A_785, %dma_wait3A_793, %dma_wait3A_794] : memref<8x32x128xf32, #tpu.memory_space<vmem>> -> memref<1x32x128xf32, #tpu.memory_space<vmem>>
      %dma_wait3A_796 = tpu.memref_squeeze %dma_wait3A_795 : memref<1x32x128xf32, #tpu.memory_space<vmem>> -> memref<32x128xf32, #tpu.memory_space<vmem>>
      %dma_wait3A_797 = arith.constant 0 : i32
      %dma_wait3A_798 = arith.constant 0 : i32
      %dma_wait3A_799 = tpu.memref_slice %arg2[%dma_wait3A_797, %dma_wait3A_798] : memref<32x1000000xf32, #tpu.memory_space<hbm>> -> memref<32x128xf32, #tpu.memory_space<hbm>>
      tpu.wait_dma2 semaphore(%arg12 : memref<!tpu.dma_semaphore, #tpu.memory_space<semaphore_mem>>) src(%dma_wait3A_799 : memref<32x128xf32, #tpu.memory_space<hbm>>) dst(%dma_wait3A_796 : memref<32x128xf32, #tpu.memory_space<vmem>>)
      %dma_wait3A_800 = arith.constant 6 : i32
      %dma_wait3A_801 = arith.constant 0 : i32
      %dma_wait3A_802 = arith.constant 0 : i32
      %dma_wait3A_803 = tpu.memref_slice %arg8[%dma_wait3A_800, %dma_wait3A_801, %dma_wait3A_802] : memref<8x32x128xf32, #tpu.memory_space<vmem>> -> memref<1x32x128xf32, #tpu.memory_space<vmem>>
      %dma_wait3A_804 = tpu.memref_squeeze %dma_wait3A_803 : memref<1x32x128xf32, #tpu.memory_space<vmem>> -> memref<32x128xf32, #tpu.memory_space<vmem>>
      %dma_wait3A_805 = arith.constant 0 : i32
      %dma_wait3A_806 = arith.constant 0 : i32
      %dma_wait3A_807 = tpu.memref_slice %arg3[%dma_wait3A_805, %dma_wait3A_806] : memref<32x1000000xf32, #tpu.memory_space<hbm>> -> memref<32x128xf32, #tpu.memory_space<hbm>>
      %dma_wait3A_808 = arith.constant 0 : i32
      %dma_wait3A_809 = arith.constant 0 : i32
      %dma_wait3A_810 = tpu.memref_slice %arg8[%dma_wait3A_800, %dma_wait3A_808, %dma_wait3A_809] : memref<8x32x128xf32, #tpu.memory_space<vmem>> -> memref<1x32x128xf32, #tpu.memory_space<vmem>>
      %dma_wait3A_811 = tpu.memref_squeeze %dma_wait3A_810 : memref<1x32x128xf32, #tpu.memory_space<vmem>> -> memref<32x128xf32, #tpu.memory_space<vmem>>
      %dma_wait3A_812 = arith.constant 0 : i32
      %dma_wait3A_813 = arith.constant 0 : i32
      %dma_wait3A_814 = tpu.memref_slice %arg3[%dma_wait3A_812, %dma_wait3A_813] : memref<32x1000000xf32, #tpu.memory_space<hbm>> -> memref<32x128xf32, #tpu.memory_space<hbm>>
      tpu.wait_dma2 semaphore(%arg13 : memref<!tpu.dma_semaphore, #tpu.memory_space<semaphore_mem>>) src(%dma_wait3A_814 : memref<32x128xf32, #tpu.memory_space<hbm>>) dst(%dma_wait3A_811 : memref<32x128xf32, #tpu.memory_space<vmem>>)
      %dma_wait3A_815 = arith.constant 7 : i32
      %dma_wait3A_816 = arith.constant 0 : i32
      %dma_wait3A_817 = arith.constant 0 : i32
      %dma_wait3A_818 = tpu.memref_slice %arg7[%dma_wait3A_815, %dma_wait3A_816, %dma_wait3A_817] : memref<8x32x128xf32, #tpu.memory_space<vmem>> -> memref<1x32x128xf32, #tpu.memory_space<vmem>>
      %dma_wait3A_819 = tpu.memref_squeeze %dma_wait3A_818 : memref<1x32x128xf32, #tpu.memory_space<vmem>> -> memref<32x128xf32, #tpu.memory_space<vmem>>
      %dma_wait3A_820 = arith.constant 0 : i32
      %dma_wait3A_821 = arith.constant 0 : i32
      %dma_wait3A_822 = tpu.memref_slice %arg2[%dma_wait3A_820, %dma_wait3A_821] : memref<32x1000000xf32, #tpu.memory_space<hbm>> -> memref<32x128xf32, #tpu.memory_space<hbm>>
      %dma_wait3A_823 = arith.constant 0 : i32
      %dma_wait3A_824 = arith.constant 0 : i32
      %dma_wait3A_825 = tpu.memref_slice %arg7[%dma_wait3A_815, %dma_wait3A_823, %dma_wait3A_824] : memref<8x32x128xf32, #tpu.memory_space<vmem>> -> memref<1x32x128xf32, #tpu.memory_space<vmem>>
      %dma_wait3A_826 = tpu.memref_squeeze %dma_wait3A_825 : memref<1x32x128xf32, #tpu.memory_space<vmem>> -> memref<32x128xf32, #tpu.memory_space<vmem>>
      %dma_wait3A_827 = arith.constant 0 : i32
      %dma_wait3A_828 = arith.constant 0 : i32
      %dma_wait3A_829 = tpu.memref_slice %arg2[%dma_wait3A_827, %dma_wait3A_828] : memref<32x1000000xf32, #tpu.memory_space<hbm>> -> memref<32x128xf32, #tpu.memory_space<hbm>>
      tpu.wait_dma2 semaphore(%arg12 : memref<!tpu.dma_semaphore, #tpu.memory_space<semaphore_mem>>) src(%dma_wait3A_829 : memref<32x128xf32, #tpu.memory_space<hbm>>) dst(%dma_wait3A_826 : memref<32x128xf32, #tpu.memory_space<vmem>>)
      %dma_wait3A_830 = arith.constant 7 : i32
      %dma_wait3A_831 = arith.constant 0 : i32
      %dma_wait3A_832 = arith.constant 0 : i32
      %dma_wait3A_833 = tpu.memref_slice %arg8[%dma_wait3A_830, %dma_wait3A_831, %dma_wait3A_832] : memref<8x32x128xf32, #tpu.memory_space<vmem>> -> memref<1x32x128xf32, #tpu.memory_space<vmem>>
      %dma_wait3A_834 = tpu.memref_squeeze %dma_wait3A_833 : memref<1x32x128xf32, #tpu.memory_space<vmem>> -> memref<32x128xf32, #tpu.memory_space<vmem>>
      %dma_wait3A_835 = arith.constant 0 : i32
      %dma_wait3A_836 = arith.constant 0 : i32
      %dma_wait3A_837 = tpu.memref_slice %arg3[%dma_wait3A_835, %dma_wait3A_836] : memref<32x1000000xf32, #tpu.memory_space<hbm>> -> memref<32x128xf32, #tpu.memory_space<hbm>>
      %dma_wait3A_838 = arith.constant 0 : i32
      %dma_wait3A_839 = arith.constant 0 : i32
      %dma_wait3A_840 = tpu.memref_slice %arg8[%dma_wait3A_830, %dma_wait3A_838, %dma_wait3A_839] : memref<8x32x128xf32, #tpu.memory_space<vmem>> -> memref<1x32x128xf32, #tpu.memory_space<vmem>>
      %dma_wait3A_841 = tpu.memref_squeeze %dma_wait3A_840 : memref<1x32x128xf32, #tpu.memory_space<vmem>> -> memref<32x128xf32, #tpu.memory_space<vmem>>
      %dma_wait3A_842 = arith.constant 0 : i32
      %dma_wait3A_843 = arith.constant 0 : i32
      %dma_wait3A_844 = tpu.memref_slice %arg3[%dma_wait3A_842, %dma_wait3A_843] : memref<32x1000000xf32, #tpu.memory_space<hbm>> -> memref<32x128xf32, #tpu.memory_space<hbm>>
      tpu.wait_dma2 semaphore(%arg13 : memref<!tpu.dma_semaphore, #tpu.memory_space<semaphore_mem>>) src(%dma_wait3A_844 : memref<32x128xf32, #tpu.memory_space<hbm>>) dst(%dma_wait3A_841 : memref<32x128xf32, #tpu.memory_space<vmem>>)
      %broadcast_in_dim3A = arith.constant 0 : i32
      %broadcast_in_dim3A_845 = vector.broadcast %broadcast_in_dim3A : i32 to vector<16xi32>
      %broadcast_in_dim3A_846 = arith.constant 0 : i32
      %broadcast_in_dim3A_847 = vector.broadcast %broadcast_in_dim3A_846 : i32 to vector<16xi32>
      %slice3A_848 = vector.extract_strided_slice %and3A_572 {offsets = [0], sizes = [1], strides = [1]} : vector<16xi32> to vector<1xi32>
      %squeeze3A_849 = vector.extract %slice3A_848[0] : i32 from vector<1xi32>
      %broadcast_in_dim3A_850 = vector.broadcast %squeeze3A_849 : i32 to vector<16xi32>
      %gather3A = tpu.vector_load_idx %arg7[%broadcast_in_dim3A_845, %iota3A, %broadcast_in_dim3A_850] : memref<8x32x128xf32, #tpu.memory_space<vmem>>[vector<16xi32>, vector<16xi32>, vector<16xi32>], vector<16xf32>,
      tpu.vector_store_idx %arg9[%iota3A, %broadcast_in_dim3A_847], %gather3A : memref<32x16xf32, #tpu.memory_space<vmem>>[vector<16xi32>, vector<16xi32>], vector<16xf32>,
      %gather3A_851 = tpu.vector_load_idx %arg7[%broadcast_in_dim3A_845, %add3A_5, %broadcast_in_dim3A_850] : memref<8x32x128xf32, #tpu.memory_space<vmem>>[vector<16xi32>, vector<16xi32>, vector<16xi32>], vector<16xf32>,
      tpu.vector_store_idx %arg9[%add3A_5, %broadcast_in_dim3A_847], %gather3A_851 : memref<32x16xf32, #tpu.memory_space<vmem>>[vector<16xi32>, vector<16xi32>], vector<16xf32>,
      %slice3A_852 = vector.extract_strided_slice %and3A_578 {offsets = [0], sizes = [1], strides = [1]} : vector<16xi32> to vector<1xi32>
      %squeeze3A_853 = vector.extract %slice3A_852[0] : i32 from vector<1xi32>
      %broadcast_in_dim3A_854 = vector.broadcast %squeeze3A_853 : i32 to vector<16xi32>
      %gather3A_855 = tpu.vector_load_idx %arg8[%broadcast_in_dim3A_845, %iota3A, %broadcast_in_dim3A_854] : memref<8x32x128xf32, #tpu.memory_space<vmem>>[vector<16xi32>, vector<16xi32>, vector<16xi32>], vector<16xf32>,
      tpu.vector_store_idx %arg10[%iota3A, %broadcast_in_dim3A_847], %gather3A_855 : memref<32x16xf32, #tpu.memory_space<vmem>>[vector<16xi32>, vector<16xi32>], vector<16xf32>,
      %gather3A_856 = tpu.vector_load_idx %arg8[%broadcast_in_dim3A_845, %add3A_5, %broadcast_in_dim3A_854] : memref<8x32x128xf32, #tpu.memory_space<vmem>>[vector<16xi32>, vector<16xi32>, vector<16xi32>], vector<16xf32>,
      tpu.vector_store_idx %arg10[%add3A_5, %broadcast_in_dim3A_847], %gather3A_856 : memref<32x16xf32, #tpu.memory_space<vmem>>[vector<16xi32>, vector<16xi32>], vector<16xf32>,
      %slice3A_857 = vector.extract_strided_slice %shift_right_arithmetic3A_569 {offsets = [8], sizes = [1], strides = [1]} : vector<16xi32> to vector<1xi32>
      %squeeze3A_858 = vector.extract %slice3A_857[0] : i32 from vector<1xi32>
      %mul3A_859 = arith.constant 128 : i32
      %mul3A_860 = arith.muli %squeeze3A_858, %mul3A_859 : i32
      %multiple_of3A_861 = tpu.assume_multiple %mul3A_860, 128 : i32
      %dma_start3A_862 = arith.constant 0 : i32
      %dma_start3A_863 = arith.constant 0 : i32
      %dma_start3A_864 = arith.constant 0 : i32
      %dma_start3A_865 = tpu.memref_slice %arg7[%dma_start3A_862, %dma_start3A_863, %dma_start3A_864] : memref<8x32x128xf32, #tpu.memory_space<vmem>> -> memref<1x32x128xf32, #tpu.memory_space<vmem>>
      %dma_start3A_866 = tpu.memref_squeeze %dma_start3A_865 : memref<1x32x128xf32, #tpu.memory_space<vmem>> -> memref<32x128xf32, #tpu.memory_space<vmem>>
      %dma_start3A_867 = arith.constant 0 : i32
      %dma_start3A_868 = tpu.memref_slice %arg2[%dma_start3A_867, %multiple_of3A_861] : memref<32x1000000xf32, #tpu.memory_space<hbm>> -> memref<32x128xf32, #tpu.memory_space<hbm>>
      %dma_start3A_869 = arith.constant 0 : i32
      %dma_start3A_870 = arith.constant 0 : i32
      %dma_start3A_871 = tpu.memref_slice %arg7[%dma_start3A_862, %dma_start3A_869, %dma_start3A_870] : memref<8x32x128xf32, #tpu.memory_space<vmem>> -> memref<1x32x128xf32, #tpu.memory_space<vmem>>
      %dma_start3A_872 = tpu.memref_squeeze %dma_start3A_871 : memref<1x32x128xf32, #tpu.memory_space<vmem>> -> memref<32x128xf32, #tpu.memory_space<vmem>>
      %dma_start3A_873 = arith.constant 0 : i32
      %dma_start3A_874 = tpu.memref_slice %arg2[%dma_start3A_873, %multiple_of3A_861] : memref<32x1000000xf32, #tpu.memory_space<hbm>> -> memref<32x128xf32, #tpu.memory_space<hbm>>
      tpu.enqueue_dma source(%dma_start3A_874 : memref<32x128xf32, #tpu.memory_space<hbm>>) target(%dma_start3A_872 : memref<32x128xf32, #tpu.memory_space<vmem>>) target_semaphore(%arg12 : memref<!tpu.dma_semaphore, #tpu.memory_space<semaphore_mem>>)
      %slice3A_875 = vector.extract_strided_slice %shift_right_arithmetic3A_575 {offsets = [8], sizes = [1], strides = [1]} : vector<16xi32> to vector<1xi32>
      %squeeze3A_876 = vector.extract %slice3A_875[0] : i32 from vector<1xi32>
      %mul3A_877 = arith.constant 128 : i32
      %mul3A_878 = arith.muli %squeeze3A_876, %mul3A_877 : i32
      %multiple_of3A_879 = tpu.assume_multiple %mul3A_878, 128 : i32
      %dma_start3A_880 = arith.constant 0 : i32
      %dma_start3A_881 = arith.constant 0 : i32
      %dma_start3A_882 = arith.constant 0 : i32
      %dma_start3A_883 = tpu.memref_slice %arg8[%dma_start3A_880, %dma_start3A_881, %dma_start3A_882] : memref<8x32x128xf32, #tpu.memory_space<vmem>> -> memref<1x32x128xf32, #tpu.memory_space<vmem>>
      %dma_start3A_884 = tpu.memref_squeeze %dma_start3A_883 : memref<1x32x128xf32, #tpu.memory_space<vmem>> -> memref<32x128xf32, #tpu.memory_space<vmem>>
      %dma_start3A_885 = arith.constant 0 : i32
      %dma_start3A_886 = tpu.memref_slice %arg3[%dma_start3A_885, %multiple_of3A_879] : memref<32x1000000xf32, #tpu.memory_space<hbm>> -> memref<32x128xf32, #tpu.memory_space<hbm>>
      %dma_start3A_887 = arith.constant 0 : i32
      %dma_start3A_888 = arith.constant 0 : i32
      %dma_start3A_889 = tpu.memref_slice %arg8[%dma_start3A_880, %dma_start3A_887, %dma_start3A_888] : memref<8x32x128xf32, #tpu.memory_space<vmem>> -> memref<1x32x128xf32, #tpu.memory_space<vmem>>
      %dma_start3A_890 = tpu.memref_squeeze %dma_start3A_889 : memref<1x32x128xf32, #tpu.memory_space<vmem>> -> memref<32x128xf32, #tpu.memory_space<vmem>>
      %dma_start3A_891 = arith.constant 0 : i32
      %dma_start3A_892 = tpu.memref_slice %arg3[%dma_start3A_891, %multiple_of3A_879] : memref<32x1000000xf32, #tpu.memory_space<hbm>> -> memref<32x128xf32, #tpu.memory_space<hbm>>
      tpu.enqueue_dma source(%dma_start3A_892 : memref<32x128xf32, #tpu.memory_space<hbm>>) target(%dma_start3A_890 : memref<32x128xf32, #tpu.memory_space<vmem>>) target_semaphore(%arg13 : memref<!tpu.dma_semaphore, #tpu.memory_space<semaphore_mem>>)
      %broadcast_in_dim3A_893 = arith.constant 1 : i32
      %broadcast_in_dim3A_894 = vector.broadcast %broadcast_in_dim3A_893 : i32 to vector<16xi32>
      %broadcast_in_dim3A_895 = arith.constant 1 : i32
      %broadcast_in_dim3A_896 = vector.broadcast %broadcast_in_dim3A_895 : i32 to vector<16xi32>
      %slice3A_897 = vector.extract_strided_slice %and3A_572 {offsets = [1], sizes = [1], strides = [1]} : vector<16xi32> to vector<1xi32>
      %squeeze3A_898 = vector.extract %slice3A_897[0] : i32 from vector<1xi32>
      %broadcast_in_dim3A_899 = vector.broadcast %squeeze3A_898 : i32 to vector<16xi32>
      %gather3A_900 = tpu.vector_load_idx %arg7[%broadcast_in_dim3A_894, %iota3A, %broadcast_in_dim3A_899] : memref<8x32x128xf32, #tpu.memory_space<vmem>>[vector<16xi32>, vector<16xi32>, vector<16xi32>], vector<16xf32>,
      tpu.vector_store_idx %arg9[%iota3A, %broadcast_in_dim3A_896], %gather3A_900 : memref<32x16xf32, #tpu.memory_space<vmem>>[vector<16xi32>, vector<16xi32>], vector<16xf32>,
      %gather3A_901 = tpu.vector_load_idx %arg7[%broadcast_in_dim3A_894, %add3A_5, %broadcast_in_dim3A_899] : memref<8x32x128xf32, #tpu.memory_space<vmem>>[vector<16xi32>, vector<16xi32>, vector<16xi32>], vector<16xf32>,
      tpu.vector_store_idx %arg9[%add3A_5, %broadcast_in_dim3A_896], %gather3A_901 : memref<32x16xf32, #tpu.memory_space<vmem>>[vector<16xi32>, vector<16xi32>], vector<16xf32>,
      %slice3A_902 = vector.extract_strided_slice %and3A_578 {offsets = [1], sizes = [1], strides = [1]} : vector<16xi32> to vector<1xi32>
      %squeeze3A_903 = vector.extract %slice3A_902[0] : i32 from vector<1xi32>
      %broadcast_in_dim3A_904 = vector.broadcast %squeeze3A_903 : i32 to vector<16xi32>
      %gather3A_905 = tpu.vector_load_idx %arg8[%broadcast_in_dim3A_894, %iota3A, %broadcast_in_dim3A_904] : memref<8x32x128xf32, #tpu.memory_space<vmem>>[vector<16xi32>, vector<16xi32>, vector<16xi32>], vector<16xf32>,
      tpu.vector_store_idx %arg10[%iota3A, %broadcast_in_dim3A_896], %gather3A_905 : memref<32x16xf32, #tpu.memory_space<vmem>>[vector<16xi32>, vector<16xi32>], vector<16xf32>,
      %gather3A_906 = tpu.vector_load_idx %arg8[%broadcast_in_dim3A_894, %add3A_5, %broadcast_in_dim3A_904] : memref<8x32x128xf32, #tpu.memory_space<vmem>>[vector<16xi32>, vector<16xi32>, vector<16xi32>], vector<16xf32>,
      tpu.vector_store_idx %arg10[%add3A_5, %broadcast_in_dim3A_896], %gather3A_906 : memref<32x16xf32, #tpu.memory_space<vmem>>[vector<16xi32>, vector<16xi32>], vector<16xf32>,
      %slice3A_907 = vector.extract_strided_slice %shift_right_arithmetic3A_569 {offsets = [9], sizes = [1], strides = [1]} : vector<16xi32> to vector<1xi32>
      %squeeze3A_908 = vector.extract %slice3A_907[0] : i32 from vector<1xi32>
      %mul3A_909 = arith.constant 128 : i32
      %mul3A_910 = arith.muli %squeeze3A_908, %mul3A_909 : i32
      %multiple_of3A_911 = tpu.assume_multiple %mul3A_910, 128 : i32
      %dma_start3A_912 = arith.constant 1 : i32
      %dma_start3A_913 = arith.constant 0 : i32
      %dma_start3A_914 = arith.constant 0 : i32
      %dma_start3A_915 = tpu.memref_slice %arg7[%dma_start3A_912, %dma_start3A_913, %dma_start3A_914] : memref<8x32x128xf32, #tpu.memory_space<vmem>> -> memref<1x32x128xf32, #tpu.memory_space<vmem>>
      %dma_start3A_916 = tpu.memref_squeeze %dma_start3A_915 : memref<1x32x128xf32, #tpu.memory_space<vmem>> -> memref<32x128xf32, #tpu.memory_space<vmem>>
      %dma_start3A_917 = arith.constant 0 : i32
      %dma_start3A_918 = tpu.memref_slice %arg2[%dma_start3A_917, %multiple_of3A_911] : memref<32x1000000xf32, #tpu.memory_space<hbm>> -> memref<32x128xf32, #tpu.memory_space<hbm>>
      %dma_start3A_919 = arith.constant 0 : i32
      %dma_start3A_920 = arith.constant 0 : i32
      %dma_start3A_921 = tpu.memref_slice %arg7[%dma_start3A_912, %dma_start3A_919, %dma_start3A_920] : memref<8x32x128xf32, #tpu.memory_space<vmem>> -> memref<1x32x128xf32, #tpu.memory_space<vmem>>
      %dma_start3A_922 = tpu.memref_squeeze %dma_start3A_921 : memref<1x32x128xf32, #tpu.memory_space<vmem>> -> memref<32x128xf32, #tpu.memory_space<vmem>>
      %dma_start3A_923 = arith.constant 0 : i32
      %dma_start3A_924 = tpu.memref_slice %arg2[%dma_start3A_923, %multiple_of3A_911] : memref<32x1000000xf32, #tpu.memory_space<hbm>> -> memref<32x128xf32, #tpu.memory_space<hbm>>
      tpu.enqueue_dma source(%dma_start3A_924 : memref<32x128xf32, #tpu.memory_space<hbm>>) target(%dma_start3A_922 : memref<32x128xf32, #tpu.memory_space<vmem>>) target_semaphore(%arg12 : memref<!tpu.dma_semaphore, #tpu.memory_space<semaphore_mem>>)
      %slice3A_925 = vector.extract_strided_slice %shift_right_arithmetic3A_575 {offsets = [9], sizes = [1], strides = [1]} : vector<16xi32> to vector<1xi32>
      %squeeze3A_926 = vector.extract %slice3A_925[0] : i32 from vector<1xi32>
      %mul3A_927 = arith.constant 128 : i32
      %mul3A_928 = arith.muli %squeeze3A_926, %mul3A_927 : i32
      %multiple_of3A_929 = tpu.assume_multiple %mul3A_928, 128 : i32
      %dma_start3A_930 = arith.constant 1 : i32
      %dma_start3A_931 = arith.constant 0 : i32
      %dma_start3A_932 = arith.constant 0 : i32
      %dma_start3A_933 = tpu.memref_slice %arg8[%dma_start3A_930, %dma_start3A_931, %dma_start3A_932] : memref<8x32x128xf32, #tpu.memory_space<vmem>> -> memref<1x32x128xf32, #tpu.memory_space<vmem>>
      %dma_start3A_934 = tpu.memref_squeeze %dma_start3A_933 : memref<1x32x128xf32, #tpu.memory_space<vmem>> -> memref<32x128xf32, #tpu.memory_space<vmem>>
      %dma_start3A_935 = arith.constant 0 : i32
      %dma_start3A_936 = tpu.memref_slice %arg3[%dma_start3A_935, %multiple_of3A_929] : memref<32x1000000xf32, #tpu.memory_space<hbm>> -> memref<32x128xf32, #tpu.memory_space<hbm>>
      %dma_start3A_937 = arith.constant 0 : i32
      %dma_start3A_938 = arith.constant 0 : i32
      %dma_start3A_939 = tpu.memref_slice %arg8[%dma_start3A_930, %dma_start3A_937, %dma_start3A_938] : memref<8x32x128xf32, #tpu.memory_space<vmem>> -> memref<1x32x128xf32, #tpu.memory_space<vmem>>
      %dma_start3A_940 = tpu.memref_squeeze %dma_start3A_939 : memref<1x32x128xf32, #tpu.memory_space<vmem>> -> memref<32x128xf32, #tpu.memory_space<vmem>>
      %dma_start3A_941 = arith.constant 0 : i32
      %dma_start3A_942 = tpu.memref_slice %arg3[%dma_start3A_941, %multiple_of3A_929] : memref<32x1000000xf32, #tpu.memory_space<hbm>> -> memref<32x128xf32, #tpu.memory_space<hbm>>
      tpu.enqueue_dma source(%dma_start3A_942 : memref<32x128xf32, #tpu.memory_space<hbm>>) target(%dma_start3A_940 : memref<32x128xf32, #tpu.memory_space<vmem>>) target_semaphore(%arg13 : memref<!tpu.dma_semaphore, #tpu.memory_space<semaphore_mem>>)
      %broadcast_in_dim3A_943 = arith.constant 2 : i32
      %broadcast_in_dim3A_944 = vector.broadcast %broadcast_in_dim3A_943 : i32 to vector<16xi32>
      %broadcast_in_dim3A_945 = arith.constant 2 : i32
      %broadcast_in_dim3A_946 = vector.broadcast %broadcast_in_dim3A_945 : i32 to vector<16xi32>
      %slice3A_947 = vector.extract_strided_slice %and3A_572 {offsets = [2], sizes = [1], strides = [1]} : vector<16xi32> to vector<1xi32>
      %squeeze3A_948 = vector.extract %slice3A_947[0] : i32 from vector<1xi32>
      %broadcast_in_dim3A_949 = vector.broadcast %squeeze3A_948 : i32 to vector<16xi32>
      %gather3A_950 = tpu.vector_load_idx %arg7[%broadcast_in_dim3A_944, %iota3A, %broadcast_in_dim3A_949] : memref<8x32x128xf32, #tpu.memory_space<vmem>>[vector<16xi32>, vector<16xi32>, vector<16xi32>], vector<16xf32>,
      tpu.vector_store_idx %arg9[%iota3A, %broadcast_in_dim3A_946], %gather3A_950 : memref<32x16xf32, #tpu.memory_space<vmem>>[vector<16xi32>, vector<16xi32>], vector<16xf32>,
      %gather3A_951 = tpu.vector_load_idx %arg7[%broadcast_in_dim3A_944, %add3A_5, %broadcast_in_dim3A_949] : memref<8x32x128xf32, #tpu.memory_space<vmem>>[vector<16xi32>, vector<16xi32>, vector<16xi32>], vector<16xf32>,
      tpu.vector_store_idx %arg9[%add3A_5, %broadcast_in_dim3A_946], %gather3A_951 : memref<32x16xf32, #tpu.memory_space<vmem>>[vector<16xi32>, vector<16xi32>], vector<16xf32>,
      %slice3A_952 = vector.extract_strided_slice %and3A_578 {offsets = [2], sizes = [1], strides = [1]} : vector<16xi32> to vector<1xi32>
      %squeeze3A_953 = vector.extract %slice3A_952[0] : i32 from vector<1xi32>
      %broadcast_in_dim3A_954 = vector.broadcast %squeeze3A_953 : i32 to vector<16xi32>
      %gather3A_955 = tpu.vector_load_idx %arg8[%broadcast_in_dim3A_944, %iota3A, %broadcast_in_dim3A_954] : memref<8x32x128xf32, #tpu.memory_space<vmem>>[vector<16xi32>, vector<16xi32>, vector<16xi32>], vector<16xf32>,
      tpu.vector_store_idx %arg10[%iota3A, %broadcast_in_dim3A_946], %gather3A_955 : memref<32x16xf32, #tpu.memory_space<vmem>>[vector<16xi32>, vector<16xi32>], vector<16xf32>,
      %gather3A_956 = tpu.vector_load_idx %arg8[%broadcast_in_dim3A_944, %add3A_5, %broadcast_in_dim3A_954] : memref<8x32x128xf32, #tpu.memory_space<vmem>>[vector<16xi32>, vector<16xi32>, vector<16xi32>], vector<16xf32>,
      tpu.vector_store_idx %arg10[%add3A_5, %broadcast_in_dim3A_946], %gather3A_956 : memref<32x16xf32, #tpu.memory_space<vmem>>[vector<16xi32>, vector<16xi32>], vector<16xf32>,
      %slice3A_957 = vector.extract_strided_slice %shift_right_arithmetic3A_569 {offsets = [10], sizes = [1], strides = [1]} : vector<16xi32> to vector<1xi32>
      %squeeze3A_958 = vector.extract %slice3A_957[0] : i32 from vector<1xi32>
      %mul3A_959 = arith.constant 128 : i32
      %mul3A_960 = arith.muli %squeeze3A_958, %mul3A_959 : i32
      %multiple_of3A_961 = tpu.assume_multiple %mul3A_960, 128 : i32
      %dma_start3A_962 = arith.constant 2 : i32
      %dma_start3A_963 = arith.constant 0 : i32
      %dma_start3A_964 = arith.constant 0 : i32
      %dma_start3A_965 = tpu.memref_slice %arg7[%dma_start3A_962, %dma_start3A_963, %dma_start3A_964] : memref<8x32x128xf32, #tpu.memory_space<vmem>> -> memref<1x32x128xf32, #tpu.memory_space<vmem>>
      %dma_start3A_966 = tpu.memref_squeeze %dma_start3A_965 : memref<1x32x128xf32, #tpu.memory_space<vmem>> -> memref<32x128xf32, #tpu.memory_space<vmem>>
      %dma_start3A_967 = arith.constant 0 : i32
      %dma_start3A_968 = tpu.memref_slice %arg2[%dma_start3A_967, %multiple_of3A_961] : memref<32x1000000xf32, #tpu.memory_space<hbm>> -> memref<32x128xf32, #tpu.memory_space<hbm>>
      %dma_start3A_969 = arith.constant 0 : i32
      %dma_start3A_970 = arith.constant 0 : i32
      %dma_start3A_971 = tpu.memref_slice %arg7[%dma_start3A_962, %dma_start3A_969, %dma_start3A_970] : memref<8x32x128xf32, #tpu.memory_space<vmem>> -> memref<1x32x128xf32, #tpu.memory_space<vmem>>
      %dma_start3A_972 = tpu.memref_squeeze %dma_start3A_971 : memref<1x32x128xf32, #tpu.memory_space<vmem>> -> memref<32x128xf32, #tpu.memory_space<vmem>>
      %dma_start3A_973 = arith.constant 0 : i32
      %dma_start3A_974 = tpu.memref_slice %arg2[%dma_start3A_973, %multiple_of3A_961] : memref<32x1000000xf32, #tpu.memory_space<hbm>> -> memref<32x128xf32, #tpu.memory_space<hbm>>
      tpu.enqueue_dma source(%dma_start3A_974 : memref<32x128xf32, #tpu.memory_space<hbm>>) target(%dma_start3A_972 : memref<32x128xf32, #tpu.memory_space<vmem>>) target_semaphore(%arg12 : memref<!tpu.dma_semaphore, #tpu.memory_space<semaphore_mem>>)
      %slice3A_975 = vector.extract_strided_slice %shift_right_arithmetic3A_575 {offsets = [10], sizes = [1], strides = [1]} : vector<16xi32> to vector<1xi32>
      %squeeze3A_976 = vector.extract %slice3A_975[0] : i32 from vector<1xi32>
      %mul3A_977 = arith.constant 128 : i32
      %mul3A_978 = arith.muli %squeeze3A_976, %mul3A_977 : i32
      %multiple_of3A_979 = tpu.assume_multiple %mul3A_978, 128 : i32
      %dma_start3A_980 = arith.constant 2 : i32
      %dma_start3A_981 = arith.constant 0 : i32
      %dma_start3A_982 = arith.constant 0 : i32
      %dma_start3A_983 = tpu.memref_slice %arg8[%dma_start3A_980, %dma_start3A_981, %dma_start3A_982] : memref<8x32x128xf32, #tpu.memory_space<vmem>> -> memref<1x32x128xf32, #tpu.memory_space<vmem>>
      %dma_start3A_984 = tpu.memref_squeeze %dma_start3A_983 : memref<1x32x128xf32, #tpu.memory_space<vmem>> -> memref<32x128xf32, #tpu.memory_space<vmem>>
      %dma_start3A_985 = arith.constant 0 : i32
      %dma_start3A_986 = tpu.memref_slice %arg3[%dma_start3A_985, %multiple_of3A_979] : memref<32x1000000xf32, #tpu.memory_space<hbm>> -> memref<32x128xf32, #tpu.memory_space<hbm>>
      %dma_start3A_987 = arith.constant 0 : i32
      %dma_start3A_988 = arith.constant 0 : i32
      %dma_start3A_989 = tpu.memref_slice %arg8[%dma_start3A_980, %dma_start3A_987, %dma_start3A_988] : memref<8x32x128xf32, #tpu.memory_space<vmem>> -> memref<1x32x128xf32, #tpu.memory_space<vmem>>
      %dma_start3A_990 = tpu.memref_squeeze %dma_start3A_989 : memref<1x32x128xf32, #tpu.memory_space<vmem>> -> memref<32x128xf32, #tpu.memory_space<vmem>>
      %dma_start3A_991 = arith.constant 0 : i32
      %dma_start3A_992 = tpu.memref_slice %arg3[%dma_start3A_991, %multiple_of3A_979] : memref<32x1000000xf32, #tpu.memory_space<hbm>> -> memref<32x128xf32, #tpu.memory_space<hbm>>
      tpu.enqueue_dma source(%dma_start3A_992 : memref<32x128xf32, #tpu.memory_space<hbm>>) target(%dma_start3A_990 : memref<32x128xf32, #tpu.memory_space<vmem>>) target_semaphore(%arg13 : memref<!tpu.dma_semaphore, #tpu.memory_space<semaphore_mem>>)
      %broadcast_in_dim3A_993 = arith.constant 3 : i32
      %broadcast_in_dim3A_994 = vector.broadcast %broadcast_in_dim3A_993 : i32 to vector<16xi32>
      %broadcast_in_dim3A_995 = arith.constant 3 : i32
      %broadcast_in_dim3A_996 = vector.broadcast %broadcast_in_dim3A_995 : i32 to vector<16xi32>
      %slice3A_997 = vector.extract_strided_slice %and3A_572 {offsets = [3], sizes = [1], strides = [1]} : vector<16xi32> to vector<1xi32>
      %squeeze3A_998 = vector.extract %slice3A_997[0] : i32 from vector<1xi32>
      %broadcast_in_dim3A_999 = vector.broadcast %squeeze3A_998 : i32 to vector<16xi32>
      %gather3A_1000 = tpu.vector_load_idx %arg7[%broadcast_in_dim3A_994, %iota3A, %broadcast_in_dim3A_999] : memref<8x32x128xf32, #tpu.memory_space<vmem>>[vector<16xi32>, vector<16xi32>, vector<16xi32>], vector<16xf32>,
      tpu.vector_store_idx %arg9[%iota3A, %broadcast_in_dim3A_996], %gather3A_1000 : memref<32x16xf32, #tpu.memory_space<vmem>>[vector<16xi32>, vector<16xi32>], vector<16xf32>,
      %gather3A_1001 = tpu.vector_load_idx %arg7[%broadcast_in_dim3A_994, %add3A_5, %broadcast_in_dim3A_999] : memref<8x32x128xf32, #tpu.memory_space<vmem>>[vector<16xi32>, vector<16xi32>, vector<16xi32>], vector<16xf32>,
      tpu.vector_store_idx %arg9[%add3A_5, %broadcast_in_dim3A_996], %gather3A_1001 : memref<32x16xf32, #tpu.memory_space<vmem>>[vector<16xi32>, vector<16xi32>], vector<16xf32>,
      %slice3A_1002 = vector.extract_strided_slice %and3A_578 {offsets = [3], sizes = [1], strides = [1]} : vector<16xi32> to vector<1xi32>
      %squeeze3A_1003 = vector.extract %slice3A_1002[0] : i32 from vector<1xi32>
      %broadcast_in_dim3A_1004 = vector.broadcast %squeeze3A_1003 : i32 to vector<16xi32>
      %gather3A_1005 = tpu.vector_load_idx %arg8[%broadcast_in_dim3A_994, %iota3A, %broadcast_in_dim3A_1004] : memref<8x32x128xf32, #tpu.memory_space<vmem>>[vector<16xi32>, vector<16xi32>, vector<16xi32>], vector<16xf32>,
      tpu.vector_store_idx %arg10[%iota3A, %broadcast_in_dim3A_996], %gather3A_1005 : memref<32x16xf32, #tpu.memory_space<vmem>>[vector<16xi32>, vector<16xi32>], vector<16xf32>,
      %gather3A_1006 = tpu.vector_load_idx %arg8[%broadcast_in_dim3A_994, %add3A_5, %broadcast_in_dim3A_1004] : memref<8x32x128xf32, #tpu.memory_space<vmem>>[vector<16xi32>, vector<16xi32>, vector<16xi32>], vector<16xf32>,
      tpu.vector_store_idx %arg10[%add3A_5, %broadcast_in_dim3A_996], %gather3A_1006 : memref<32x16xf32, #tpu.memory_space<vmem>>[vector<16xi32>, vector<16xi32>], vector<16xf32>,
      %slice3A_1007 = vector.extract_strided_slice %shift_right_arithmetic3A_569 {offsets = [11], sizes = [1], strides = [1]} : vector<16xi32> to vector<1xi32>
      %squeeze3A_1008 = vector.extract %slice3A_1007[0] : i32 from vector<1xi32>
      %mul3A_1009 = arith.constant 128 : i32
      %mul3A_1010 = arith.muli %squeeze3A_1008, %mul3A_1009 : i32
      %multiple_of3A_1011 = tpu.assume_multiple %mul3A_1010, 128 : i32
      %dma_start3A_1012 = arith.constant 3 : i32
      %dma_start3A_1013 = arith.constant 0 : i32
      %dma_start3A_1014 = arith.constant 0 : i32
      %dma_start3A_1015 = tpu.memref_slice %arg7[%dma_start3A_1012, %dma_start3A_1013, %dma_start3A_1014] : memref<8x32x128xf32, #tpu.memory_space<vmem>> -> memref<1x32x128xf32, #tpu.memory_space<vmem>>
      %dma_start3A_1016 = tpu.memref_squeeze %dma_start3A_1015 : memref<1x32x128xf32, #tpu.memory_space<vmem>> -> memref<32x128xf32, #tpu.memory_space<vmem>>
      %dma_start3A_1017 = arith.constant 0 : i32
      %dma_start3A_1018 = tpu.memref_slice %arg2[%dma_start3A_1017, %multiple_of3A_1011] : memref<32x1000000xf32, #tpu.memory_space<hbm>> -> memref<32x128xf32, #tpu.memory_space<hbm>>
      %dma_start3A_1019 = arith.constant 0 : i32
      %dma_start3A_1020 = arith.constant 0 : i32
      %dma_start3A_1021 = tpu.memref_slice %arg7[%dma_start3A_1012, %dma_start3A_1019, %dma_start3A_1020] : memref<8x32x128xf32, #tpu.memory_space<vmem>> -> memref<1x32x128xf32, #tpu.memory_space<vmem>>
      %dma_start3A_1022 = tpu.memref_squeeze %dma_start3A_1021 : memref<1x32x128xf32, #tpu.memory_space<vmem>> -> memref<32x128xf32, #tpu.memory_space<vmem>>
      %dma_start3A_1023 = arith.constant 0 : i32
      %dma_start3A_1024 = tpu.memref_slice %arg2[%dma_start3A_1023, %multiple_of3A_1011] : memref<32x1000000xf32, #tpu.memory_space<hbm>> -> memref<32x128xf32, #tpu.memory_space<hbm>>
      tpu.enqueue_dma source(%dma_start3A_1024 : memref<32x128xf32, #tpu.memory_space<hbm>>) target(%dma_start3A_1022 : memref<32x128xf32, #tpu.memory_space<vmem>>) target_semaphore(%arg12 : memref<!tpu.dma_semaphore, #tpu.memory_space<semaphore_mem>>)
      %slice3A_1025 = vector.extract_strided_slice %shift_right_arithmetic3A_575 {offsets = [11], sizes = [1], strides = [1]} : vector<16xi32> to vector<1xi32>
      %squeeze3A_1026 = vector.extract %slice3A_1025[0] : i32 from vector<1xi32>
      %mul3A_1027 = arith.constant 128 : i32
      %mul3A_1028 = arith.muli %squeeze3A_1026, %mul3A_1027 : i32
      %multiple_of3A_1029 = tpu.assume_multiple %mul3A_1028, 128 : i32
      %dma_start3A_1030 = arith.constant 3 : i32
      %dma_start3A_1031 = arith.constant 0 : i32
      %dma_start3A_1032 = arith.constant 0 : i32
      %dma_start3A_1033 = tpu.memref_slice %arg8[%dma_start3A_1030, %dma_start3A_1031, %dma_start3A_1032] : memref<8x32x128xf32, #tpu.memory_space<vmem>> -> memref<1x32x128xf32, #tpu.memory_space<vmem>>
      %dma_start3A_1034 = tpu.memref_squeeze %dma_start3A_1033 : memref<1x32x128xf32, #tpu.memory_space<vmem>> -> memref<32x128xf32, #tpu.memory_space<vmem>>
      %dma_start3A_1035 = arith.constant 0 : i32
      %dma_start3A_1036 = tpu.memref_slice %arg3[%dma_start3A_1035, %multiple_of3A_1029] : memref<32x1000000xf32, #tpu.memory_space<hbm>> -> memref<32x128xf32, #tpu.memory_space<hbm>>
      %dma_start3A_1037 = arith.constant 0 : i32
      %dma_start3A_1038 = arith.constant 0 : i32
      %dma_start3A_1039 = tpu.memref_slice %arg8[%dma_start3A_1030, %dma_start3A_1037, %dma_start3A_1038] : memref<8x32x128xf32, #tpu.memory_space<vmem>> -> memref<1x32x128xf32, #tpu.memory_space<vmem>>
      %dma_start3A_1040 = tpu.memref_squeeze %dma_start3A_1039 : memref<1x32x128xf32, #tpu.memory_space<vmem>> -> memref<32x128xf32, #tpu.memory_space<vmem>>
      %dma_start3A_1041 = arith.constant 0 : i32
      %dma_start3A_1042 = tpu.memref_slice %arg3[%dma_start3A_1041, %multiple_of3A_1029] : memref<32x1000000xf32, #tpu.memory_space<hbm>> -> memref<32x128xf32, #tpu.memory_space<hbm>>
      tpu.enqueue_dma source(%dma_start3A_1042 : memref<32x128xf32, #tpu.memory_space<hbm>>) target(%dma_start3A_1040 : memref<32x128xf32, #tpu.memory_space<vmem>>) target_semaphore(%arg13 : memref<!tpu.dma_semaphore, #tpu.memory_space<semaphore_mem>>)
      %broadcast_in_dim3A_1043 = arith.constant 4 : i32
      %broadcast_in_dim3A_1044 = vector.broadcast %broadcast_in_dim3A_1043 : i32 to vector<16xi32>
      %broadcast_in_dim3A_1045 = arith.constant 4 : i32
      %broadcast_in_dim3A_1046 = vector.broadcast %broadcast_in_dim3A_1045 : i32 to vector<16xi32>
      %slice3A_1047 = vector.extract_strided_slice %and3A_572 {offsets = [4], sizes = [1], strides = [1]} : vector<16xi32> to vector<1xi32>
      %squeeze3A_1048 = vector.extract %slice3A_1047[0] : i32 from vector<1xi32>
      %broadcast_in_dim3A_1049 = vector.broadcast %squeeze3A_1048 : i32 to vector<16xi32>
      %gather3A_1050 = tpu.vector_load_idx %arg7[%broadcast_in_dim3A_1044, %iota3A, %broadcast_in_dim3A_1049] : memref<8x32x128xf32, #tpu.memory_space<vmem>>[vector<16xi32>, vector<16xi32>, vector<16xi32>], vector<16xf32>,
      tpu.vector_store_idx %arg9[%iota3A, %broadcast_in_dim3A_1046], %gather3A_1050 : memref<32x16xf32, #tpu.memory_space<vmem>>[vector<16xi32>, vector<16xi32>], vector<16xf32>,
      %gather3A_1051 = tpu.vector_load_idx %arg7[%broadcast_in_dim3A_1044, %add3A_5, %broadcast_in_dim3A_1049] : memref<8x32x128xf32, #tpu.memory_space<vmem>>[vector<16xi32>, vector<16xi32>, vector<16xi32>], vector<16xf32>,
      tpu.vector_store_idx %arg9[%add3A_5, %broadcast_in_dim3A_1046], %gather3A_1051 : memref<32x16xf32, #tpu.memory_space<vmem>>[vector<16xi32>, vector<16xi32>], vector<16xf32>,
      %slice3A_1052 = vector.extract_strided_slice %and3A_578 {offsets = [4], sizes = [1], strides = [1]} : vector<16xi32> to vector<1xi32>
      %squeeze3A_1053 = vector.extract %slice3A_1052[0] : i32 from vector<1xi32>
      %broadcast_in_dim3A_1054 = vector.broadcast %squeeze3A_1053 : i32 to vector<16xi32>
      %gather3A_1055 = tpu.vector_load_idx %arg8[%broadcast_in_dim3A_1044, %iota3A, %broadcast_in_dim3A_1054] : memref<8x32x128xf32, #tpu.memory_space<vmem>>[vector<16xi32>, vector<16xi32>, vector<16xi32>], vector<16xf32>,
      tpu.vector_store_idx %arg10[%iota3A, %broadcast_in_dim3A_1046], %gather3A_1055 : memref<32x16xf32, #tpu.memory_space<vmem>>[vector<16xi32>, vector<16xi32>], vector<16xf32>,
      %gather3A_1056 = tpu.vector_load_idx %arg8[%broadcast_in_dim3A_1044, %add3A_5, %broadcast_in_dim3A_1054] : memref<8x32x128xf32, #tpu.memory_space<vmem>>[vector<16xi32>, vector<16xi32>, vector<16xi32>], vector<16xf32>,
      tpu.vector_store_idx %arg10[%add3A_5, %broadcast_in_dim3A_1046], %gather3A_1056 : memref<32x16xf32, #tpu.memory_space<vmem>>[vector<16xi32>, vector<16xi32>], vector<16xf32>,
      %slice3A_1057 = vector.extract_strided_slice %shift_right_arithmetic3A_569 {offsets = [12], sizes = [1], strides = [1]} : vector<16xi32> to vector<1xi32>
      %squeeze3A_1058 = vector.extract %slice3A_1057[0] : i32 from vector<1xi32>
      %mul3A_1059 = arith.constant 128 : i32
      %mul3A_1060 = arith.muli %squeeze3A_1058, %mul3A_1059 : i32
      %multiple_of3A_1061 = tpu.assume_multiple %mul3A_1060, 128 : i32
      %dma_start3A_1062 = arith.constant 4 : i32
      %dma_start3A_1063 = arith.constant 0 : i32
      %dma_start3A_1064 = arith.constant 0 : i32
      %dma_start3A_1065 = tpu.memref_slice %arg7[%dma_start3A_1062, %dma_start3A_1063, %dma_start3A_1064] : memref<8x32x128xf32, #tpu.memory_space<vmem>> -> memref<1x32x128xf32, #tpu.memory_space<vmem>>
      %dma_start3A_1066 = tpu.memref_squeeze %dma_start3A_1065 : memref<1x32x128xf32, #tpu.memory_space<vmem>> -> memref<32x128xf32, #tpu.memory_space<vmem>>
      %dma_start3A_1067 = arith.constant 0 : i32
      %dma_start3A_1068 = tpu.memref_slice %arg2[%dma_start3A_1067, %multiple_of3A_1061] : memref<32x1000000xf32, #tpu.memory_space<hbm>> -> memref<32x128xf32, #tpu.memory_space<hbm>>
      %dma_start3A_1069 = arith.constant 0 : i32
      %dma_start3A_1070 = arith.constant 0 : i32
      %dma_start3A_1071 = tpu.memref_slice %arg7[%dma_start3A_1062, %dma_start3A_1069, %dma_start3A_1070] : memref<8x32x128xf32, #tpu.memory_space<vmem>> -> memref<1x32x128xf32, #tpu.memory_space<vmem>>
      %dma_start3A_1072 = tpu.memref_squeeze %dma_start3A_1071 : memref<1x32x128xf32, #tpu.memory_space<vmem>> -> memref<32x128xf32, #tpu.memory_space<vmem>>
      %dma_start3A_1073 = arith.constant 0 : i32
      %dma_start3A_1074 = tpu.memref_slice %arg2[%dma_start3A_1073, %multiple_of3A_1061] : memref<32x1000000xf32, #tpu.memory_space<hbm>> -> memref<32x128xf32, #tpu.memory_space<hbm>>
      tpu.enqueue_dma source(%dma_start3A_1074 : memref<32x128xf32, #tpu.memory_space<hbm>>) target(%dma_start3A_1072 : memref<32x128xf32, #tpu.memory_space<vmem>>) target_semaphore(%arg12 : memref<!tpu.dma_semaphore, #tpu.memory_space<semaphore_mem>>)
      %slice3A_1075 = vector.extract_strided_slice %shift_right_arithmetic3A_575 {offsets = [12], sizes = [1], strides = [1]} : vector<16xi32> to vector<1xi32>
      %squeeze3A_1076 = vector.extract %slice3A_1075[0] : i32 from vector<1xi32>
      %mul3A_1077 = arith.constant 128 : i32
      %mul3A_1078 = arith.muli %squeeze3A_1076, %mul3A_1077 : i32
      %multiple_of3A_1079 = tpu.assume_multiple %mul3A_1078, 128 : i32
      %dma_start3A_1080 = arith.constant 4 : i32
      %dma_start3A_1081 = arith.constant 0 : i32
      %dma_start3A_1082 = arith.constant 0 : i32
      %dma_start3A_1083 = tpu.memref_slice %arg8[%dma_start3A_1080, %dma_start3A_1081, %dma_start3A_1082] : memref<8x32x128xf32, #tpu.memory_space<vmem>> -> memref<1x32x128xf32, #tpu.memory_space<vmem>>
      %dma_start3A_1084 = tpu.memref_squeeze %dma_start3A_1083 : memref<1x32x128xf32, #tpu.memory_space<vmem>> -> memref<32x128xf32, #tpu.memory_space<vmem>>
      %dma_start3A_1085 = arith.constant 0 : i32
      %dma_start3A_1086 = tpu.memref_slice %arg3[%dma_start3A_1085, %multiple_of3A_1079] : memref<32x1000000xf32, #tpu.memory_space<hbm>> -> memref<32x128xf32, #tpu.memory_space<hbm>>
      %dma_start3A_1087 = arith.constant 0 : i32
      %dma_start3A_1088 = arith.constant 0 : i32
      %dma_start3A_1089 = tpu.memref_slice %arg8[%dma_start3A_1080, %dma_start3A_1087, %dma_start3A_1088] : memref<8x32x128xf32, #tpu.memory_space<vmem>> -> memref<1x32x128xf32, #tpu.memory_space<vmem>>
      %dma_start3A_1090 = tpu.memref_squeeze %dma_start3A_1089 : memref<1x32x128xf32, #tpu.memory_space<vmem>> -> memref<32x128xf32, #tpu.memory_space<vmem>>
      %dma_start3A_1091 = arith.constant 0 : i32
      %dma_start3A_1092 = tpu.memref_slice %arg3[%dma_start3A_1091, %multiple_of3A_1079] : memref<32x1000000xf32, #tpu.memory_space<hbm>> -> memref<32x128xf32, #tpu.memory_space<hbm>>
      tpu.enqueue_dma source(%dma_start3A_1092 : memref<32x128xf32, #tpu.memory_space<hbm>>) target(%dma_start3A_1090 : memref<32x128xf32, #tpu.memory_space<vmem>>) target_semaphore(%arg13 : memref<!tpu.dma_semaphore, #tpu.memory_space<semaphore_mem>>)
      %broadcast_in_dim3A_1093 = arith.constant 5 : i32
      %broadcast_in_dim3A_1094 = vector.broadcast %broadcast_in_dim3A_1093 : i32 to vector<16xi32>
      %broadcast_in_dim3A_1095 = arith.constant 5 : i32
      %broadcast_in_dim3A_1096 = vector.broadcast %broadcast_in_dim3A_1095 : i32 to vector<16xi32>
      %slice3A_1097 = vector.extract_strided_slice %and3A_572 {offsets = [5], sizes = [1], strides = [1]} : vector<16xi32> to vector<1xi32>
      %squeeze3A_1098 = vector.extract %slice3A_1097[0] : i32 from vector<1xi32>
      %broadcast_in_dim3A_1099 = vector.broadcast %squeeze3A_1098 : i32 to vector<16xi32>
      %gather3A_1100 = tpu.vector_load_idx %arg7[%broadcast_in_dim3A_1094, %iota3A, %broadcast_in_dim3A_1099] : memref<8x32x128xf32, #tpu.memory_space<vmem>>[vector<16xi32>, vector<16xi32>, vector<16xi32>], vector<16xf32>,
      tpu.vector_store_idx %arg9[%iota3A, %broadcast_in_dim3A_1096], %gather3A_1100 : memref<32x16xf32, #tpu.memory_space<vmem>>[vector<16xi32>, vector<16xi32>], vector<16xf32>,
      %gather3A_1101 = tpu.vector_load_idx %arg7[%broadcast_in_dim3A_1094, %add3A_5, %broadcast_in_dim3A_1099] : memref<8x32x128xf32, #tpu.memory_space<vmem>>[vector<16xi32>, vector<16xi32>, vector<16xi32>], vector<16xf32>,
      tpu.vector_store_idx %arg9[%add3A_5, %broadcast_in_dim3A_1096], %gather3A_1101 : memref<32x16xf32, #tpu.memory_space<vmem>>[vector<16xi32>, vector<16xi32>], vector<16xf32>,
      %slice3A_1102 = vector.extract_strided_slice %and3A_578 {offsets = [5], sizes = [1], strides = [1]} : vector<16xi32> to vector<1xi32>
      %squeeze3A_1103 = vector.extract %slice3A_1102[0] : i32 from vector<1xi32>
      %broadcast_in_dim3A_1104 = vector.broadcast %squeeze3A_1103 : i32 to vector<16xi32>
      %gather3A_1105 = tpu.vector_load_idx %arg8[%broadcast_in_dim3A_1094, %iota3A, %broadcast_in_dim3A_1104] : memref<8x32x128xf32, #tpu.memory_space<vmem>>[vector<16xi32>, vector<16xi32>, vector<16xi32>], vector<16xf32>,
      tpu.vector_store_idx %arg10[%iota3A, %broadcast_in_dim3A_1096], %gather3A_1105 : memref<32x16xf32, #tpu.memory_space<vmem>>[vector<16xi32>, vector<16xi32>], vector<16xf32>,
      %gather3A_1106 = tpu.vector_load_idx %arg8[%broadcast_in_dim3A_1094, %add3A_5, %broadcast_in_dim3A_1104] : memref<8x32x128xf32, #tpu.memory_space<vmem>>[vector<16xi32>, vector<16xi32>, vector<16xi32>], vector<16xf32>,
      tpu.vector_store_idx %arg10[%add3A_5, %broadcast_in_dim3A_1096], %gather3A_1106 : memref<32x16xf32, #tpu.memory_space<vmem>>[vector<16xi32>, vector<16xi32>], vector<16xf32>,
      %slice3A_1107 = vector.extract_strided_slice %shift_right_arithmetic3A_569 {offsets = [13], sizes = [1], strides = [1]} : vector<16xi32> to vector<1xi32>
      %squeeze3A_1108 = vector.extract %slice3A_1107[0] : i32 from vector<1xi32>
      %mul3A_1109 = arith.constant 128 : i32
      %mul3A_1110 = arith.muli %squeeze3A_1108, %mul3A_1109 : i32
      %multiple_of3A_1111 = tpu.assume_multiple %mul3A_1110, 128 : i32
      %dma_start3A_1112 = arith.constant 5 : i32
      %dma_start3A_1113 = arith.constant 0 : i32
      %dma_start3A_1114 = arith.constant 0 : i32
      %dma_start3A_1115 = tpu.memref_slice %arg7[%dma_start3A_1112, %dma_start3A_1113, %dma_start3A_1114] : memref<8x32x128xf32, #tpu.memory_space<vmem>> -> memref<1x32x128xf32, #tpu.memory_space<vmem>>
      %dma_start3A_1116 = tpu.memref_squeeze %dma_start3A_1115 : memref<1x32x128xf32, #tpu.memory_space<vmem>> -> memref<32x128xf32, #tpu.memory_space<vmem>>
      %dma_start3A_1117 = arith.constant 0 : i32
      %dma_start3A_1118 = tpu.memref_slice %arg2[%dma_start3A_1117, %multiple_of3A_1111] : memref<32x1000000xf32, #tpu.memory_space<hbm>> -> memref<32x128xf32, #tpu.memory_space<hbm>>
      %dma_start3A_1119 = arith.constant 0 : i32
      %dma_start3A_1120 = arith.constant 0 : i32
      %dma_start3A_1121 = tpu.memref_slice %arg7[%dma_start3A_1112, %dma_start3A_1119, %dma_start3A_1120] : memref<8x32x128xf32, #tpu.memory_space<vmem>> -> memref<1x32x128xf32, #tpu.memory_space<vmem>>
      %dma_start3A_1122 = tpu.memref_squeeze %dma_start3A_1121 : memref<1x32x128xf32, #tpu.memory_space<vmem>> -> memref<32x128xf32, #tpu.memory_space<vmem>>
      %dma_start3A_1123 = arith.constant 0 : i32
      %dma_start3A_1124 = tpu.memref_slice %arg2[%dma_start3A_1123, %multiple_of3A_1111] : memref<32x1000000xf32, #tpu.memory_space<hbm>> -> memref<32x128xf32, #tpu.memory_space<hbm>>
      tpu.enqueue_dma source(%dma_start3A_1124 : memref<32x128xf32, #tpu.memory_space<hbm>>) target(%dma_start3A_1122 : memref<32x128xf32, #tpu.memory_space<vmem>>) target_semaphore(%arg12 : memref<!tpu.dma_semaphore, #tpu.memory_space<semaphore_mem>>)
      %slice3A_1125 = vector.extract_strided_slice %shift_right_arithmetic3A_575 {offsets = [13], sizes = [1], strides = [1]} : vector<16xi32> to vector<1xi32>
      %squeeze3A_1126 = vector.extract %slice3A_1125[0] : i32 from vector<1xi32>
      %mul3A_1127 = arith.constant 128 : i32
      %mul3A_1128 = arith.muli %squeeze3A_1126, %mul3A_1127 : i32
      %multiple_of3A_1129 = tpu.assume_multiple %mul3A_1128, 128 : i32
      %dma_start3A_1130 = arith.constant 5 : i32
      %dma_start3A_1131 = arith.constant 0 : i32
      %dma_start3A_1132 = arith.constant 0 : i32
      %dma_start3A_1133 = tpu.memref_slice %arg8[%dma_start3A_1130, %dma_start3A_1131, %dma_start3A_1132] : memref<8x32x128xf32, #tpu.memory_space<vmem>> -> memref<1x32x128xf32, #tpu.memory_space<vmem>>
      %dma_start3A_1134 = tpu.memref_squeeze %dma_start3A_1133 : memref<1x32x128xf32, #tpu.memory_space<vmem>> -> memref<32x128xf32, #tpu.memory_space<vmem>>
      %dma_start3A_1135 = arith.constant 0 : i32
      %dma_start3A_1136 = tpu.memref_slice %arg3[%dma_start3A_1135, %multiple_of3A_1129] : memref<32x1000000xf32, #tpu.memory_space<hbm>> -> memref<32x128xf32, #tpu.memory_space<hbm>>
      %dma_start3A_1137 = arith.constant 0 : i32
      %dma_start3A_1138 = arith.constant 0 : i32
      %dma_start3A_1139 = tpu.memref_slice %arg8[%dma_start3A_1130, %dma_start3A_1137, %dma_start3A_1138] : memref<8x32x128xf32, #tpu.memory_space<vmem>> -> memref<1x32x128xf32, #tpu.memory_space<vmem>>
      %dma_start3A_1140 = tpu.memref_squeeze %dma_start3A_1139 : memref<1x32x128xf32, #tpu.memory_space<vmem>> -> memref<32x128xf32, #tpu.memory_space<vmem>>
      %dma_start3A_1141 = arith.constant 0 : i32
      %dma_start3A_1142 = tpu.memref_slice %arg3[%dma_start3A_1141, %multiple_of3A_1129] : memref<32x1000000xf32, #tpu.memory_space<hbm>> -> memref<32x128xf32, #tpu.memory_space<hbm>>
      tpu.enqueue_dma source(%dma_start3A_1142 : memref<32x128xf32, #tpu.memory_space<hbm>>) target(%dma_start3A_1140 : memref<32x128xf32, #tpu.memory_space<vmem>>) target_semaphore(%arg13 : memref<!tpu.dma_semaphore, #tpu.memory_space<semaphore_mem>>)
      %broadcast_in_dim3A_1143 = arith.constant 6 : i32
      %broadcast_in_dim3A_1144 = vector.broadcast %broadcast_in_dim3A_1143 : i32 to vector<16xi32>
      %broadcast_in_dim3A_1145 = arith.constant 6 : i32
      %broadcast_in_dim3A_1146 = vector.broadcast %broadcast_in_dim3A_1145 : i32 to vector<16xi32>
      %slice3A_1147 = vector.extract_strided_slice %and3A_572 {offsets = [6], sizes = [1], strides = [1]} : vector<16xi32> to vector<1xi32>
      %squeeze3A_1148 = vector.extract %slice3A_1147[0] : i32 from vector<1xi32>
      %broadcast_in_dim3A_1149 = vector.broadcast %squeeze3A_1148 : i32 to vector<16xi32>
      %gather3A_1150 = tpu.vector_load_idx %arg7[%broadcast_in_dim3A_1144, %iota3A, %broadcast_in_dim3A_1149] : memref<8x32x128xf32, #tpu.memory_space<vmem>>[vector<16xi32>, vector<16xi32>, vector<16xi32>], vector<16xf32>,
      tpu.vector_store_idx %arg9[%iota3A, %broadcast_in_dim3A_1146], %gather3A_1150 : memref<32x16xf32, #tpu.memory_space<vmem>>[vector<16xi32>, vector<16xi32>], vector<16xf32>,
      %gather3A_1151 = tpu.vector_load_idx %arg7[%broadcast_in_dim3A_1144, %add3A_5, %broadcast_in_dim3A_1149] : memref<8x32x128xf32, #tpu.memory_space<vmem>>[vector<16xi32>, vector<16xi32>, vector<16xi32>], vector<16xf32>,
      tpu.vector_store_idx %arg9[%add3A_5, %broadcast_in_dim3A_1146], %gather3A_1151 : memref<32x16xf32, #tpu.memory_space<vmem>>[vector<16xi32>, vector<16xi32>], vector<16xf32>,
      %slice3A_1152 = vector.extract_strided_slice %and3A_578 {offsets = [6], sizes = [1], strides = [1]} : vector<16xi32> to vector<1xi32>
      %squeeze3A_1153 = vector.extract %slice3A_1152[0] : i32 from vector<1xi32>
      %broadcast_in_dim3A_1154 = vector.broadcast %squeeze3A_1153 : i32 to vector<16xi32>
      %gather3A_1155 = tpu.vector_load_idx %arg8[%broadcast_in_dim3A_1144, %iota3A, %broadcast_in_dim3A_1154] : memref<8x32x128xf32, #tpu.memory_space<vmem>>[vector<16xi32>, vector<16xi32>, vector<16xi32>], vector<16xf32>,
      tpu.vector_store_idx %arg10[%iota3A, %broadcast_in_dim3A_1146], %gather3A_1155 : memref<32x16xf32, #tpu.memory_space<vmem>>[vector<16xi32>, vector<16xi32>], vector<16xf32>,
      %gather3A_1156 = tpu.vector_load_idx %arg8[%broadcast_in_dim3A_1144, %add3A_5, %broadcast_in_dim3A_1154] : memref<8x32x128xf32, #tpu.memory_space<vmem>>[vector<16xi32>, vector<16xi32>, vector<16xi32>], vector<16xf32>,
      tpu.vector_store_idx %arg10[%add3A_5, %broadcast_in_dim3A_1146], %gather3A_1156 : memref<32x16xf32, #tpu.memory_space<vmem>>[vector<16xi32>, vector<16xi32>], vector<16xf32>,
      %slice3A_1157 = vector.extract_strided_slice %shift_right_arithmetic3A_569 {offsets = [14], sizes = [1], strides = [1]} : vector<16xi32> to vector<1xi32>
      %squeeze3A_1158 = vector.extract %slice3A_1157[0] : i32 from vector<1xi32>
      %mul3A_1159 = arith.constant 128 : i32
      %mul3A_1160 = arith.muli %squeeze3A_1158, %mul3A_1159 : i32
      %multiple_of3A_1161 = tpu.assume_multiple %mul3A_1160, 128 : i32
      %dma_start3A_1162 = arith.constant 6 : i32
      %dma_start3A_1163 = arith.constant 0 : i32
      %dma_start3A_1164 = arith.constant 0 : i32
      %dma_start3A_1165 = tpu.memref_slice %arg7[%dma_start3A_1162, %dma_start3A_1163, %dma_start3A_1164] : memref<8x32x128xf32, #tpu.memory_space<vmem>> -> memref<1x32x128xf32, #tpu.memory_space<vmem>>
      %dma_start3A_1166 = tpu.memref_squeeze %dma_start3A_1165 : memref<1x32x128xf32, #tpu.memory_space<vmem>> -> memref<32x128xf32, #tpu.memory_space<vmem>>
      %dma_start3A_1167 = arith.constant 0 : i32
      %dma_start3A_1168 = tpu.memref_slice %arg2[%dma_start3A_1167, %multiple_of3A_1161] : memref<32x1000000xf32, #tpu.memory_space<hbm>> -> memref<32x128xf32, #tpu.memory_space<hbm>>
      %dma_start3A_1169 = arith.constant 0 : i32
      %dma_start3A_1170 = arith.constant 0 : i32
      %dma_start3A_1171 = tpu.memref_slice %arg7[%dma_start3A_1162, %dma_start3A_1169, %dma_start3A_1170] : memref<8x32x128xf32, #tpu.memory_space<vmem>> -> memref<1x32x128xf32, #tpu.memory_space<vmem>>
      %dma_start3A_1172 = tpu.memref_squeeze %dma_start3A_1171 : memref<1x32x128xf32, #tpu.memory_space<vmem>> -> memref<32x128xf32, #tpu.memory_space<vmem>>
      %dma_start3A_1173 = arith.constant 0 : i32
      %dma_start3A_1174 = tpu.memref_slice %arg2[%dma_start3A_1173, %multiple_of3A_1161] : memref<32x1000000xf32, #tpu.memory_space<hbm>> -> memref<32x128xf32, #tpu.memory_space<hbm>>
      tpu.enqueue_dma source(%dma_start3A_1174 : memref<32x128xf32, #tpu.memory_space<hbm>>) target(%dma_start3A_1172 : memref<32x128xf32, #tpu.memory_space<vmem>>) target_semaphore(%arg12 : memref<!tpu.dma_semaphore, #tpu.memory_space<semaphore_mem>>)
      %slice3A_1175 = vector.extract_strided_slice %shift_right_arithmetic3A_575 {offsets = [14], sizes = [1], strides = [1]} : vector<16xi32> to vector<1xi32>
      %squeeze3A_1176 = vector.extract %slice3A_1175[0] : i32 from vector<1xi32>
      %mul3A_1177 = arith.constant 128 : i32
      %mul3A_1178 = arith.muli %squeeze3A_1176, %mul3A_1177 : i32
      %multiple_of3A_1179 = tpu.assume_multiple %mul3A_1178, 128 : i32
      %dma_start3A_1180 = arith.constant 6 : i32
      %dma_start3A_1181 = arith.constant 0 : i32
      %dma_start3A_1182 = arith.constant 0 : i32
      %dma_start3A_1183 = tpu.memref_slice %arg8[%dma_start3A_1180, %dma_start3A_1181, %dma_start3A_1182] : memref<8x32x128xf32, #tpu.memory_space<vmem>> -> memref<1x32x128xf32, #tpu.memory_space<vmem>>
      %dma_start3A_1184 = tpu.memref_squeeze %dma_start3A_1183 : memref<1x32x128xf32, #tpu.memory_space<vmem>> -> memref<32x128xf32, #tpu.memory_space<vmem>>
      %dma_start3A_1185 = arith.constant 0 : i32
      %dma_start3A_1186 = tpu.memref_slice %arg3[%dma_start3A_1185, %multiple_of3A_1179] : memref<32x1000000xf32, #tpu.memory_space<hbm>> -> memref<32x128xf32, #tpu.memory_space<hbm>>
      %dma_start3A_1187 = arith.constant 0 : i32
      %dma_start3A_1188 = arith.constant 0 : i32
      %dma_start3A_1189 = tpu.memref_slice %arg8[%dma_start3A_1180, %dma_start3A_1187, %dma_start3A_1188] : memref<8x32x128xf32, #tpu.memory_space<vmem>> -> memref<1x32x128xf32, #tpu.memory_space<vmem>>
      %dma_start3A_1190 = tpu.memref_squeeze %dma_start3A_1189 : memref<1x32x128xf32, #tpu.memory_space<vmem>> -> memref<32x128xf32, #tpu.memory_space<vmem>>
      %dma_start3A_1191 = arith.constant 0 : i32
      %dma_start3A_1192 = tpu.memref_slice %arg3[%dma_start3A_1191, %multiple_of3A_1179] : memref<32x1000000xf32, #tpu.memory_space<hbm>> -> memref<32x128xf32, #tpu.memory_space<hbm>>
      tpu.enqueue_dma source(%dma_start3A_1192 : memref<32x128xf32, #tpu.memory_space<hbm>>) target(%dma_start3A_1190 : memref<32x128xf32, #tpu.memory_space<vmem>>) target_semaphore(%arg13 : memref<!tpu.dma_semaphore, #tpu.memory_space<semaphore_mem>>)
      %broadcast_in_dim3A_1193 = arith.constant 7 : i32
      %broadcast_in_dim3A_1194 = vector.broadcast %broadcast_in_dim3A_1193 : i32 to vector<16xi32>
      %broadcast_in_dim3A_1195 = arith.constant 7 : i32
      %broadcast_in_dim3A_1196 = vector.broadcast %broadcast_in_dim3A_1195 : i32 to vector<16xi32>
      %slice3A_1197 = vector.extract_strided_slice %and3A_572 {offsets = [7], sizes = [1], strides = [1]} : vector<16xi32> to vector<1xi32>
      %squeeze3A_1198 = vector.extract %slice3A_1197[0] : i32 from vector<1xi32>
      %broadcast_in_dim3A_1199 = vector.broadcast %squeeze3A_1198 : i32 to vector<16xi32>
      %gather3A_1200 = tpu.vector_load_idx %arg7[%broadcast_in_dim3A_1194, %iota3A, %broadcast_in_dim3A_1199] : memref<8x32x128xf32, #tpu.memory_space<vmem>>[vector<16xi32>, vector<16xi32>, vector<16xi32>], vector<16xf32>,
      tpu.vector_store_idx %arg9[%iota3A, %broadcast_in_dim3A_1196], %gather3A_1200 : memref<32x16xf32, #tpu.memory_space<vmem>>[vector<16xi32>, vector<16xi32>], vector<16xf32>,
      %gather3A_1201 = tpu.vector_load_idx %arg7[%broadcast_in_dim3A_1194, %add3A_5, %broadcast_in_dim3A_1199] : memref<8x32x128xf32, #tpu.memory_space<vmem>>[vector<16xi32>, vector<16xi32>, vector<16xi32>], vector<16xf32>,
      tpu.vector_store_idx %arg9[%add3A_5, %broadcast_in_dim3A_1196], %gather3A_1201 : memref<32x16xf32, #tpu.memory_space<vmem>>[vector<16xi32>, vector<16xi32>], vector<16xf32>,
      %slice3A_1202 = vector.extract_strided_slice %and3A_578 {offsets = [7], sizes = [1], strides = [1]} : vector<16xi32> to vector<1xi32>
      %squeeze3A_1203 = vector.extract %slice3A_1202[0] : i32 from vector<1xi32>
      %broadcast_in_dim3A_1204 = vector.broadcast %squeeze3A_1203 : i32 to vector<16xi32>
      %gather3A_1205 = tpu.vector_load_idx %arg8[%broadcast_in_dim3A_1194, %iota3A, %broadcast_in_dim3A_1204] : memref<8x32x128xf32, #tpu.memory_space<vmem>>[vector<16xi32>, vector<16xi32>, vector<16xi32>], vector<16xf32>,
      tpu.vector_store_idx %arg10[%iota3A, %broadcast_in_dim3A_1196], %gather3A_1205 : memref<32x16xf32, #tpu.memory_space<vmem>>[vector<16xi32>, vector<16xi32>], vector<16xf32>,
      %gather3A_1206 = tpu.vector_load_idx %arg8[%broadcast_in_dim3A_1194, %add3A_5, %broadcast_in_dim3A_1204] : memref<8x32x128xf32, #tpu.memory_space<vmem>>[vector<16xi32>, vector<16xi32>, vector<16xi32>], vector<16xf32>,
      tpu.vector_store_idx %arg10[%add3A_5, %broadcast_in_dim3A_1196], %gather3A_1206 : memref<32x16xf32, #tpu.memory_space<vmem>>[vector<16xi32>, vector<16xi32>], vector<16xf32>,
      %slice3A_1207 = vector.extract_strided_slice %shift_right_arithmetic3A_569 {offsets = [15], sizes = [1], strides = [1]} : vector<16xi32> to vector<1xi32>
      %squeeze3A_1208 = vector.extract %slice3A_1207[0] : i32 from vector<1xi32>
      %mul3A_1209 = arith.constant 128 : i32
      %mul3A_1210 = arith.muli %squeeze3A_1208, %mul3A_1209 : i32
      %multiple_of3A_1211 = tpu.assume_multiple %mul3A_1210, 128 : i32
      %dma_start3A_1212 = arith.constant 7 : i32
      %dma_start3A_1213 = arith.constant 0 : i32
      %dma_start3A_1214 = arith.constant 0 : i32
      %dma_start3A_1215 = tpu.memref_slice %arg7[%dma_start3A_1212, %dma_start3A_1213, %dma_start3A_1214] : memref<8x32x128xf32, #tpu.memory_space<vmem>> -> memref<1x32x128xf32, #tpu.memory_space<vmem>>
      %dma_start3A_1216 = tpu.memref_squeeze %dma_start3A_1215 : memref<1x32x128xf32, #tpu.memory_space<vmem>> -> memref<32x128xf32, #tpu.memory_space<vmem>>
      %dma_start3A_1217 = arith.constant 0 : i32
      %dma_start3A_1218 = tpu.memref_slice %arg2[%dma_start3A_1217, %multiple_of3A_1211] : memref<32x1000000xf32, #tpu.memory_space<hbm>> -> memref<32x128xf32, #tpu.memory_space<hbm>>
      %dma_start3A_1219 = arith.constant 0 : i32
      %dma_start3A_1220 = arith.constant 0 : i32
      %dma_start3A_1221 = tpu.memref_slice %arg7[%dma_start3A_1212, %dma_start3A_1219, %dma_start3A_1220] : memref<8x32x128xf32, #tpu.memory_space<vmem>> -> memref<1x32x128xf32, #tpu.memory_space<vmem>>
      %dma_start3A_1222 = tpu.memref_squeeze %dma_start3A_1221 : memref<1x32x128xf32, #tpu.memory_space<vmem>> -> memref<32x128xf32, #tpu.memory_space<vmem>>
      %dma_start3A_1223 = arith.constant 0 : i32
      %dma_start3A_1224 = tpu.memref_slice %arg2[%dma_start3A_1223, %multiple_of3A_1211] : memref<32x1000000xf32, #tpu.memory_space<hbm>> -> memref<32x128xf32, #tpu.memory_space<hbm>>
      tpu.enqueue_dma source(%dma_start3A_1224 : memref<32x128xf32, #tpu.memory_space<hbm>>) target(%dma_start3A_1222 : memref<32x128xf32, #tpu.memory_space<vmem>>) target_semaphore(%arg12 : memref<!tpu.dma_semaphore, #tpu.memory_space<semaphore_mem>>)
      %slice3A_1225 = vector.extract_strided_slice %shift_right_arithmetic3A_575 {offsets = [15], sizes = [1], strides = [1]} : vector<16xi32> to vector<1xi32>
      %squeeze3A_1226 = vector.extract %slice3A_1225[0] : i32 from vector<1xi32>
      %mul3A_1227 = arith.constant 128 : i32
      %mul3A_1228 = arith.muli %squeeze3A_1226, %mul3A_1227 : i32
      %multiple_of3A_1229 = tpu.assume_multiple %mul3A_1228, 128 : i32
      %dma_start3A_1230 = arith.constant 7 : i32
      %dma_start3A_1231 = arith.constant 0 : i32
      %dma_start3A_1232 = arith.constant 0 : i32
      %dma_start3A_1233 = tpu.memref_slice %arg8[%dma_start3A_1230, %dma_start3A_1231, %dma_start3A_1232] : memref<8x32x128xf32, #tpu.memory_space<vmem>> -> memref<1x32x128xf32, #tpu.memory_space<vmem>>
      %dma_start3A_1234 = tpu.memref_squeeze %dma_start3A_1233 : memref<1x32x128xf32, #tpu.memory_space<vmem>> -> memref<32x128xf32, #tpu.memory_space<vmem>>
      %dma_start3A_1235 = arith.constant 0 : i32
      %dma_start3A_1236 = tpu.memref_slice %arg3[%dma_start3A_1235, %multiple_of3A_1229] : memref<32x1000000xf32, #tpu.memory_space<hbm>> -> memref<32x128xf32, #tpu.memory_space<hbm>>
      %dma_start3A_1237 = arith.constant 0 : i32
      %dma_start3A_1238 = arith.constant 0 : i32
      %dma_start3A_1239 = tpu.memref_slice %arg8[%dma_start3A_1230, %dma_start3A_1237, %dma_start3A_1238] : memref<8x32x128xf32, #tpu.memory_space<vmem>> -> memref<1x32x128xf32, #tpu.memory_space<vmem>>
      %dma_start3A_1240 = tpu.memref_squeeze %dma_start3A_1239 : memref<1x32x128xf32, #tpu.memory_space<vmem>> -> memref<32x128xf32, #tpu.memory_space<vmem>>
      %dma_start3A_1241 = arith.constant 0 : i32
      %dma_start3A_1242 = tpu.memref_slice %arg3[%dma_start3A_1241, %multiple_of3A_1229] : memref<32x1000000xf32, #tpu.memory_space<hbm>> -> memref<32x128xf32, #tpu.memory_space<hbm>>
      tpu.enqueue_dma source(%dma_start3A_1242 : memref<32x128xf32, #tpu.memory_space<hbm>>) target(%dma_start3A_1240 : memref<32x128xf32, #tpu.memory_space<vmem>>) target_semaphore(%arg13 : memref<!tpu.dma_semaphore, #tpu.memory_space<semaphore_mem>>)
      %dma_wait3A_1243 = arith.constant 0 : i32
      %dma_wait3A_1244 = arith.constant 0 : i32
      %dma_wait3A_1245 = arith.constant 0 : i32
      %dma_wait3A_1246 = tpu.memref_slice %arg7[%dma_wait3A_1243, %dma_wait3A_1244, %dma_wait3A_1245] : memref<8x32x128xf32, #tpu.memory_space<vmem>> -> memref<1x32x128xf32, #tpu.memory_space<vmem>>
      %dma_wait3A_1247 = tpu.memref_squeeze %dma_wait3A_1246 : memref<1x32x128xf32, #tpu.memory_space<vmem>> -> memref<32x128xf32, #tpu.memory_space<vmem>>
      %dma_wait3A_1248 = arith.constant 0 : i32
      %dma_wait3A_1249 = arith.constant 0 : i32
      %dma_wait3A_1250 = tpu.memref_slice %arg2[%dma_wait3A_1248, %dma_wait3A_1249] : memref<32x1000000xf32, #tpu.memory_space<hbm>> -> memref<32x128xf32, #tpu.memory_space<hbm>>
      %dma_wait3A_1251 = arith.constant 0 : i32
      %dma_wait3A_1252 = arith.constant 0 : i32
      %dma_wait3A_1253 = tpu.memref_slice %arg7[%dma_wait3A_1243, %dma_wait3A_1251, %dma_wait3A_1252] : memref<8x32x128xf32, #tpu.memory_space<vmem>> -> memref<1x32x128xf32, #tpu.memory_space<vmem>>
      %dma_wait3A_1254 = tpu.memref_squeeze %dma_wait3A_1253 : memref<1x32x128xf32, #tpu.memory_space<vmem>> -> memref<32x128xf32, #tpu.memory_space<vmem>>
      %dma_wait3A_1255 = arith.constant 0 : i32
      %dma_wait3A_1256 = arith.constant 0 : i32
      %dma_wait3A_1257 = tpu.memref_slice %arg2[%dma_wait3A_1255, %dma_wait3A_1256] : memref<32x1000000xf32, #tpu.memory_space<hbm>> -> memref<32x128xf32, #tpu.memory_space<hbm>>
      tpu.wait_dma2 semaphore(%arg12 : memref<!tpu.dma_semaphore, #tpu.memory_space<semaphore_mem>>) src(%dma_wait3A_1257 : memref<32x128xf32, #tpu.memory_space<hbm>>) dst(%dma_wait3A_1254 : memref<32x128xf32, #tpu.memory_space<vmem>>)
      %dma_wait3A_1258 = arith.constant 0 : i32
      %dma_wait3A_1259 = arith.constant 0 : i32
      %dma_wait3A_1260 = arith.constant 0 : i32
      %dma_wait3A_1261 = tpu.memref_slice %arg8[%dma_wait3A_1258, %dma_wait3A_1259, %dma_wait3A_1260] : memref<8x32x128xf32, #tpu.memory_space<vmem>> -> memref<1x32x128xf32, #tpu.memory_space<vmem>>
      %dma_wait3A_1262 = tpu.memref_squeeze %dma_wait3A_1261 : memref<1x32x128xf32, #tpu.memory_space<vmem>> -> memref<32x128xf32, #tpu.memory_space<vmem>>
      %dma_wait3A_1263 = arith.constant 0 : i32
      %dma_wait3A_1264 = arith.constant 0 : i32
      %dma_wait3A_1265 = tpu.memref_slice %arg3[%dma_wait3A_1263, %dma_wait3A_1264] : memref<32x1000000xf32, #tpu.memory_space<hbm>> -> memref<32x128xf32, #tpu.memory_space<hbm>>
      %dma_wait3A_1266 = arith.constant 0 : i32
      %dma_wait3A_1267 = arith.constant 0 : i32
      %dma_wait3A_1268 = tpu.memref_slice %arg8[%dma_wait3A_1258, %dma_wait3A_1266, %dma_wait3A_1267] : memref<8x32x128xf32, #tpu.memory_space<vmem>> -> memref<1x32x128xf32, #tpu.memory_space<vmem>>
      %dma_wait3A_1269 = tpu.memref_squeeze %dma_wait3A_1268 : memref<1x32x128xf32, #tpu.memory_space<vmem>> -> memref<32x128xf32, #tpu.memory_space<vmem>>
      %dma_wait3A_1270 = arith.constant 0 : i32
      %dma_wait3A_1271 = arith.constant 0 : i32
      %dma_wait3A_1272 = tpu.memref_slice %arg3[%dma_wait3A_1270, %dma_wait3A_1271] : memref<32x1000000xf32, #tpu.memory_space<hbm>> -> memref<32x128xf32, #tpu.memory_space<hbm>>
      tpu.wait_dma2 semaphore(%arg13 : memref<!tpu.dma_semaphore, #tpu.memory_space<semaphore_mem>>) src(%dma_wait3A_1272 : memref<32x128xf32, #tpu.memory_space<hbm>>) dst(%dma_wait3A_1269 : memref<32x128xf32, #tpu.memory_space<vmem>>)
      %dma_wait3A_1273 = arith.constant 1 : i32
      %dma_wait3A_1274 = arith.constant 0 : i32
      %dma_wait3A_1275 = arith.constant 0 : i32
      %dma_wait3A_1276 = tpu.memref_slice %arg7[%dma_wait3A_1273, %dma_wait3A_1274, %dma_wait3A_1275] : memref<8x32x128xf32, #tpu.memory_space<vmem>> -> memref<1x32x128xf32, #tpu.memory_space<vmem>>
      %dma_wait3A_1277 = tpu.memref_squeeze %dma_wait3A_1276 : memref<1x32x128xf32, #tpu.memory_space<vmem>> -> memref<32x128xf32, #tpu.memory_space<vmem>>
      %dma_wait3A_1278 = arith.constant 0 : i32
      %dma_wait3A_1279 = arith.constant 0 : i32
      %dma_wait3A_1280 = tpu.memref_slice %arg2[%dma_wait3A_1278, %dma_wait3A_1279] : memref<32x1000000xf32, #tpu.memory_space<hbm>> -> memref<32x128xf32, #tpu.memory_space<hbm>>
      %dma_wait3A_1281 = arith.constant 0 : i32
      %dma_wait3A_1282 = arith.constant 0 : i32
      %dma_wait3A_1283 = tpu.memref_slice %arg7[%dma_wait3A_1273, %dma_wait3A_1281, %dma_wait3A_1282] : memref<8x32x128xf32, #tpu.memory_space<vmem>> -> memref<1x32x128xf32, #tpu.memory_space<vmem>>
      %dma_wait3A_1284 = tpu.memref_squeeze %dma_wait3A_1283 : memref<1x32x128xf32, #tpu.memory_space<vmem>> -> memref<32x128xf32, #tpu.memory_space<vmem>>
      %dma_wait3A_1285 = arith.constant 0 : i32
      %dma_wait3A_1286 = arith.constant 0 : i32
      %dma_wait3A_1287 = tpu.memref_slice %arg2[%dma_wait3A_1285, %dma_wait3A_1286] : memref<32x1000000xf32, #tpu.memory_space<hbm>> -> memref<32x128xf32, #tpu.memory_space<hbm>>
      tpu.wait_dma2 semaphore(%arg12 : memref<!tpu.dma_semaphore, #tpu.memory_space<semaphore_mem>>) src(%dma_wait3A_1287 : memref<32x128xf32, #tpu.memory_space<hbm>>) dst(%dma_wait3A_1284 : memref<32x128xf32, #tpu.memory_space<vmem>>)
      %dma_wait3A_1288 = arith.constant 1 : i32
      %dma_wait3A_1289 = arith.constant 0 : i32
      %dma_wait3A_1290 = arith.constant 0 : i32
      %dma_wait3A_1291 = tpu.memref_slice %arg8[%dma_wait3A_1288, %dma_wait3A_1289, %dma_wait3A_1290] : memref<8x32x128xf32, #tpu.memory_space<vmem>> -> memref<1x32x128xf32, #tpu.memory_space<vmem>>
      %dma_wait3A_1292 = tpu.memref_squeeze %dma_wait3A_1291 : memref<1x32x128xf32, #tpu.memory_space<vmem>> -> memref<32x128xf32, #tpu.memory_space<vmem>>
      %dma_wait3A_1293 = arith.constant 0 : i32
      %dma_wait3A_1294 = arith.constant 0 : i32
      %dma_wait3A_1295 = tpu.memref_slice %arg3[%dma_wait3A_1293, %dma_wait3A_1294] : memref<32x1000000xf32, #tpu.memory_space<hbm>> -> memref<32x128xf32, #tpu.memory_space<hbm>>
      %dma_wait3A_1296 = arith.constant 0 : i32
      %dma_wait3A_1297 = arith.constant 0 : i32
      %dma_wait3A_1298 = tpu.memref_slice %arg8[%dma_wait3A_1288, %dma_wait3A_1296, %dma_wait3A_1297] : memref<8x32x128xf32, #tpu.memory_space<vmem>> -> memref<1x32x128xf32, #tpu.memory_space<vmem>>
      %dma_wait3A_1299 = tpu.memref_squeeze %dma_wait3A_1298 : memref<1x32x128xf32, #tpu.memory_space<vmem>> -> memref<32x128xf32, #tpu.memory_space<vmem>>
      %dma_wait3A_1300 = arith.constant 0 : i32
      %dma_wait3A_1301 = arith.constant 0 : i32
      %dma_wait3A_1302 = tpu.memref_slice %arg3[%dma_wait3A_1300, %dma_wait3A_1301] : memref<32x1000000xf32, #tpu.memory_space<hbm>> -> memref<32x128xf32, #tpu.memory_space<hbm>>
      tpu.wait_dma2 semaphore(%arg13 : memref<!tpu.dma_semaphore, #tpu.memory_space<semaphore_mem>>) src(%dma_wait3A_1302 : memref<32x128xf32, #tpu.memory_space<hbm>>) dst(%dma_wait3A_1299 : memref<32x128xf32, #tpu.memory_space<vmem>>)
      %dma_wait3A_1303 = arith.constant 2 : i32
      %dma_wait3A_1304 = arith.constant 0 : i32
      %dma_wait3A_1305 = arith.constant 0 : i32
      %dma_wait3A_1306 = tpu.memref_slice %arg7[%dma_wait3A_1303, %dma_wait3A_1304, %dma_wait3A_1305] : memref<8x32x128xf32, #tpu.memory_space<vmem>> -> memref<1x32x128xf32, #tpu.memory_space<vmem>>
      %dma_wait3A_1307 = tpu.memref_squeeze %dma_wait3A_1306 : memref<1x32x128xf32, #tpu.memory_space<vmem>> -> memref<32x128xf32, #tpu.memory_space<vmem>>
      %dma_wait3A_1308 = arith.constant 0 : i32
      %dma_wait3A_1309 = arith.constant 0 : i32
      %dma_wait3A_1310 = tpu.memref_slice %arg2[%dma_wait3A_1308, %dma_wait3A_1309] : memref<32x1000000xf32, #tpu.memory_space<hbm>> -> memref<32x128xf32, #tpu.memory_space<hbm>>
      %dma_wait3A_1311 = arith.constant 0 : i32
      %dma_wait3A_1312 = arith.constant 0 : i32
      %dma_wait3A_1313 = tpu.memref_slice %arg7[%dma_wait3A_1303, %dma_wait3A_1311, %dma_wait3A_1312] : memref<8x32x128xf32, #tpu.memory_space<vmem>> -> memref<1x32x128xf32, #tpu.memory_space<vmem>>
      %dma_wait3A_1314 = tpu.memref_squeeze %dma_wait3A_1313 : memref<1x32x128xf32, #tpu.memory_space<vmem>> -> memref<32x128xf32, #tpu.memory_space<vmem>>
      %dma_wait3A_1315 = arith.constant 0 : i32
      %dma_wait3A_1316 = arith.constant 0 : i32
      %dma_wait3A_1317 = tpu.memref_slice %arg2[%dma_wait3A_1315, %dma_wait3A_1316] : memref<32x1000000xf32, #tpu.memory_space<hbm>> -> memref<32x128xf32, #tpu.memory_space<hbm>>
      tpu.wait_dma2 semaphore(%arg12 : memref<!tpu.dma_semaphore, #tpu.memory_space<semaphore_mem>>) src(%dma_wait3A_1317 : memref<32x128xf32, #tpu.memory_space<hbm>>) dst(%dma_wait3A_1314 : memref<32x128xf32, #tpu.memory_space<vmem>>)
      %dma_wait3A_1318 = arith.constant 2 : i32
      %dma_wait3A_1319 = arith.constant 0 : i32
      %dma_wait3A_1320 = arith.constant 0 : i32
      %dma_wait3A_1321 = tpu.memref_slice %arg8[%dma_wait3A_1318, %dma_wait3A_1319, %dma_wait3A_1320] : memref<8x32x128xf32, #tpu.memory_space<vmem>> -> memref<1x32x128xf32, #tpu.memory_space<vmem>>
      %dma_wait3A_1322 = tpu.memref_squeeze %dma_wait3A_1321 : memref<1x32x128xf32, #tpu.memory_space<vmem>> -> memref<32x128xf32, #tpu.memory_space<vmem>>
      %dma_wait3A_1323 = arith.constant 0 : i32
      %dma_wait3A_1324 = arith.constant 0 : i32
      %dma_wait3A_1325 = tpu.memref_slice %arg3[%dma_wait3A_1323, %dma_wait3A_1324] : memref<32x1000000xf32, #tpu.memory_space<hbm>> -> memref<32x128xf32, #tpu.memory_space<hbm>>
      %dma_wait3A_1326 = arith.constant 0 : i32
      %dma_wait3A_1327 = arith.constant 0 : i32
      %dma_wait3A_1328 = tpu.memref_slice %arg8[%dma_wait3A_1318, %dma_wait3A_1326, %dma_wait3A_1327] : memref<8x32x128xf32, #tpu.memory_space<vmem>> -> memref<1x32x128xf32, #tpu.memory_space<vmem>>
      %dma_wait3A_1329 = tpu.memref_squeeze %dma_wait3A_1328 : memref<1x32x128xf32, #tpu.memory_space<vmem>> -> memref<32x128xf32, #tpu.memory_space<vmem>>
      %dma_wait3A_1330 = arith.constant 0 : i32
      %dma_wait3A_1331 = arith.constant 0 : i32
      %dma_wait3A_1332 = tpu.memref_slice %arg3[%dma_wait3A_1330, %dma_wait3A_1331] : memref<32x1000000xf32, #tpu.memory_space<hbm>> -> memref<32x128xf32, #tpu.memory_space<hbm>>
      tpu.wait_dma2 semaphore(%arg13 : memref<!tpu.dma_semaphore, #tpu.memory_space<semaphore_mem>>) src(%dma_wait3A_1332 : memref<32x128xf32, #tpu.memory_space<hbm>>) dst(%dma_wait3A_1329 : memref<32x128xf32, #tpu.memory_space<vmem>>)
      %dma_wait3A_1333 = arith.constant 3 : i32
      %dma_wait3A_1334 = arith.constant 0 : i32
      %dma_wait3A_1335 = arith.constant 0 : i32
      %dma_wait3A_1336 = tpu.memref_slice %arg7[%dma_wait3A_1333, %dma_wait3A_1334, %dma_wait3A_1335] : memref<8x32x128xf32, #tpu.memory_space<vmem>> -> memref<1x32x128xf32, #tpu.memory_space<vmem>>
      %dma_wait3A_1337 = tpu.memref_squeeze %dma_wait3A_1336 : memref<1x32x128xf32, #tpu.memory_space<vmem>> -> memref<32x128xf32, #tpu.memory_space<vmem>>
      %dma_wait3A_1338 = arith.constant 0 : i32
      %dma_wait3A_1339 = arith.constant 0 : i32
      %dma_wait3A_1340 = tpu.memref_slice %arg2[%dma_wait3A_1338, %dma_wait3A_1339] : memref<32x1000000xf32, #tpu.memory_space<hbm>> -> memref<32x128xf32, #tpu.memory_space<hbm>>
      %dma_wait3A_1341 = arith.constant 0 : i32
      %dma_wait3A_1342 = arith.constant 0 : i32
      %dma_wait3A_1343 = tpu.memref_slice %arg7[%dma_wait3A_1333, %dma_wait3A_1341, %dma_wait3A_1342] : memref<8x32x128xf32, #tpu.memory_space<vmem>> -> memref<1x32x128xf32, #tpu.memory_space<vmem>>
      %dma_wait3A_1344 = tpu.memref_squeeze %dma_wait3A_1343 : memref<1x32x128xf32, #tpu.memory_space<vmem>> -> memref<32x128xf32, #tpu.memory_space<vmem>>
      %dma_wait3A_1345 = arith.constant 0 : i32
      %dma_wait3A_1346 = arith.constant 0 : i32
      %dma_wait3A_1347 = tpu.memref_slice %arg2[%dma_wait3A_1345, %dma_wait3A_1346] : memref<32x1000000xf32, #tpu.memory_space<hbm>> -> memref<32x128xf32, #tpu.memory_space<hbm>>
      tpu.wait_dma2 semaphore(%arg12 : memref<!tpu.dma_semaphore, #tpu.memory_space<semaphore_mem>>) src(%dma_wait3A_1347 : memref<32x128xf32, #tpu.memory_space<hbm>>) dst(%dma_wait3A_1344 : memref<32x128xf32, #tpu.memory_space<vmem>>)
      %dma_wait3A_1348 = arith.constant 3 : i32
      %dma_wait3A_1349 = arith.constant 0 : i32
      %dma_wait3A_1350 = arith.constant 0 : i32
      %dma_wait3A_1351 = tpu.memref_slice %arg8[%dma_wait3A_1348, %dma_wait3A_1349, %dma_wait3A_1350] : memref<8x32x128xf32, #tpu.memory_space<vmem>> -> memref<1x32x128xf32, #tpu.memory_space<vmem>>
      %dma_wait3A_1352 = tpu.memref_squeeze %dma_wait3A_1351 : memref<1x32x128xf32, #tpu.memory_space<vmem>> -> memref<32x128xf32, #tpu.memory_space<vmem>>
      %dma_wait3A_1353 = arith.constant 0 : i32
      %dma_wait3A_1354 = arith.constant 0 : i32
      %dma_wait3A_1355 = tpu.memref_slice %arg3[%dma_wait3A_1353, %dma_wait3A_1354] : memref<32x1000000xf32, #tpu.memory_space<hbm>> -> memref<32x128xf32, #tpu.memory_space<hbm>>
      %dma_wait3A_1356 = arith.constant 0 : i32
      %dma_wait3A_1357 = arith.constant 0 : i32
      %dma_wait3A_1358 = tpu.memref_slice %arg8[%dma_wait3A_1348, %dma_wait3A_1356, %dma_wait3A_1357] : memref<8x32x128xf32, #tpu.memory_space<vmem>> -> memref<1x32x128xf32, #tpu.memory_space<vmem>>
      %dma_wait3A_1359 = tpu.memref_squeeze %dma_wait3A_1358 : memref<1x32x128xf32, #tpu.memory_space<vmem>> -> memref<32x128xf32, #tpu.memory_space<vmem>>
      %dma_wait3A_1360 = arith.constant 0 : i32
      %dma_wait3A_1361 = arith.constant 0 : i32
      %dma_wait3A_1362 = tpu.memref_slice %arg3[%dma_wait3A_1360, %dma_wait3A_1361] : memref<32x1000000xf32, #tpu.memory_space<hbm>> -> memref<32x128xf32, #tpu.memory_space<hbm>>
      tpu.wait_dma2 semaphore(%arg13 : memref<!tpu.dma_semaphore, #tpu.memory_space<semaphore_mem>>) src(%dma_wait3A_1362 : memref<32x128xf32, #tpu.memory_space<hbm>>) dst(%dma_wait3A_1359 : memref<32x128xf32, #tpu.memory_space<vmem>>)
      %dma_wait3A_1363 = arith.constant 4 : i32
      %dma_wait3A_1364 = arith.constant 0 : i32
      %dma_wait3A_1365 = arith.constant 0 : i32
      %dma_wait3A_1366 = tpu.memref_slice %arg7[%dma_wait3A_1363, %dma_wait3A_1364, %dma_wait3A_1365] : memref<8x32x128xf32, #tpu.memory_space<vmem>> -> memref<1x32x128xf32, #tpu.memory_space<vmem>>
      %dma_wait3A_1367 = tpu.memref_squeeze %dma_wait3A_1366 : memref<1x32x128xf32, #tpu.memory_space<vmem>> -> memref<32x128xf32, #tpu.memory_space<vmem>>
      %dma_wait3A_1368 = arith.constant 0 : i32
      %dma_wait3A_1369 = arith.constant 0 : i32
      %dma_wait3A_1370 = tpu.memref_slice %arg2[%dma_wait3A_1368, %dma_wait3A_1369] : memref<32x1000000xf32, #tpu.memory_space<hbm>> -> memref<32x128xf32, #tpu.memory_space<hbm>>
      %dma_wait3A_1371 = arith.constant 0 : i32
      %dma_wait3A_1372 = arith.constant 0 : i32
      %dma_wait3A_1373 = tpu.memref_slice %arg7[%dma_wait3A_1363, %dma_wait3A_1371, %dma_wait3A_1372] : memref<8x32x128xf32, #tpu.memory_space<vmem>> -> memref<1x32x128xf32, #tpu.memory_space<vmem>>
      %dma_wait3A_1374 = tpu.memref_squeeze %dma_wait3A_1373 : memref<1x32x128xf32, #tpu.memory_space<vmem>> -> memref<32x128xf32, #tpu.memory_space<vmem>>
      %dma_wait3A_1375 = arith.constant 0 : i32
      %dma_wait3A_1376 = arith.constant 0 : i32
      %dma_wait3A_1377 = tpu.memref_slice %arg2[%dma_wait3A_1375, %dma_wait3A_1376] : memref<32x1000000xf32, #tpu.memory_space<hbm>> -> memref<32x128xf32, #tpu.memory_space<hbm>>
      tpu.wait_dma2 semaphore(%arg12 : memref<!tpu.dma_semaphore, #tpu.memory_space<semaphore_mem>>) src(%dma_wait3A_1377 : memref<32x128xf32, #tpu.memory_space<hbm>>) dst(%dma_wait3A_1374 : memref<32x128xf32, #tpu.memory_space<vmem>>)
      %dma_wait3A_1378 = arith.constant 4 : i32
      %dma_wait3A_1379 = arith.constant 0 : i32
      %dma_wait3A_1380 = arith.constant 0 : i32
      %dma_wait3A_1381 = tpu.memref_slice %arg8[%dma_wait3A_1378, %dma_wait3A_1379, %dma_wait3A_1380] : memref<8x32x128xf32, #tpu.memory_space<vmem>> -> memref<1x32x128xf32, #tpu.memory_space<vmem>>
      %dma_wait3A_1382 = tpu.memref_squeeze %dma_wait3A_1381 : memref<1x32x128xf32, #tpu.memory_space<vmem>> -> memref<32x128xf32, #tpu.memory_space<vmem>>
      %dma_wait3A_1383 = arith.constant 0 : i32
      %dma_wait3A_1384 = arith.constant 0 : i32
      %dma_wait3A_1385 = tpu.memref_slice %arg3[%dma_wait3A_1383, %dma_wait3A_1384] : memref<32x1000000xf32, #tpu.memory_space<hbm>> -> memref<32x128xf32, #tpu.memory_space<hbm>>
      %dma_wait3A_1386 = arith.constant 0 : i32
      %dma_wait3A_1387 = arith.constant 0 : i32
      %dma_wait3A_1388 = tpu.memref_slice %arg8[%dma_wait3A_1378, %dma_wait3A_1386, %dma_wait3A_1387] : memref<8x32x128xf32, #tpu.memory_space<vmem>> -> memref<1x32x128xf32, #tpu.memory_space<vmem>>
      %dma_wait3A_1389 = tpu.memref_squeeze %dma_wait3A_1388 : memref<1x32x128xf32, #tpu.memory_space<vmem>> -> memref<32x128xf32, #tpu.memory_space<vmem>>
      %dma_wait3A_1390 = arith.constant 0 : i32
      %dma_wait3A_1391 = arith.constant 0 : i32
      %dma_wait3A_1392 = tpu.memref_slice %arg3[%dma_wait3A_1390, %dma_wait3A_1391] : memref<32x1000000xf32, #tpu.memory_space<hbm>> -> memref<32x128xf32, #tpu.memory_space<hbm>>
      tpu.wait_dma2 semaphore(%arg13 : memref<!tpu.dma_semaphore, #tpu.memory_space<semaphore_mem>>) src(%dma_wait3A_1392 : memref<32x128xf32, #tpu.memory_space<hbm>>) dst(%dma_wait3A_1389 : memref<32x128xf32, #tpu.memory_space<vmem>>)
      %dma_wait3A_1393 = arith.constant 5 : i32
      %dma_wait3A_1394 = arith.constant 0 : i32
      %dma_wait3A_1395 = arith.constant 0 : i32
      %dma_wait3A_1396 = tpu.memref_slice %arg7[%dma_wait3A_1393, %dma_wait3A_1394, %dma_wait3A_1395] : memref<8x32x128xf32, #tpu.memory_space<vmem>> -> memref<1x32x128xf32, #tpu.memory_space<vmem>>
      %dma_wait3A_1397 = tpu.memref_squeeze %dma_wait3A_1396 : memref<1x32x128xf32, #tpu.memory_space<vmem>> -> memref<32x128xf32, #tpu.memory_space<vmem>>
      %dma_wait3A_1398 = arith.constant 0 : i32
      %dma_wait3A_1399 = arith.constant 0 : i32
      %dma_wait3A_1400 = tpu.memref_slice %arg2[%dma_wait3A_1398, %dma_wait3A_1399] : memref<32x1000000xf32, #tpu.memory_space<hbm>> -> memref<32x128xf32, #tpu.memory_space<hbm>>
      %dma_wait3A_1401 = arith.constant 0 : i32
      %dma_wait3A_1402 = arith.constant 0 : i32
      %dma_wait3A_1403 = tpu.memref_slice %arg7[%dma_wait3A_1393, %dma_wait3A_1401, %dma_wait3A_1402] : memref<8x32x128xf32, #tpu.memory_space<vmem>> -> memref<1x32x128xf32, #tpu.memory_space<vmem>>
      %dma_wait3A_1404 = tpu.memref_squeeze %dma_wait3A_1403 : memref<1x32x128xf32, #tpu.memory_space<vmem>> -> memref<32x128xf32, #tpu.memory_space<vmem>>
      %dma_wait3A_1405 = arith.constant 0 : i32
      %dma_wait3A_1406 = arith.constant 0 : i32
      %dma_wait3A_1407 = tpu.memref_slice %arg2[%dma_wait3A_1405, %dma_wait3A_1406] : memref<32x1000000xf32, #tpu.memory_space<hbm>> -> memref<32x128xf32, #tpu.memory_space<hbm>>
      tpu.wait_dma2 semaphore(%arg12 : memref<!tpu.dma_semaphore, #tpu.memory_space<semaphore_mem>>) src(%dma_wait3A_1407 : memref<32x128xf32, #tpu.memory_space<hbm>>) dst(%dma_wait3A_1404 : memref<32x128xf32, #tpu.memory_space<vmem>>)
      %dma_wait3A_1408 = arith.constant 5 : i32
      %dma_wait3A_1409 = arith.constant 0 : i32
      %dma_wait3A_1410 = arith.constant 0 : i32
      %dma_wait3A_1411 = tpu.memref_slice %arg8[%dma_wait3A_1408, %dma_wait3A_1409, %dma_wait3A_1410] : memref<8x32x128xf32, #tpu.memory_space<vmem>> -> memref<1x32x128xf32, #tpu.memory_space<vmem>>
      %dma_wait3A_1412 = tpu.memref_squeeze %dma_wait3A_1411 : memref<1x32x128xf32, #tpu.memory_space<vmem>> -> memref<32x128xf32, #tpu.memory_space<vmem>>
      %dma_wait3A_1413 = arith.constant 0 : i32
      %dma_wait3A_1414 = arith.constant 0 : i32
      %dma_wait3A_1415 = tpu.memref_slice %arg3[%dma_wait3A_1413, %dma_wait3A_1414] : memref<32x1000000xf32, #tpu.memory_space<hbm>> -> memref<32x128xf32, #tpu.memory_space<hbm>>
      %dma_wait3A_1416 = arith.constant 0 : i32
      %dma_wait3A_1417 = arith.constant 0 : i32
      %dma_wait3A_1418 = tpu.memref_slice %arg8[%dma_wait3A_1408, %dma_wait3A_1416, %dma_wait3A_1417] : memref<8x32x128xf32, #tpu.memory_space<vmem>> -> memref<1x32x128xf32, #tpu.memory_space<vmem>>
      %dma_wait3A_1419 = tpu.memref_squeeze %dma_wait3A_1418 : memref<1x32x128xf32, #tpu.memory_space<vmem>> -> memref<32x128xf32, #tpu.memory_space<vmem>>
      %dma_wait3A_1420 = arith.constant 0 : i32
      %dma_wait3A_1421 = arith.constant 0 : i32
      %dma_wait3A_1422 = tpu.memref_slice %arg3[%dma_wait3A_1420, %dma_wait3A_1421] : memref<32x1000000xf32, #tpu.memory_space<hbm>> -> memref<32x128xf32, #tpu.memory_space<hbm>>
      tpu.wait_dma2 semaphore(%arg13 : memref<!tpu.dma_semaphore, #tpu.memory_space<semaphore_mem>>) src(%dma_wait3A_1422 : memref<32x128xf32, #tpu.memory_space<hbm>>) dst(%dma_wait3A_1419 : memref<32x128xf32, #tpu.memory_space<vmem>>)
      %dma_wait3A_1423 = arith.constant 6 : i32
      %dma_wait3A_1424 = arith.constant 0 : i32
      %dma_wait3A_1425 = arith.constant 0 : i32
      %dma_wait3A_1426 = tpu.memref_slice %arg7[%dma_wait3A_1423, %dma_wait3A_1424, %dma_wait3A_1425] : memref<8x32x128xf32, #tpu.memory_space<vmem>> -> memref<1x32x128xf32, #tpu.memory_space<vmem>>
      %dma_wait3A_1427 = tpu.memref_squeeze %dma_wait3A_1426 : memref<1x32x128xf32, #tpu.memory_space<vmem>> -> memref<32x128xf32, #tpu.memory_space<vmem>>
      %dma_wait3A_1428 = arith.constant 0 : i32
      %dma_wait3A_1429 = arith.constant 0 : i32
      %dma_wait3A_1430 = tpu.memref_slice %arg2[%dma_wait3A_1428, %dma_wait3A_1429] : memref<32x1000000xf32, #tpu.memory_space<hbm>> -> memref<32x128xf32, #tpu.memory_space<hbm>>
      %dma_wait3A_1431 = arith.constant 0 : i32
      %dma_wait3A_1432 = arith.constant 0 : i32
      %dma_wait3A_1433 = tpu.memref_slice %arg7[%dma_wait3A_1423, %dma_wait3A_1431, %dma_wait3A_1432] : memref<8x32x128xf32, #tpu.memory_space<vmem>> -> memref<1x32x128xf32, #tpu.memory_space<vmem>>
      %dma_wait3A_1434 = tpu.memref_squeeze %dma_wait3A_1433 : memref<1x32x128xf32, #tpu.memory_space<vmem>> -> memref<32x128xf32, #tpu.memory_space<vmem>>
      %dma_wait3A_1435 = arith.constant 0 : i32
      %dma_wait3A_1436 = arith.constant 0 : i32
      %dma_wait3A_1437 = tpu.memref_slice %arg2[%dma_wait3A_1435, %dma_wait3A_1436] : memref<32x1000000xf32, #tpu.memory_space<hbm>> -> memref<32x128xf32, #tpu.memory_space<hbm>>
      tpu.wait_dma2 semaphore(%arg12 : memref<!tpu.dma_semaphore, #tpu.memory_space<semaphore_mem>>) src(%dma_wait3A_1437 : memref<32x128xf32, #tpu.memory_space<hbm>>) dst(%dma_wait3A_1434 : memref<32x128xf32, #tpu.memory_space<vmem>>)
      %dma_wait3A_1438 = arith.constant 6 : i32
      %dma_wait3A_1439 = arith.constant 0 : i32
      %dma_wait3A_1440 = arith.constant 0 : i32
      %dma_wait3A_1441 = tpu.memref_slice %arg8[%dma_wait3A_1438, %dma_wait3A_1439, %dma_wait3A_1440] : memref<8x32x128xf32, #tpu.memory_space<vmem>> -> memref<1x32x128xf32, #tpu.memory_space<vmem>>
      %dma_wait3A_1442 = tpu.memref_squeeze %dma_wait3A_1441 : memref<1x32x128xf32, #tpu.memory_space<vmem>> -> memref<32x128xf32, #tpu.memory_space<vmem>>
      %dma_wait3A_1443 = arith.constant 0 : i32
      %dma_wait3A_1444 = arith.constant 0 : i32
      %dma_wait3A_1445 = tpu.memref_slice %arg3[%dma_wait3A_1443, %dma_wait3A_1444] : memref<32x1000000xf32, #tpu.memory_space<hbm>> -> memref<32x128xf32, #tpu.memory_space<hbm>>
      %dma_wait3A_1446 = arith.constant 0 : i32
      %dma_wait3A_1447 = arith.constant 0 : i32
      %dma_wait3A_1448 = tpu.memref_slice %arg8[%dma_wait3A_1438, %dma_wait3A_1446, %dma_wait3A_1447] : memref<8x32x128xf32, #tpu.memory_space<vmem>> -> memref<1x32x128xf32, #tpu.memory_space<vmem>>
      %dma_wait3A_1449 = tpu.memref_squeeze %dma_wait3A_1448 : memref<1x32x128xf32, #tpu.memory_space<vmem>> -> memref<32x128xf32, #tpu.memory_space<vmem>>
      %dma_wait3A_1450 = arith.constant 0 : i32
      %dma_wait3A_1451 = arith.constant 0 : i32
      %dma_wait3A_1452 = tpu.memref_slice %arg3[%dma_wait3A_1450, %dma_wait3A_1451] : memref<32x1000000xf32, #tpu.memory_space<hbm>> -> memref<32x128xf32, #tpu.memory_space<hbm>>
      tpu.wait_dma2 semaphore(%arg13 : memref<!tpu.dma_semaphore, #tpu.memory_space<semaphore_mem>>) src(%dma_wait3A_1452 : memref<32x128xf32, #tpu.memory_space<hbm>>) dst(%dma_wait3A_1449 : memref<32x128xf32, #tpu.memory_space<vmem>>)
      %dma_wait3A_1453 = arith.constant 7 : i32
      %dma_wait3A_1454 = arith.constant 0 : i32
      %dma_wait3A_1455 = arith.constant 0 : i32
      %dma_wait3A_1456 = tpu.memref_slice %arg7[%dma_wait3A_1453, %dma_wait3A_1454, %dma_wait3A_1455] : memref<8x32x128xf32, #tpu.memory_space<vmem>> -> memref<1x32x128xf32, #tpu.memory_space<vmem>>
      %dma_wait3A_1457 = tpu.memref_squeeze %dma_wait3A_1456 : memref<1x32x128xf32, #tpu.memory_space<vmem>> -> memref<32x128xf32, #tpu.memory_space<vmem>>
      %dma_wait3A_1458 = arith.constant 0 : i32
      %dma_wait3A_1459 = arith.constant 0 : i32
      %dma_wait3A_1460 = tpu.memref_slice %arg2[%dma_wait3A_1458, %dma_wait3A_1459] : memref<32x1000000xf32, #tpu.memory_space<hbm>> -> memref<32x128xf32, #tpu.memory_space<hbm>>
      %dma_wait3A_1461 = arith.constant 0 : i32
      %dma_wait3A_1462 = arith.constant 0 : i32
      %dma_wait3A_1463 = tpu.memref_slice %arg7[%dma_wait3A_1453, %dma_wait3A_1461, %dma_wait3A_1462] : memref<8x32x128xf32, #tpu.memory_space<vmem>> -> memref<1x32x128xf32, #tpu.memory_space<vmem>>
      %dma_wait3A_1464 = tpu.memref_squeeze %dma_wait3A_1463 : memref<1x32x128xf32, #tpu.memory_space<vmem>> -> memref<32x128xf32, #tpu.memory_space<vmem>>
      %dma_wait3A_1465 = arith.constant 0 : i32
      %dma_wait3A_1466 = arith.constant 0 : i32
      %dma_wait3A_1467 = tpu.memref_slice %arg2[%dma_wait3A_1465, %dma_wait3A_1466] : memref<32x1000000xf32, #tpu.memory_space<hbm>> -> memref<32x128xf32, #tpu.memory_space<hbm>>
      tpu.wait_dma2 semaphore(%arg12 : memref<!tpu.dma_semaphore, #tpu.memory_space<semaphore_mem>>) src(%dma_wait3A_1467 : memref<32x128xf32, #tpu.memory_space<hbm>>) dst(%dma_wait3A_1464 : memref<32x128xf32, #tpu.memory_space<vmem>>)
      %dma_wait3A_1468 = arith.constant 7 : i32
      %dma_wait3A_1469 = arith.constant 0 : i32
      %dma_wait3A_1470 = arith.constant 0 : i32
      %dma_wait3A_1471 = tpu.memref_slice %arg8[%dma_wait3A_1468, %dma_wait3A_1469, %dma_wait3A_1470] : memref<8x32x128xf32, #tpu.memory_space<vmem>> -> memref<1x32x128xf32, #tpu.memory_space<vmem>>
      %dma_wait3A_1472 = tpu.memref_squeeze %dma_wait3A_1471 : memref<1x32x128xf32, #tpu.memory_space<vmem>> -> memref<32x128xf32, #tpu.memory_space<vmem>>
      %dma_wait3A_1473 = arith.constant 0 : i32
      %dma_wait3A_1474 = arith.constant 0 : i32
      %dma_wait3A_1475 = tpu.memref_slice %arg3[%dma_wait3A_1473, %dma_wait3A_1474] : memref<32x1000000xf32, #tpu.memory_space<hbm>> -> memref<32x128xf32, #tpu.memory_space<hbm>>
      %dma_wait3A_1476 = arith.constant 0 : i32
      %dma_wait3A_1477 = arith.constant 0 : i32
      %dma_wait3A_1478 = tpu.memref_slice %arg8[%dma_wait3A_1468, %dma_wait3A_1476, %dma_wait3A_1477] : memref<8x32x128xf32, #tpu.memory_space<vmem>> -> memref<1x32x128xf32, #tpu.memory_space<vmem>>
      %dma_wait3A_1479 = tpu.memref_squeeze %dma_wait3A_1478 : memref<1x32x128xf32, #tpu.memory_space<vmem>> -> memref<32x128xf32, #tpu.memory_space<vmem>>
      %dma_wait3A_1480 = arith.constant 0 : i32
      %dma_wait3A_1481 = arith.constant 0 : i32
      %dma_wait3A_1482 = tpu.memref_slice %arg3[%dma_wait3A_1480, %dma_wait3A_1481] : memref<32x1000000xf32, #tpu.memory_space<hbm>> -> memref<32x128xf32, #tpu.memory_space<hbm>>
      tpu.wait_dma2 semaphore(%arg13 : memref<!tpu.dma_semaphore, #tpu.memory_space<semaphore_mem>>) src(%dma_wait3A_1482 : memref<32x128xf32, #tpu.memory_space<hbm>>) dst(%dma_wait3A_1479 : memref<32x128xf32, #tpu.memory_space<vmem>>)
      %broadcast_in_dim3A_1483 = arith.constant 0 : i32
      %broadcast_in_dim3A_1484 = vector.broadcast %broadcast_in_dim3A_1483 : i32 to vector<16xi32>
      %broadcast_in_dim3A_1485 = arith.constant 8 : i32
      %broadcast_in_dim3A_1486 = vector.broadcast %broadcast_in_dim3A_1485 : i32 to vector<16xi32>
      %slice3A_1487 = vector.extract_strided_slice %and3A_572 {offsets = [8], sizes = [1], strides = [1]} : vector<16xi32> to vector<1xi32>
      %squeeze3A_1488 = vector.extract %slice3A_1487[0] : i32 from vector<1xi32>
      %broadcast_in_dim3A_1489 = vector.broadcast %squeeze3A_1488 : i32 to vector<16xi32>
      %gather3A_1490 = tpu.vector_load_idx %arg7[%broadcast_in_dim3A_1484, %iota3A, %broadcast_in_dim3A_1489] : memref<8x32x128xf32, #tpu.memory_space<vmem>>[vector<16xi32>, vector<16xi32>, vector<16xi32>], vector<16xf32>,
      tpu.vector_store_idx %arg9[%iota3A, %broadcast_in_dim3A_1486], %gather3A_1490 : memref<32x16xf32, #tpu.memory_space<vmem>>[vector<16xi32>, vector<16xi32>], vector<16xf32>,
      %gather3A_1491 = tpu.vector_load_idx %arg7[%broadcast_in_dim3A_1484, %add3A_5, %broadcast_in_dim3A_1489] : memref<8x32x128xf32, #tpu.memory_space<vmem>>[vector<16xi32>, vector<16xi32>, vector<16xi32>], vector<16xf32>,
      tpu.vector_store_idx %arg9[%add3A_5, %broadcast_in_dim3A_1486], %gather3A_1491 : memref<32x16xf32, #tpu.memory_space<vmem>>[vector<16xi32>, vector<16xi32>], vector<16xf32>,
      %slice3A_1492 = vector.extract_strided_slice %and3A_578 {offsets = [8], sizes = [1], strides = [1]} : vector<16xi32> to vector<1xi32>
      %squeeze3A_1493 = vector.extract %slice3A_1492[0] : i32 from vector<1xi32>
      %broadcast_in_dim3A_1494 = vector.broadcast %squeeze3A_1493 : i32 to vector<16xi32>
      %gather3A_1495 = tpu.vector_load_idx %arg8[%broadcast_in_dim3A_1484, %iota3A, %broadcast_in_dim3A_1494] : memref<8x32x128xf32, #tpu.memory_space<vmem>>[vector<16xi32>, vector<16xi32>, vector<16xi32>], vector<16xf32>,
      tpu.vector_store_idx %arg10[%iota3A, %broadcast_in_dim3A_1486], %gather3A_1495 : memref<32x16xf32, #tpu.memory_space<vmem>>[vector<16xi32>, vector<16xi32>], vector<16xf32>,
      %gather3A_1496 = tpu.vector_load_idx %arg8[%broadcast_in_dim3A_1484, %add3A_5, %broadcast_in_dim3A_1494] : memref<8x32x128xf32, #tpu.memory_space<vmem>>[vector<16xi32>, vector<16xi32>, vector<16xi32>], vector<16xf32>,
      tpu.vector_store_idx %arg10[%add3A_5, %broadcast_in_dim3A_1486], %gather3A_1496 : memref<32x16xf32, #tpu.memory_space<vmem>>[vector<16xi32>, vector<16xi32>], vector<16xf32>,
      %slice3A_1497 = vector.extract_strided_slice %shift_right_arithmetic3A_595 {offsets = [0], sizes = [1], strides = [1]} : vector<16xi32> to vector<1xi32>
      %squeeze3A_1498 = vector.extract %slice3A_1497[0] : i32 from vector<1xi32>
      %mul3A_1499 = arith.constant 128 : i32
      %mul3A_1500 = arith.muli %squeeze3A_1498, %mul3A_1499 : i32
      %multiple_of3A_1501 = tpu.assume_multiple %mul3A_1500, 128 : i32
      %dma_start3A_1502 = arith.constant 0 : i32
      %dma_start3A_1503 = arith.constant 0 : i32
      %dma_start3A_1504 = arith.constant 0 : i32
      %dma_start3A_1505 = tpu.memref_slice %arg7[%dma_start3A_1502, %dma_start3A_1503, %dma_start3A_1504] : memref<8x32x128xf32, #tpu.memory_space<vmem>> -> memref<1x32x128xf32, #tpu.memory_space<vmem>>
      %dma_start3A_1506 = tpu.memref_squeeze %dma_start3A_1505 : memref<1x32x128xf32, #tpu.memory_space<vmem>> -> memref<32x128xf32, #tpu.memory_space<vmem>>
      %dma_start3A_1507 = arith.constant 0 : i32
      %dma_start3A_1508 = tpu.memref_slice %arg2[%dma_start3A_1507, %multiple_of3A_1501] : memref<32x1000000xf32, #tpu.memory_space<hbm>> -> memref<32x128xf32, #tpu.memory_space<hbm>>
      %dma_start3A_1509 = arith.constant 0 : i32
      %dma_start3A_1510 = arith.constant 0 : i32
      %dma_start3A_1511 = tpu.memref_slice %arg7[%dma_start3A_1502, %dma_start3A_1509, %dma_start3A_1510] : memref<8x32x128xf32, #tpu.memory_space<vmem>> -> memref<1x32x128xf32, #tpu.memory_space<vmem>>
      %dma_start3A_1512 = tpu.memref_squeeze %dma_start3A_1511 : memref<1x32x128xf32, #tpu.memory_space<vmem>> -> memref<32x128xf32, #tpu.memory_space<vmem>>
      %dma_start3A_1513 = arith.constant 0 : i32
      %dma_start3A_1514 = tpu.memref_slice %arg2[%dma_start3A_1513, %multiple_of3A_1501] : memref<32x1000000xf32, #tpu.memory_space<hbm>> -> memref<32x128xf32, #tpu.memory_space<hbm>>
      tpu.enqueue_dma source(%dma_start3A_1514 : memref<32x128xf32, #tpu.memory_space<hbm>>) target(%dma_start3A_1512 : memref<32x128xf32, #tpu.memory_space<vmem>>) target_semaphore(%arg12 : memref<!tpu.dma_semaphore, #tpu.memory_space<semaphore_mem>>)
      %slice3A_1515 = vector.extract_strided_slice %shift_right_arithmetic3A_601 {offsets = [0], sizes = [1], strides = [1]} : vector<16xi32> to vector<1xi32>
      %squeeze3A_1516 = vector.extract %slice3A_1515[0] : i32 from vector<1xi32>
      %mul3A_1517 = arith.constant 128 : i32
      %mul3A_1518 = arith.muli %squeeze3A_1516, %mul3A_1517 : i32
      %multiple_of3A_1519 = tpu.assume_multiple %mul3A_1518, 128 : i32
      %dma_start3A_1520 = arith.constant 0 : i32
      %dma_start3A_1521 = arith.constant 0 : i32
      %dma_start3A_1522 = arith.constant 0 : i32
      %dma_start3A_1523 = tpu.memref_slice %arg8[%dma_start3A_1520, %dma_start3A_1521, %dma_start3A_1522] : memref<8x32x128xf32, #tpu.memory_space<vmem>> -> memref<1x32x128xf32, #tpu.memory_space<vmem>>
      %dma_start3A_1524 = tpu.memref_squeeze %dma_start3A_1523 : memref<1x32x128xf32, #tpu.memory_space<vmem>> -> memref<32x128xf32, #tpu.memory_space<vmem>>
      %dma_start3A_1525 = arith.constant 0 : i32
      %dma_start3A_1526 = tpu.memref_slice %arg3[%dma_start3A_1525, %multiple_of3A_1519] : memref<32x1000000xf32, #tpu.memory_space<hbm>> -> memref<32x128xf32, #tpu.memory_space<hbm>>
      %dma_start3A_1527 = arith.constant 0 : i32
      %dma_start3A_1528 = arith.constant 0 : i32
      %dma_start3A_1529 = tpu.memref_slice %arg8[%dma_start3A_1520, %dma_start3A_1527, %dma_start3A_1528] : memref<8x32x128xf32, #tpu.memory_space<vmem>> -> memref<1x32x128xf32, #tpu.memory_space<vmem>>
      %dma_start3A_1530 = tpu.memref_squeeze %dma_start3A_1529 : memref<1x32x128xf32, #tpu.memory_space<vmem>> -> memref<32x128xf32, #tpu.memory_space<vmem>>
      %dma_start3A_1531 = arith.constant 0 : i32
      %dma_start3A_1532 = tpu.memref_slice %arg3[%dma_start3A_1531, %multiple_of3A_1519] : memref<32x1000000xf32, #tpu.memory_space<hbm>> -> memref<32x128xf32, #tpu.memory_space<hbm>>
      tpu.enqueue_dma source(%dma_start3A_1532 : memref<32x128xf32, #tpu.memory_space<hbm>>) target(%dma_start3A_1530 : memref<32x128xf32, #tpu.memory_space<vmem>>) target_semaphore(%arg13 : memref<!tpu.dma_semaphore, #tpu.memory_space<semaphore_mem>>)
      %broadcast_in_dim3A_1533 = arith.constant 1 : i32
      %broadcast_in_dim3A_1534 = vector.broadcast %broadcast_in_dim3A_1533 : i32 to vector<16xi32>
      %broadcast_in_dim3A_1535 = arith.constant 9 : i32
      %broadcast_in_dim3A_1536 = vector.broadcast %broadcast_in_dim3A_1535 : i32 to vector<16xi32>
      %slice3A_1537 = vector.extract_strided_slice %and3A_572 {offsets = [9], sizes = [1], strides = [1]} : vector<16xi32> to vector<1xi32>
      %squeeze3A_1538 = vector.extract %slice3A_1537[0] : i32 from vector<1xi32>
      %broadcast_in_dim3A_1539 = vector.broadcast %squeeze3A_1538 : i32 to vector<16xi32>
      %gather3A_1540 = tpu.vector_load_idx %arg7[%broadcast_in_dim3A_1534, %iota3A, %broadcast_in_dim3A_1539] : memref<8x32x128xf32, #tpu.memory_space<vmem>>[vector<16xi32>, vector<16xi32>, vector<16xi32>], vector<16xf32>,
      tpu.vector_store_idx %arg9[%iota3A, %broadcast_in_dim3A_1536], %gather3A_1540 : memref<32x16xf32, #tpu.memory_space<vmem>>[vector<16xi32>, vector<16xi32>], vector<16xf32>,
      %gather3A_1541 = tpu.vector_load_idx %arg7[%broadcast_in_dim3A_1534, %add3A_5, %broadcast_in_dim3A_1539] : memref<8x32x128xf32, #tpu.memory_space<vmem>>[vector<16xi32>, vector<16xi32>, vector<16xi32>], vector<16xf32>,
      tpu.vector_store_idx %arg9[%add3A_5, %broadcast_in_dim3A_1536], %gather3A_1541 : memref<32x16xf32, #tpu.memory_space<vmem>>[vector<16xi32>, vector<16xi32>], vector<16xf32>,
      %slice3A_1542 = vector.extract_strided_slice %and3A_578 {offsets = [9], sizes = [1], strides = [1]} : vector<16xi32> to vector<1xi32>
      %squeeze3A_1543 = vector.extract %slice3A_1542[0] : i32 from vector<1xi32>
      %broadcast_in_dim3A_1544 = vector.broadcast %squeeze3A_1543 : i32 to vector<16xi32>
      %gather3A_1545 = tpu.vector_load_idx %arg8[%broadcast_in_dim3A_1534, %iota3A, %broadcast_in_dim3A_1544] : memref<8x32x128xf32, #tpu.memory_space<vmem>>[vector<16xi32>, vector<16xi32>, vector<16xi32>], vector<16xf32>,
      tpu.vector_store_idx %arg10[%iota3A, %broadcast_in_dim3A_1536], %gather3A_1545 : memref<32x16xf32, #tpu.memory_space<vmem>>[vector<16xi32>, vector<16xi32>], vector<16xf32>,
      %gather3A_1546 = tpu.vector_load_idx %arg8[%broadcast_in_dim3A_1534, %add3A_5, %broadcast_in_dim3A_1544] : memref<8x32x128xf32, #tpu.memory_space<vmem>>[vector<16xi32>, vector<16xi32>, vector<16xi32>], vector<16xf32>,
      tpu.vector_store_idx %arg10[%add3A_5, %broadcast_in_dim3A_1536], %gather3A_1546 : memref<32x16xf32, #tpu.memory_space<vmem>>[vector<16xi32>, vector<16xi32>], vector<16xf32>,
      %slice3A_1547 = vector.extract_strided_slice %shift_right_arithmetic3A_595 {offsets = [1], sizes = [1], strides = [1]} : vector<16xi32> to vector<1xi32>
      %squeeze3A_1548 = vector.extract %slice3A_1547[0] : i32 from vector<1xi32>
      %mul3A_1549 = arith.constant 128 : i32
      %mul3A_1550 = arith.muli %squeeze3A_1548, %mul3A_1549 : i32
      %multiple_of3A_1551 = tpu.assume_multiple %mul3A_1550, 128 : i32
      %dma_start3A_1552 = arith.constant 1 : i32
      %dma_start3A_1553 = arith.constant 0 : i32
      %dma_start3A_1554 = arith.constant 0 : i32
      %dma_start3A_1555 = tpu.memref_slice %arg7[%dma_start3A_1552, %dma_start3A_1553, %dma_start3A_1554] : memref<8x32x128xf32, #tpu.memory_space<vmem>> -> memref<1x32x128xf32, #tpu.memory_space<vmem>>
      %dma_start3A_1556 = tpu.memref_squeeze %dma_start3A_1555 : memref<1x32x128xf32, #tpu.memory_space<vmem>> -> memref<32x128xf32, #tpu.memory_space<vmem>>
      %dma_start3A_1557 = arith.constant 0 : i32
      %dma_start3A_1558 = tpu.memref_slice %arg2[%dma_start3A_1557, %multiple_of3A_1551] : memref<32x1000000xf32, #tpu.memory_space<hbm>> -> memref<32x128xf32, #tpu.memory_space<hbm>>
      %dma_start3A_1559 = arith.constant 0 : i32
      %dma_start3A_1560 = arith.constant 0 : i32
      %dma_start3A_1561 = tpu.memref_slice %arg7[%dma_start3A_1552, %dma_start3A_1559, %dma_start3A_1560] : memref<8x32x128xf32, #tpu.memory_space<vmem>> -> memref<1x32x128xf32, #tpu.memory_space<vmem>>
      %dma_start3A_1562 = tpu.memref_squeeze %dma_start3A_1561 : memref<1x32x128xf32, #tpu.memory_space<vmem>> -> memref<32x128xf32, #tpu.memory_space<vmem>>
      %dma_start3A_1563 = arith.constant 0 : i32
      %dma_start3A_1564 = tpu.memref_slice %arg2[%dma_start3A_1563, %multiple_of3A_1551] : memref<32x1000000xf32, #tpu.memory_space<hbm>> -> memref<32x128xf32, #tpu.memory_space<hbm>>
      tpu.enqueue_dma source(%dma_start3A_1564 : memref<32x128xf32, #tpu.memory_space<hbm>>) target(%dma_start3A_1562 : memref<32x128xf32, #tpu.memory_space<vmem>>) target_semaphore(%arg12 : memref<!tpu.dma_semaphore, #tpu.memory_space<semaphore_mem>>)
      %slice3A_1565 = vector.extract_strided_slice %shift_right_arithmetic3A_601 {offsets = [1], sizes = [1], strides = [1]} : vector<16xi32> to vector<1xi32>
      %squeeze3A_1566 = vector.extract %slice3A_1565[0] : i32 from vector<1xi32>
      %mul3A_1567 = arith.constant 128 : i32
      %mul3A_1568 = arith.muli %squeeze3A_1566, %mul3A_1567 : i32
      %multiple_of3A_1569 = tpu.assume_multiple %mul3A_1568, 128 : i32
      %dma_start3A_1570 = arith.constant 1 : i32
      %dma_start3A_1571 = arith.constant 0 : i32
      %dma_start3A_1572 = arith.constant 0 : i32
      %dma_start3A_1573 = tpu.memref_slice %arg8[%dma_start3A_1570, %dma_start3A_1571, %dma_start3A_1572] : memref<8x32x128xf32, #tpu.memory_space<vmem>> -> memref<1x32x128xf32, #tpu.memory_space<vmem>>
      %dma_start3A_1574 = tpu.memref_squeeze %dma_start3A_1573 : memref<1x32x128xf32, #tpu.memory_space<vmem>> -> memref<32x128xf32, #tpu.memory_space<vmem>>
      %dma_start3A_1575 = arith.constant 0 : i32
      %dma_start3A_1576 = tpu.memref_slice %arg3[%dma_start3A_1575, %multiple_of3A_1569] : memref<32x1000000xf32, #tpu.memory_space<hbm>> -> memref<32x128xf32, #tpu.memory_space<hbm>>
      %dma_start3A_1577 = arith.constant 0 : i32
      %dma_start3A_1578 = arith.constant 0 : i32
      %dma_start3A_1579 = tpu.memref_slice %arg8[%dma_start3A_1570, %dma_start3A_1577, %dma_start3A_1578] : memref<8x32x128xf32, #tpu.memory_space<vmem>> -> memref<1x32x128xf32, #tpu.memory_space<vmem>>
      %dma_start3A_1580 = tpu.memref_squeeze %dma_start3A_1579 : memref<1x32x128xf32, #tpu.memory_space<vmem>> -> memref<32x128xf32, #tpu.memory_space<vmem>>
      %dma_start3A_1581 = arith.constant 0 : i32
      %dma_start3A_1582 = tpu.memref_slice %arg3[%dma_start3A_1581, %multiple_of3A_1569] : memref<32x1000000xf32, #tpu.memory_space<hbm>> -> memref<32x128xf32, #tpu.memory_space<hbm>>
      tpu.enqueue_dma source(%dma_start3A_1582 : memref<32x128xf32, #tpu.memory_space<hbm>>) target(%dma_start3A_1580 : memref<32x128xf32, #tpu.memory_space<vmem>>) target_semaphore(%arg13 : memref<!tpu.dma_semaphore, #tpu.memory_space<semaphore_mem>>)
      %broadcast_in_dim3A_1583 = arith.constant 2 : i32
      %broadcast_in_dim3A_1584 = vector.broadcast %broadcast_in_dim3A_1583 : i32 to vector<16xi32>
      %broadcast_in_dim3A_1585 = arith.constant 10 : i32
      %broadcast_in_dim3A_1586 = vector.broadcast %broadcast_in_dim3A_1585 : i32 to vector<16xi32>
      %slice3A_1587 = vector.extract_strided_slice %and3A_572 {offsets = [10], sizes = [1], strides = [1]} : vector<16xi32> to vector<1xi32>
      %squeeze3A_1588 = vector.extract %slice3A_1587[0] : i32 from vector<1xi32>
      %broadcast_in_dim3A_1589 = vector.broadcast %squeeze3A_1588 : i32 to vector<16xi32>
      %gather3A_1590 = tpu.vector_load_idx %arg7[%broadcast_in_dim3A_1584, %iota3A, %broadcast_in_dim3A_1589] : memref<8x32x128xf32, #tpu.memory_space<vmem>>[vector<16xi32>, vector<16xi32>, vector<16xi32>], vector<16xf32>,
      tpu.vector_store_idx %arg9[%iota3A, %broadcast_in_dim3A_1586], %gather3A_1590 : memref<32x16xf32, #tpu.memory_space<vmem>>[vector<16xi32>, vector<16xi32>], vector<16xf32>,
      %gather3A_1591 = tpu.vector_load_idx %arg7[%broadcast_in_dim3A_1584, %add3A_5, %broadcast_in_dim3A_1589] : memref<8x32x128xf32, #tpu.memory_space<vmem>>[vector<16xi32>, vector<16xi32>, vector<16xi32>], vector<16xf32>,
      tpu.vector_store_idx %arg9[%add3A_5, %broadcast_in_dim3A_1586], %gather3A_1591 : memref<32x16xf32, #tpu.memory_space<vmem>>[vector<16xi32>, vector<16xi32>], vector<16xf32>,
      %slice3A_1592 = vector.extract_strided_slice %and3A_578 {offsets = [10], sizes = [1], strides = [1]} : vector<16xi32> to vector<1xi32>
      %squeeze3A_1593 = vector.extract %slice3A_1592[0] : i32 from vector<1xi32>
      %broadcast_in_dim3A_1594 = vector.broadcast %squeeze3A_1593 : i32 to vector<16xi32>
      %gather3A_1595 = tpu.vector_load_idx %arg8[%broadcast_in_dim3A_1584, %iota3A, %broadcast_in_dim3A_1594] : memref<8x32x128xf32, #tpu.memory_space<vmem>>[vector<16xi32>, vector<16xi32>, vector<16xi32>], vector<16xf32>,
      tpu.vector_store_idx %arg10[%iota3A, %broadcast_in_dim3A_1586], %gather3A_1595 : memref<32x16xf32, #tpu.memory_space<vmem>>[vector<16xi32>, vector<16xi32>], vector<16xf32>,
      %gather3A_1596 = tpu.vector_load_idx %arg8[%broadcast_in_dim3A_1584, %add3A_5, %broadcast_in_dim3A_1594] : memref<8x32x128xf32, #tpu.memory_space<vmem>>[vector<16xi32>, vector<16xi32>, vector<16xi32>], vector<16xf32>,
      tpu.vector_store_idx %arg10[%add3A_5, %broadcast_in_dim3A_1586], %gather3A_1596 : memref<32x16xf32, #tpu.memory_space<vmem>>[vector<16xi32>, vector<16xi32>], vector<16xf32>,
      %slice3A_1597 = vector.extract_strided_slice %shift_right_arithmetic3A_595 {offsets = [2], sizes = [1], strides = [1]} : vector<16xi32> to vector<1xi32>
      %squeeze3A_1598 = vector.extract %slice3A_1597[0] : i32 from vector<1xi32>
      %mul3A_1599 = arith.constant 128 : i32
      %mul3A_1600 = arith.muli %squeeze3A_1598, %mul3A_1599 : i32
      %multiple_of3A_1601 = tpu.assume_multiple %mul3A_1600, 128 : i32
      %dma_start3A_1602 = arith.constant 2 : i32
      %dma_start3A_1603 = arith.constant 0 : i32
      %dma_start3A_1604 = arith.constant 0 : i32
      %dma_start3A_1605 = tpu.memref_slice %arg7[%dma_start3A_1602, %dma_start3A_1603, %dma_start3A_1604] : memref<8x32x128xf32, #tpu.memory_space<vmem>> -> memref<1x32x128xf32, #tpu.memory_space<vmem>>
      %dma_start3A_1606 = tpu.memref_squeeze %dma_start3A_1605 : memref<1x32x128xf32, #tpu.memory_space<vmem>> -> memref<32x128xf32, #tpu.memory_space<vmem>>
      %dma_start3A_1607 = arith.constant 0 : i32
      %dma_start3A_1608 = tpu.memref_slice %arg2[%dma_start3A_1607, %multiple_of3A_1601] : memref<32x1000000xf32, #tpu.memory_space<hbm>> -> memref<32x128xf32, #tpu.memory_space<hbm>>
      %dma_start3A_1609 = arith.constant 0 : i32
      %dma_start3A_1610 = arith.constant 0 : i32
      %dma_start3A_1611 = tpu.memref_slice %arg7[%dma_start3A_1602, %dma_start3A_1609, %dma_start3A_1610] : memref<8x32x128xf32, #tpu.memory_space<vmem>> -> memref<1x32x128xf32, #tpu.memory_space<vmem>>
      %dma_start3A_1612 = tpu.memref_squeeze %dma_start3A_1611 : memref<1x32x128xf32, #tpu.memory_space<vmem>> -> memref<32x128xf32, #tpu.memory_space<vmem>>
      %dma_start3A_1613 = arith.constant 0 : i32
      %dma_start3A_1614 = tpu.memref_slice %arg2[%dma_start3A_1613, %multiple_of3A_1601] : memref<32x1000000xf32, #tpu.memory_space<hbm>> -> memref<32x128xf32, #tpu.memory_space<hbm>>
      tpu.enqueue_dma source(%dma_start3A_1614 : memref<32x128xf32, #tpu.memory_space<hbm>>) target(%dma_start3A_1612 : memref<32x128xf32, #tpu.memory_space<vmem>>) target_semaphore(%arg12 : memref<!tpu.dma_semaphore, #tpu.memory_space<semaphore_mem>>)
      %slice3A_1615 = vector.extract_strided_slice %shift_right_arithmetic3A_601 {offsets = [2], sizes = [1], strides = [1]} : vector<16xi32> to vector<1xi32>
      %squeeze3A_1616 = vector.extract %slice3A_1615[0] : i32 from vector<1xi32>
      %mul3A_1617 = arith.constant 128 : i32
      %mul3A_1618 = arith.muli %squeeze3A_1616, %mul3A_1617 : i32
      %multiple_of3A_1619 = tpu.assume_multiple %mul3A_1618, 128 : i32
      %dma_start3A_1620 = arith.constant 2 : i32
      %dma_start3A_1621 = arith.constant 0 : i32
      %dma_start3A_1622 = arith.constant 0 : i32
      %dma_start3A_1623 = tpu.memref_slice %arg8[%dma_start3A_1620, %dma_start3A_1621, %dma_start3A_1622] : memref<8x32x128xf32, #tpu.memory_space<vmem>> -> memref<1x32x128xf32, #tpu.memory_space<vmem>>
      %dma_start3A_1624 = tpu.memref_squeeze %dma_start3A_1623 : memref<1x32x128xf32, #tpu.memory_space<vmem>> -> memref<32x128xf32, #tpu.memory_space<vmem>>
      %dma_start3A_1625 = arith.constant 0 : i32
      %dma_start3A_1626 = tpu.memref_slice %arg3[%dma_start3A_1625, %multiple_of3A_1619] : memref<32x1000000xf32, #tpu.memory_space<hbm>> -> memref<32x128xf32, #tpu.memory_space<hbm>>
      %dma_start3A_1627 = arith.constant 0 : i32
      %dma_start3A_1628 = arith.constant 0 : i32
      %dma_start3A_1629 = tpu.memref_slice %arg8[%dma_start3A_1620, %dma_start3A_1627, %dma_start3A_1628] : memref<8x32x128xf32, #tpu.memory_space<vmem>> -> memref<1x32x128xf32, #tpu.memory_space<vmem>>
      %dma_start3A_1630 = tpu.memref_squeeze %dma_start3A_1629 : memref<1x32x128xf32, #tpu.memory_space<vmem>> -> memref<32x128xf32, #tpu.memory_space<vmem>>
      %dma_start3A_1631 = arith.constant 0 : i32
      %dma_start3A_1632 = tpu.memref_slice %arg3[%dma_start3A_1631, %multiple_of3A_1619] : memref<32x1000000xf32, #tpu.memory_space<hbm>> -> memref<32x128xf32, #tpu.memory_space<hbm>>
      tpu.enqueue_dma source(%dma_start3A_1632 : memref<32x128xf32, #tpu.memory_space<hbm>>) target(%dma_start3A_1630 : memref<32x128xf32, #tpu.memory_space<vmem>>) target_semaphore(%arg13 : memref<!tpu.dma_semaphore, #tpu.memory_space<semaphore_mem>>)
      %broadcast_in_dim3A_1633 = arith.constant 3 : i32
      %broadcast_in_dim3A_1634 = vector.broadcast %broadcast_in_dim3A_1633 : i32 to vector<16xi32>
      %broadcast_in_dim3A_1635 = arith.constant 11 : i32
      %broadcast_in_dim3A_1636 = vector.broadcast %broadcast_in_dim3A_1635 : i32 to vector<16xi32>
      %slice3A_1637 = vector.extract_strided_slice %and3A_572 {offsets = [11], sizes = [1], strides = [1]} : vector<16xi32> to vector<1xi32>
      %squeeze3A_1638 = vector.extract %slice3A_1637[0] : i32 from vector<1xi32>
      %broadcast_in_dim3A_1639 = vector.broadcast %squeeze3A_1638 : i32 to vector<16xi32>
      %gather3A_1640 = tpu.vector_load_idx %arg7[%broadcast_in_dim3A_1634, %iota3A, %broadcast_in_dim3A_1639] : memref<8x32x128xf32, #tpu.memory_space<vmem>>[vector<16xi32>, vector<16xi32>, vector<16xi32>], vector<16xf32>,
      tpu.vector_store_idx %arg9[%iota3A, %broadcast_in_dim3A_1636], %gather3A_1640 : memref<32x16xf32, #tpu.memory_space<vmem>>[vector<16xi32>, vector<16xi32>], vector<16xf32>,
      %gather3A_1641 = tpu.vector_load_idx %arg7[%broadcast_in_dim3A_1634, %add3A_5, %broadcast_in_dim3A_1639] : memref<8x32x128xf32, #tpu.memory_space<vmem>>[vector<16xi32>, vector<16xi32>, vector<16xi32>], vector<16xf32>,
      tpu.vector_store_idx %arg9[%add3A_5, %broadcast_in_dim3A_1636], %gather3A_1641 : memref<32x16xf32, #tpu.memory_space<vmem>>[vector<16xi32>, vector<16xi32>], vector<16xf32>,
      %slice3A_1642 = vector.extract_strided_slice %and3A_578 {offsets = [11], sizes = [1], strides = [1]} : vector<16xi32> to vector<1xi32>
      %squeeze3A_1643 = vector.extract %slice3A_1642[0] : i32 from vector<1xi32>
      %broadcast_in_dim3A_1644 = vector.broadcast %squeeze3A_1643 : i32 to vector<16xi32>
      %gather3A_1645 = tpu.vector_load_idx %arg8[%broadcast_in_dim3A_1634, %iota3A, %broadcast_in_dim3A_1644] : memref<8x32x128xf32, #tpu.memory_space<vmem>>[vector<16xi32>, vector<16xi32>, vector<16xi32>], vector<16xf32>,
      tpu.vector_store_idx %arg10[%iota3A, %broadcast_in_dim3A_1636], %gather3A_1645 : memref<32x16xf32, #tpu.memory_space<vmem>>[vector<16xi32>, vector<16xi32>], vector<16xf32>,
      %gather3A_1646 = tpu.vector_load_idx %arg8[%broadcast_in_dim3A_1634, %add3A_5, %broadcast_in_dim3A_1644] : memref<8x32x128xf32, #tpu.memory_space<vmem>>[vector<16xi32>, vector<16xi32>, vector<16xi32>], vector<16xf32>,
      tpu.vector_store_idx %arg10[%add3A_5, %broadcast_in_dim3A_1636], %gather3A_1646 : memref<32x16xf32, #tpu.memory_space<vmem>>[vector<16xi32>, vector<16xi32>], vector<16xf32>,
      %slice3A_1647 = vector.extract_strided_slice %shift_right_arithmetic3A_595 {offsets = [3], sizes = [1], strides = [1]} : vector<16xi32> to vector<1xi32>
      %squeeze3A_1648 = vector.extract %slice3A_1647[0] : i32 from vector<1xi32>
      %mul3A_1649 = arith.constant 128 : i32
      %mul3A_1650 = arith.muli %squeeze3A_1648, %mul3A_1649 : i32
      %multiple_of3A_1651 = tpu.assume_multiple %mul3A_1650, 128 : i32
      %dma_start3A_1652 = arith.constant 3 : i32
      %dma_start3A_1653 = arith.constant 0 : i32
      %dma_start3A_1654 = arith.constant 0 : i32
      %dma_start3A_1655 = tpu.memref_slice %arg7[%dma_start3A_1652, %dma_start3A_1653, %dma_start3A_1654] : memref<8x32x128xf32, #tpu.memory_space<vmem>> -> memref<1x32x128xf32, #tpu.memory_space<vmem>>
      %dma_start3A_1656 = tpu.memref_squeeze %dma_start3A_1655 : memref<1x32x128xf32, #tpu.memory_space<vmem>> -> memref<32x128xf32, #tpu.memory_space<vmem>>
      %dma_start3A_1657 = arith.constant 0 : i32
      %dma_start3A_1658 = tpu.memref_slice %arg2[%dma_start3A_1657, %multiple_of3A_1651] : memref<32x1000000xf32, #tpu.memory_space<hbm>> -> memref<32x128xf32, #tpu.memory_space<hbm>>
      %dma_start3A_1659 = arith.constant 0 : i32
      %dma_start3A_1660 = arith.constant 0 : i32
      %dma_start3A_1661 = tpu.memref_slice %arg7[%dma_start3A_1652, %dma_start3A_1659, %dma_start3A_1660] : memref<8x32x128xf32, #tpu.memory_space<vmem>> -> memref<1x32x128xf32, #tpu.memory_space<vmem>>
      %dma_start3A_1662 = tpu.memref_squeeze %dma_start3A_1661 : memref<1x32x128xf32, #tpu.memory_space<vmem>> -> memref<32x128xf32, #tpu.memory_space<vmem>>
      %dma_start3A_1663 = arith.constant 0 : i32
      %dma_start3A_1664 = tpu.memref_slice %arg2[%dma_start3A_1663, %multiple_of3A_1651] : memref<32x1000000xf32, #tpu.memory_space<hbm>> -> memref<32x128xf32, #tpu.memory_space<hbm>>
      tpu.enqueue_dma source(%dma_start3A_1664 : memref<32x128xf32, #tpu.memory_space<hbm>>) target(%dma_start3A_1662 : memref<32x128xf32, #tpu.memory_space<vmem>>) target_semaphore(%arg12 : memref<!tpu.dma_semaphore, #tpu.memory_space<semaphore_mem>>)
      %slice3A_1665 = vector.extract_strided_slice %shift_right_arithmetic3A_601 {offsets = [3], sizes = [1], strides = [1]} : vector<16xi32> to vector<1xi32>
      %squeeze3A_1666 = vector.extract %slice3A_1665[0] : i32 from vector<1xi32>
      %mul3A_1667 = arith.constant 128 : i32
      %mul3A_1668 = arith.muli %squeeze3A_1666, %mul3A_1667 : i32
      %multiple_of3A_1669 = tpu.assume_multiple %mul3A_1668, 128 : i32
      %dma_start3A_1670 = arith.constant 3 : i32
      %dma_start3A_1671 = arith.constant 0 : i32
      %dma_start3A_1672 = arith.constant 0 : i32
      %dma_start3A_1673 = tpu.memref_slice %arg8[%dma_start3A_1670, %dma_start3A_1671, %dma_start3A_1672] : memref<8x32x128xf32, #tpu.memory_space<vmem>> -> memref<1x32x128xf32, #tpu.memory_space<vmem>>
      %dma_start3A_1674 = tpu.memref_squeeze %dma_start3A_1673 : memref<1x32x128xf32, #tpu.memory_space<vmem>> -> memref<32x128xf32, #tpu.memory_space<vmem>>
      %dma_start3A_1675 = arith.constant 0 : i32
      %dma_start3A_1676 = tpu.memref_slice %arg3[%dma_start3A_1675, %multiple_of3A_1669] : memref<32x1000000xf32, #tpu.memory_space<hbm>> -> memref<32x128xf32, #tpu.memory_space<hbm>>
      %dma_start3A_1677 = arith.constant 0 : i32
      %dma_start3A_1678 = arith.constant 0 : i32
      %dma_start3A_1679 = tpu.memref_slice %arg8[%dma_start3A_1670, %dma_start3A_1677, %dma_start3A_1678] : memref<8x32x128xf32, #tpu.memory_space<vmem>> -> memref<1x32x128xf32, #tpu.memory_space<vmem>>
      %dma_start3A_1680 = tpu.memref_squeeze %dma_start3A_1679 : memref<1x32x128xf32, #tpu.memory_space<vmem>> -> memref<32x128xf32, #tpu.memory_space<vmem>>
      %dma_start3A_1681 = arith.constant 0 : i32
      %dma_start3A_1682 = tpu.memref_slice %arg3[%dma_start3A_1681, %multiple_of3A_1669] : memref<32x1000000xf32, #tpu.memory_space<hbm>> -> memref<32x128xf32, #tpu.memory_space<hbm>>
      tpu.enqueue_dma source(%dma_start3A_1682 : memref<32x128xf32, #tpu.memory_space<hbm>>) target(%dma_start3A_1680 : memref<32x128xf32, #tpu.memory_space<vmem>>) target_semaphore(%arg13 : memref<!tpu.dma_semaphore, #tpu.memory_space<semaphore_mem>>)
      %broadcast_in_dim3A_1683 = arith.constant 4 : i32
      %broadcast_in_dim3A_1684 = vector.broadcast %broadcast_in_dim3A_1683 : i32 to vector<16xi32>
      %broadcast_in_dim3A_1685 = arith.constant 12 : i32
      %broadcast_in_dim3A_1686 = vector.broadcast %broadcast_in_dim3A_1685 : i32 to vector<16xi32>
      %slice3A_1687 = vector.extract_strided_slice %and3A_572 {offsets = [12], sizes = [1], strides = [1]} : vector<16xi32> to vector<1xi32>
      %squeeze3A_1688 = vector.extract %slice3A_1687[0] : i32 from vector<1xi32>
      %broadcast_in_dim3A_1689 = vector.broadcast %squeeze3A_1688 : i32 to vector<16xi32>
      %gather3A_1690 = tpu.vector_load_idx %arg7[%broadcast_in_dim3A_1684, %iota3A, %broadcast_in_dim3A_1689] : memref<8x32x128xf32, #tpu.memory_space<vmem>>[vector<16xi32>, vector<16xi32>, vector<16xi32>], vector<16xf32>,
      tpu.vector_store_idx %arg9[%iota3A, %broadcast_in_dim3A_1686], %gather3A_1690 : memref<32x16xf32, #tpu.memory_space<vmem>>[vector<16xi32>, vector<16xi32>], vector<16xf32>,
      %gather3A_1691 = tpu.vector_load_idx %arg7[%broadcast_in_dim3A_1684, %add3A_5, %broadcast_in_dim3A_1689] : memref<8x32x128xf32, #tpu.memory_space<vmem>>[vector<16xi32>, vector<16xi32>, vector<16xi32>], vector<16xf32>,
      tpu.vector_store_idx %arg9[%add3A_5, %broadcast_in_dim3A_1686], %gather3A_1691 : memref<32x16xf32, #tpu.memory_space<vmem>>[vector<16xi32>, vector<16xi32>], vector<16xf32>,
      %slice3A_1692 = vector.extract_strided_slice %and3A_578 {offsets = [12], sizes = [1], strides = [1]} : vector<16xi32> to vector<1xi32>
      %squeeze3A_1693 = vector.extract %slice3A_1692[0] : i32 from vector<1xi32>
      %broadcast_in_dim3A_1694 = vector.broadcast %squeeze3A_1693 : i32 to vector<16xi32>
      %gather3A_1695 = tpu.vector_load_idx %arg8[%broadcast_in_dim3A_1684, %iota3A, %broadcast_in_dim3A_1694] : memref<8x32x128xf32, #tpu.memory_space<vmem>>[vector<16xi32>, vector<16xi32>, vector<16xi32>], vector<16xf32>,
      tpu.vector_store_idx %arg10[%iota3A, %broadcast_in_dim3A_1686], %gather3A_1695 : memref<32x16xf32, #tpu.memory_space<vmem>>[vector<16xi32>, vector<16xi32>], vector<16xf32>,
      %gather3A_1696 = tpu.vector_load_idx %arg8[%broadcast_in_dim3A_1684, %add3A_5, %broadcast_in_dim3A_1694] : memref<8x32x128xf32, #tpu.memory_space<vmem>>[vector<16xi32>, vector<16xi32>, vector<16xi32>], vector<16xf32>,
      tpu.vector_store_idx %arg10[%add3A_5, %broadcast_in_dim3A_1686], %gather3A_1696 : memref<32x16xf32, #tpu.memory_space<vmem>>[vector<16xi32>, vector<16xi32>], vector<16xf32>,
      %slice3A_1697 = vector.extract_strided_slice %shift_right_arithmetic3A_595 {offsets = [4], sizes = [1], strides = [1]} : vector<16xi32> to vector<1xi32>
      %squeeze3A_1698 = vector.extract %slice3A_1697[0] : i32 from vector<1xi32>
      %mul3A_1699 = arith.constant 128 : i32
      %mul3A_1700 = arith.muli %squeeze3A_1698, %mul3A_1699 : i32
      %multiple_of3A_1701 = tpu.assume_multiple %mul3A_1700, 128 : i32
      %dma_start3A_1702 = arith.constant 4 : i32
      %dma_start3A_1703 = arith.constant 0 : i32
      %dma_start3A_1704 = arith.constant 0 : i32
      %dma_start3A_1705 = tpu.memref_slice %arg7[%dma_start3A_1702, %dma_start3A_1703, %dma_start3A_1704] : memref<8x32x128xf32, #tpu.memory_space<vmem>> -> memref<1x32x128xf32, #tpu.memory_space<vmem>>
      %dma_start3A_1706 = tpu.memref_squeeze %dma_start3A_1705 : memref<1x32x128xf32, #tpu.memory_space<vmem>> -> memref<32x128xf32, #tpu.memory_space<vmem>>
      %dma_start3A_1707 = arith.constant 0 : i32
      %dma_start3A_1708 = tpu.memref_slice %arg2[%dma_start3A_1707, %multiple_of3A_1701] : memref<32x1000000xf32, #tpu.memory_space<hbm>> -> memref<32x128xf32, #tpu.memory_space<hbm>>
      %dma_start3A_1709 = arith.constant 0 : i32
      %dma_start3A_1710 = arith.constant 0 : i32
      %dma_start3A_1711 = tpu.memref_slice %arg7[%dma_start3A_1702, %dma_start3A_1709, %dma_start3A_1710] : memref<8x32x128xf32, #tpu.memory_space<vmem>> -> memref<1x32x128xf32, #tpu.memory_space<vmem>>
      %dma_start3A_1712 = tpu.memref_squeeze %dma_start3A_1711 : memref<1x32x128xf32, #tpu.memory_space<vmem>> -> memref<32x128xf32, #tpu.memory_space<vmem>>
      %dma_start3A_1713 = arith.constant 0 : i32
      %dma_start3A_1714 = tpu.memref_slice %arg2[%dma_start3A_1713, %multiple_of3A_1701] : memref<32x1000000xf32, #tpu.memory_space<hbm>> -> memref<32x128xf32, #tpu.memory_space<hbm>>
      tpu.enqueue_dma source(%dma_start3A_1714 : memref<32x128xf32, #tpu.memory_space<hbm>>) target(%dma_start3A_1712 : memref<32x128xf32, #tpu.memory_space<vmem>>) target_semaphore(%arg12 : memref<!tpu.dma_semaphore, #tpu.memory_space<semaphore_mem>>)
      %slice3A_1715 = vector.extract_strided_slice %shift_right_arithmetic3A_601 {offsets = [4], sizes = [1], strides = [1]} : vector<16xi32> to vector<1xi32>
      %squeeze3A_1716 = vector.extract %slice3A_1715[0] : i32 from vector<1xi32>
      %mul3A_1717 = arith.constant 128 : i32
      %mul3A_1718 = arith.muli %squeeze3A_1716, %mul3A_1717 : i32
      %multiple_of3A_1719 = tpu.assume_multiple %mul3A_1718, 128 : i32
      %dma_start3A_1720 = arith.constant 4 : i32
      %dma_start3A_1721 = arith.constant 0 : i32
      %dma_start3A_1722 = arith.constant 0 : i32
      %dma_start3A_1723 = tpu.memref_slice %arg8[%dma_start3A_1720, %dma_start3A_1721, %dma_start3A_1722] : memref<8x32x128xf32, #tpu.memory_space<vmem>> -> memref<1x32x128xf32, #tpu.memory_space<vmem>>
      %dma_start3A_1724 = tpu.memref_squeeze %dma_start3A_1723 : memref<1x32x128xf32, #tpu.memory_space<vmem>> -> memref<32x128xf32, #tpu.memory_space<vmem>>
      %dma_start3A_1725 = arith.constant 0 : i32
      %dma_start3A_1726 = tpu.memref_slice %arg3[%dma_start3A_1725, %multiple_of3A_1719] : memref<32x1000000xf32, #tpu.memory_space<hbm>> -> memref<32x128xf32, #tpu.memory_space<hbm>>
      %dma_start3A_1727 = arith.constant 0 : i32
      %dma_start3A_1728 = arith.constant 0 : i32
      %dma_start3A_1729 = tpu.memref_slice %arg8[%dma_start3A_1720, %dma_start3A_1727, %dma_start3A_1728] : memref<8x32x128xf32, #tpu.memory_space<vmem>> -> memref<1x32x128xf32, #tpu.memory_space<vmem>>
      %dma_start3A_1730 = tpu.memref_squeeze %dma_start3A_1729 : memref<1x32x128xf32, #tpu.memory_space<vmem>> -> memref<32x128xf32, #tpu.memory_space<vmem>>
      %dma_start3A_1731 = arith.constant 0 : i32
      %dma_start3A_1732 = tpu.memref_slice %arg3[%dma_start3A_1731, %multiple_of3A_1719] : memref<32x1000000xf32, #tpu.memory_space<hbm>> -> memref<32x128xf32, #tpu.memory_space<hbm>>
      tpu.enqueue_dma source(%dma_start3A_1732 : memref<32x128xf32, #tpu.memory_space<hbm>>) target(%dma_start3A_1730 : memref<32x128xf32, #tpu.memory_space<vmem>>) target_semaphore(%arg13 : memref<!tpu.dma_semaphore, #tpu.memory_space<semaphore_mem>>)
      %broadcast_in_dim3A_1733 = arith.constant 5 : i32
      %broadcast_in_dim3A_1734 = vector.broadcast %broadcast_in_dim3A_1733 : i32 to vector<16xi32>
      %broadcast_in_dim3A_1735 = arith.constant 13 : i32
      %broadcast_in_dim3A_1736 = vector.broadcast %broadcast_in_dim3A_1735 : i32 to vector<16xi32>
      %slice3A_1737 = vector.extract_strided_slice %and3A_572 {offsets = [13], sizes = [1], strides = [1]} : vector<16xi32> to vector<1xi32>
      %squeeze3A_1738 = vector.extract %slice3A_1737[0] : i32 from vector<1xi32>
      %broadcast_in_dim3A_1739 = vector.broadcast %squeeze3A_1738 : i32 to vector<16xi32>
      %gather3A_1740 = tpu.vector_load_idx %arg7[%broadcast_in_dim3A_1734, %iota3A, %broadcast_in_dim3A_1739] : memref<8x32x128xf32, #tpu.memory_space<vmem>>[vector<16xi32>, vector<16xi32>, vector<16xi32>], vector<16xf32>,
      tpu.vector_store_idx %arg9[%iota3A, %broadcast_in_dim3A_1736], %gather3A_1740 : memref<32x16xf32, #tpu.memory_space<vmem>>[vector<16xi32>, vector<16xi32>], vector<16xf32>,
      %gather3A_1741 = tpu.vector_load_idx %arg7[%broadcast_in_dim3A_1734, %add3A_5, %broadcast_in_dim3A_1739] : memref<8x32x128xf32, #tpu.memory_space<vmem>>[vector<16xi32>, vector<16xi32>, vector<16xi32>], vector<16xf32>,
      tpu.vector_store_idx %arg9[%add3A_5, %broadcast_in_dim3A_1736], %gather3A_1741 : memref<32x16xf32, #tpu.memory_space<vmem>>[vector<16xi32>, vector<16xi32>], vector<16xf32>,
      %slice3A_1742 = vector.extract_strided_slice %and3A_578 {offsets = [13], sizes = [1], strides = [1]} : vector<16xi32> to vector<1xi32>
      %squeeze3A_1743 = vector.extract %slice3A_1742[0] : i32 from vector<1xi32>
      %broadcast_in_dim3A_1744 = vector.broadcast %squeeze3A_1743 : i32 to vector<16xi32>
      %gather3A_1745 = tpu.vector_load_idx %arg8[%broadcast_in_dim3A_1734, %iota3A, %broadcast_in_dim3A_1744] : memref<8x32x128xf32, #tpu.memory_space<vmem>>[vector<16xi32>, vector<16xi32>, vector<16xi32>], vector<16xf32>,
      tpu.vector_store_idx %arg10[%iota3A, %broadcast_in_dim3A_1736], %gather3A_1745 : memref<32x16xf32, #tpu.memory_space<vmem>>[vector<16xi32>, vector<16xi32>], vector<16xf32>,
      %gather3A_1746 = tpu.vector_load_idx %arg8[%broadcast_in_dim3A_1734, %add3A_5, %broadcast_in_dim3A_1744] : memref<8x32x128xf32, #tpu.memory_space<vmem>>[vector<16xi32>, vector<16xi32>, vector<16xi32>], vector<16xf32>,
      tpu.vector_store_idx %arg10[%add3A_5, %broadcast_in_dim3A_1736], %gather3A_1746 : memref<32x16xf32, #tpu.memory_space<vmem>>[vector<16xi32>, vector<16xi32>], vector<16xf32>,
      %slice3A_1747 = vector.extract_strided_slice %shift_right_arithmetic3A_595 {offsets = [5], sizes = [1], strides = [1]} : vector<16xi32> to vector<1xi32>
      %squeeze3A_1748 = vector.extract %slice3A_1747[0] : i32 from vector<1xi32>
      %mul3A_1749 = arith.constant 128 : i32
      %mul3A_1750 = arith.muli %squeeze3A_1748, %mul3A_1749 : i32
      %multiple_of3A_1751 = tpu.assume_multiple %mul3A_1750, 128 : i32
      %dma_start3A_1752 = arith.constant 5 : i32
      %dma_start3A_1753 = arith.constant 0 : i32
      %dma_start3A_1754 = arith.constant 0 : i32
      %dma_start3A_1755 = tpu.memref_slice %arg7[%dma_start3A_1752, %dma_start3A_1753, %dma_start3A_1754] : memref<8x32x128xf32, #tpu.memory_space<vmem>> -> memref<1x32x128xf32, #tpu.memory_space<vmem>>
      %dma_start3A_1756 = tpu.memref_squeeze %dma_start3A_1755 : memref<1x32x128xf32, #tpu.memory_space<vmem>> -> memref<32x128xf32, #tpu.memory_space<vmem>>
      %dma_start3A_1757 = arith.constant 0 : i32
      %dma_start3A_1758 = tpu.memref_slice %arg2[%dma_start3A_1757, %multiple_of3A_1751] : memref<32x1000000xf32, #tpu.memory_space<hbm>> -> memref<32x128xf32, #tpu.memory_space<hbm>>
      %dma_start3A_1759 = arith.constant 0 : i32
      %dma_start3A_1760 = arith.constant 0 : i32
      %dma_start3A_1761 = tpu.memref_slice %arg7[%dma_start3A_1752, %dma_start3A_1759, %dma_start3A_1760] : memref<8x32x128xf32, #tpu.memory_space<vmem>> -> memref<1x32x128xf32, #tpu.memory_space<vmem>>
      %dma_start3A_1762 = tpu.memref_squeeze %dma_start3A_1761 : memref<1x32x128xf32, #tpu.memory_space<vmem>> -> memref<32x128xf32, #tpu.memory_space<vmem>>
      %dma_start3A_1763 = arith.constant 0 : i32
      %dma_start3A_1764 = tpu.memref_slice %arg2[%dma_start3A_1763, %multiple_of3A_1751] : memref<32x1000000xf32, #tpu.memory_space<hbm>> -> memref<32x128xf32, #tpu.memory_space<hbm>>
      tpu.enqueue_dma source(%dma_start3A_1764 : memref<32x128xf32, #tpu.memory_space<hbm>>) target(%dma_start3A_1762 : memref<32x128xf32, #tpu.memory_space<vmem>>) target_semaphore(%arg12 : memref<!tpu.dma_semaphore, #tpu.memory_space<semaphore_mem>>)
      %slice3A_1765 = vector.extract_strided_slice %shift_right_arithmetic3A_601 {offsets = [5], sizes = [1], strides = [1]} : vector<16xi32> to vector<1xi32>
      %squeeze3A_1766 = vector.extract %slice3A_1765[0] : i32 from vector<1xi32>
      %mul3A_1767 = arith.constant 128 : i32
      %mul3A_1768 = arith.muli %squeeze3A_1766, %mul3A_1767 : i32
      %multiple_of3A_1769 = tpu.assume_multiple %mul3A_1768, 128 : i32
      %dma_start3A_1770 = arith.constant 5 : i32
      %dma_start3A_1771 = arith.constant 0 : i32
      %dma_start3A_1772 = arith.constant 0 : i32
      %dma_start3A_1773 = tpu.memref_slice %arg8[%dma_start3A_1770, %dma_start3A_1771, %dma_start3A_1772] : memref<8x32x128xf32, #tpu.memory_space<vmem>> -> memref<1x32x128xf32, #tpu.memory_space<vmem>>
      %dma_start3A_1774 = tpu.memref_squeeze %dma_start3A_1773 : memref<1x32x128xf32, #tpu.memory_space<vmem>> -> memref<32x128xf32, #tpu.memory_space<vmem>>
      %dma_start3A_1775 = arith.constant 0 : i32
      %dma_start3A_1776 = tpu.memref_slice %arg3[%dma_start3A_1775, %multiple_of3A_1769] : memref<32x1000000xf32, #tpu.memory_space<hbm>> -> memref<32x128xf32, #tpu.memory_space<hbm>>
      %dma_start3A_1777 = arith.constant 0 : i32
      %dma_start3A_1778 = arith.constant 0 : i32
      %dma_start3A_1779 = tpu.memref_slice %arg8[%dma_start3A_1770, %dma_start3A_1777, %dma_start3A_1778] : memref<8x32x128xf32, #tpu.memory_space<vmem>> -> memref<1x32x128xf32, #tpu.memory_space<vmem>>
      %dma_start3A_1780 = tpu.memref_squeeze %dma_start3A_1779 : memref<1x32x128xf32, #tpu.memory_space<vmem>> -> memref<32x128xf32, #tpu.memory_space<vmem>>
      %dma_start3A_1781 = arith.constant 0 : i32
      %dma_start3A_1782 = tpu.memref_slice %arg3[%dma_start3A_1781, %multiple_of3A_1769] : memref<32x1000000xf32, #tpu.memory_space<hbm>> -> memref<32x128xf32, #tpu.memory_space<hbm>>
      tpu.enqueue_dma source(%dma_start3A_1782 : memref<32x128xf32, #tpu.memory_space<hbm>>) target(%dma_start3A_1780 : memref<32x128xf32, #tpu.memory_space<vmem>>) target_semaphore(%arg13 : memref<!tpu.dma_semaphore, #tpu.memory_space<semaphore_mem>>)
      %broadcast_in_dim3A_1783 = arith.constant 6 : i32
      %broadcast_in_dim3A_1784 = vector.broadcast %broadcast_in_dim3A_1783 : i32 to vector<16xi32>
      %broadcast_in_dim3A_1785 = arith.constant 14 : i32
      %broadcast_in_dim3A_1786 = vector.broadcast %broadcast_in_dim3A_1785 : i32 to vector<16xi32>
      %slice3A_1787 = vector.extract_strided_slice %and3A_572 {offsets = [14], sizes = [1], strides = [1]} : vector<16xi32> to vector<1xi32>
      %squeeze3A_1788 = vector.extract %slice3A_1787[0] : i32 from vector<1xi32>
      %broadcast_in_dim3A_1789 = vector.broadcast %squeeze3A_1788 : i32 to vector<16xi32>
      %gather3A_1790 = tpu.vector_load_idx %arg7[%broadcast_in_dim3A_1784, %iota3A, %broadcast_in_dim3A_1789] : memref<8x32x128xf32, #tpu.memory_space<vmem>>[vector<16xi32>, vector<16xi32>, vector<16xi32>], vector<16xf32>,
      tpu.vector_store_idx %arg9[%iota3A, %broadcast_in_dim3A_1786], %gather3A_1790 : memref<32x16xf32, #tpu.memory_space<vmem>>[vector<16xi32>, vector<16xi32>], vector<16xf32>,
      %gather3A_1791 = tpu.vector_load_idx %arg7[%broadcast_in_dim3A_1784, %add3A_5, %broadcast_in_dim3A_1789] : memref<8x32x128xf32, #tpu.memory_space<vmem>>[vector<16xi32>, vector<16xi32>, vector<16xi32>], vector<16xf32>,
      tpu.vector_store_idx %arg9[%add3A_5, %broadcast_in_dim3A_1786], %gather3A_1791 : memref<32x16xf32, #tpu.memory_space<vmem>>[vector<16xi32>, vector<16xi32>], vector<16xf32>,
      %slice3A_1792 = vector.extract_strided_slice %and3A_578 {offsets = [14], sizes = [1], strides = [1]} : vector<16xi32> to vector<1xi32>
      %squeeze3A_1793 = vector.extract %slice3A_1792[0] : i32 from vector<1xi32>
      %broadcast_in_dim3A_1794 = vector.broadcast %squeeze3A_1793 : i32 to vector<16xi32>
      %gather3A_1795 = tpu.vector_load_idx %arg8[%broadcast_in_dim3A_1784, %iota3A, %broadcast_in_dim3A_1794] : memref<8x32x128xf32, #tpu.memory_space<vmem>>[vector<16xi32>, vector<16xi32>, vector<16xi32>], vector<16xf32>,
      tpu.vector_store_idx %arg10[%iota3A, %broadcast_in_dim3A_1786], %gather3A_1795 : memref<32x16xf32, #tpu.memory_space<vmem>>[vector<16xi32>, vector<16xi32>], vector<16xf32>,
      %gather3A_1796 = tpu.vector_load_idx %arg8[%broadcast_in_dim3A_1784, %add3A_5, %broadcast_in_dim3A_1794] : memref<8x32x128xf32, #tpu.memory_space<vmem>>[vector<16xi32>, vector<16xi32>, vector<16xi32>], vector<16xf32>,
      tpu.vector_store_idx %arg10[%add3A_5, %broadcast_in_dim3A_1786], %gather3A_1796 : memref<32x16xf32, #tpu.memory_space<vmem>>[vector<16xi32>, vector<16xi32>], vector<16xf32>,
      %slice3A_1797 = vector.extract_strided_slice %shift_right_arithmetic3A_595 {offsets = [6], sizes = [1], strides = [1]} : vector<16xi32> to vector<1xi32>
      %squeeze3A_1798 = vector.extract %slice3A_1797[0] : i32 from vector<1xi32>
      %mul3A_1799 = arith.constant 128 : i32
      %mul3A_1800 = arith.muli %squeeze3A_1798, %mul3A_1799 : i32
      %multiple_of3A_1801 = tpu.assume_multiple %mul3A_1800, 128 : i32
      %dma_start3A_1802 = arith.constant 6 : i32
      %dma_start3A_1803 = arith.constant 0 : i32
      %dma_start3A_1804 = arith.constant 0 : i32
      %dma_start3A_1805 = tpu.memref_slice %arg7[%dma_start3A_1802, %dma_start3A_1803, %dma_start3A_1804] : memref<8x32x128xf32, #tpu.memory_space<vmem>> -> memref<1x32x128xf32, #tpu.memory_space<vmem>>
      %dma_start3A_1806 = tpu.memref_squeeze %dma_start3A_1805 : memref<1x32x128xf32, #tpu.memory_space<vmem>> -> memref<32x128xf32, #tpu.memory_space<vmem>>
      %dma_start3A_1807 = arith.constant 0 : i32
      %dma_start3A_1808 = tpu.memref_slice %arg2[%dma_start3A_1807, %multiple_of3A_1801] : memref<32x1000000xf32, #tpu.memory_space<hbm>> -> memref<32x128xf32, #tpu.memory_space<hbm>>
      %dma_start3A_1809 = arith.constant 0 : i32
      %dma_start3A_1810 = arith.constant 0 : i32
      %dma_start3A_1811 = tpu.memref_slice %arg7[%dma_start3A_1802, %dma_start3A_1809, %dma_start3A_1810] : memref<8x32x128xf32, #tpu.memory_space<vmem>> -> memref<1x32x128xf32, #tpu.memory_space<vmem>>
      %dma_start3A_1812 = tpu.memref_squeeze %dma_start3A_1811 : memref<1x32x128xf32, #tpu.memory_space<vmem>> -> memref<32x128xf32, #tpu.memory_space<vmem>>
      %dma_start3A_1813 = arith.constant 0 : i32
      %dma_start3A_1814 = tpu.memref_slice %arg2[%dma_start3A_1813, %multiple_of3A_1801] : memref<32x1000000xf32, #tpu.memory_space<hbm>> -> memref<32x128xf32, #tpu.memory_space<hbm>>
      tpu.enqueue_dma source(%dma_start3A_1814 : memref<32x128xf32, #tpu.memory_space<hbm>>) target(%dma_start3A_1812 : memref<32x128xf32, #tpu.memory_space<vmem>>) target_semaphore(%arg12 : memref<!tpu.dma_semaphore, #tpu.memory_space<semaphore_mem>>)
      %slice3A_1815 = vector.extract_strided_slice %shift_right_arithmetic3A_601 {offsets = [6], sizes = [1], strides = [1]} : vector<16xi32> to vector<1xi32>
      %squeeze3A_1816 = vector.extract %slice3A_1815[0] : i32 from vector<1xi32>
      %mul3A_1817 = arith.constant 128 : i32
      %mul3A_1818 = arith.muli %squeeze3A_1816, %mul3A_1817 : i32
      %multiple_of3A_1819 = tpu.assume_multiple %mul3A_1818, 128 : i32
      %dma_start3A_1820 = arith.constant 6 : i32
      %dma_start3A_1821 = arith.constant 0 : i32
      %dma_start3A_1822 = arith.constant 0 : i32
      %dma_start3A_1823 = tpu.memref_slice %arg8[%dma_start3A_1820, %dma_start3A_1821, %dma_start3A_1822] : memref<8x32x128xf32, #tpu.memory_space<vmem>> -> memref<1x32x128xf32, #tpu.memory_space<vmem>>
      %dma_start3A_1824 = tpu.memref_squeeze %dma_start3A_1823 : memref<1x32x128xf32, #tpu.memory_space<vmem>> -> memref<32x128xf32, #tpu.memory_space<vmem>>
      %dma_start3A_1825 = arith.constant 0 : i32
      %dma_start3A_1826 = tpu.memref_slice %arg3[%dma_start3A_1825, %multiple_of3A_1819] : memref<32x1000000xf32, #tpu.memory_space<hbm>> -> memref<32x128xf32, #tpu.memory_space<hbm>>
      %dma_start3A_1827 = arith.constant 0 : i32
      %dma_start3A_1828 = arith.constant 0 : i32
      %dma_start3A_1829 = tpu.memref_slice %arg8[%dma_start3A_1820, %dma_start3A_1827, %dma_start3A_1828] : memref<8x32x128xf32, #tpu.memory_space<vmem>> -> memref<1x32x128xf32, #tpu.memory_space<vmem>>
      %dma_start3A_1830 = tpu.memref_squeeze %dma_start3A_1829 : memref<1x32x128xf32, #tpu.memory_space<vmem>> -> memref<32x128xf32, #tpu.memory_space<vmem>>
      %dma_start3A_1831 = arith.constant 0 : i32
      %dma_start3A_1832 = tpu.memref_slice %arg3[%dma_start3A_1831, %multiple_of3A_1819] : memref<32x1000000xf32, #tpu.memory_space<hbm>> -> memref<32x128xf32, #tpu.memory_space<hbm>>
      tpu.enqueue_dma source(%dma_start3A_1832 : memref<32x128xf32, #tpu.memory_space<hbm>>) target(%dma_start3A_1830 : memref<32x128xf32, #tpu.memory_space<vmem>>) target_semaphore(%arg13 : memref<!tpu.dma_semaphore, #tpu.memory_space<semaphore_mem>>)
      %broadcast_in_dim3A_1833 = arith.constant 7 : i32
      %broadcast_in_dim3A_1834 = vector.broadcast %broadcast_in_dim3A_1833 : i32 to vector<16xi32>
      %broadcast_in_dim3A_1835 = arith.constant 15 : i32
      %broadcast_in_dim3A_1836 = vector.broadcast %broadcast_in_dim3A_1835 : i32 to vector<16xi32>
      %slice3A_1837 = vector.extract_strided_slice %and3A_572 {offsets = [15], sizes = [1], strides = [1]} : vector<16xi32> to vector<1xi32>
      %squeeze3A_1838 = vector.extract %slice3A_1837[0] : i32 from vector<1xi32>
      %broadcast_in_dim3A_1839 = vector.broadcast %squeeze3A_1838 : i32 to vector<16xi32>
      %gather3A_1840 = tpu.vector_load_idx %arg7[%broadcast_in_dim3A_1834, %iota3A, %broadcast_in_dim3A_1839] : memref<8x32x128xf32, #tpu.memory_space<vmem>>[vector<16xi32>, vector<16xi32>, vector<16xi32>], vector<16xf32>,
      tpu.vector_store_idx %arg9[%iota3A, %broadcast_in_dim3A_1836], %gather3A_1840 : memref<32x16xf32, #tpu.memory_space<vmem>>[vector<16xi32>, vector<16xi32>], vector<16xf32>,
      %gather3A_1841 = tpu.vector_load_idx %arg7[%broadcast_in_dim3A_1834, %add3A_5, %broadcast_in_dim3A_1839] : memref<8x32x128xf32, #tpu.memory_space<vmem>>[vector<16xi32>, vector<16xi32>, vector<16xi32>], vector<16xf32>,
      tpu.vector_store_idx %arg9[%add3A_5, %broadcast_in_dim3A_1836], %gather3A_1841 : memref<32x16xf32, #tpu.memory_space<vmem>>[vector<16xi32>, vector<16xi32>], vector<16xf32>,
      %slice3A_1842 = vector.extract_strided_slice %and3A_578 {offsets = [15], sizes = [1], strides = [1]} : vector<16xi32> to vector<1xi32>
      %squeeze3A_1843 = vector.extract %slice3A_1842[0] : i32 from vector<1xi32>
      %broadcast_in_dim3A_1844 = vector.broadcast %squeeze3A_1843 : i32 to vector<16xi32>
      %gather3A_1845 = tpu.vector_load_idx %arg8[%broadcast_in_dim3A_1834, %iota3A, %broadcast_in_dim3A_1844] : memref<8x32x128xf32, #tpu.memory_space<vmem>>[vector<16xi32>, vector<16xi32>, vector<16xi32>], vector<16xf32>,
      tpu.vector_store_idx %arg10[%iota3A, %broadcast_in_dim3A_1836], %gather3A_1845 : memref<32x16xf32, #tpu.memory_space<vmem>>[vector<16xi32>, vector<16xi32>], vector<16xf32>,
      %gather3A_1846 = tpu.vector_load_idx %arg8[%broadcast_in_dim3A_1834, %add3A_5, %broadcast_in_dim3A_1844] : memref<8x32x128xf32, #tpu.memory_space<vmem>>[vector<16xi32>, vector<16xi32>, vector<16xi32>], vector<16xf32>,
      tpu.vector_store_idx %arg10[%add3A_5, %broadcast_in_dim3A_1836], %gather3A_1846 : memref<32x16xf32, #tpu.memory_space<vmem>>[vector<16xi32>, vector<16xi32>], vector<16xf32>,
      %slice3A_1847 = vector.extract_strided_slice %shift_right_arithmetic3A_595 {offsets = [7], sizes = [1], strides = [1]} : vector<16xi32> to vector<1xi32>
      %squeeze3A_1848 = vector.extract %slice3A_1847[0] : i32 from vector<1xi32>
      %mul3A_1849 = arith.constant 128 : i32
      %mul3A_1850 = arith.muli %squeeze3A_1848, %mul3A_1849 : i32
      %multiple_of3A_1851 = tpu.assume_multiple %mul3A_1850, 128 : i32
      %dma_start3A_1852 = arith.constant 7 : i32
      %dma_start3A_1853 = arith.constant 0 : i32
      %dma_start3A_1854 = arith.constant 0 : i32
      %dma_start3A_1855 = tpu.memref_slice %arg7[%dma_start3A_1852, %dma_start3A_1853, %dma_start3A_1854] : memref<8x32x128xf32, #tpu.memory_space<vmem>> -> memref<1x32x128xf32, #tpu.memory_space<vmem>>
      %dma_start3A_1856 = tpu.memref_squeeze %dma_start3A_1855 : memref<1x32x128xf32, #tpu.memory_space<vmem>> -> memref<32x128xf32, #tpu.memory_space<vmem>>
      %dma_start3A_1857 = arith.constant 0 : i32
      %dma_start3A_1858 = tpu.memref_slice %arg2[%dma_start3A_1857, %multiple_of3A_1851] : memref<32x1000000xf32, #tpu.memory_space<hbm>> -> memref<32x128xf32, #tpu.memory_space<hbm>>
      %dma_start3A_1859 = arith.constant 0 : i32
      %dma_start3A_1860 = arith.constant 0 : i32
      %dma_start3A_1861 = tpu.memref_slice %arg7[%dma_start3A_1852, %dma_start3A_1859, %dma_start3A_1860] : memref<8x32x128xf32, #tpu.memory_space<vmem>> -> memref<1x32x128xf32, #tpu.memory_space<vmem>>
      %dma_start3A_1862 = tpu.memref_squeeze %dma_start3A_1861 : memref<1x32x128xf32, #tpu.memory_space<vmem>> -> memref<32x128xf32, #tpu.memory_space<vmem>>
      %dma_start3A_1863 = arith.constant 0 : i32
      %dma_start3A_1864 = tpu.memref_slice %arg2[%dma_start3A_1863, %multiple_of3A_1851] : memref<32x1000000xf32, #tpu.memory_space<hbm>> -> memref<32x128xf32, #tpu.memory_space<hbm>>
      tpu.enqueue_dma source(%dma_start3A_1864 : memref<32x128xf32, #tpu.memory_space<hbm>>) target(%dma_start3A_1862 : memref<32x128xf32, #tpu.memory_space<vmem>>) target_semaphore(%arg12 : memref<!tpu.dma_semaphore, #tpu.memory_space<semaphore_mem>>)
      %slice3A_1865 = vector.extract_strided_slice %shift_right_arithmetic3A_601 {offsets = [7], sizes = [1], strides = [1]} : vector<16xi32> to vector<1xi32>
      %squeeze3A_1866 = vector.extract %slice3A_1865[0] : i32 from vector<1xi32>
      %mul3A_1867 = arith.constant 128 : i32
      %mul3A_1868 = arith.muli %squeeze3A_1866, %mul3A_1867 : i32
      %multiple_of3A_1869 = tpu.assume_multiple %mul3A_1868, 128 : i32
      %dma_start3A_1870 = arith.constant 7 : i32
      %dma_start3A_1871 = arith.constant 0 : i32
      %dma_start3A_1872 = arith.constant 0 : i32
      %dma_start3A_1873 = tpu.memref_slice %arg8[%dma_start3A_1870, %dma_start3A_1871, %dma_start3A_1872] : memref<8x32x128xf32, #tpu.memory_space<vmem>> -> memref<1x32x128xf32, #tpu.memory_space<vmem>>
      %dma_start3A_1874 = tpu.memref_squeeze %dma_start3A_1873 : memref<1x32x128xf32, #tpu.memory_space<vmem>> -> memref<32x128xf32, #tpu.memory_space<vmem>>
      %dma_start3A_1875 = arith.constant 0 : i32
      %dma_start3A_1876 = tpu.memref_slice %arg3[%dma_start3A_1875, %multiple_of3A_1869] : memref<32x1000000xf32, #tpu.memory_space<hbm>> -> memref<32x128xf32, #tpu.memory_space<hbm>>
      %dma_start3A_1877 = arith.constant 0 : i32
      %dma_start3A_1878 = arith.constant 0 : i32
      %dma_start3A_1879 = tpu.memref_slice %arg8[%dma_start3A_1870, %dma_start3A_1877, %dma_start3A_1878] : memref<8x32x128xf32, #tpu.memory_space<vmem>> -> memref<1x32x128xf32, #tpu.memory_space<vmem>>
      %dma_start3A_1880 = tpu.memref_squeeze %dma_start3A_1879 : memref<1x32x128xf32, #tpu.memory_space<vmem>> -> memref<32x128xf32, #tpu.memory_space<vmem>>
      %dma_start3A_1881 = arith.constant 0 : i32
      %dma_start3A_1882 = tpu.memref_slice %arg3[%dma_start3A_1881, %multiple_of3A_1869] : memref<32x1000000xf32, #tpu.memory_space<hbm>> -> memref<32x128xf32, #tpu.memory_space<hbm>>
      tpu.enqueue_dma source(%dma_start3A_1882 : memref<32x128xf32, #tpu.memory_space<hbm>>) target(%dma_start3A_1880 : memref<32x128xf32, #tpu.memory_space<vmem>>) target_semaphore(%arg13 : memref<!tpu.dma_semaphore, #tpu.memory_space<semaphore_mem>>)
      %broadcast_in_dim3A_1883 = arith.constant 0.000000e+00 : f32
      %broadcast_in_dim3A_1884 = vector.broadcast %broadcast_in_dim3A_1883 : f32 to vector<16xf32>
      %get3A_1885 = arith.constant 0 : i32
      %get3A_1886 = arith.index_cast %get3A_1885 : i32 to index
      %get3A_1887 = arith.constant 0 : index
      %get3A_1888 = tpu.vector_load %arg9[%get3A_1886, %get3A_1887] {strides = array<i32>} : memref<32x16xf32, #tpu.memory_space<vmem>>, vector<16xf32>,
      %get3A_1889 = arith.constant 0 : i32
      %get3A_1890 = arith.index_cast %get3A_1889 : i32 to index
      %get3A_1891 = arith.constant 0 : index
      %get3A_1892 = tpu.vector_load %arg10[%get3A_1890, %get3A_1891] {strides = array<i32>} : memref<32x16xf32, #tpu.memory_space<vmem>>, vector<16xf32>,
      %mul3A_1893 = arith.mulf %get3A_1888, %get3A_1892 : vector<16xf32>
      %add3A_1894 = arith.addf %broadcast_in_dim3A_1884, %mul3A_1893 : vector<16xf32>
      %get3A_1895 = arith.constant 1 : i32
      %get3A_1896 = arith.index_cast %get3A_1895 : i32 to index
      %get3A_1897 = arith.constant 0 : index
      %get3A_1898 = tpu.vector_load %arg9[%get3A_1896, %get3A_1897] {strides = array<i32>} : memref<32x16xf32, #tpu.memory_space<vmem>>, vector<16xf32>,
      %get3A_1899 = arith.constant 1 : i32
      %get3A_1900 = arith.index_cast %get3A_1899 : i32 to index
      %get3A_1901 = arith.constant 0 : index
      %get3A_1902 = tpu.vector_load %arg10[%get3A_1900, %get3A_1901] {strides = array<i32>} : memref<32x16xf32, #tpu.memory_space<vmem>>, vector<16xf32>,
      %mul3A_1903 = arith.mulf %get3A_1898, %get3A_1902 : vector<16xf32>
      %add3A_1904 = arith.addf %add3A_1894, %mul3A_1903 : vector<16xf32>
      %get3A_1905 = arith.constant 2 : i32
      %get3A_1906 = arith.index_cast %get3A_1905 : i32 to index
      %get3A_1907 = arith.constant 0 : index
      %get3A_1908 = tpu.vector_load %arg9[%get3A_1906, %get3A_1907] {strides = array<i32>} : memref<32x16xf32, #tpu.memory_space<vmem>>, vector<16xf32>,
      %get3A_1909 = arith.constant 2 : i32
      %get3A_1910 = arith.index_cast %get3A_1909 : i32 to index
      %get3A_1911 = arith.constant 0 : index
      %get3A_1912 = tpu.vector_load %arg10[%get3A_1910, %get3A_1911] {strides = array<i32>} : memref<32x16xf32, #tpu.memory_space<vmem>>, vector<16xf32>,
      %mul3A_1913 = arith.mulf %get3A_1908, %get3A_1912 : vector<16xf32>
      %add3A_1914 = arith.addf %add3A_1904, %mul3A_1913 : vector<16xf32>
      %get3A_1915 = arith.constant 3 : i32
      %get3A_1916 = arith.index_cast %get3A_1915 : i32 to index
      %get3A_1917 = arith.constant 0 : index
      %get3A_1918 = tpu.vector_load %arg9[%get3A_1916, %get3A_1917] {strides = array<i32>} : memref<32x16xf32, #tpu.memory_space<vmem>>, vector<16xf32>,
      %get3A_1919 = arith.constant 3 : i32
      %get3A_1920 = arith.index_cast %get3A_1919 : i32 to index
      %get3A_1921 = arith.constant 0 : index
      %get3A_1922 = tpu.vector_load %arg10[%get3A_1920, %get3A_1921] {strides = array<i32>} : memref<32x16xf32, #tpu.memory_space<vmem>>, vector<16xf32>,
      %mul3A_1923 = arith.mulf %get3A_1918, %get3A_1922 : vector<16xf32>
      %add3A_1924 = arith.addf %add3A_1914, %mul3A_1923 : vector<16xf32>
      %get3A_1925 = arith.constant 4 : i32
      %get3A_1926 = arith.index_cast %get3A_1925 : i32 to index
      %get3A_1927 = arith.constant 0 : index
      %get3A_1928 = tpu.vector_load %arg9[%get3A_1926, %get3A_1927] {strides = array<i32>} : memref<32x16xf32, #tpu.memory_space<vmem>>, vector<16xf32>,
      %get3A_1929 = arith.constant 4 : i32
      %get3A_1930 = arith.index_cast %get3A_1929 : i32 to index
      %get3A_1931 = arith.constant 0 : index
      %get3A_1932 = tpu.vector_load %arg10[%get3A_1930, %get3A_1931] {strides = array<i32>} : memref<32x16xf32, #tpu.memory_space<vmem>>, vector<16xf32>,
      %mul3A_1933 = arith.mulf %get3A_1928, %get3A_1932 : vector<16xf32>
      %add3A_1934 = arith.addf %add3A_1924, %mul3A_1933 : vector<16xf32>
      %get3A_1935 = arith.constant 5 : i32
      %get3A_1936 = arith.index_cast %get3A_1935 : i32 to index
      %get3A_1937 = arith.constant 0 : index
      %get3A_1938 = tpu.vector_load %arg9[%get3A_1936, %get3A_1937] {strides = array<i32>} : memref<32x16xf32, #tpu.memory_space<vmem>>, vector<16xf32>,
      %get3A_1939 = arith.constant 5 : i32
      %get3A_1940 = arith.index_cast %get3A_1939 : i32 to index
      %get3A_1941 = arith.constant 0 : index
      %get3A_1942 = tpu.vector_load %arg10[%get3A_1940, %get3A_1941] {strides = array<i32>} : memref<32x16xf32, #tpu.memory_space<vmem>>, vector<16xf32>,
      %mul3A_1943 = arith.mulf %get3A_1938, %get3A_1942 : vector<16xf32>
      %add3A_1944 = arith.addf %add3A_1934, %mul3A_1943 : vector<16xf32>
      %get3A_1945 = arith.constant 6 : i32
      %get3A_1946 = arith.index_cast %get3A_1945 : i32 to index
      %get3A_1947 = arith.constant 0 : index
      %get3A_1948 = tpu.vector_load %arg9[%get3A_1946, %get3A_1947] {strides = array<i32>} : memref<32x16xf32, #tpu.memory_space<vmem>>, vector<16xf32>,
      %get3A_1949 = arith.constant 6 : i32
      %get3A_1950 = arith.index_cast %get3A_1949 : i32 to index
      %get3A_1951 = arith.constant 0 : index
      %get3A_1952 = tpu.vector_load %arg10[%get3A_1950, %get3A_1951] {strides = array<i32>} : memref<32x16xf32, #tpu.memory_space<vmem>>, vector<16xf32>,
      %mul3A_1953 = arith.mulf %get3A_1948, %get3A_1952 : vector<16xf32>
      %add3A_1954 = arith.addf %add3A_1944, %mul3A_1953 : vector<16xf32>
      %get3A_1955 = arith.constant 7 : i32
      %get3A_1956 = arith.index_cast %get3A_1955 : i32 to index
      %get3A_1957 = arith.constant 0 : index
      %get3A_1958 = tpu.vector_load %arg9[%get3A_1956, %get3A_1957] {strides = array<i32>} : memref<32x16xf32, #tpu.memory_space<vmem>>, vector<16xf32>,
      %get3A_1959 = arith.constant 7 : i32
      %get3A_1960 = arith.index_cast %get3A_1959 : i32 to index
      %get3A_1961 = arith.constant 0 : index
      %get3A_1962 = tpu.vector_load %arg10[%get3A_1960, %get3A_1961] {strides = array<i32>} : memref<32x16xf32, #tpu.memory_space<vmem>>, vector<16xf32>,
      %mul3A_1963 = arith.mulf %get3A_1958, %get3A_1962 : vector<16xf32>
      %add3A_1964 = arith.addf %add3A_1954, %mul3A_1963 : vector<16xf32>
      %get3A_1965 = arith.constant 8 : i32
      %get3A_1966 = arith.index_cast %get3A_1965 : i32 to index
      %get3A_1967 = arith.constant 0 : index
      %get3A_1968 = tpu.vector_load %arg9[%get3A_1966, %get3A_1967] {strides = array<i32>} : memref<32x16xf32, #tpu.memory_space<vmem>>, vector<16xf32>,
      %get3A_1969 = arith.constant 8 : i32
      %get3A_1970 = arith.index_cast %get3A_1969 : i32 to index
      %get3A_1971 = arith.constant 0 : index
      %get3A_1972 = tpu.vector_load %arg10[%get3A_1970, %get3A_1971] {strides = array<i32>} : memref<32x16xf32, #tpu.memory_space<vmem>>, vector<16xf32>,
      %mul3A_1973 = arith.mulf %get3A_1968, %get3A_1972 : vector<16xf32>
      %add3A_1974 = arith.addf %add3A_1964, %mul3A_1973 : vector<16xf32>
      %get3A_1975 = arith.constant 9 : i32
      %get3A_1976 = arith.index_cast %get3A_1975 : i32 to index
      %get3A_1977 = arith.constant 0 : index
      %get3A_1978 = tpu.vector_load %arg9[%get3A_1976, %get3A_1977] {strides = array<i32>} : memref<32x16xf32, #tpu.memory_space<vmem>>, vector<16xf32>,
      %get3A_1979 = arith.constant 9 : i32
      %get3A_1980 = arith.index_cast %get3A_1979 : i32 to index
      %get3A_1981 = arith.constant 0 : index
      %get3A_1982 = tpu.vector_load %arg10[%get3A_1980, %get3A_1981] {strides = array<i32>} : memref<32x16xf32, #tpu.memory_space<vmem>>, vector<16xf32>,
      %mul3A_1983 = arith.mulf %get3A_1978, %get3A_1982 : vector<16xf32>
      %add3A_1984 = arith.addf %add3A_1974, %mul3A_1983 : vector<16xf32>
      %get3A_1985 = arith.constant 10 : i32
      %get3A_1986 = arith.index_cast %get3A_1985 : i32 to index
      %get3A_1987 = arith.constant 0 : index
      %get3A_1988 = tpu.vector_load %arg9[%get3A_1986, %get3A_1987] {strides = array<i32>} : memref<32x16xf32, #tpu.memory_space<vmem>>, vector<16xf32>,
      %get3A_1989 = arith.constant 10 : i32
      %get3A_1990 = arith.index_cast %get3A_1989 : i32 to index
      %get3A_1991 = arith.constant 0 : index
      %get3A_1992 = tpu.vector_load %arg10[%get3A_1990, %get3A_1991] {strides = array<i32>} : memref<32x16xf32, #tpu.memory_space<vmem>>, vector<16xf32>,
      %mul3A_1993 = arith.mulf %get3A_1988, %get3A_1992 : vector<16xf32>
      %add3A_1994 = arith.addf %add3A_1984, %mul3A_1993 : vector<16xf32>
      %get3A_1995 = arith.constant 11 : i32
      %get3A_1996 = arith.index_cast %get3A_1995 : i32 to index
      %get3A_1997 = arith.constant 0 : index
      %get3A_1998 = tpu.vector_load %arg9[%get3A_1996, %get3A_1997] {strides = array<i32>} : memref<32x16xf32, #tpu.memory_space<vmem>>, vector<16xf32>,
      %get3A_1999 = arith.constant 11 : i32
      %get3A_2000 = arith.index_cast %get3A_1999 : i32 to index
      %get3A_2001 = arith.constant 0 : index
      %get3A_2002 = tpu.vector_load %arg10[%get3A_2000, %get3A_2001] {strides = array<i32>} : memref<32x16xf32, #tpu.memory_space<vmem>>, vector<16xf32>,
      %mul3A_2003 = arith.mulf %get3A_1998, %get3A_2002 : vector<16xf32>
      %add3A_2004 = arith.addf %add3A_1994, %mul3A_2003 : vector<16xf32>
      %get3A_2005 = arith.constant 12 : i32
      %get3A_2006 = arith.index_cast %get3A_2005 : i32 to index
      %get3A_2007 = arith.constant 0 : index
      %get3A_2008 = tpu.vector_load %arg9[%get3A_2006, %get3A_2007] {strides = array<i32>} : memref<32x16xf32, #tpu.memory_space<vmem>>, vector<16xf32>,
      %get3A_2009 = arith.constant 12 : i32
      %get3A_2010 = arith.index_cast %get3A_2009 : i32 to index
      %get3A_2011 = arith.constant 0 : index
      %get3A_2012 = tpu.vector_load %arg10[%get3A_2010, %get3A_2011] {strides = array<i32>} : memref<32x16xf32, #tpu.memory_space<vmem>>, vector<16xf32>,
      %mul3A_2013 = arith.mulf %get3A_2008, %get3A_2012 : vector<16xf32>
      %add3A_2014 = arith.addf %add3A_2004, %mul3A_2013 : vector<16xf32>
      %get3A_2015 = arith.constant 13 : i32
      %get3A_2016 = arith.index_cast %get3A_2015 : i32 to index
      %get3A_2017 = arith.constant 0 : index
      %get3A_2018 = tpu.vector_load %arg9[%get3A_2016, %get3A_2017] {strides = array<i32>} : memref<32x16xf32, #tpu.memory_space<vmem>>, vector<16xf32>,
      %get3A_2019 = arith.constant 13 : i32
      %get3A_2020 = arith.index_cast %get3A_2019 : i32 to index
      %get3A_2021 = arith.constant 0 : index
      %get3A_2022 = tpu.vector_load %arg10[%get3A_2020, %get3A_2021] {strides = array<i32>} : memref<32x16xf32, #tpu.memory_space<vmem>>, vector<16xf32>,
      %mul3A_2023 = arith.mulf %get3A_2018, %get3A_2022 : vector<16xf32>
      %add3A_2024 = arith.addf %add3A_2014, %mul3A_2023 : vector<16xf32>
      %get3A_2025 = arith.constant 14 : i32
      %get3A_2026 = arith.index_cast %get3A_2025 : i32 to index
      %get3A_2027 = arith.constant 0 : index
      %get3A_2028 = tpu.vector_load %arg9[%get3A_2026, %get3A_2027] {strides = array<i32>} : memref<32x16xf32, #tpu.memory_space<vmem>>, vector<16xf32>,
      %get3A_2029 = arith.constant 14 : i32
      %get3A_2030 = arith.index_cast %get3A_2029 : i32 to index
      %get3A_2031 = arith.constant 0 : index
      %get3A_2032 = tpu.vector_load %arg10[%get3A_2030, %get3A_2031] {strides = array<i32>} : memref<32x16xf32, #tpu.memory_space<vmem>>, vector<16xf32>,
      %mul3A_2033 = arith.mulf %get3A_2028, %get3A_2032 : vector<16xf32>
      %add3A_2034 = arith.addf %add3A_2024, %mul3A_2033 : vector<16xf32>
      %get3A_2035 = arith.constant 15 : i32
      %get3A_2036 = arith.index_cast %get3A_2035 : i32 to index
      %get3A_2037 = arith.constant 0 : index
      %get3A_2038 = tpu.vector_load %arg9[%get3A_2036, %get3A_2037] {strides = array<i32>} : memref<32x16xf32, #tpu.memory_space<vmem>>, vector<16xf32>,
      %get3A_2039 = arith.constant 15 : i32
      %get3A_2040 = arith.index_cast %get3A_2039 : i32 to index
      %get3A_2041 = arith.constant 0 : index
      %get3A_2042 = tpu.vector_load %arg10[%get3A_2040, %get3A_2041] {strides = array<i32>} : memref<32x16xf32, #tpu.memory_space<vmem>>, vector<16xf32>,
      %mul3A_2043 = arith.mulf %get3A_2038, %get3A_2042 : vector<16xf32>
      %add3A_2044 = arith.addf %add3A_2034, %mul3A_2043 : vector<16xf32>
      %get3A_2045 = arith.constant 16 : i32
      %get3A_2046 = arith.index_cast %get3A_2045 : i32 to index
      %get3A_2047 = arith.constant 0 : index
      %get3A_2048 = tpu.vector_load %arg9[%get3A_2046, %get3A_2047] {strides = array<i32>} : memref<32x16xf32, #tpu.memory_space<vmem>>, vector<16xf32>,
      %get3A_2049 = arith.constant 16 : i32
      %get3A_2050 = arith.index_cast %get3A_2049 : i32 to index
      %get3A_2051 = arith.constant 0 : index
      %get3A_2052 = tpu.vector_load %arg10[%get3A_2050, %get3A_2051] {strides = array<i32>} : memref<32x16xf32, #tpu.memory_space<vmem>>, vector<16xf32>,
      %mul3A_2053 = arith.mulf %get3A_2048, %get3A_2052 : vector<16xf32>
      %add3A_2054 = arith.addf %add3A_2044, %mul3A_2053 : vector<16xf32>
      %get3A_2055 = arith.constant 17 : i32
      %get3A_2056 = arith.index_cast %get3A_2055 : i32 to index
      %get3A_2057 = arith.constant 0 : index
      %get3A_2058 = tpu.vector_load %arg9[%get3A_2056, %get3A_2057] {strides = array<i32>} : memref<32x16xf32, #tpu.memory_space<vmem>>, vector<16xf32>,
      %get3A_2059 = arith.constant 17 : i32
      %get3A_2060 = arith.index_cast %get3A_2059 : i32 to index
      %get3A_2061 = arith.constant 0 : index
      %get3A_2062 = tpu.vector_load %arg10[%get3A_2060, %get3A_2061] {strides = array<i32>} : memref<32x16xf32, #tpu.memory_space<vmem>>, vector<16xf32>,
      %mul3A_2063 = arith.mulf %get3A_2058, %get3A_2062 : vector<16xf32>
      %add3A_2064 = arith.addf %add3A_2054, %mul3A_2063 : vector<16xf32>
      %get3A_2065 = arith.constant 18 : i32
      %get3A_2066 = arith.index_cast %get3A_2065 : i32 to index
      %get3A_2067 = arith.constant 0 : index
      %get3A_2068 = tpu.vector_load %arg9[%get3A_2066, %get3A_2067] {strides = array<i32>} : memref<32x16xf32, #tpu.memory_space<vmem>>, vector<16xf32>,
      %get3A_2069 = arith.constant 18 : i32
      %get3A_2070 = arith.index_cast %get3A_2069 : i32 to index
      %get3A_2071 = arith.constant 0 : index
      %get3A_2072 = tpu.vector_load %arg10[%get3A_2070, %get3A_2071] {strides = array<i32>} : memref<32x16xf32, #tpu.memory_space<vmem>>, vector<16xf32>,
      %mul3A_2073 = arith.mulf %get3A_2068, %get3A_2072 : vector<16xf32>
      %add3A_2074 = arith.addf %add3A_2064, %mul3A_2073 : vector<16xf32>
      %get3A_2075 = arith.constant 19 : i32
      %get3A_2076 = arith.index_cast %get3A_2075 : i32 to index
      %get3A_2077 = arith.constant 0 : index
      %get3A_2078 = tpu.vector_load %arg9[%get3A_2076, %get3A_2077] {strides = array<i32>} : memref<32x16xf32, #tpu.memory_space<vmem>>, vector<16xf32>,
      %get3A_2079 = arith.constant 19 : i32
      %get3A_2080 = arith.index_cast %get3A_2079 : i32 to index
      %get3A_2081 = arith.constant 0 : index
      %get3A_2082 = tpu.vector_load %arg10[%get3A_2080, %get3A_2081] {strides = array<i32>} : memref<32x16xf32, #tpu.memory_space<vmem>>, vector<16xf32>,
      %mul3A_2083 = arith.mulf %get3A_2078, %get3A_2082 : vector<16xf32>
      %add3A_2084 = arith.addf %add3A_2074, %mul3A_2083 : vector<16xf32>
      %get3A_2085 = arith.constant 20 : i32
      %get3A_2086 = arith.index_cast %get3A_2085 : i32 to index
      %get3A_2087 = arith.constant 0 : index
      %get3A_2088 = tpu.vector_load %arg9[%get3A_2086, %get3A_2087] {strides = array<i32>} : memref<32x16xf32, #tpu.memory_space<vmem>>, vector<16xf32>,
      %get3A_2089 = arith.constant 20 : i32
      %get3A_2090 = arith.index_cast %get3A_2089 : i32 to index
      %get3A_2091 = arith.constant 0 : index
      %get3A_2092 = tpu.vector_load %arg10[%get3A_2090, %get3A_2091] {strides = array<i32>} : memref<32x16xf32, #tpu.memory_space<vmem>>, vector<16xf32>,
      %mul3A_2093 = arith.mulf %get3A_2088, %get3A_2092 : vector<16xf32>
      %add3A_2094 = arith.addf %add3A_2084, %mul3A_2093 : vector<16xf32>
      %get3A_2095 = arith.constant 21 : i32
      %get3A_2096 = arith.index_cast %get3A_2095 : i32 to index
      %get3A_2097 = arith.constant 0 : index
      %get3A_2098 = tpu.vector_load %arg9[%get3A_2096, %get3A_2097] {strides = array<i32>} : memref<32x16xf32, #tpu.memory_space<vmem>>, vector<16xf32>,
      %get3A_2099 = arith.constant 21 : i32
      %get3A_2100 = arith.index_cast %get3A_2099 : i32 to index
      %get3A_2101 = arith.constant 0 : index
      %get3A_2102 = tpu.vector_load %arg10[%get3A_2100, %get3A_2101] {strides = array<i32>} : memref<32x16xf32, #tpu.memory_space<vmem>>, vector<16xf32>,
      %mul3A_2103 = arith.mulf %get3A_2098, %get3A_2102 : vector<16xf32>
      %add3A_2104 = arith.addf %add3A_2094, %mul3A_2103 : vector<16xf32>
      %get3A_2105 = arith.constant 22 : i32
      %get3A_2106 = arith.index_cast %get3A_2105 : i32 to index
      %get3A_2107 = arith.constant 0 : index
      %get3A_2108 = tpu.vector_load %arg9[%get3A_2106, %get3A_2107] {strides = array<i32>} : memref<32x16xf32, #tpu.memory_space<vmem>>, vector<16xf32>,
      %get3A_2109 = arith.constant 22 : i32
      %get3A_2110 = arith.index_cast %get3A_2109 : i32 to index
      %get3A_2111 = arith.constant 0 : index
      %get3A_2112 = tpu.vector_load %arg10[%get3A_2110, %get3A_2111] {strides = array<i32>} : memref<32x16xf32, #tpu.memory_space<vmem>>, vector<16xf32>,
      %mul3A_2113 = arith.mulf %get3A_2108, %get3A_2112 : vector<16xf32>
      %add3A_2114 = arith.addf %add3A_2104, %mul3A_2113 : vector<16xf32>
      %get3A_2115 = arith.constant 23 : i32
      %get3A_2116 = arith.index_cast %get3A_2115 : i32 to index
      %get3A_2117 = arith.constant 0 : index
      %get3A_2118 = tpu.vector_load %arg9[%get3A_2116, %get3A_2117] {strides = array<i32>} : memref<32x16xf32, #tpu.memory_space<vmem>>, vector<16xf32>,
      %get3A_2119 = arith.constant 23 : i32
      %get3A_2120 = arith.index_cast %get3A_2119 : i32 to index
      %get3A_2121 = arith.constant 0 : index
      %get3A_2122 = tpu.vector_load %arg10[%get3A_2120, %get3A_2121] {strides = array<i32>} : memref<32x16xf32, #tpu.memory_space<vmem>>, vector<16xf32>,
      %mul3A_2123 = arith.mulf %get3A_2118, %get3A_2122 : vector<16xf32>
      %add3A_2124 = arith.addf %add3A_2114, %mul3A_2123 : vector<16xf32>
      %get3A_2125 = arith.constant 24 : i32
      %get3A_2126 = arith.index_cast %get3A_2125 : i32 to index
      %get3A_2127 = arith.constant 0 : index
      %get3A_2128 = tpu.vector_load %arg9[%get3A_2126, %get3A_2127] {strides = array<i32>} : memref<32x16xf32, #tpu.memory_space<vmem>>, vector<16xf32>,
      %get3A_2129 = arith.constant 24 : i32
      %get3A_2130 = arith.index_cast %get3A_2129 : i32 to index
      %get3A_2131 = arith.constant 0 : index
      %get3A_2132 = tpu.vector_load %arg10[%get3A_2130, %get3A_2131] {strides = array<i32>} : memref<32x16xf32, #tpu.memory_space<vmem>>, vector<16xf32>,
      %mul3A_2133 = arith.mulf %get3A_2128, %get3A_2132 : vector<16xf32>
      %add3A_2134 = arith.addf %add3A_2124, %mul3A_2133 : vector<16xf32>
      %get3A_2135 = arith.constant 25 : i32
      %get3A_2136 = arith.index_cast %get3A_2135 : i32 to index
      %get3A_2137 = arith.constant 0 : index
      %get3A_2138 = tpu.vector_load %arg9[%get3A_2136, %get3A_2137] {strides = array<i32>} : memref<32x16xf32, #tpu.memory_space<vmem>>, vector<16xf32>,
      %get3A_2139 = arith.constant 25 : i32
      %get3A_2140 = arith.index_cast %get3A_2139 : i32 to index
      %get3A_2141 = arith.constant 0 : index
      %get3A_2142 = tpu.vector_load %arg10[%get3A_2140, %get3A_2141] {strides = array<i32>} : memref<32x16xf32, #tpu.memory_space<vmem>>, vector<16xf32>,
      %mul3A_2143 = arith.mulf %get3A_2138, %get3A_2142 : vector<16xf32>
      %add3A_2144 = arith.addf %add3A_2134, %mul3A_2143 : vector<16xf32>
      %get3A_2145 = arith.constant 26 : i32
      %get3A_2146 = arith.index_cast %get3A_2145 : i32 to index
      %get3A_2147 = arith.constant 0 : index
      %get3A_2148 = tpu.vector_load %arg9[%get3A_2146, %get3A_2147] {strides = array<i32>} : memref<32x16xf32, #tpu.memory_space<vmem>>, vector<16xf32>,
      %get3A_2149 = arith.constant 26 : i32
      %get3A_2150 = arith.index_cast %get3A_2149 : i32 to index
      %get3A_2151 = arith.constant 0 : index
      %get3A_2152 = tpu.vector_load %arg10[%get3A_2150, %get3A_2151] {strides = array<i32>} : memref<32x16xf32, #tpu.memory_space<vmem>>, vector<16xf32>,
      %mul3A_2153 = arith.mulf %get3A_2148, %get3A_2152 : vector<16xf32>
      %add3A_2154 = arith.addf %add3A_2144, %mul3A_2153 : vector<16xf32>
      %get3A_2155 = arith.constant 27 : i32
      %get3A_2156 = arith.index_cast %get3A_2155 : i32 to index
      %get3A_2157 = arith.constant 0 : index
      %get3A_2158 = tpu.vector_load %arg9[%get3A_2156, %get3A_2157] {strides = array<i32>} : memref<32x16xf32, #tpu.memory_space<vmem>>, vector<16xf32>,
      %get3A_2159 = arith.constant 27 : i32
      %get3A_2160 = arith.index_cast %get3A_2159 : i32 to index
      %get3A_2161 = arith.constant 0 : index
      %get3A_2162 = tpu.vector_load %arg10[%get3A_2160, %get3A_2161] {strides = array<i32>} : memref<32x16xf32, #tpu.memory_space<vmem>>, vector<16xf32>,
      %mul3A_2163 = arith.mulf %get3A_2158, %get3A_2162 : vector<16xf32>
      %add3A_2164 = arith.addf %add3A_2154, %mul3A_2163 : vector<16xf32>
      %get3A_2165 = arith.constant 28 : i32
      %get3A_2166 = arith.index_cast %get3A_2165 : i32 to index
      %get3A_2167 = arith.constant 0 : index
      %get3A_2168 = tpu.vector_load %arg9[%get3A_2166, %get3A_2167] {strides = array<i32>} : memref<32x16xf32, #tpu.memory_space<vmem>>, vector<16xf32>,
      %get3A_2169 = arith.constant 28 : i32
      %get3A_2170 = arith.index_cast %get3A_2169 : i32 to index
      %get3A_2171 = arith.constant 0 : index
      %get3A_2172 = tpu.vector_load %arg10[%get3A_2170, %get3A_2171] {strides = array<i32>} : memref<32x16xf32, #tpu.memory_space<vmem>>, vector<16xf32>,
      %mul3A_2173 = arith.mulf %get3A_2168, %get3A_2172 : vector<16xf32>
      %add3A_2174 = arith.addf %add3A_2164, %mul3A_2173 : vector<16xf32>
      %get3A_2175 = arith.constant 29 : i32
      %get3A_2176 = arith.index_cast %get3A_2175 : i32 to index
      %get3A_2177 = arith.constant 0 : index
      %get3A_2178 = tpu.vector_load %arg9[%get3A_2176, %get3A_2177] {strides = array<i32>} : memref<32x16xf32, #tpu.memory_space<vmem>>, vector<16xf32>,
      %get3A_2179 = arith.constant 29 : i32
      %get3A_2180 = arith.index_cast %get3A_2179 : i32 to index
      %get3A_2181 = arith.constant 0 : index
      %get3A_2182 = tpu.vector_load %arg10[%get3A_2180, %get3A_2181] {strides = array<i32>} : memref<32x16xf32, #tpu.memory_space<vmem>>, vector<16xf32>,
      %mul3A_2183 = arith.mulf %get3A_2178, %get3A_2182 : vector<16xf32>
      %add3A_2184 = arith.addf %add3A_2174, %mul3A_2183 : vector<16xf32>
      %get3A_2185 = arith.constant 30 : i32
      %get3A_2186 = arith.index_cast %get3A_2185 : i32 to index
      %get3A_2187 = arith.constant 0 : index
      %get3A_2188 = tpu.vector_load %arg9[%get3A_2186, %get3A_2187] {strides = array<i32>} : memref<32x16xf32, #tpu.memory_space<vmem>>, vector<16xf32>,
      %get3A_2189 = arith.constant 30 : i32
      %get3A_2190 = arith.index_cast %get3A_2189 : i32 to index
      %get3A_2191 = arith.constant 0 : index
      %get3A_2192 = tpu.vector_load %arg10[%get3A_2190, %get3A_2191] {strides = array<i32>} : memref<32x16xf32, #tpu.memory_space<vmem>>, vector<16xf32>,
      %mul3A_2193 = arith.mulf %get3A_2188, %get3A_2192 : vector<16xf32>
      %add3A_2194 = arith.addf %add3A_2184, %mul3A_2193 : vector<16xf32>
      %get3A_2195 = arith.constant 31 : i32
      %get3A_2196 = arith.index_cast %get3A_2195 : i32 to index
      %get3A_2197 = arith.constant 0 : index
      %get3A_2198 = tpu.vector_load %arg9[%get3A_2196, %get3A_2197] {strides = array<i32>} : memref<32x16xf32, #tpu.memory_space<vmem>>, vector<16xf32>,
      %get3A_2199 = arith.constant 31 : i32
      %get3A_2200 = arith.index_cast %get3A_2199 : i32 to index
      %get3A_2201 = arith.constant 0 : index
      %get3A_2202 = tpu.vector_load %arg10[%get3A_2200, %get3A_2201] {strides = array<i32>} : memref<32x16xf32, #tpu.memory_space<vmem>>, vector<16xf32>,
      %mul3A_2203 = arith.mulf %get3A_2198, %get3A_2202 : vector<16xf32>
      %add3A_2204 = arith.addf %add3A_2194, %mul3A_2203 : vector<16xf32>
      %mul3A_2205 = arith.constant 16 : i32
      %mul3A_2206 = arith.muli %scan3A_554, %mul3A_2205 : i32
      %multiple_of3A_2207 = tpu.assume_multiple %mul3A_2206, 16 : i32
      %swap3A = arith.index_cast %multiple_of3A_2207 : i32 to index
      %swap3A_2208 = tpu.vector_load %arg11[%swap3A] {strides = array<i32>} : memref<512xf32, #tpu.memory_space<vmem>>, vector<16xf32>,
      tpu.vector_store %arg11[%swap3A], %add3A_2204 {strides = array<i32>} : memref<512xf32, #tpu.memory_space<vmem>>, vector<16xf32>,
      %scan3A_2209 = arith.constant 0 : i32
      scf.yield %scan3A_2209 : i32
    }
    %scan3A_314 = arith.constant 32 : i32
    %dma_wait3A = arith.constant 0 : i32
    %dma_wait3A_315 = arith.constant 0 : i32
    %dma_wait3A_316 = arith.constant 0 : i32
    %dma_wait3A_317 = tpu.memref_slice %arg7[%dma_wait3A, %dma_wait3A_315, %dma_wait3A_316] : memref<8x32x128xf32, #tpu.memory_space<vmem>> -> memref<1x32x128xf32, #tpu.memory_space<vmem>>
    %dma_wait3A_318 = tpu.memref_squeeze %dma_wait3A_317 : memref<1x32x128xf32, #tpu.memory_space<vmem>> -> memref<32x128xf32, #tpu.memory_space<vmem>>
    %dma_wait3A_319 = arith.constant 0 : i32
    %dma_wait3A_320 = arith.constant 0 : i32
    %dma_wait3A_321 = tpu.memref_slice %arg2[%dma_wait3A_319, %dma_wait3A_320] : memref<32x1000000xf32, #tpu.memory_space<hbm>> -> memref<32x128xf32, #tpu.memory_space<hbm>>
    %dma_wait3A_322 = arith.constant 0 : i32
    %dma_wait3A_323 = arith.constant 0 : i32
    %dma_wait3A_324 = tpu.memref_slice %arg7[%dma_wait3A, %dma_wait3A_322, %dma_wait3A_323] : memref<8x32x128xf32, #tpu.memory_space<vmem>> -> memref<1x32x128xf32, #tpu.memory_space<vmem>>
    %dma_wait3A_325 = tpu.memref_squeeze %dma_wait3A_324 : memref<1x32x128xf32, #tpu.memory_space<vmem>> -> memref<32x128xf32, #tpu.memory_space<vmem>>
    %dma_wait3A_326 = arith.constant 0 : i32
    %dma_wait3A_327 = arith.constant 0 : i32
    %dma_wait3A_328 = tpu.memref_slice %arg2[%dma_wait3A_326, %dma_wait3A_327] : memref<32x1000000xf32, #tpu.memory_space<hbm>> -> memref<32x128xf32, #tpu.memory_space<hbm>>
    tpu.wait_dma2 semaphore(%arg12 : memref<!tpu.dma_semaphore, #tpu.memory_space<semaphore_mem>>) src(%dma_wait3A_328 : memref<32x128xf32, #tpu.memory_space<hbm>>) dst(%dma_wait3A_325 : memref<32x128xf32, #tpu.memory_space<vmem>>)
    %dma_wait3A_329 = arith.constant 0 : i32
    %dma_wait3A_330 = arith.constant 0 : i32
    %dma_wait3A_331 = arith.constant 0 : i32
    %dma_wait3A_332 = tpu.memref_slice %arg8[%dma_wait3A_329, %dma_wait3A_330, %dma_wait3A_331] : memref<8x32x128xf32, #tpu.memory_space<vmem>> -> memref<1x32x128xf32, #tpu.memory_space<vmem>>
    %dma_wait3A_333 = tpu.memref_squeeze %dma_wait3A_332 : memref<1x32x128xf32, #tpu.memory_space<vmem>> -> memref<32x128xf32, #tpu.memory_space<vmem>>
    %dma_wait3A_334 = arith.constant 0 : i32
    %dma_wait3A_335 = arith.constant 0 : i32
    %dma_wait3A_336 = tpu.memref_slice %arg3[%dma_wait3A_334, %dma_wait3A_335] : memref<32x1000000xf32, #tpu.memory_space<hbm>> -> memref<32x128xf32, #tpu.memory_space<hbm>>
    %dma_wait3A_337 = arith.constant 0 : i32
    %dma_wait3A_338 = arith.constant 0 : i32
    %dma_wait3A_339 = tpu.memref_slice %arg8[%dma_wait3A_329, %dma_wait3A_337, %dma_wait3A_338] : memref<8x32x128xf32, #tpu.memory_space<vmem>> -> memref<1x32x128xf32, #tpu.memory_space<vmem>>
    %dma_wait3A_340 = tpu.memref_squeeze %dma_wait3A_339 : memref<1x32x128xf32, #tpu.memory_space<vmem>> -> memref<32x128xf32, #tpu.memory_space<vmem>>
    %dma_wait3A_341 = arith.constant 0 : i32
    %dma_wait3A_342 = arith.constant 0 : i32
    %dma_wait3A_343 = tpu.memref_slice %arg3[%dma_wait3A_341, %dma_wait3A_342] : memref<32x1000000xf32, #tpu.memory_space<hbm>> -> memref<32x128xf32, #tpu.memory_space<hbm>>
    tpu.wait_dma2 semaphore(%arg13 : memref<!tpu.dma_semaphore, #tpu.memory_space<semaphore_mem>>) src(%dma_wait3A_343 : memref<32x128xf32, #tpu.memory_space<hbm>>) dst(%dma_wait3A_340 : memref<32x128xf32, #tpu.memory_space<vmem>>)
    %dma_wait3A_344 = arith.constant 1 : i32
    %dma_wait3A_345 = arith.constant 0 : i32
    %dma_wait3A_346 = arith.constant 0 : i32
    %dma_wait3A_347 = tpu.memref_slice %arg7[%dma_wait3A_344, %dma_wait3A_345, %dma_wait3A_346] : memref<8x32x128xf32, #tpu.memory_space<vmem>> -> memref<1x32x128xf32, #tpu.memory_space<vmem>>
    %dma_wait3A_348 = tpu.memref_squeeze %dma_wait3A_347 : memref<1x32x128xf32, #tpu.memory_space<vmem>> -> memref<32x128xf32, #tpu.memory_space<vmem>>
    %dma_wait3A_349 = arith.constant 0 : i32
    %dma_wait3A_350 = arith.constant 0 : i32
    %dma_wait3A_351 = tpu.memref_slice %arg2[%dma_wait3A_349, %dma_wait3A_350] : memref<32x1000000xf32, #tpu.memory_space<hbm>> -> memref<32x128xf32, #tpu.memory_space<hbm>>
    %dma_wait3A_352 = arith.constant 0 : i32
    %dma_wait3A_353 = arith.constant 0 : i32
    %dma_wait3A_354 = tpu.memref_slice %arg7[%dma_wait3A_344, %dma_wait3A_352, %dma_wait3A_353] : memref<8x32x128xf32, #tpu.memory_space<vmem>> -> memref<1x32x128xf32, #tpu.memory_space<vmem>>
    %dma_wait3A_355 = tpu.memref_squeeze %dma_wait3A_354 : memref<1x32x128xf32, #tpu.memory_space<vmem>> -> memref<32x128xf32, #tpu.memory_space<vmem>>
    %dma_wait3A_356 = arith.constant 0 : i32
    %dma_wait3A_357 = arith.constant 0 : i32
    %dma_wait3A_358 = tpu.memref_slice %arg2[%dma_wait3A_356, %dma_wait3A_357] : memref<32x1000000xf32, #tpu.memory_space<hbm>> -> memref<32x128xf32, #tpu.memory_space<hbm>>
    tpu.wait_dma2 semaphore(%arg12 : memref<!tpu.dma_semaphore, #tpu.memory_space<semaphore_mem>>) src(%dma_wait3A_358 : memref<32x128xf32, #tpu.memory_space<hbm>>) dst(%dma_wait3A_355 : memref<32x128xf32, #tpu.memory_space<vmem>>)
    %dma_wait3A_359 = arith.constant 1 : i32
    %dma_wait3A_360 = arith.constant 0 : i32
    %dma_wait3A_361 = arith.constant 0 : i32
    %dma_wait3A_362 = tpu.memref_slice %arg8[%dma_wait3A_359, %dma_wait3A_360, %dma_wait3A_361] : memref<8x32x128xf32, #tpu.memory_space<vmem>> -> memref<1x32x128xf32, #tpu.memory_space<vmem>>
    %dma_wait3A_363 = tpu.memref_squeeze %dma_wait3A_362 : memref<1x32x128xf32, #tpu.memory_space<vmem>> -> memref<32x128xf32, #tpu.memory_space<vmem>>
    %dma_wait3A_364 = arith.constant 0 : i32
    %dma_wait3A_365 = arith.constant 0 : i32
    %dma_wait3A_366 = tpu.memref_slice %arg3[%dma_wait3A_364, %dma_wait3A_365] : memref<32x1000000xf32, #tpu.memory_space<hbm>> -> memref<32x128xf32, #tpu.memory_space<hbm>>
    %dma_wait3A_367 = arith.constant 0 : i32
    %dma_wait3A_368 = arith.constant 0 : i32
    %dma_wait3A_369 = tpu.memref_slice %arg8[%dma_wait3A_359, %dma_wait3A_367, %dma_wait3A_368] : memref<8x32x128xf32, #tpu.memory_space<vmem>> -> memref<1x32x128xf32, #tpu.memory_space<vmem>>
    %dma_wait3A_370 = tpu.memref_squeeze %dma_wait3A_369 : memref<1x32x128xf32, #tpu.memory_space<vmem>> -> memref<32x128xf32, #tpu.memory_space<vmem>>
    %dma_wait3A_371 = arith.constant 0 : i32
    %dma_wait3A_372 = arith.constant 0 : i32
    %dma_wait3A_373 = tpu.memref_slice %arg3[%dma_wait3A_371, %dma_wait3A_372] : memref<32x1000000xf32, #tpu.memory_space<hbm>> -> memref<32x128xf32, #tpu.memory_space<hbm>>
    tpu.wait_dma2 semaphore(%arg13 : memref<!tpu.dma_semaphore, #tpu.memory_space<semaphore_mem>>) src(%dma_wait3A_373 : memref<32x128xf32, #tpu.memory_space<hbm>>) dst(%dma_wait3A_370 : memref<32x128xf32, #tpu.memory_space<vmem>>)
    %dma_wait3A_374 = arith.constant 2 : i32
    %dma_wait3A_375 = arith.constant 0 : i32
    %dma_wait3A_376 = arith.constant 0 : i32
    %dma_wait3A_377 = tpu.memref_slice %arg7[%dma_wait3A_374, %dma_wait3A_375, %dma_wait3A_376] : memref<8x32x128xf32, #tpu.memory_space<vmem>> -> memref<1x32x128xf32, #tpu.memory_space<vmem>>
    %dma_wait3A_378 = tpu.memref_squeeze %dma_wait3A_377 : memref<1x32x128xf32, #tpu.memory_space<vmem>> -> memref<32x128xf32, #tpu.memory_space<vmem>>
    %dma_wait3A_379 = arith.constant 0 : i32
    %dma_wait3A_380 = arith.constant 0 : i32
    %dma_wait3A_381 = tpu.memref_slice %arg2[%dma_wait3A_379, %dma_wait3A_380] : memref<32x1000000xf32, #tpu.memory_space<hbm>> -> memref<32x128xf32, #tpu.memory_space<hbm>>
    %dma_wait3A_382 = arith.constant 0 : i32
    %dma_wait3A_383 = arith.constant 0 : i32
    %dma_wait3A_384 = tpu.memref_slice %arg7[%dma_wait3A_374, %dma_wait3A_382, %dma_wait3A_383] : memref<8x32x128xf32, #tpu.memory_space<vmem>> -> memref<1x32x128xf32, #tpu.memory_space<vmem>>
    %dma_wait3A_385 = tpu.memref_squeeze %dma_wait3A_384 : memref<1x32x128xf32, #tpu.memory_space<vmem>> -> memref<32x128xf32, #tpu.memory_space<vmem>>
    %dma_wait3A_386 = arith.constant 0 : i32
    %dma_wait3A_387 = arith.constant 0 : i32
    %dma_wait3A_388 = tpu.memref_slice %arg2[%dma_wait3A_386, %dma_wait3A_387] : memref<32x1000000xf32, #tpu.memory_space<hbm>> -> memref<32x128xf32, #tpu.memory_space<hbm>>
    tpu.wait_dma2 semaphore(%arg12 : memref<!tpu.dma_semaphore, #tpu.memory_space<semaphore_mem>>) src(%dma_wait3A_388 : memref<32x128xf32, #tpu.memory_space<hbm>>) dst(%dma_wait3A_385 : memref<32x128xf32, #tpu.memory_space<vmem>>)
    %dma_wait3A_389 = arith.constant 2 : i32
    %dma_wait3A_390 = arith.constant 0 : i32
    %dma_wait3A_391 = arith.constant 0 : i32
    %dma_wait3A_392 = tpu.memref_slice %arg8[%dma_wait3A_389, %dma_wait3A_390, %dma_wait3A_391] : memref<8x32x128xf32, #tpu.memory_space<vmem>> -> memref<1x32x128xf32, #tpu.memory_space<vmem>>
    %dma_wait3A_393 = tpu.memref_squeeze %dma_wait3A_392 : memref<1x32x128xf32, #tpu.memory_space<vmem>> -> memref<32x128xf32, #tpu.memory_space<vmem>>
    %dma_wait3A_394 = arith.constant 0 : i32
    %dma_wait3A_395 = arith.constant 0 : i32
    %dma_wait3A_396 = tpu.memref_slice %arg3[%dma_wait3A_394, %dma_wait3A_395] : memref<32x1000000xf32, #tpu.memory_space<hbm>> -> memref<32x128xf32, #tpu.memory_space<hbm>>
    %dma_wait3A_397 = arith.constant 0 : i32
    %dma_wait3A_398 = arith.constant 0 : i32
    %dma_wait3A_399 = tpu.memref_slice %arg8[%dma_wait3A_389, %dma_wait3A_397, %dma_wait3A_398] : memref<8x32x128xf32, #tpu.memory_space<vmem>> -> memref<1x32x128xf32, #tpu.memory_space<vmem>>
    %dma_wait3A_400 = tpu.memref_squeeze %dma_wait3A_399 : memref<1x32x128xf32, #tpu.memory_space<vmem>> -> memref<32x128xf32, #tpu.memory_space<vmem>>
    %dma_wait3A_401 = arith.constant 0 : i32
    %dma_wait3A_402 = arith.constant 0 : i32
    %dma_wait3A_403 = tpu.memref_slice %arg3[%dma_wait3A_401, %dma_wait3A_402] : memref<32x1000000xf32, #tpu.memory_space<hbm>> -> memref<32x128xf32, #tpu.memory_space<hbm>>
    tpu.wait_dma2 semaphore(%arg13 : memref<!tpu.dma_semaphore, #tpu.memory_space<semaphore_mem>>) src(%dma_wait3A_403 : memref<32x128xf32, #tpu.memory_space<hbm>>) dst(%dma_wait3A_400 : memref<32x128xf32, #tpu.memory_space<vmem>>)
    %dma_wait3A_404 = arith.constant 3 : i32
    %dma_wait3A_405 = arith.constant 0 : i32
    %dma_wait3A_406 = arith.constant 0 : i32
    %dma_wait3A_407 = tpu.memref_slice %arg7[%dma_wait3A_404, %dma_wait3A_405, %dma_wait3A_406] : memref<8x32x128xf32, #tpu.memory_space<vmem>> -> memref<1x32x128xf32, #tpu.memory_space<vmem>>
    %dma_wait3A_408 = tpu.memref_squeeze %dma_wait3A_407 : memref<1x32x128xf32, #tpu.memory_space<vmem>> -> memref<32x128xf32, #tpu.memory_space<vmem>>
    %dma_wait3A_409 = arith.constant 0 : i32
    %dma_wait3A_410 = arith.constant 0 : i32
    %dma_wait3A_411 = tpu.memref_slice %arg2[%dma_wait3A_409, %dma_wait3A_410] : memref<32x1000000xf32, #tpu.memory_space<hbm>> -> memref<32x128xf32, #tpu.memory_space<hbm>>
    %dma_wait3A_412 = arith.constant 0 : i32
    %dma_wait3A_413 = arith.constant 0 : i32
    %dma_wait3A_414 = tpu.memref_slice %arg7[%dma_wait3A_404, %dma_wait3A_412, %dma_wait3A_413] : memref<8x32x128xf32, #tpu.memory_space<vmem>> -> memref<1x32x128xf32, #tpu.memory_space<vmem>>
    %dma_wait3A_415 = tpu.memref_squeeze %dma_wait3A_414 : memref<1x32x128xf32, #tpu.memory_space<vmem>> -> memref<32x128xf32, #tpu.memory_space<vmem>>
    %dma_wait3A_416 = arith.constant 0 : i32
    %dma_wait3A_417 = arith.constant 0 : i32
    %dma_wait3A_418 = tpu.memref_slice %arg2[%dma_wait3A_416, %dma_wait3A_417] : memref<32x1000000xf32, #tpu.memory_space<hbm>> -> memref<32x128xf32, #tpu.memory_space<hbm>>
    tpu.wait_dma2 semaphore(%arg12 : memref<!tpu.dma_semaphore, #tpu.memory_space<semaphore_mem>>) src(%dma_wait3A_418 : memref<32x128xf32, #tpu.memory_space<hbm>>) dst(%dma_wait3A_415 : memref<32x128xf32, #tpu.memory_space<vmem>>)
    %dma_wait3A_419 = arith.constant 3 : i32
    %dma_wait3A_420 = arith.constant 0 : i32
    %dma_wait3A_421 = arith.constant 0 : i32
    %dma_wait3A_422 = tpu.memref_slice %arg8[%dma_wait3A_419, %dma_wait3A_420, %dma_wait3A_421] : memref<8x32x128xf32, #tpu.memory_space<vmem>> -> memref<1x32x128xf32, #tpu.memory_space<vmem>>
    %dma_wait3A_423 = tpu.memref_squeeze %dma_wait3A_422 : memref<1x32x128xf32, #tpu.memory_space<vmem>> -> memref<32x128xf32, #tpu.memory_space<vmem>>
    %dma_wait3A_424 = arith.constant 0 : i32
    %dma_wait3A_425 = arith.constant 0 : i32
    %dma_wait3A_426 = tpu.memref_slice %arg3[%dma_wait3A_424, %dma_wait3A_425] : memref<32x1000000xf32, #tpu.memory_space<hbm>> -> memref<32x128xf32, #tpu.memory_space<hbm>>
    %dma_wait3A_427 = arith.constant 0 : i32
    %dma_wait3A_428 = arith.constant 0 : i32
    %dma_wait3A_429 = tpu.memref_slice %arg8[%dma_wait3A_419, %dma_wait3A_427, %dma_wait3A_428] : memref<8x32x128xf32, #tpu.memory_space<vmem>> -> memref<1x32x128xf32, #tpu.memory_space<vmem>>
    %dma_wait3A_430 = tpu.memref_squeeze %dma_wait3A_429 : memref<1x32x128xf32, #tpu.memory_space<vmem>> -> memref<32x128xf32, #tpu.memory_space<vmem>>
    %dma_wait3A_431 = arith.constant 0 : i32
    %dma_wait3A_432 = arith.constant 0 : i32
    %dma_wait3A_433 = tpu.memref_slice %arg3[%dma_wait3A_431, %dma_wait3A_432] : memref<32x1000000xf32, #tpu.memory_space<hbm>> -> memref<32x128xf32, #tpu.memory_space<hbm>>
    tpu.wait_dma2 semaphore(%arg13 : memref<!tpu.dma_semaphore, #tpu.memory_space<semaphore_mem>>) src(%dma_wait3A_433 : memref<32x128xf32, #tpu.memory_space<hbm>>) dst(%dma_wait3A_430 : memref<32x128xf32, #tpu.memory_space<vmem>>)
    %dma_wait3A_434 = arith.constant 4 : i32
    %dma_wait3A_435 = arith.constant 0 : i32
    %dma_wait3A_436 = arith.constant 0 : i32
    %dma_wait3A_437 = tpu.memref_slice %arg7[%dma_wait3A_434, %dma_wait3A_435, %dma_wait3A_436] : memref<8x32x128xf32, #tpu.memory_space<vmem>> -> memref<1x32x128xf32, #tpu.memory_space<vmem>>
    %dma_wait3A_438 = tpu.memref_squeeze %dma_wait3A_437 : memref<1x32x128xf32, #tpu.memory_space<vmem>> -> memref<32x128xf32, #tpu.memory_space<vmem>>
    %dma_wait3A_439 = arith.constant 0 : i32
    %dma_wait3A_440 = arith.constant 0 : i32
    %dma_wait3A_441 = tpu.memref_slice %arg2[%dma_wait3A_439, %dma_wait3A_440] : memref<32x1000000xf32, #tpu.memory_space<hbm>> -> memref<32x128xf32, #tpu.memory_space<hbm>>
    %dma_wait3A_442 = arith.constant 0 : i32
    %dma_wait3A_443 = arith.constant 0 : i32
    %dma_wait3A_444 = tpu.memref_slice %arg7[%dma_wait3A_434, %dma_wait3A_442, %dma_wait3A_443] : memref<8x32x128xf32, #tpu.memory_space<vmem>> -> memref<1x32x128xf32, #tpu.memory_space<vmem>>
    %dma_wait3A_445 = tpu.memref_squeeze %dma_wait3A_444 : memref<1x32x128xf32, #tpu.memory_space<vmem>> -> memref<32x128xf32, #tpu.memory_space<vmem>>
    %dma_wait3A_446 = arith.constant 0 : i32
    %dma_wait3A_447 = arith.constant 0 : i32
    %dma_wait3A_448 = tpu.memref_slice %arg2[%dma_wait3A_446, %dma_wait3A_447] : memref<32x1000000xf32, #tpu.memory_space<hbm>> -> memref<32x128xf32, #tpu.memory_space<hbm>>
    tpu.wait_dma2 semaphore(%arg12 : memref<!tpu.dma_semaphore, #tpu.memory_space<semaphore_mem>>) src(%dma_wait3A_448 : memref<32x128xf32, #tpu.memory_space<hbm>>) dst(%dma_wait3A_445 : memref<32x128xf32, #tpu.memory_space<vmem>>)
    %dma_wait3A_449 = arith.constant 4 : i32
    %dma_wait3A_450 = arith.constant 0 : i32
    %dma_wait3A_451 = arith.constant 0 : i32
    %dma_wait3A_452 = tpu.memref_slice %arg8[%dma_wait3A_449, %dma_wait3A_450, %dma_wait3A_451] : memref<8x32x128xf32, #tpu.memory_space<vmem>> -> memref<1x32x128xf32, #tpu.memory_space<vmem>>
    %dma_wait3A_453 = tpu.memref_squeeze %dma_wait3A_452 : memref<1x32x128xf32, #tpu.memory_space<vmem>> -> memref<32x128xf32, #tpu.memory_space<vmem>>
    %dma_wait3A_454 = arith.constant 0 : i32
    %dma_wait3A_455 = arith.constant 0 : i32
    %dma_wait3A_456 = tpu.memref_slice %arg3[%dma_wait3A_454, %dma_wait3A_455] : memref<32x1000000xf32, #tpu.memory_space<hbm>> -> memref<32x128xf32, #tpu.memory_space<hbm>>
    %dma_wait3A_457 = arith.constant 0 : i32
    %dma_wait3A_458 = arith.constant 0 : i32
    %dma_wait3A_459 = tpu.memref_slice %arg8[%dma_wait3A_449, %dma_wait3A_457, %dma_wait3A_458] : memref<8x32x128xf32, #tpu.memory_space<vmem>> -> memref<1x32x128xf32, #tpu.memory_space<vmem>>
    %dma_wait3A_460 = tpu.memref_squeeze %dma_wait3A_459 : memref<1x32x128xf32, #tpu.memory_space<vmem>> -> memref<32x128xf32, #tpu.memory_space<vmem>>
    %dma_wait3A_461 = arith.constant 0 : i32
    %dma_wait3A_462 = arith.constant 0 : i32
    %dma_wait3A_463 = tpu.memref_slice %arg3[%dma_wait3A_461, %dma_wait3A_462] : memref<32x1000000xf32, #tpu.memory_space<hbm>> -> memref<32x128xf32, #tpu.memory_space<hbm>>
    tpu.wait_dma2 semaphore(%arg13 : memref<!tpu.dma_semaphore, #tpu.memory_space<semaphore_mem>>) src(%dma_wait3A_463 : memref<32x128xf32, #tpu.memory_space<hbm>>) dst(%dma_wait3A_460 : memref<32x128xf32, #tpu.memory_space<vmem>>)
    %dma_wait3A_464 = arith.constant 5 : i32
    %dma_wait3A_465 = arith.constant 0 : i32
    %dma_wait3A_466 = arith.constant 0 : i32
    %dma_wait3A_467 = tpu.memref_slice %arg7[%dma_wait3A_464, %dma_wait3A_465, %dma_wait3A_466] : memref<8x32x128xf32, #tpu.memory_space<vmem>> -> memref<1x32x128xf32, #tpu.memory_space<vmem>>
    %dma_wait3A_468 = tpu.memref_squeeze %dma_wait3A_467 : memref<1x32x128xf32, #tpu.memory_space<vmem>> -> memref<32x128xf32, #tpu.memory_space<vmem>>
    %dma_wait3A_469 = arith.constant 0 : i32
    %dma_wait3A_470 = arith.constant 0 : i32
    %dma_wait3A_471 = tpu.memref_slice %arg2[%dma_wait3A_469, %dma_wait3A_470] : memref<32x1000000xf32, #tpu.memory_space<hbm>> -> memref<32x128xf32, #tpu.memory_space<hbm>>
    %dma_wait3A_472 = arith.constant 0 : i32
    %dma_wait3A_473 = arith.constant 0 : i32
    %dma_wait3A_474 = tpu.memref_slice %arg7[%dma_wait3A_464, %dma_wait3A_472, %dma_wait3A_473] : memref<8x32x128xf32, #tpu.memory_space<vmem>> -> memref<1x32x128xf32, #tpu.memory_space<vmem>>
    %dma_wait3A_475 = tpu.memref_squeeze %dma_wait3A_474 : memref<1x32x128xf32, #tpu.memory_space<vmem>> -> memref<32x128xf32, #tpu.memory_space<vmem>>
    %dma_wait3A_476 = arith.constant 0 : i32
    %dma_wait3A_477 = arith.constant 0 : i32
    %dma_wait3A_478 = tpu.memref_slice %arg2[%dma_wait3A_476, %dma_wait3A_477] : memref<32x1000000xf32, #tpu.memory_space<hbm>> -> memref<32x128xf32, #tpu.memory_space<hbm>>
    tpu.wait_dma2 semaphore(%arg12 : memref<!tpu.dma_semaphore, #tpu.memory_space<semaphore_mem>>) src(%dma_wait3A_478 : memref<32x128xf32, #tpu.memory_space<hbm>>) dst(%dma_wait3A_475 : memref<32x128xf32, #tpu.memory_space<vmem>>)
    %dma_wait3A_479 = arith.constant 5 : i32
    %dma_wait3A_480 = arith.constant 0 : i32
    %dma_wait3A_481 = arith.constant 0 : i32
    %dma_wait3A_482 = tpu.memref_slice %arg8[%dma_wait3A_479, %dma_wait3A_480, %dma_wait3A_481] : memref<8x32x128xf32, #tpu.memory_space<vmem>> -> memref<1x32x128xf32, #tpu.memory_space<vmem>>
    %dma_wait3A_483 = tpu.memref_squeeze %dma_wait3A_482 : memref<1x32x128xf32, #tpu.memory_space<vmem>> -> memref<32x128xf32, #tpu.memory_space<vmem>>
    %dma_wait3A_484 = arith.constant 0 : i32
    %dma_wait3A_485 = arith.constant 0 : i32
    %dma_wait3A_486 = tpu.memref_slice %arg3[%dma_wait3A_484, %dma_wait3A_485] : memref<32x1000000xf32, #tpu.memory_space<hbm>> -> memref<32x128xf32, #tpu.memory_space<hbm>>
    %dma_wait3A_487 = arith.constant 0 : i32
    %dma_wait3A_488 = arith.constant 0 : i32
    %dma_wait3A_489 = tpu.memref_slice %arg8[%dma_wait3A_479, %dma_wait3A_487, %dma_wait3A_488] : memref<8x32x128xf32, #tpu.memory_space<vmem>> -> memref<1x32x128xf32, #tpu.memory_space<vmem>>
    %dma_wait3A_490 = tpu.memref_squeeze %dma_wait3A_489 : memref<1x32x128xf32, #tpu.memory_space<vmem>> -> memref<32x128xf32, #tpu.memory_space<vmem>>
    %dma_wait3A_491 = arith.constant 0 : i32
    %dma_wait3A_492 = arith.constant 0 : i32
    %dma_wait3A_493 = tpu.memref_slice %arg3[%dma_wait3A_491, %dma_wait3A_492] : memref<32x1000000xf32, #tpu.memory_space<hbm>> -> memref<32x128xf32, #tpu.memory_space<hbm>>
    tpu.wait_dma2 semaphore(%arg13 : memref<!tpu.dma_semaphore, #tpu.memory_space<semaphore_mem>>) src(%dma_wait3A_493 : memref<32x128xf32, #tpu.memory_space<hbm>>) dst(%dma_wait3A_490 : memref<32x128xf32, #tpu.memory_space<vmem>>)
    %dma_wait3A_494 = arith.constant 6 : i32
    %dma_wait3A_495 = arith.constant 0 : i32
    %dma_wait3A_496 = arith.constant 0 : i32
    %dma_wait3A_497 = tpu.memref_slice %arg7[%dma_wait3A_494, %dma_wait3A_495, %dma_wait3A_496] : memref<8x32x128xf32, #tpu.memory_space<vmem>> -> memref<1x32x128xf32, #tpu.memory_space<vmem>>
    %dma_wait3A_498 = tpu.memref_squeeze %dma_wait3A_497 : memref<1x32x128xf32, #tpu.memory_space<vmem>> -> memref<32x128xf32, #tpu.memory_space<vmem>>
    %dma_wait3A_499 = arith.constant 0 : i32
    %dma_wait3A_500 = arith.constant 0 : i32
    %dma_wait3A_501 = tpu.memref_slice %arg2[%dma_wait3A_499, %dma_wait3A_500] : memref<32x1000000xf32, #tpu.memory_space<hbm>> -> memref<32x128xf32, #tpu.memory_space<hbm>>
    %dma_wait3A_502 = arith.constant 0 : i32
    %dma_wait3A_503 = arith.constant 0 : i32
    %dma_wait3A_504 = tpu.memref_slice %arg7[%dma_wait3A_494, %dma_wait3A_502, %dma_wait3A_503] : memref<8x32x128xf32, #tpu.memory_space<vmem>> -> memref<1x32x128xf32, #tpu.memory_space<vmem>>
    %dma_wait3A_505 = tpu.memref_squeeze %dma_wait3A_504 : memref<1x32x128xf32, #tpu.memory_space<vmem>> -> memref<32x128xf32, #tpu.memory_space<vmem>>
    %dma_wait3A_506 = arith.constant 0 : i32
    %dma_wait3A_507 = arith.constant 0 : i32
    %dma_wait3A_508 = tpu.memref_slice %arg2[%dma_wait3A_506, %dma_wait3A_507] : memref<32x1000000xf32, #tpu.memory_space<hbm>> -> memref<32x128xf32, #tpu.memory_space<hbm>>
    tpu.wait_dma2 semaphore(%arg12 : memref<!tpu.dma_semaphore, #tpu.memory_space<semaphore_mem>>) src(%dma_wait3A_508 : memref<32x128xf32, #tpu.memory_space<hbm>>) dst(%dma_wait3A_505 : memref<32x128xf32, #tpu.memory_space<vmem>>)
    %dma_wait3A_509 = arith.constant 6 : i32
    %dma_wait3A_510 = arith.constant 0 : i32
    %dma_wait3A_511 = arith.constant 0 : i32
    %dma_wait3A_512 = tpu.memref_slice %arg8[%dma_wait3A_509, %dma_wait3A_510, %dma_wait3A_511] : memref<8x32x128xf32, #tpu.memory_space<vmem>> -> memref<1x32x128xf32, #tpu.memory_space<vmem>>
    %dma_wait3A_513 = tpu.memref_squeeze %dma_wait3A_512 : memref<1x32x128xf32, #tpu.memory_space<vmem>> -> memref<32x128xf32, #tpu.memory_space<vmem>>
    %dma_wait3A_514 = arith.constant 0 : i32
    %dma_wait3A_515 = arith.constant 0 : i32
    %dma_wait3A_516 = tpu.memref_slice %arg3[%dma_wait3A_514, %dma_wait3A_515] : memref<32x1000000xf32, #tpu.memory_space<hbm>> -> memref<32x128xf32, #tpu.memory_space<hbm>>
    %dma_wait3A_517 = arith.constant 0 : i32
    %dma_wait3A_518 = arith.constant 0 : i32
    %dma_wait3A_519 = tpu.memref_slice %arg8[%dma_wait3A_509, %dma_wait3A_517, %dma_wait3A_518] : memref<8x32x128xf32, #tpu.memory_space<vmem>> -> memref<1x32x128xf32, #tpu.memory_space<vmem>>
    %dma_wait3A_520 = tpu.memref_squeeze %dma_wait3A_519 : memref<1x32x128xf32, #tpu.memory_space<vmem>> -> memref<32x128xf32, #tpu.memory_space<vmem>>
    %dma_wait3A_521 = arith.constant 0 : i32
    %dma_wait3A_522 = arith.constant 0 : i32
    %dma_wait3A_523 = tpu.memref_slice %arg3[%dma_wait3A_521, %dma_wait3A_522] : memref<32x1000000xf32, #tpu.memory_space<hbm>> -> memref<32x128xf32, #tpu.memory_space<hbm>>
    tpu.wait_dma2 semaphore(%arg13 : memref<!tpu.dma_semaphore, #tpu.memory_space<semaphore_mem>>) src(%dma_wait3A_523 : memref<32x128xf32, #tpu.memory_space<hbm>>) dst(%dma_wait3A_520 : memref<32x128xf32, #tpu.memory_space<vmem>>)
    %dma_wait3A_524 = arith.constant 7 : i32
    %dma_wait3A_525 = arith.constant 0 : i32
    %dma_wait3A_526 = arith.constant 0 : i32
    %dma_wait3A_527 = tpu.memref_slice %arg7[%dma_wait3A_524, %dma_wait3A_525, %dma_wait3A_526] : memref<8x32x128xf32, #tpu.memory_space<vmem>> -> memref<1x32x128xf32, #tpu.memory_space<vmem>>
    %dma_wait3A_528 = tpu.memref_squeeze %dma_wait3A_527 : memref<1x32x128xf32, #tpu.memory_space<vmem>> -> memref<32x128xf32, #tpu.memory_space<vmem>>
    %dma_wait3A_529 = arith.constant 0 : i32
    %dma_wait3A_530 = arith.constant 0 : i32
    %dma_wait3A_531 = tpu.memref_slice %arg2[%dma_wait3A_529, %dma_wait3A_530] : memref<32x1000000xf32, #tpu.memory_space<hbm>> -> memref<32x128xf32, #tpu.memory_space<hbm>>
    %dma_wait3A_532 = arith.constant 0 : i32
    %dma_wait3A_533 = arith.constant 0 : i32
    %dma_wait3A_534 = tpu.memref_slice %arg7[%dma_wait3A_524, %dma_wait3A_532, %dma_wait3A_533] : memref<8x32x128xf32, #tpu.memory_space<vmem>> -> memref<1x32x128xf32, #tpu.memory_space<vmem>>
    %dma_wait3A_535 = tpu.memref_squeeze %dma_wait3A_534 : memref<1x32x128xf32, #tpu.memory_space<vmem>> -> memref<32x128xf32, #tpu.memory_space<vmem>>
    %dma_wait3A_536 = arith.constant 0 : i32
    %dma_wait3A_537 = arith.constant 0 : i32
    %dma_wait3A_538 = tpu.memref_slice %arg2[%dma_wait3A_536, %dma_wait3A_537] : memref<32x1000000xf32, #tpu.memory_space<hbm>> -> memref<32x128xf32, #tpu.memory_space<hbm>>
    tpu.wait_dma2 semaphore(%arg12 : memref<!tpu.dma_semaphore, #tpu.memory_space<semaphore_mem>>) src(%dma_wait3A_538 : memref<32x128xf32, #tpu.memory_space<hbm>>) dst(%dma_wait3A_535 : memref<32x128xf32, #tpu.memory_space<vmem>>)
    %dma_wait3A_539 = arith.constant 7 : i32
    %dma_wait3A_540 = arith.constant 0 : i32
    %dma_wait3A_541 = arith.constant 0 : i32
    %dma_wait3A_542 = tpu.memref_slice %arg8[%dma_wait3A_539, %dma_wait3A_540, %dma_wait3A_541] : memref<8x32x128xf32, #tpu.memory_space<vmem>> -> memref<1x32x128xf32, #tpu.memory_space<vmem>>
    %dma_wait3A_543 = tpu.memref_squeeze %dma_wait3A_542 : memref<1x32x128xf32, #tpu.memory_space<vmem>> -> memref<32x128xf32, #tpu.memory_space<vmem>>
    %dma_wait3A_544 = arith.constant 0 : i32
    %dma_wait3A_545 = arith.constant 0 : i32
    %dma_wait3A_546 = tpu.memref_slice %arg3[%dma_wait3A_544, %dma_wait3A_545] : memref<32x1000000xf32, #tpu.memory_space<hbm>> -> memref<32x128xf32, #tpu.memory_space<hbm>>
    %dma_wait3A_547 = arith.constant 0 : i32
    %dma_wait3A_548 = arith.constant 0 : i32
    %dma_wait3A_549 = tpu.memref_slice %arg8[%dma_wait3A_539, %dma_wait3A_547, %dma_wait3A_548] : memref<8x32x128xf32, #tpu.memory_space<vmem>> -> memref<1x32x128xf32, #tpu.memory_space<vmem>>
    %dma_wait3A_550 = tpu.memref_squeeze %dma_wait3A_549 : memref<1x32x128xf32, #tpu.memory_space<vmem>> -> memref<32x128xf32, #tpu.memory_space<vmem>>
    %dma_wait3A_551 = arith.constant 0 : i32
    %dma_wait3A_552 = arith.constant 0 : i32
    %dma_wait3A_553 = tpu.memref_slice %arg3[%dma_wait3A_551, %dma_wait3A_552] : memref<32x1000000xf32, #tpu.memory_space<hbm>> -> memref<32x128xf32, #tpu.memory_space<hbm>>
    tpu.wait_dma2 semaphore(%arg13 : memref<!tpu.dma_semaphore, #tpu.memory_space<semaphore_mem>>) src(%dma_wait3A_553 : memref<32x128xf32, #tpu.memory_space<hbm>>) dst(%dma_wait3A_550 : memref<32x128xf32, #tpu.memory_space<vmem>>)
    "tpu.region"() ({
      %run_scoped3A = tpu.sem_alloc : memref<!tpu.dma_semaphore, #tpu.memory_space<semaphore_mem>>
      %dma_start3A_554 = tpu.memref_slice %arg5[%mul3A_2] : memref<16384xf32, #tpu.memory_space<hbm>> -> memref<512xf32, #tpu.memory_space<hbm>>
      %dma_start3A_555 = tpu.memref_slice %arg5[%mul3A_2] : memref<16384xf32, #tpu.memory_space<hbm>> -> memref<512xf32, #tpu.memory_space<hbm>>
      tpu.enqueue_dma source(%arg11 : memref<512xf32, #tpu.memory_space<vmem>>) target(%dma_start3A_555 : memref<512xf32, #tpu.memory_space<hbm>>) target_semaphore(%run_scoped3A : memref<!tpu.dma_semaphore, #tpu.memory_space<semaphore_mem>>)
      %dma_wait3A_556 = tpu.memref_slice %arg5[%mul3A_2] : memref<16384xf32, #tpu.memory_space<hbm>> -> memref<512xf32, #tpu.memory_space<hbm>>
      %dma_wait3A_557 = tpu.memref_slice %arg5[%mul3A_2] : memref<16384xf32, #tpu.memory_space<hbm>> -> memref<512xf32, #tpu.memory_space<hbm>>
      tpu.wait_dma2 semaphore(%run_scoped3A : memref<!tpu.dma_semaphore, #tpu.memory_space<semaphore_mem>>) src(%arg11 : memref<512xf32, #tpu.memory_space<vmem>>) dst(%dma_wait3A_557 : memref<512xf32, #tpu.memory_space<hbm>>)
      tpu.yield
    }) : () -> ()
    return
  }
}

</mosaic_0001>

<sc_bundles>
// kernel: _cf_dot.3.cloned.1.call-start
scs
__scs_entry_jumppad:
0x0: {  	(pc) =	sbr.rel $0x88, $3  }
0x1: {  	(tag) =	ssettag $0x0;
	lr =	simm.s32 $0x1  }
0x2: {  	[smem:$0x3F9E] =	sst lr;
	_ =	strace $0xD0000000  }
0x3: {  	_ = 	snop  }
0x4: {  	_ = 	snop  }
0x5: {  	_ = 	snop  }
0x6: {  	_ = 	snop  }
0x7: {  	_ = 	snop  }
__scs_overlays_trampoline_lowered:
0x8: {  	[smem:$0x3FAD] =	sst s0  }
0x9: {  	[smem:$0x3FAE] =	sst s1  }
0xa: {  	[smem:$0x3FAF] =	sst s2  }
0xb: {  	[smem:$0x3FB0] =	sst s3  }
0xc: {  	[smem:$0x3FB1] =	sst s4  }
0xd: {  	[smem:$0x3FB2] =	sst s5  }
0xe: {  	[smem:$0x3FB3] =	sst s6  }
0xf: {  	[smem:$0x3FB4] =	sst s7  }
0x10: {  	[smem:$0x3FB5] =	sst s8  }
0x11: {  	[smem:$0x3FB6] =	sst s9;
	s0 =	simm.s32 @!p0 $0x0  }
0x12: {  	s1 =	sld [smem:$0x3F9C];
	s0 =	simm.s32 @p0 $0x1  }
0x13: {  	[smem:$0x3FB7] =	sst s0;
	s0 =	simm.s32 @!p1 $0x0  }
0x14: {  	s2 =	sld [smem:$0x3F9B];
	s0 =	simm.s32 @p1 $0x1  }
0x15: {  	[smem:$0x3FB8] =	sst s0;
	s0 =	simm.s32 @!p2 $0x0  }
0x16: {  	s3 =	sld [smem:$0x3FDB];
	s0 =	simm.s32 @p2 $0x1  }
0x17: {  	s4 =	simm.s32 $0x1BF5;
	[smem:$0x3FBA] =	sst s0  }
0x18: {  	s0 =	sld [smem:$0x3F9D];
	_ =	swait.ge [sflag:s4], $0x0  }
0x19: {  	s7 =	sld [smem:$0x3F9E]  }
0x1a: {  	s8 =	sadd.s32 $0xFFFFE003, lr  }
0x1b: {  	s9 =	sadd.s32 $0xFFFFFEF7, lr;
	s5 =	simm.s32 $0xFFFFFFFF;
	p2 =	slt.u32 s8, $0xFFFFF086  }
0x1c: {  	p1 =	slt.u32 s9, $0xF7A;
	s5 =	simm.s32 @!p2 $0x0  }
0x1d: {  	s5 =	simm.s32 @p1 $0x1;
	p0 =	seq.s32 s7, s2  }
0x1e: {  	s7 =	smul.u32 @!p0 $0xF7A, s2;
	p2 =	seq.s32 @!p0 s5, $0x0  }
0x1f: {  	s9 =	smul.u32 $0xF7A, s1;
	s8 =	simm.s32 @!p0 $0x1BF5;
	p2 =	por !p2, p0  }
0x20: {  	[sflag:s8] =	ssyncset.s32 @!p0 $0xFFFFF086;
	s6 =	sadd.s32 @!p0 s3, s7;
	s7 =	simm.s32 @!p0 $0x108  }
0x21: {  	s3 =	sadd.s32 s3, s9;
	s6 =	sadd.s32 @!p0 $0x88, s6;
	s7 =	simm.s32 @p2 $0x1082  }
0x22: {  	[simem:s7], [sflag:s8] =	dma.local @!p0 [hbm:s6], $0xF7A  }
0x23: {  	s9 =	sor.u32 $0xD0000000, s2;
	s6 =	simm.s32 $0x108;
	_ =	swait.ge @!p0 [sflag:s8], $0x0  }
0x24: {  	s3 =	sadd.s32 $0x88, s3;
	s6 =	simm.s32 @!p1 $0x1082;
	[sflag:s4] =	ssyncset.s32 $0xFFFFF086  }
0x25: {  	[simem:s6], [sflag:s4] =	dma.local [hbm:s3], $0xF7A  }
0x26: {  	[smem:$0x3F9E] =	sst s1;
	(tag) =	ssettag s2;
	_ =	strace s9  }
0x27: {  	s1 =	sld [smem:$0x3FAE]  }
0x28: {  	s2 =	sld [smem:$0x3FAF]  }
0x29: {  	s4 =	sld [smem:$0x3FB1]  }
0x2a: {  	p0 =	seq.s32 s5, $0x0;
	s5 =	sld [smem:$0x3FB2]  }
0x2b: {  	s6 =	sld [smem:$0x3FB3]  }
0x2c: {  	s7 =	sld [smem:$0x3FB4]  }
0x2d: {  	s3 =	simm.s32 $0x108;
	s8 =	sld [smem:$0x3FB5]  }
0x2e: {  	s3 =	simm.s32 @!p0 $0x1082;
	s9 =	sld [smem:$0x3FB6]  }
0x2f: {  	lr =	sadd.s32 s0, s3;
	s0 =	sld [smem:$0x3FAD]  }
0x30: {  	s3 =	sld [smem:$0x3FB0]  }
0x31: {  	[smem:$0x3FB9] =	sst s10  }
0x32: {  	s10 =	sld [smem:$0x3FB7];
	_ =	sdelay $0x3  }
0x33: {  	p0 =	seq.s32 s10, $0x1;
	s10 =	sld [smem:$0x3FB9];
	_ =	sdelay $0x3  }
0x34: {  	[smem:$0x3FB9] =	sst s10  }
0x35: {  	s10 =	sld [smem:$0x3FB8];
	_ =	sdelay $0x3  }
0x36: {  	p1 =	seq.s32 s10, $0x1;
	s10 =	sld [smem:$0x3FB9];
	_ =	sdelay $0x3  }
0x37: {  	[smem:$0x3FB9] =	sst s10  }
0x38: {  	s10 =	sld [smem:$0x3FBA]  }
0x39: {  	_ = 	snop;
	(pc) =	sbr.ind lr, $3  }
0x3a: {  	_ = 	snop  }
0x3b: {  	_ = 	snop  }
0x3c: {  	p2 =	seq.s32 s10, $0x1;
	s10 =	sld [smem:$0x3FB9]  }
0x3d: {  	_ =	shalt  }
0x3e: {  	_ =	shalt  }
0x3f: {  	_ =	shalt  }
0x40: {  	_ =	shalt  }
0x41: {  	_ =	shalt  }
0x42: {  	_ =	shalt  }
0x43: {  	_ =	shalt  }
0x44: {  	_ =	shalt  }
0x45: {  	_ =	shalt  }
0x46: {  	_ =	shalt  }
0x47: {  	_ =	shalt  }
0x48: {  	_ =	shalt  }
0x49: {  	_ =	shalt  }
0x4a: {  	_ =	shalt  }
0x4b: {  	_ =	shalt  }
0x4c: {  	_ =	shalt  }
0x4d: {  	_ =	shalt  }
0x4e: {  	_ =	shalt  }
0x4f: {  	_ =	shalt  }
0x50: {  	_ =	shalt  }
0x51: {  	_ =	shalt  }
0x52: {  	_ =	shalt  }
0x53: {  	_ =	shalt  }
0x54: {  	_ =	shalt  }
0x55: {  	_ =	shalt  }
0x56: {  	_ =	shalt  }
0x57: {  	_ =	shalt  }
0x58: {  	_ =	shalt  }
0x59: {  	_ =	shalt  }
0x5a: {  	_ =	shalt  }
0x5b: {  	_ =	shalt  }
0x5c: {  	_ =	shalt  }
0x5d: {  	_ =	shalt  }
0x5e: {  	_ =	shalt  }
0x5f: {  	_ =	shalt  }
0x60: {  	_ =	shalt  }
0x61: {  	_ =	shalt  }
0x62: {  	_ =	shalt  }
0x63: {  	_ =	shalt  }
0x64: {  	_ =	shalt  }
0x65: {  	_ =	shalt  }
0x66: {  	_ =	shalt  }
0x67: {  	_ =	shalt  }
0x68: {  	_ =	shalt  }
0x69: {  	_ =	shalt  }
0x6a: {  	_ =	shalt  }
0x6b: {  	_ =	shalt  }
0x6c: {  	_ =	shalt  }
0x6d: {  	_ =	shalt  }
0x6e: {  	_ =	shalt  }
0x6f: {  	_ =	shalt  }
0x70: {  	_ =	shalt  }
0x71: {  	_ =	shalt  }
0x72: {  	_ =	shalt  }
0x73: {  	_ =	shalt  }
0x74: {  	_ =	shalt  }
0x75: {  	_ =	shalt  }
0x76: {  	_ =	shalt  }
0x77: {  	_ =	shalt  }
0x78: {  	_ =	shalt  }
0x79: {  	_ =	shalt  }
0x7a: {  	_ =	shalt  }
0x7b: {  	_ =	shalt  }
0x7c: {  	_ =	shalt  }
0x7d: {  	_ =	shalt  }
0x7e: {  	_ =	shalt  }
0x7f: {  	_ =	shalt  }
0x80: {  	_ =	shalt  }
0x81: {  	_ =	shalt  }
0x82: {  	_ =	shalt  }
0x83: {  	_ =	shalt  }
0x84: {  	_ =	shalt  }
0x85: {  	_ =	shalt  }
0x86: {  	_ =	shalt  }
0x87: {  	_ =	shalt  }
.Lfunc_end0:
.L_simem_size_0:
called_computation_lowered:
.L_overlay_start_0:
0x88: {  	s2 =	sld [smem:$0x3FD9]  }
0x89: {  	s3 =	sld [smem:$0x3FFE];
	_ =	sdelay $0x1  }
0x8a: {  	s1 =	srdreg.scid  }
0x8b: {  	s0 =	sand.u32 $0x1, s1  }
0x8c: {  	s18 =	sshll.u32 s0, $0xA;
	s2 =	sadd.s32 s3, s2  }
0x8d: {  	s2 =	sadd.s32 s2, s18  }
0x8e: {  	[smem:$0x3FC5] =	sst s2  }
0x8f: {  	_ = 	snop  }
0x90: {  	s2 =	sld [smem:$0x3FC9]  }
0x91: {  	s19 =	sld [smem:$0x3FC8]  }
0x92: {  	s4 =	sld [smem:$0x3FC7]  }
0x93: {  	s5 =	sld [smem:$0x3FD0];
	(tm) =	ssettm $0x1  }
0x94: {  	s6 =	sld [smem:$0x3FFB];
	_ =	sdelay $0x3  }
0x95: {  	_ =	strace s6  }
0x96: {  	s6 =	sld [smem:$0x3FFC];
	_ =	sdelay $0x3  }
0x97: {  	_ =	strace s6  }
0x98: {  	s6 =	sld [smem:$0x3FFD];
	_ =	sdelay $0x3  }
0x99: {  	_ =	strace s6  }
0x9a: {  	_ =	strace $0x8FFFFFFF  }
0x9b: {  	s20 =	sld [smem:$0x3FDB];
	_ =	sdelay $0x1  }
0x9c: {  	s7 =	simm.s32 $_scs_section_size  }
0x9d: {  	s8 =	simm.s32 $_size__tile_overlayer_lowered;
	s9 =	simm.s32 $_tile_overlayer_lowered  }
0x9e: {  	s23 =	simm.s32 $0x1BFF;
	s22 =	sshll.u32 s9, $0x1;
	s6 =	sadd.s32 s7, s20  }
0x9f: {  	s10 =	simm.s32 $0x0;
	s21 =	sshll.u32 s8, $0x1;
	s8 =	sadd.s32 s22, s6  }
0xa0: {  	[timem:s10], [sflag:s23] =	dma.local [hbm:s8], s21  }
0xa1: {  	_ =	swait.ge [sflag:s23], s21  }
0xa2: {  	s7 =	ssub.s32 $0x0, s21;
	[sflag:s23] =	ssyncset.done $0x0  }
0xa3: {  	[sflag:s23] =	ssyncadd.s32 s7;
	_ =	sdelay $0x1  }
0xa4: {  	s24 =	simm.s32 $0x1B8B  }
0xa5: {  	_ =	swait.ge [sflag:s24], $0x1  }
0xa6: {  	[sflag:s24] =	ssyncset.done $0x0  }
0xa7: {  	s25 =	simm.s32 $0x1B8E;
	[sflag:s24] =	ssyncadd.s32 $0xFFFFFFFF  }
0xa8: {  	s26 =	simm.s32 $execute0_lowered;
	[smem:$0x3FD2] =	sst s25  }
0xa9: {  	s7 =	sshll.u32 s26, $0x1;
	_ =	strace $0x80000046;
	[dreg:$0x1] =	wrdreg $0xFFFFFFFF  }
0xaa: {  	s28 =	simm.s32 $_size_execute0_lowered;
	s6 =	sadd.s32 s6, s7;
	[dreg:$0x0] =	wrdreg $0x0  }
0xab: {  	s7 =	sshll.u32 s28, $0x1;
	[dreg:$0x2] =	wrdreg s6  }
0xac: {  	[dreg:$0x3] =	wrdreg s7  }
0xad: {  	[dreg:$0x4] =	wrdreg $0xC0  }
0xae: {  	_ =	task [dreg:s10], $0x5FFFF  }
0xaf: {  	[dreg:$0x1] =	wrdreg $0xFFFFFFFF  }
0xb0: {  	[dreg:$0x0] =	wrdreg $0x60  }
0xb1: {  	[dreg:$0x2] =	wrdreg s2  }
0xb2: {  	[dreg:$0x3] =	wrdreg s19  }
0xb3: {  	[dreg:$0x4] =	wrdreg s4  }
0xb4: {  	[dreg:$0x5] =	wrdreg s5  }
0xb5: {  	[dreg:$0x6] =	wrdreg $0x9  }
0xb6: {  	_ =	task.clear_ibuf [dreg:s10], $0x7FFFF;
	_ =	strace $0x90000046  }
0xb7: {  	s29 =	simm.s32 $0x9;
	_ =	strace $0x80000048  }
0xb8: {  	_ =	swait.ge [sflag:s29], $0x1  }
0xb9: {  	[sflag:s29] =	ssyncadd.s32 $0xFFFFFFFF  }
0xba: {  	_ =	strace $0x90000048  }
0xbb: {  	_ =	sfence  }
0xbc: {  	s30 =	sld [smem:$0x0];
	_ =	sdelay $0x2  }
0xbd: {  	s31 =	sshll.u32 s1, $0xD;
	s1 =	sshrl.u32 s1, $0x2  }
0xbe: {  	s3 =	sand.u32 $0x4000, s31;
	s1 =	sadd.s32 s1, s30  }
0xbf: {  	s0 =	sor.u32 s3, s0;
	s1 =	sshll.u32 s1, $0x11  }
0xc0: {  	s0 =	sor.u32 s1, s0  }
0xc1: {  	s0 =	sadd.s32 $0x8F2B, s0  }
0xc2: {  	[sflag:s0] =	ssyncadd.remote.s32 $0x1  }
0xc3: {  	_ =	sfence.sel $0xFFFF  }
0xc4: {  	[dreg:$0x0] =	wrdreg $0xFFFFFFFF;
	(pc) =	sbr.abs _section_cstart, $3  }
0xc5: {  	[dreg:$0x1] =	wrdreg $0xFFFFFFFF  }
0xc6: {  	_ =	task.clear_ibuf [dreg:s10], $0x2FFFF;
	_ =	strace $0x9FFFFFFF  }
0xc7: {  	(tm) =	ssettm $0x7FFFFFFF  }
tec
execute0_lowered:
.L_overlay_start_1:
0x0: {  	(tag) =	ssettag $0x1  }
0x1: {  	s0 =	rddreg [dreg:$0x0];
	v0 =	vlaneseq.u32  }
0x2: {  	s1 =	rddreg [dreg:$0x1];
	v0 =	vmul.u32 $0x80, v0  }
0x3: {  	s2 =	rddreg [dreg:$0x2]  }
0x4: {  	s3 =	rddreg [dreg:$0x3];
	s8 =	simm.s32 $0x0;
	v1 =	vor.u32 $0x800, v0;
	v2 =	vor.u32 $0x1000, v0;
	v3 =	vor.u32 $0x1, v0  }
0x5: {  	s4 =	srdreg.scid;
	s6 =	stileid.u32;
	s9 =	simm.s32 $0x7A1400;
	v4 =	vor.u32 $0x1800, v0;
	v5 =	vor.u32 $0x801, v0;
	v6 =	vor.u32 $0x2000, v0  }
0x6: {  	s10 =	simm.s32 $0x400;
	s11 =	simm.s32 $0x8400;
	s12 =	simm.s32 $0x1400;
	v7 =	vor.u32 $0x2, v0;
	v8 =	vor.u32 $0x2800, v0;
	v9 =	vor.u32 $0x802, v0  }
0x7: {  	s13 =	simm.s32 $0x9400;
	s14 =	simm.s32 $0x2400;
	s15 =	simm.s32 $0xA400;
	v10 =	vor.u32 $0x3000, v0;
	v11 =	vor.u32 $0x3, v0;
	v12 =	vor.u32 $0x3800, v0  }
0x8: {  	s16 =	simm.s32 $0x3400;
	s17 =	simm.s32 $0xB400;
	s18 =	simm.s32 $0x4400;
	v13 =	vor.u32 $0x803, v0;
	v14 =	vor.u32 $0x4000, v0;
	v15 =	vor.u32 $0x4, v0  }
0x9: {  	s19 =	simm.s32 $0xC400;
	s20 =	simm.s32 $0x5400;
	s21 =	simm.s32 $0xD400;
	v16 =	vor.u32 $0x4800, v0;
	v17 =	vor.u32 $0x804, v0;
	v18 =	vor.u32 $0x5000, v0  }
0xa: {  	s22 =	simm.s32 $0x6400;
	s23 =	simm.s32 $0xE400;
	s24 =	simm.s32 $0x7400;
	v19 =	vor.u32 $0x5, v0;
	v20 =	vor.u32 $0x5800, v0;
	v21 =	vor.u32 $0x805, v0  }
0xb: {  	s25 =	simm.s32 $0xF400;
	s28 =	simm.s32 $0x2;
	s4 =	sand.u32 $0x1, s4;
	v22 =	vor.u32 $0x6000, v0;
	v23 =	vor.u32 $0x6, v0;
	v24 =	vor.u32 $0x6800, v0  }
0xc: {  	s6 =	sshll.u32 s6, $0xA;
	s5 =	ssub.s32 $0x2, s4;
	s4 =	sshll.u32 s4, $0x9;
	v25 =	vor.u32 $0x806, v0;
	v26 =	vor.u32 $0x7000, v0;
	v27 =	vor.u32 $0x7, v0  }
0xd: {  	s29 =	simm.s32 $0x10400;
	[smem:$0x7FF] =	sst s8;
	s4 =	sor.u32 s4, s6;
	v28 =	vor.u32 $0x7800, v0;
	v29 =	vor.u32 $0x807, v0;
	v30 =	vor.u32 $0x8, v0  }
0xe: {  	s30 =	simm.s32 $0x11400;
	_ =	strace $0x80000047;
	v31 =	vor.u32 $0x808, v0;
	v32 =	vor.u32 $0x9, v0;
	v33 =	vor.u32 $0x809, v0;
	s6 =	sshrl.u32 s4, $0x2  }
0xf: {  	s7 =	sshrl.u32 s5, $0x1;
	v34 =	vor.u32 $0xA, v0;
	v35 =	vor.u32 $0x80A, v0;
	v36 =	vor.u32 $0xB, v0;
	s4 =	sshrl.u32 s4, $0x3;
	s2 =	sadd.s32 s2, s6  }
0x10: {  	v37 =	vor.u32 $0x80B, v0;
	v38 =	vor.u32 $0xC, v0;
	v39 =	vor.u32 $0x80C, v0;
	s5 =	ssub.s32 s5, s7;
	s26 =	sadd.s32 s3, s4;
	[dreg:$0x5] =	wrdreg s2  }
0x11: {  	v40 =	vor.u32 $0xD, v0;
	v41 =	vor.u32 $0x80D, v0;
	v42 =	vor.u32 $0xE, v0;
	s31 =	smax.u32 s5, $0x1;
	s4 =	simm.s32 $0x3;
	[dreg:$0x6] =	wrdreg s26  }
0x12: {  	v43 =	vor.u32 $0x80E, v0;
	v44 =	vor.u32 $0xF, v0;
	v45 =	vor.u32 $0x80F, v0;
	[dreg:$0x7] =	wrdreg s31;
	s26 =	simm.s32 $0x1;
	s2 =	simm.s32 $0x0  }
.LBB2_1:
0x13: {  	s3 =	rddreg [dreg:$0x5]  }
0x14: {  	[tilespmem:s8], [sflag:$0x3] =	stream.linear.gather [hbm4b:s3+s8], $0x400, $0x38;
	[tilespmem:$0x12600] =	vst v63  }
0x15: {  	_ =	swait.ge [sflag:s4], $0x400  }
0x16: {  	[sflag:s4] =	ssyncset.done $0x0  }
0x17: {  	[sflag:s4] =	ssyncadd.s32 $0xFFFFFC00  }
0x18: {  	v46 =	vld [tilespmem:$0x0]  }
0x19: {  	v47 =	vld [tilespmem:$0x80];
	_ =	sdelay $0x3  }
0x1a: {  	v46 =	vshrl.u32 v46, $0x7  }
0x1b: {  	v47 =	vshrl.u32 v47, $0x7;
	v46 =	vshll.u32 v46, $0x7  }
0x1c: {  	v47 =	vshll.u32 v47, $0x7;
	(v2sf) =	vpush v46, $0x0  }
0x1d: {  	(v2sf) =	vpush v47, $0x0;
	_ =	sdelay $0x5  }
0x1e: {  	(v2sf) =	vpush v46, $0x1;
	_ =	sdelay $0x1  }
0x1f: {  	(v2sf) =	vpush v47, $0x1;
	_ =	sdelay $0x5  }
0x20: {  	s7 =	spop (v2sf);
	(v2sf) =	vpush v46, $0x2  }
0x21: {  	s8 =	spop (v2sf);
	(v2sf) =	vpush v47, $0x2;
	_ =	sdelay $0x4  }
0x22: {  	s3 =	sand.u32 $0x1FFFFF80, s7  }
0x23: {  	s3 =	sadd.s32 s0, s3;
	s4 =	spop (v2sf);
	(v2sf) =	vpush v46, $0x3  }
0x24: {  	[tilespmem:s10], [sflag:$0x1] =	stream.strided.gather [hbm4b:s3+s10], $0x1000, s9, s10, $0x38;
	[tilespmem:$0x12600] =	vst v63  }
0x25: {  	s3 =	sand.u32 $0x1FFFFF80, s8;
	s5 =	spop (v2sf);
	(v2sf) =	vpush v47, $0x3  }
0x26: {  	s3 =	sadd.s32 s1, s3  }
0x27: {  	[tilespmem:s11], [sflag:$0x2] =	stream.strided.gather [hbm4b:s3+s10], $0x1000, s9, s10, $0x38;
	[tilespmem:$0x12600] =	vst v63  }
0x28: {  	s3 =	sand.u32 $0x1FFFFF80, s4  }
0x29: {  	s3 =	sadd.s32 s0, s3  }
0x2a: {  	[tilespmem:s12], [sflag:$0x1] =	stream.strided.gather [hbm4b:s3+s10], $0x1000, s9, s10, $0x38;
	[tilespmem:$0x12600] =	vst v63  }
0x2b: {  	s3 =	sand.u32 $0x1FFFFF80, s5;
	s6 =	spop (v2sf);
	(v2sf) =	vpush v46, $0x4  }
0x2c: {  	s3 =	sadd.s32 s1, s3;
	s7 =	spop (v2sf);
	(v2sf) =	vpush v47, $0x4  }
0x2d: {  	[tilespmem:s13], [sflag:$0x2] =	stream.strided.gather [hbm4b:s3+s10], $0x1000, s9, s10, $0x38;
	[tilespmem:$0x12600] =	vst v63  }
0x2e: {  	s3 =	sand.u32 $0x1FFFFF80, s6;
	(v2sf) =	vpush v46, $0x5  }
0x2f: {  	s3 =	sadd.s32 s0, s3  }
0x30: {  	[tilespmem:s14], [sflag:$0x1] =	stream.strided.gather [hbm4b:s3+s10], $0x1000, s9, s10, $0x38;
	[tilespmem:$0x12600] =	vst v63  }
0x31: {  	s3 =	sand.u32 $0x1FFFFF80, s7  }
0x32: {  	s8 =	spop (v2sf);
	s3 =	sadd.s32 s1, s3  }
0x33: {  	(v2sf) =	vpush v47, $0x5;
	[tilespmem:s15], [sflag:$0x2] =	stream.strided.gather [hbm4b:s3+s10], $0x1000, s9, s10, $0x38;
	[tilespmem:$0x12600] =	vst v63  }
0x34: {  	s4 =	spop (v2sf);
	(v2sf) =	vpush v46, $0x6;
	s3 =	sand.u32 $0x1FFFFF80, s8  }
0x35: {  	s3 =	sadd.s32 s0, s3  }
0x36: {  	[tilespmem:s16], [sflag:$0x1] =	stream.strided.gather [hbm4b:s3+s10], $0x1000, s9, s10, $0x38;
	[tilespmem:$0x12600] =	vst v63  }
0x37: {  	s3 =	sand.u32 $0x1FFFFF80, s4  }
0x38: {  	s3 =	sadd.s32 s1, s3  }
0x39: {  	[tilespmem:s17], [sflag:$0x2] =	stream.strided.gather [hbm4b:s3+s10], $0x1000, s9, s10, $0x38;
	[tilespmem:$0x12600] =	vst v63  }
0x3a: {  	s5 =	spop (v2sf);
	(v2sf) =	vpush v47, $0x6  }
0x3b: {  	s6 =	spop (v2sf);
	(v2sf) =	vpush v46, $0x7  }
0x3c: {  	s3 =	sand.u32 $0x1FFFFF80, s5  }
0x3d: {  	s3 =	sadd.s32 s0, s3;
	s7 =	spop (v2sf)  }
0x3e: {  	(v2sf) =	vpush v47, $0x7;
	[tilespmem:s18], [sflag:$0x1] =	stream.strided.gather [hbm4b:s3+s10], $0x1000, s9, s10, $0x38;
	[tilespmem:$0x12600] =	vst v63  }
0x3f: {  	s3 =	sand.u32 $0x1FFFFF80, s6  }
0x40: {  	s3 =	sadd.s32 s1, s3  }
0x41: {  	[tilespmem:s19], [sflag:$0x2] =	stream.strided.gather [hbm4b:s3+s10], $0x1000, s9, s10, $0x38;
	[tilespmem:$0x12600] =	vst v63  }
0x42: {  	s8 =	spop (v2sf);
	s3 =	sand.u32 $0x1FFFFF80, s7  }
0x43: {  	s5 =	sand.u32 $0x1FFFFF80, s8;
	s6 =	spop (v2sf);
	s3 =	sadd.s32 s0, s3  }
0x44: {  	[tilespmem:s20], [sflag:$0x1] =	stream.strided.gather [hbm4b:s3+s10], $0x1000, s9, s10, $0x38;
	[tilespmem:$0x12600] =	vst v63  }
0x45: {  	s7 =	sand.u32 $0x1FFFFF80, s6;
	s3 =	sadd.s32 s1, s5  }
0x46: {  	[tilespmem:s21], [sflag:$0x2] =	stream.strided.gather [hbm4b:s3+s10], $0x1000, s9, s10, $0x38;
	[tilespmem:$0x12600] =	vst v63  }
0x47: {  	s3 =	sadd.s32 s0, s7  }
0x48: {  	[tilespmem:s22], [sflag:$0x1] =	stream.strided.gather [hbm4b:s3+s10], $0x1000, s9, s10, $0x38;
	[tilespmem:$0x12600] =	vst v63  }
0x49: {  	s8 =	spop (v2sf)  }
0x4a: {  	s5 =	sand.u32 $0x1FFFFF80, s8;
	s6 =	spop (v2sf)  }
0x4b: {  	s3 =	sadd.s32 s1, s5;
	s7 =	sand.u32 $0x1FFFFF80, s6  }
0x4c: {  	[tilespmem:s23], [sflag:$0x2] =	stream.strided.gather [hbm4b:s3+s10], $0x1000, s9, s10, $0x38;
	[tilespmem:$0x12600] =	vst v63  }
0x4d: {  	s8 =	spop (v2sf);
	s3 =	sadd.s32 s0, s7  }
0x4e: {  	[tilespmem:s24], [sflag:$0x1] =	stream.strided.gather [hbm4b:s3+s10], $0x1000, s9, s10, $0x38;
	[tilespmem:$0x12600] =	vst v63  }
0x4f: {  	s3 =	sand.u32 $0x1FFFFF80, s8  }
0x50: {  	s31 =	simm.s32 $0x12400;
	s3 =	sadd.s32 s1, s3  }
0x51: {  	[tilespmem:s25], [sflag:$0x2] =	stream.strided.gather [hbm4b:s3+s10], $0x1000, s9, s10, $0x38;
	[tilespmem:$0x12600] =	vst v63  }
0x52: {  	s4 =	simm.s32 $0x0;
	s5 =	simm.s32 $0x1;
	s3 =	simm.s32 $0x0  }
.LBB2_2:
0x53: {  	s6 =	sand.u32 $0x70, s4;
	s7 =	sand.u32 $0x300, s3;
	s8 =	smin.u32 s5, $0x1F  }
0x54: {  	s6 =	sor.u32 s6, s7;
	s7 =	sshll.u32 s8, $0x4;
	s8 =	sshll.u32 s8, $0x5  }
0x55: {  	v47 =	vld [tilespmem:s6+$0x0];
	s7 =	sand.u32 $0x70, s7;
	s8 =	sand.u32 $0x300, s8  }
0x56: {  	v51 =	vld [tilespmem:s6+$0x80];
	s8 =	sor.u32 s7, s8  }
0x57: {  	v49 =	vld [tilespmem:s8+$0x0]  }
0x58: {  	v48 =	vld [tilespmem:s8+$0x80];
	_ =	swait.ge [sflag:s26], $0x1000  }
0x59: {  	[sflag:s26] =	ssyncset.done $0x0  }
0x5a: {  	[sflag:s26] =	ssyncadd.s32 $0xFFFFF000  }
0x5b: {  	_ =	swait.ge [sflag:s28], $0x1000  }
0x5c: {  	[sflag:s28] =	ssyncset.done $0x0  }
0x5d: {  	[sflag:s28] =	ssyncadd.s32 $0xFFFFF000  }
0x5e: {  	_ =	swait.ge [sflag:s26], $0x1000  }
0x5f: {  	[sflag:s26] =	ssyncset.done $0x0  }
0x60: {  	[sflag:s26] =	ssyncadd.s32 $0xFFFFF000  }
0x61: {  	_ =	swait.ge [sflag:s28], $0x1000  }
0x62: {  	[sflag:s28] =	ssyncset.done $0x0  }
0x63: {  	[sflag:s28] =	ssyncadd.s32 $0xFFFFF000  }
0x64: {  	_ =	swait.ge [sflag:s26], $0x1000  }
0x65: {  	[sflag:s26] =	ssyncset.done $0x0  }
0x66: {  	[sflag:s26] =	ssyncadd.s32 $0xFFFFF000  }
0x67: {  	_ =	swait.ge [sflag:s28], $0x1000  }
0x68: {  	[sflag:s28] =	ssyncset.done $0x0  }
0x69: {  	[sflag:s28] =	ssyncadd.s32 $0xFFFFF000  }
0x6a: {  	_ =	swait.ge [sflag:s26], $0x1000  }
0x6b: {  	[sflag:s26] =	ssyncset.done $0x0  }
0x6c: {  	[sflag:s26] =	ssyncadd.s32 $0xFFFFF000  }
0x6d: {  	_ =	swait.ge [sflag:s28], $0x1000  }
0x6e: {  	[sflag:s28] =	ssyncset.done $0x0  }
0x6f: {  	[sflag:s28] =	ssyncadd.s32 $0xFFFFF000  }
0x70: {  	_ =	swait.ge [sflag:s26], $0x1000  }
0x71: {  	[sflag:s26] =	ssyncset.done $0x0  }
0x72: {  	[sflag:s26] =	ssyncadd.s32 $0xFFFFF000  }
0x73: {  	_ =	swait.ge [sflag:s28], $0x1000  }
0x74: {  	[sflag:s28] =	ssyncset.done $0x0  }
0x75: {  	[sflag:s28] =	ssyncadd.s32 $0xFFFFF000  }
0x76: {  	_ =	swait.ge [sflag:s26], $0x1000  }
0x77: {  	[sflag:s26] =	ssyncset.done $0x0  }
0x78: {  	[sflag:s26] =	ssyncadd.s32 $0xFFFFF000  }
0x79: {  	_ =	swait.ge [sflag:s28], $0x1000  }
0x7a: {  	[sflag:s28] =	ssyncset.done $0x0  }
0x7b: {  	[sflag:s28] =	ssyncadd.s32 $0xFFFFF000  }
0x7c: {  	_ =	swait.ge [sflag:s26], $0x1000  }
0x7d: {  	[sflag:s26] =	ssyncset.done $0x0  }
0x7e: {  	[sflag:s26] =	ssyncadd.s32 $0xFFFFF000  }
0x7f: {  	_ =	swait.ge [sflag:s28], $0x1000  }
0x80: {  	v46 =	vand.u32 $0x7F, v47;
	[sflag:s28] =	ssyncset.done $0x0  }
0x81: {  	v50 =	vbroadcast v46, $0x0;
	[sflag:s28] =	ssyncadd.s32 $0xFFFFF000  }
0x82: {  	_ =	swait.ge [sflag:s26], $0x1000  }
0x83: {  	v52 =	vor.u32 v0, v50;
	[sflag:s26] =	ssyncset.done $0x0  }
0x84: {  	[sflag:s26] =	ssyncadd.s32 $0xFFFFF000  }
0x85: {  	_ =	swait.ge [sflag:s28], $0x1000  }
0x86: {  	[sflag:s28] =	ssyncset.done $0x0  }
0x87: {  	[sflag:s28] =	ssyncadd.s32 $0xFFFFF000  }
0x88: {  	v52 =	vld.idx.msk [tilespmem:v52+s10+$0x0], $0xffff  }
0x89: {  	v53 =	vor.u32 v1, v50;
	_ =	sdelay $0x2  }
0x8a: {  	v61 =	vshrl.u32 v47, $0x7;
	v47 =	vand.u32 $0x7F, v51  }
0x8b: {  	v62 =	vbroadcast v47, $0x0;
	v50 =	vshll.u32 v61, $0x7;
	[tilespmem:v0+s29+$0x0] =	vst.idx.msk $0xffff, v52  }
0x8c: {  	v51 =	vshrl.u32 v51, $0x7;
	(v2sf) =	vpush v50, $0x8;
	v53 =	vld.idx.msk [tilespmem:v53+s10+$0x0], $0xffff  }
0x8d: {  	v51 =	vshll.u32 v51, $0x7;
	v54 =	vor.u32 v0, v62  }
0x8e: {  	(v2sf) =	vpush v51, $0x8;
	_ =	sdelay $0x2  }
0x8f: {  	[tilespmem:v1+s29+$0x0] =	vst.idx.msk $0xffff, v53  }
0x90: {  	v53 =	vld.idx.msk [tilespmem:v54+s11+$0x0], $0xffff  }
0x91: {  	v52 =	vor.u32 v1, v62;
	_ =	sdelay $0x3  }
0x92: {  	[tilespmem:v0+s30+$0x0] =	vst.idx.msk $0xffff, v53  }
0x93: {  	v52 =	vld.idx.msk [tilespmem:v52+s11+$0x0], $0xffff;
	_ =	sdelay $0x2  }
0x94: {  	v63 =	vbroadcast v46, $0x1;
	s7 =	spop (v2sf)  }
0x95: {  	s6 =	sand.u32 $0x1FFFFF80, s7  }
0x96: {  	v56 =	vor.u32 v2, v63;
	s8 =	spop (v2sf);
	s6 =	sadd.s32 s0, s6;
	[tilespmem:v1+s30+$0x0] =	vst.idx.msk $0xffff, v52  }
0x97: {  	[tilespmem:s10], [sflag:$0x1] =	stream.strided.gather [hbm4b:s6+s10], $0x1000, s9, s10, $0x38;
	[tilespmem:$0x12600] =	vst v63  }
0x98: {  	s6 =	sand.u32 $0x1FFFFF80, s8  }
0x99: {  	s6 =	sadd.s32 s1, s6  }
0x9a: {  	[tilespmem:s11], [sflag:$0x2] =	stream.strided.gather [hbm4b:s6+s10], $0x1000, s9, s10, $0x38;
	[tilespmem:$0x12600] =	vst v63  }
0x9b: {  	v52 =	vld.idx.msk [tilespmem:v56+s10+$0x0], $0xffff  }
0x9c: {  	v53 =	vor.u32 v4, v63;
	_ =	sdelay $0x3  }
0x9d: {  	v57 =	vbroadcast v47, $0x1;
	[tilespmem:v3+s29+$0x0] =	vst.idx.msk $0xffff, v52  }
0x9e: {  	(v2sf) =	vpush v50, $0x9;
	v53 =	vld.idx.msk [tilespmem:v53+s10+$0x0], $0xffff  }
0x9f: {  	v58 =	vor.u32 v2, v57  }
0xa0: {  	(v2sf) =	vpush v51, $0x9;
	_ =	sdelay $0x2  }
0xa1: {  	[tilespmem:v5+s29+$0x0] =	vst.idx.msk $0xffff, v53  }
0xa2: {  	v53 =	vld.idx.msk [tilespmem:v58+s11+$0x0], $0xffff  }
0xa3: {  	v52 =	vor.u32 v4, v57;
	_ =	sdelay $0x3  }
0xa4: {  	[tilespmem:v3+s30+$0x0] =	vst.idx.msk $0xffff, v53  }
0xa5: {  	v52 =	vld.idx.msk [tilespmem:v52+s11+$0x0], $0xffff;
	_ =	sdelay $0x2  }
0xa6: {  	v59 =	vbroadcast v46, $0x2;
	s7 =	spop (v2sf)  }
0xa7: {  	s6 =	sand.u32 $0x1FFFFF80, s7  }
0xa8: {  	v60 =	vor.u32 v6, v59;
	s8 =	spop (v2sf);
	s6 =	sadd.s32 s0, s6;
	[tilespmem:v5+s30+$0x0] =	vst.idx.msk $0xffff, v52  }
0xa9: {  	[tilespmem:s12], [sflag:$0x1] =	stream.strided.gather [hbm4b:s6+s10], $0x1000, s9, s10, $0x38;
	[tilespmem:$0x12600] =	vst v63  }
0xaa: {  	s6 =	sand.u32 $0x1FFFFF80, s8  }
0xab: {  	s6 =	sadd.s32 s1, s6  }
0xac: {  	[tilespmem:s13], [sflag:$0x2] =	stream.strided.gather [hbm4b:s6+s10], $0x1000, s9, s10, $0x38;
	[tilespmem:$0x12600] =	vst v63  }
0xad: {  	v52 =	vld.idx.msk [tilespmem:v60+s10+$0x0], $0xffff  }
0xae: {  	v53 =	vor.u32 v8, v59;
	_ =	sdelay $0x3  }
0xaf: {  	v61 =	vbroadcast v47, $0x2;
	[tilespmem:v7+s29+$0x0] =	vst.idx.msk $0xffff, v52  }
0xb0: {  	(v2sf) =	vpush v50, $0xA;
	v53 =	vld.idx.msk [tilespmem:v53+s10+$0x0], $0xffff  }
0xb1: {  	v62 =	vor.u32 v6, v61  }
0xb2: {  	(v2sf) =	vpush v51, $0xA;
	_ =	sdelay $0x2  }
0xb3: {  	[tilespmem:v9+s29+$0x0] =	vst.idx.msk $0xffff, v53  }
0xb4: {  	v53 =	vld.idx.msk [tilespmem:v62+s11+$0x0], $0xffff  }
0xb5: {  	v52 =	vor.u32 v8, v61;
	_ =	sdelay $0x3  }
0xb6: {  	[tilespmem:v7+s30+$0x0] =	vst.idx.msk $0xffff, v53  }
0xb7: {  	v52 =	vld.idx.msk [tilespmem:v52+s11+$0x0], $0xffff;
	_ =	sdelay $0x2  }
0xb8: {  	v63 =	vbroadcast v46, $0x3;
	s7 =	spop (v2sf)  }
0xb9: {  	s6 =	sand.u32 $0x1FFFFF80, s7  }
0xba: {  	v56 =	vor.u32 v10, v63;
	s8 =	spop (v2sf);
	s6 =	sadd.s32 s0, s6;
	[tilespmem:v9+s30+$0x0] =	vst.idx.msk $0xffff, v52  }
0xbb: {  	[tilespmem:s14], [sflag:$0x1] =	stream.strided.gather [hbm4b:s6+s10], $0x1000, s9, s10, $0x38;
	[tilespmem:$0x12600] =	vst v63  }
0xbc: {  	s6 =	sand.u32 $0x1FFFFF80, s8  }
0xbd: {  	s6 =	sadd.s32 s1, s6  }
0xbe: {  	[tilespmem:s15], [sflag:$0x2] =	stream.strided.gather [hbm4b:s6+s10], $0x1000, s9, s10, $0x38;
	[tilespmem:$0x12600] =	vst v63  }
0xbf: {  	v52 =	vld.idx.msk [tilespmem:v56+s10+$0x0], $0xffff  }
0xc0: {  	v53 =	vor.u32 v12, v63;
	_ =	sdelay $0x3  }
0xc1: {  	v57 =	vbroadcast v47, $0x3;
	[tilespmem:v11+s29+$0x0] =	vst.idx.msk $0xffff, v52  }
0xc2: {  	(v2sf) =	vpush v50, $0xB;
	v53 =	vld.idx.msk [tilespmem:v53+s10+$0x0], $0xffff  }
0xc3: {  	v58 =	vor.u32 v10, v57  }
0xc4: {  	(v2sf) =	vpush v51, $0xB;
	_ =	sdelay $0x2  }
0xc5: {  	[tilespmem:v13+s29+$0x0] =	vst.idx.msk $0xffff, v53  }
0xc6: {  	v53 =	vld.idx.msk [tilespmem:v58+s11+$0x0], $0xffff  }
0xc7: {  	v52 =	vor.u32 v12, v57;
	_ =	sdelay $0x3  }
0xc8: {  	[tilespmem:v11+s30+$0x0] =	vst.idx.msk $0xffff, v53  }
0xc9: {  	v52 =	vld.idx.msk [tilespmem:v52+s11+$0x0], $0xffff;
	_ =	sdelay $0x2  }
0xca: {  	v59 =	vbroadcast v46, $0x4;
	s7 =	spop (v2sf)  }
0xcb: {  	s6 =	sand.u32 $0x1FFFFF80, s7  }
0xcc: {  	v60 =	vor.u32 v14, v59;
	s8 =	spop (v2sf);
	s6 =	sadd.s32 s0, s6;
	[tilespmem:v13+s30+$0x0] =	vst.idx.msk $0xffff, v52  }
0xcd: {  	[tilespmem:s16], [sflag:$0x1] =	stream.strided.gather [hbm4b:s6+s10], $0x1000, s9, s10, $0x38;
	[tilespmem:$0x12600] =	vst v63  }
0xce: {  	s6 =	sand.u32 $0x1FFFFF80, s8  }
0xcf: {  	s6 =	sadd.s32 s1, s6  }
0xd0: {  	[tilespmem:s17], [sflag:$0x2] =	stream.strided.gather [hbm4b:s6+s10], $0x1000, s9, s10, $0x38;
	[tilespmem:$0x12600] =	vst v63  }
0xd1: {  	v52 =	vld.idx.msk [tilespmem:v60+s10+$0x0], $0xffff  }
0xd2: {  	v53 =	vor.u32 v16, v59;
	_ =	sdelay $0x3  }
0xd3: {  	v61 =	vbroadcast v47, $0x4;
	[tilespmem:v15+s29+$0x0] =	vst.idx.msk $0xffff, v52  }
0xd4: {  	(v2sf) =	vpush v50, $0xC;
	v53 =	vld.idx.msk [tilespmem:v53+s10+$0x0], $0xffff  }
0xd5: {  	v62 =	vor.u32 v14, v61  }
0xd6: {  	(v2sf) =	vpush v51, $0xC;
	_ =	sdelay $0x2  }
0xd7: {  	[tilespmem:v17+s29+$0x0] =	vst.idx.msk $0xffff, v53  }
0xd8: {  	v53 =	vld.idx.msk [tilespmem:v62+s11+$0x0], $0xffff  }
0xd9: {  	v52 =	vor.u32 v16, v61;
	_ =	sdelay $0x3  }
0xda: {  	[tilespmem:v15+s30+$0x0] =	vst.idx.msk $0xffff, v53  }
0xdb: {  	v52 =	vld.idx.msk [tilespmem:v52+s11+$0x0], $0xffff;
	_ =	sdelay $0x2  }
0xdc: {  	v63 =	vbroadcast v46, $0x5;
	s7 =	spop (v2sf)  }
0xdd: {  	s6 =	sand.u32 $0x1FFFFF80, s7  }
0xde: {  	v56 =	vor.u32 v18, v63;
	s8 =	spop (v2sf);
	s6 =	sadd.s32 s0, s6;
	[tilespmem:v17+s30+$0x0] =	vst.idx.msk $0xffff, v52  }
0xdf: {  	[tilespmem:s18], [sflag:$0x1] =	stream.strided.gather [hbm4b:s6+s10], $0x1000, s9, s10, $0x38;
	[tilespmem:$0x12600] =	vst v63  }
0xe0: {  	s6 =	sand.u32 $0x1FFFFF80, s8  }
0xe1: {  	s6 =	sadd.s32 s1, s6  }
0xe2: {  	[tilespmem:s19], [sflag:$0x2] =	stream.strided.gather [hbm4b:s6+s10], $0x1000, s9, s10, $0x38;
	[tilespmem:$0x12600] =	vst v63  }
0xe3: {  	v52 =	vld.idx.msk [tilespmem:v56+s10+$0x0], $0xffff  }
0xe4: {  	v53 =	vor.u32 v20, v63;
	_ =	sdelay $0x3  }
0xe5: {  	v57 =	vbroadcast v47, $0x5;
	[tilespmem:v19+s29+$0x0] =	vst.idx.msk $0xffff, v52  }
0xe6: {  	(v2sf) =	vpush v50, $0xD;
	v53 =	vld.idx.msk [tilespmem:v53+s10+$0x0], $0xffff  }
0xe7: {  	v58 =	vor.u32 v18, v57  }
0xe8: {  	(v2sf) =	vpush v51, $0xD;
	_ =	sdelay $0x2  }
0xe9: {  	[tilespmem:v21+s29+$0x0] =	vst.idx.msk $0xffff, v53  }
0xea: {  	v53 =	vld.idx.msk [tilespmem:v58+s11+$0x0], $0xffff  }
0xeb: {  	v52 =	vor.u32 v20, v57;
	_ =	sdelay $0x3  }
0xec: {  	[tilespmem:v19+s30+$0x0] =	vst.idx.msk $0xffff, v53  }
0xed: {  	v52 =	vld.idx.msk [tilespmem:v52+s11+$0x0], $0xffff;
	_ =	sdelay $0x2  }
0xee: {  	v59 =	vbroadcast v46, $0x6;
	s7 =	spop (v2sf)  }
0xef: {  	s6 =	sand.u32 $0x1FFFFF80, s7  }
0xf0: {  	v60 =	vor.u32 v22, v59;
	s8 =	spop (v2sf);
	s6 =	sadd.s32 s0, s6;
	[tilespmem:v21+s30+$0x0] =	vst.idx.msk $0xffff, v52  }
0xf1: {  	[tilespmem:s20], [sflag:$0x1] =	stream.strided.gather [hbm4b:s6+s10], $0x1000, s9, s10, $0x38;
	[tilespmem:$0x12600] =	vst v63  }
0xf2: {  	s6 =	sand.u32 $0x1FFFFF80, s8  }
0xf3: {  	s6 =	sadd.s32 s1, s6  }
0xf4: {  	[tilespmem:s21], [sflag:$0x2] =	stream.strided.gather [hbm4b:s6+s10], $0x1000, s9, s10, $0x38;
	[tilespmem:$0x12600] =	vst v63  }
0xf5: {  	v52 =	vld.idx.msk [tilespmem:v60+s10+$0x0], $0xffff  }
0xf6: {  	v53 =	vor.u32 v24, v59;
	_ =	sdelay $0x3  }
0xf7: {  	v61 =	vbroadcast v47, $0x6;
	[tilespmem:v23+s29+$0x0] =	vst.idx.msk $0xffff, v52  }
0xf8: {  	(v2sf) =	vpush v50, $0xE;
	v53 =	vld.idx.msk [tilespmem:v53+s10+$0x0], $0xffff  }
0xf9: {  	v62 =	vor.u32 v22, v61  }
0xfa: {  	(v2sf) =	vpush v51, $0xE;
	_ =	sdelay $0x2  }
0xfb: {  	[tilespmem:v25+s29+$0x0] =	vst.idx.msk $0xffff, v53  }
0xfc: {  	v53 =	vld.idx.msk [tilespmem:v62+s11+$0x0], $0xffff  }
0xfd: {  	v52 =	vor.u32 v24, v61;
	_ =	sdelay $0x3  }
0xfe: {  	[tilespmem:v23+s30+$0x0] =	vst.idx.msk $0xffff, v53  }
0xff: {  	v52 =	vld.idx.msk [tilespmem:v52+s11+$0x0], $0xffff;
	_ =	sdelay $0x2  }
0x100: {  	v63 =	vbroadcast v46, $0x7;
	s7 =	spop (v2sf)  }
0x101: {  	s6 =	sand.u32 $0x1FFFFF80, s7  }
0x102: {  	v56 =	vor.u32 v26, v63;
	s8 =	spop (v2sf);
	s6 =	sadd.s32 s0, s6;
	[tilespmem:v25+s30+$0x0] =	vst.idx.msk $0xffff, v52  }
0x103: {  	[tilespmem:s22], [sflag:$0x1] =	stream.strided.gather [hbm4b:s6+s10], $0x1000, s9, s10, $0x38;
	[tilespmem:$0x12600] =	vst v63  }
0x104: {  	s6 =	sand.u32 $0x1FFFFF80, s8  }
0x105: {  	s6 =	sadd.s32 s1, s6  }
0x106: {  	[tilespmem:s23], [sflag:$0x2] =	stream.strided.gather [hbm4b:s6+s10], $0x1000, s9, s10, $0x38;
	[tilespmem:$0x12600] =	vst v63  }
0x107: {  	v52 =	vld.idx.msk [tilespmem:v56+s10+$0x0], $0xffff  }
0x108: {  	v53 =	vor.u32 v28, v63;
	_ =	sdelay $0x3  }
0x109: {  	v57 =	vbroadcast v47, $0x7;
	[tilespmem:v27+s29+$0x0] =	vst.idx.msk $0xffff, v52  }
0x10a: {  	(v2sf) =	vpush v50, $0xF;
	v53 =	vld.idx.msk [tilespmem:v53+s10+$0x0], $0xffff  }
0x10b: {  	v58 =	vor.u32 v26, v57  }
0x10c: {  	(v2sf) =	vpush v51, $0xF;
	_ =	sdelay $0x2  }
0x10d: {  	[tilespmem:v29+s29+$0x0] =	vst.idx.msk $0xffff, v53  }
0x10e: {  	v50 =	vld.idx.msk [tilespmem:v58+s11+$0x0], $0xffff  }
0x10f: {  	v59 =	vor.u32 v28, v57;
	_ =	sdelay $0x3  }
0x110: {  	[tilespmem:v27+s30+$0x0] =	vst.idx.msk $0xffff, v50  }
0x111: {  	v50 =	vld.idx.msk [tilespmem:v59+s11+$0x0], $0xffff;
	_ =	sdelay $0x2  }
0x112: {  	s7 =	spop (v2sf)  }
0x113: {  	s6 =	sand.u32 $0x1FFFFF80, s7  }
0x114: {  	s8 =	spop (v2sf);
	s6 =	sadd.s32 s0, s6;
	[tilespmem:v29+s30+$0x0] =	vst.idx.msk $0xffff, v50  }
0x115: {  	[tilespmem:s24], [sflag:$0x1] =	stream.strided.gather [hbm4b:s6+s10], $0x1000, s9, s10, $0x38;
	[tilespmem:$0x12600] =	vst v63  }
0x116: {  	s6 =	sand.u32 $0x1FFFFF80, s8  }
0x117: {  	s6 =	sadd.s32 s1, s6  }
0x118: {  	[tilespmem:s25], [sflag:$0x2] =	stream.strided.gather [hbm4b:s6+s10], $0x1000, s9, s10, $0x38;
	[tilespmem:$0x12600] =	vst v63  }
0x119: {  	_ =	swait.ge [sflag:s26], $0x1000  }
0x11a: {  	[sflag:s26] =	ssyncset.done $0x0  }
0x11b: {  	[sflag:s26] =	ssyncadd.s32 $0xFFFFF000  }
0x11c: {  	_ =	swait.ge [sflag:s28], $0x1000  }
0x11d: {  	[sflag:s28] =	ssyncset.done $0x0  }
0x11e: {  	[sflag:s28] =	ssyncadd.s32 $0xFFFFF000  }
0x11f: {  	_ =	swait.ge [sflag:s26], $0x1000  }
0x120: {  	[sflag:s26] =	ssyncset.done $0x0  }
0x121: {  	[sflag:s26] =	ssyncadd.s32 $0xFFFFF000  }
0x122: {  	_ =	swait.ge [sflag:s28], $0x1000  }
0x123: {  	[sflag:s28] =	ssyncset.done $0x0  }
0x124: {  	[sflag:s28] =	ssyncadd.s32 $0xFFFFF000  }
0x125: {  	_ =	swait.ge [sflag:s26], $0x1000  }
0x126: {  	[sflag:s26] =	ssyncset.done $0x0  }
0x127: {  	[sflag:s26] =	ssyncadd.s32 $0xFFFFF000  }
0x128: {  	_ =	swait.ge [sflag:s28], $0x1000  }
0x129: {  	[sflag:s28] =	ssyncset.done $0x0  }
0x12a: {  	[sflag:s28] =	ssyncadd.s32 $0xFFFFF000  }
0x12b: {  	_ =	swait.ge [sflag:s26], $0x1000  }
0x12c: {  	[sflag:s26] =	ssyncset.done $0x0  }
0x12d: {  	[sflag:s26] =	ssyncadd.s32 $0xFFFFF000  }
0x12e: {  	_ =	swait.ge [sflag:s28], $0x1000  }
0x12f: {  	[sflag:s28] =	ssyncset.done $0x0  }
0x130: {  	[sflag:s28] =	ssyncadd.s32 $0xFFFFF000  }
0x131: {  	_ =	swait.ge [sflag:s26], $0x1000  }
0x132: {  	[sflag:s26] =	ssyncset.done $0x0  }
0x133: {  	[sflag:s26] =	ssyncadd.s32 $0xFFFFF000  }
0x134: {  	_ =	swait.ge [sflag:s28], $0x1000  }
0x135: {  	[sflag:s28] =	ssyncset.done $0x0  }
0x136: {  	[sflag:s28] =	ssyncadd.s32 $0xFFFFF000  }
0x137: {  	_ =	swait.ge [sflag:s26], $0x1000  }
0x138: {  	[sflag:s26] =	ssyncset.done $0x0  }
0x139: {  	[sflag:s26] =	ssyncadd.s32 $0xFFFFF000  }
0x13a: {  	_ =	swait.ge [sflag:s28], $0x1000  }
0x13b: {  	[sflag:s28] =	ssyncset.done $0x0  }
0x13c: {  	[sflag:s28] =	ssyncadd.s32 $0xFFFFF000  }
0x13d: {  	_ =	swait.ge [sflag:s26], $0x1000  }
0x13e: {  	[sflag:s26] =	ssyncset.done $0x0  }
0x13f: {  	[sflag:s26] =	ssyncadd.s32 $0xFFFFF000  }
0x140: {  	_ =	swait.ge [sflag:s28], $0x1000  }
0x141: {  	[sflag:s28] =	ssyncset.done $0x0  }
0x142: {  	v60 =	vbroadcast v46, $0x8;
	[sflag:s28] =	ssyncadd.s32 $0xFFFFF000  }
0x143: {  	_ =	swait.ge [sflag:s26], $0x1000  }
0x144: {  	v61 =	vor.u32 v0, v60;
	[sflag:s26] =	ssyncset.done $0x0  }
0x145: {  	[sflag:s26] =	ssyncadd.s32 $0xFFFFF000  }
0x146: {  	_ =	swait.ge [sflag:s28], $0x1000  }
0x147: {  	[sflag:s28] =	ssyncset.done $0x0  }
0x148: {  	[sflag:s28] =	ssyncadd.s32 $0xFFFFF000  }
0x149: {  	v51 =	vld.idx.msk [tilespmem:v61+s10+$0x0], $0xffff  }
0x14a: {  	v50 =	vor.u32 v1, v60;
	_ =	sdelay $0x2  }
0x14b: {  	v49 =	vshrl.u32 v49, $0x7  }
0x14c: {  	v49 =	vshll.u32 v49, $0x7;
	v62 =	vbroadcast v47, $0x8;
	[tilespmem:v30+s29+$0x0] =	vst.idx.msk $0xffff, v51  }
0x14d: {  	v48 =	vshrl.u32 v48, $0x7;
	(v2sf) =	vpush v49, $0x0;
	v50 =	vld.idx.msk [tilespmem:v50+s10+$0x0], $0xffff  }
0x14e: {  	v48 =	vshll.u32 v48, $0x7;
	v63 =	vor.u32 v0, v62  }
0x14f: {  	(v2sf) =	vpush v48, $0x0;
	_ =	sdelay $0x2  }
0x150: {  	[tilespmem:v31+s29+$0x0] =	vst.idx.msk $0xffff, v50  }
0x151: {  	v50 =	vld.idx.msk [tilespmem:v63+s11+$0x0], $0xffff  }
0x152: {  	v51 =	vor.u32 v1, v62;
	_ =	sdelay $0x3  }
0x153: {  	[tilespmem:v30+s30+$0x0] =	vst.idx.msk $0xffff, v50  }
0x154: {  	v50 =	vld.idx.msk [tilespmem:v51+s11+$0x0], $0xffff;
	_ =	sdelay $0x2  }
0x155: {  	v56 =	vbroadcast v46, $0x9;
	s7 =	spop (v2sf)  }
0x156: {  	s6 =	sand.u32 $0x1FFFFF80, s7  }
0x157: {  	v57 =	vor.u32 v2, v56;
	s8 =	spop (v2sf);
	s6 =	sadd.s32 s0, s6;
	[tilespmem:v31+s30+$0x0] =	vst.idx.msk $0xffff, v50  }
0x158: {  	[tilespmem:s10], [sflag:$0x1] =	stream.strided.gather [hbm4b:s6+s10], $0x1000, s9, s10, $0x38;
	[tilespmem:$0x12600] =	vst v63  }
0x159: {  	s6 =	sand.u32 $0x1FFFFF80, s8  }
0x15a: {  	s6 =	sadd.s32 s1, s6  }
0x15b: {  	[tilespmem:s11], [sflag:$0x2] =	stream.strided.gather [hbm4b:s6+s10], $0x1000, s9, s10, $0x38;
	[tilespmem:$0x12600] =	vst v63  }
0x15c: {  	v50 =	vld.idx.msk [tilespmem:v57+s10+$0x0], $0xffff  }
0x15d: {  	v51 =	vor.u32 v4, v56;
	_ =	sdelay $0x3  }
0x15e: {  	v58 =	vbroadcast v47, $0x9;
	[tilespmem:v32+s29+$0x0] =	vst.idx.msk $0xffff, v50  }
0x15f: {  	(v2sf) =	vpush v49, $0x1;
	v51 =	vld.idx.msk [tilespmem:v51+s10+$0x0], $0xffff  }
0x160: {  	v59 =	vor.u32 v2, v58  }
0x161: {  	(v2sf) =	vpush v48, $0x1;
	_ =	sdelay $0x2  }
0x162: {  	[tilespmem:v33+s29+$0x0] =	vst.idx.msk $0xffff, v51  }
0x163: {  	v51 =	vld.idx.msk [tilespmem:v59+s11+$0x0], $0xffff  }
0x164: {  	v50 =	vor.u32 v4, v58;
	_ =	sdelay $0x3  }
0x165: {  	[tilespmem:v32+s30+$0x0] =	vst.idx.msk $0xffff, v51  }
0x166: {  	v50 =	vld.idx.msk [tilespmem:v50+s11+$0x0], $0xffff;
	_ =	sdelay $0x2  }
0x167: {  	v60 =	vbroadcast v46, $0xA;
	s7 =	spop (v2sf)  }
0x168: {  	s6 =	sand.u32 $0x1FFFFF80, s7  }
0x169: {  	v61 =	vor.u32 v6, v60;
	s8 =	spop (v2sf);
	s6 =	sadd.s32 s0, s6;
	[tilespmem:v33+s30+$0x0] =	vst.idx.msk $0xffff, v50  }
0x16a: {  	[tilespmem:s12], [sflag:$0x1] =	stream.strided.gather [hbm4b:s6+s10], $0x1000, s9, s10, $0x38;
	[tilespmem:$0x12600] =	vst v63  }
0x16b: {  	s6 =	sand.u32 $0x1FFFFF80, s8  }
0x16c: {  	s6 =	sadd.s32 s1, s6  }
0x16d: {  	[tilespmem:s13], [sflag:$0x2] =	stream.strided.gather [hbm4b:s6+s10], $0x1000, s9, s10, $0x38;
	[tilespmem:$0x12600] =	vst v63  }
0x16e: {  	v50 =	vld.idx.msk [tilespmem:v61+s10+$0x0], $0xffff  }
0x16f: {  	v51 =	vor.u32 v8, v60;
	_ =	sdelay $0x3  }
0x170: {  	v62 =	vbroadcast v47, $0xA;
	[tilespmem:v34+s29+$0x0] =	vst.idx.msk $0xffff, v50  }
0x171: {  	(v2sf) =	vpush v49, $0x2;
	v51 =	vld.idx.msk [tilespmem:v51+s10+$0x0], $0xffff  }
0x172: {  	v63 =	vor.u32 v6, v62  }
0x173: {  	(v2sf) =	vpush v48, $0x2;
	_ =	sdelay $0x2  }
0x174: {  	[tilespmem:v35+s29+$0x0] =	vst.idx.msk $0xffff, v51  }
0x175: {  	v51 =	vld.idx.msk [tilespmem:v63+s11+$0x0], $0xffff  }
0x176: {  	v50 =	vor.u32 v8, v62;
	_ =	sdelay $0x3  }
0x177: {  	[tilespmem:v34+s30+$0x0] =	vst.idx.msk $0xffff, v51  }
0x178: {  	v50 =	vld.idx.msk [tilespmem:v50+s11+$0x0], $0xffff;
	_ =	sdelay $0x2  }
0x179: {  	v56 =	vbroadcast v46, $0xB;
	s7 =	spop (v2sf)  }
0x17a: {  	s6 =	sand.u32 $0x1FFFFF80, s7  }
0x17b: {  	v57 =	vor.u32 v10, v56;
	s8 =	spop (v2sf);
	s6 =	sadd.s32 s0, s6;
	[tilespmem:v35+s30+$0x0] =	vst.idx.msk $0xffff, v50  }
0x17c: {  	[tilespmem:s14], [sflag:$0x1] =	stream.strided.gather [hbm4b:s6+s10], $0x1000, s9, s10, $0x38;
	[tilespmem:$0x12600] =	vst v63  }
0x17d: {  	s6 =	sand.u32 $0x1FFFFF80, s8  }
0x17e: {  	s6 =	sadd.s32 s1, s6  }
0x17f: {  	[tilespmem:s15], [sflag:$0x2] =	stream.strided.gather [hbm4b:s6+s10], $0x1000, s9, s10, $0x38;
	[tilespmem:$0x12600] =	vst v63  }
0x180: {  	v50 =	vld.idx.msk [tilespmem:v57+s10+$0x0], $0xffff  }
0x181: {  	v51 =	vor.u32 v12, v56;
	_ =	sdelay $0x3  }
0x182: {  	v58 =	vbroadcast v47, $0xB;
	[tilespmem:v36+s29+$0x0] =	vst.idx.msk $0xffff, v50  }
0x183: {  	(v2sf) =	vpush v49, $0x3;
	v51 =	vld.idx.msk [tilespmem:v51+s10+$0x0], $0xffff  }
0x184: {  	v59 =	vor.u32 v10, v58  }
0x185: {  	(v2sf) =	vpush v48, $0x3;
	_ =	sdelay $0x2  }
0x186: {  	[tilespmem:v37+s29+$0x0] =	vst.idx.msk $0xffff, v51  }
0x187: {  	v51 =	vld.idx.msk [tilespmem:v59+s11+$0x0], $0xffff  }
0x188: {  	v50 =	vor.u32 v12, v58;
	_ =	sdelay $0x3  }
0x189: {  	[tilespmem:v36+s30+$0x0] =	vst.idx.msk $0xffff, v51  }
0x18a: {  	v50 =	vld.idx.msk [tilespmem:v50+s11+$0x0], $0xffff;
	_ =	sdelay $0x2  }
0x18b: {  	v60 =	vbroadcast v46, $0xC;
	s7 =	spop (v2sf)  }
0x18c: {  	s6 =	sand.u32 $0x1FFFFF80, s7  }
0x18d: {  	v61 =	vor.u32 v14, v60;
	s8 =	spop (v2sf);
	s6 =	sadd.s32 s0, s6;
	[tilespmem:v37+s30+$0x0] =	vst.idx.msk $0xffff, v50  }
0x18e: {  	[tilespmem:s16], [sflag:$0x1] =	stream.strided.gather [hbm4b:s6+s10], $0x1000, s9, s10, $0x38;
	[tilespmem:$0x12600] =	vst v63  }
0x18f: {  	s6 =	sand.u32 $0x1FFFFF80, s8  }
0x190: {  	s6 =	sadd.s32 s1, s6  }
0x191: {  	[tilespmem:s17], [sflag:$0x2] =	stream.strided.gather [hbm4b:s6+s10], $0x1000, s9, s10, $0x38;
	[tilespmem:$0x12600] =	vst v63  }
0x192: {  	v50 =	vld.idx.msk [tilespmem:v61+s10+$0x0], $0xffff  }
0x193: {  	v51 =	vor.u32 v16, v60;
	_ =	sdelay $0x3  }
0x194: {  	v62 =	vbroadcast v47, $0xC;
	[tilespmem:v38+s29+$0x0] =	vst.idx.msk $0xffff, v50  }
0x195: {  	(v2sf) =	vpush v49, $0x4;
	v51 =	vld.idx.msk [tilespmem:v51+s10+$0x0], $0xffff  }
0x196: {  	v63 =	vor.u32 v14, v62  }
0x197: {  	(v2sf) =	vpush v48, $0x4;
	_ =	sdelay $0x2  }
0x198: {  	[tilespmem:v39+s29+$0x0] =	vst.idx.msk $0xffff, v51  }
0x199: {  	v51 =	vld.idx.msk [tilespmem:v63+s11+$0x0], $0xffff  }
0x19a: {  	v50 =	vor.u32 v16, v62;
	_ =	sdelay $0x3  }
0x19b: {  	[tilespmem:v38+s30+$0x0] =	vst.idx.msk $0xffff, v51  }
0x19c: {  	v50 =	vld.idx.msk [tilespmem:v50+s11+$0x0], $0xffff;
	_ =	sdelay $0x2  }
0x19d: {  	v56 =	vbroadcast v46, $0xD;
	s7 =	spop (v2sf)  }
0x19e: {  	s6 =	sand.u32 $0x1FFFFF80, s7  }
0x19f: {  	v57 =	vor.u32 v18, v56;
	s8 =	spop (v2sf);
	s6 =	sadd.s32 s0, s6;
	[tilespmem:v39+s30+$0x0] =	vst.idx.msk $0xffff, v50  }
0x1a0: {  	[tilespmem:s18], [sflag:$0x1] =	stream.strided.gather [hbm4b:s6+s10], $0x1000, s9, s10, $0x38;
	[tilespmem:$0x12600] =	vst v63  }
0x1a1: {  	s6 =	sand.u32 $0x1FFFFF80, s8  }
0x1a2: {  	s6 =	sadd.s32 s1, s6  }
0x1a3: {  	[tilespmem:s19], [sflag:$0x2] =	stream.strided.gather [hbm4b:s6+s10], $0x1000, s9, s10, $0x38;
	[tilespmem:$0x12600] =	vst v63  }
0x1a4: {  	v50 =	vld.idx.msk [tilespmem:v57+s10+$0x0], $0xffff  }
0x1a5: {  	v51 =	vor.u32 v20, v56;
	_ =	sdelay $0x3  }
0x1a6: {  	v58 =	vbroadcast v47, $0xD;
	[tilespmem:v40+s29+$0x0] =	vst.idx.msk $0xffff, v50  }
0x1a7: {  	(v2sf) =	vpush v49, $0x5;
	v51 =	vld.idx.msk [tilespmem:v51+s10+$0x0], $0xffff  }
0x1a8: {  	v59 =	vor.u32 v18, v58  }
0x1a9: {  	(v2sf) =	vpush v48, $0x5;
	_ =	sdelay $0x2  }
0x1aa: {  	[tilespmem:v41+s29+$0x0] =	vst.idx.msk $0xffff, v51  }
0x1ab: {  	v51 =	vld.idx.msk [tilespmem:v59+s11+$0x0], $0xffff  }
0x1ac: {  	v50 =	vor.u32 v20, v58;
	_ =	sdelay $0x3  }
0x1ad: {  	[tilespmem:v40+s30+$0x0] =	vst.idx.msk $0xffff, v51  }
0x1ae: {  	v50 =	vld.idx.msk [tilespmem:v50+s11+$0x0], $0xffff;
	_ =	sdelay $0x2  }
0x1af: {  	v60 =	vbroadcast v46, $0xE;
	s7 =	spop (v2sf)  }
0x1b0: {  	s6 =	sand.u32 $0x1FFFFF80, s7  }
0x1b1: {  	v61 =	vor.u32 v22, v60;
	s8 =	spop (v2sf);
	s6 =	sadd.s32 s0, s6;
	[tilespmem:v41+s30+$0x0] =	vst.idx.msk $0xffff, v50  }
0x1b2: {  	[tilespmem:s20], [sflag:$0x1] =	stream.strided.gather [hbm4b:s6+s10], $0x1000, s9, s10, $0x38;
	[tilespmem:$0x12600] =	vst v63  }
0x1b3: {  	s6 =	sand.u32 $0x1FFFFF80, s8  }
0x1b4: {  	s6 =	sadd.s32 s1, s6  }
0x1b5: {  	[tilespmem:s21], [sflag:$0x2] =	stream.strided.gather [hbm4b:s6+s10], $0x1000, s9, s10, $0x38;
	[tilespmem:$0x12600] =	vst v63  }
0x1b6: {  	v50 =	vld.idx.msk [tilespmem:v61+s10+$0x0], $0xffff  }
0x1b7: {  	v51 =	vor.u32 v24, v60;
	_ =	sdelay $0x3  }
0x1b8: {  	v62 =	vbroadcast v47, $0xE;
	[tilespmem:v42+s29+$0x0] =	vst.idx.msk $0xffff, v50  }
0x1b9: {  	(v2sf) =	vpush v49, $0x6;
	v51 =	vld.idx.msk [tilespmem:v51+s10+$0x0], $0xffff  }
0x1ba: {  	v63 =	vor.u32 v22, v62  }
0x1bb: {  	(v2sf) =	vpush v48, $0x6;
	_ =	sdelay $0x2  }
0x1bc: {  	[tilespmem:v43+s29+$0x0] =	vst.idx.msk $0xffff, v51  }
0x1bd: {  	v51 =	vld.idx.msk [tilespmem:v63+s11+$0x0], $0xffff  }
0x1be: {  	v50 =	vor.u32 v24, v62;
	_ =	sdelay $0x3  }
0x1bf: {  	[tilespmem:v42+s30+$0x0] =	vst.idx.msk $0xffff, v51  }
0x1c0: {  	v50 =	vld.idx.msk [tilespmem:v50+s11+$0x0], $0xffff;
	_ =	sdelay $0x2  }
0x1c1: {  	v46 =	vbroadcast v46, $0xF;
	s7 =	spop (v2sf)  }
0x1c2: {  	s6 =	sand.u32 $0x1FFFFF80, s7  }
0x1c3: {  	v55 =	vor.u32 v26, v46;
	s8 =	spop (v2sf);
	s6 =	sadd.s32 s0, s6;
	[tilespmem:v43+s30+$0x0] =	vst.idx.msk $0xffff, v50  }
0x1c4: {  	[tilespmem:s22], [sflag:$0x1] =	stream.strided.gather [hbm4b:s6+s10], $0x1000, s9, s10, $0x38;
	[tilespmem:$0x12600] =	vst v63  }
0x1c5: {  	s6 =	sand.u32 $0x1FFFFF80, s8  }
0x1c6: {  	s6 =	sadd.s32 s1, s6  }
0x1c7: {  	[tilespmem:s23], [sflag:$0x2] =	stream.strided.gather [hbm4b:s6+s10], $0x1000, s9, s10, $0x38;
	[tilespmem:$0x12600] =	vst v63  }
0x1c8: {  	v50 =	vld.idx.msk [tilespmem:v55+s10+$0x0], $0xffff  }
0x1c9: {  	v46 =	vor.u32 v28, v46;
	_ =	sdelay $0x3  }
0x1ca: {  	v47 =	vbroadcast v47, $0xF;
	[tilespmem:v44+s29+$0x0] =	vst.idx.msk $0xffff, v50  }
0x1cb: {  	(v2sf) =	vpush v49, $0x7;
	v46 =	vld.idx.msk [tilespmem:v46+s10+$0x0], $0xffff  }
0x1cc: {  	v56 =	vor.u32 v26, v47  }
0x1cd: {  	(v2sf) =	vpush v48, $0x7;
	_ =	sdelay $0x2  }
0x1ce: {  	[tilespmem:v45+s29+$0x0] =	vst.idx.msk $0xffff, v46  }
0x1cf: {  	v46 =	vld.idx.msk [tilespmem:v56+s11+$0x0], $0xffff  }
0x1d0: {  	v47 =	vor.u32 v28, v47;
	_ =	sdelay $0x3  }
0x1d1: {  	[tilespmem:v44+s30+$0x0] =	vst.idx.msk $0xffff, v46  }
0x1d2: {  	v46 =	vld.idx.msk [tilespmem:v47+s11+$0x0], $0xffff;
	_ =	sdelay $0x2  }
0x1d3: {  	s7 =	spop (v2sf)  }
0x1d4: {  	s6 =	sand.u32 $0x1FFFFF80, s7  }
0x1d5: {  	s8 =	spop (v2sf);
	s6 =	sadd.s32 s0, s6;
	[tilespmem:v45+s30+$0x0] =	vst.idx.msk $0xffff, v46  }
0x1d6: {  	[tilespmem:s24], [sflag:$0x1] =	stream.strided.gather [hbm4b:s6+s10], $0x1000, s9, s10, $0x38;
	[tilespmem:$0x12600] =	vst v63  }
0x1d7: {  	s6 =	sand.u32 $0x1FFFFF80, s8  }
0x1d8: {  	s6 =	sadd.s32 s1, s6  }
0x1d9: {  	[tilespmem:s25], [sflag:$0x2] =	stream.strided.gather [hbm4b:s6+s10], $0x1000, s9, s10, $0x38;
	[tilespmem:$0x12600] =	vst v63  }
0x1da: {  	v46 =	vld [tilespmem:$0x10400]  }
0x1db: {  	v57 =	vld [tilespmem:$0x11400]  }
0x1dc: {  	v58 =	vld [tilespmem:$0x10480]  }
0x1dd: {  	v59 =	vld [tilespmem:$0x11480]  }
0x1de: {  	v50 =	vld [tilespmem:$0x10500]  }
0x1df: {  	v51 =	vld [tilespmem:$0x11500]  }
0x1e0: {  	v60 =	vld [tilespmem:$0x10580];
	v46 =	vmul.f32 v57, v46  }
0x1e1: {  	v61 =	vld [tilespmem:$0x11580]  }
0x1e2: {  	v62 =	vld [tilespmem:$0x10600];
	v48 =	vmul.f32 v59, v58;
	v46 =	vadd.f32 $0.0e+00, v46  }
0x1e3: {  	v63 =	vld [tilespmem:$0x11600]  }
0x1e4: {  	v56 =	vmul.f32 v51, v50;
	v57 =	vld [tilespmem:$0x10680];
	v46 =	vadd.f32 v48, v46  }
0x1e5: {  	v58 =	vld [tilespmem:$0x11680]  }
0x1e6: {  	v47 =	vmul.f32 v61, v60;
	v59 =	vld [tilespmem:$0x10700];
	v46 =	vadd.f32 v56, v46  }
0x1e7: {  	v60 =	vld [tilespmem:$0x11700]  }
0x1e8: {  	v61 =	vmul.f32 v63, v62;
	v62 =	vld [tilespmem:$0x10780];
	v46 =	vadd.f32 v47, v46  }
0x1e9: {  	v63 =	vld [tilespmem:$0x11780]  }
0x1ea: {  	v55 =	vmul.f32 v58, v57;
	v57 =	vld [tilespmem:$0x11800];
	v46 =	vadd.f32 v61, v46  }
0x1eb: {  	v56 =	vld [tilespmem:$0x10800]  }
0x1ec: {  	v58 =	vmul.f32 v60, v59;
	v59 =	vld [tilespmem:$0x10880];
	v46 =	vadd.f32 v55, v46  }
0x1ed: {  	v60 =	vld [tilespmem:$0x11880]  }
0x1ee: {  	v61 =	vmul.f32 v63, v62;
	v62 =	vld [tilespmem:$0x10900];
	v46 =	vadd.f32 v58, v46  }
0x1ef: {  	v63 =	vld [tilespmem:$0x11900]  }
0x1f0: {  	v55 =	vmul.f32 v57, v56;
	v56 =	vld [tilespmem:$0x10980];
	v46 =	vadd.f32 v61, v46  }
0x1f1: {  	v57 =	vld [tilespmem:$0x11980]  }
0x1f2: {  	v58 =	vmul.f32 v60, v59;
	v59 =	vld [tilespmem:$0x10A00];
	v46 =	vadd.f32 v55, v46  }
0x1f3: {  	v60 =	vld [tilespmem:$0x11A00]  }
0x1f4: {  	v61 =	vmul.f32 v63, v62;
	v62 =	vld [tilespmem:$0x10A80];
	v46 =	vadd.f32 v58, v46  }
0x1f5: {  	v63 =	vld [tilespmem:$0x11A80]  }
0x1f6: {  	v55 =	vmul.f32 v57, v56;
	v56 =	vld [tilespmem:$0x10B00];
	v46 =	vadd.f32 v61, v46  }
0x1f7: {  	v57 =	vld [tilespmem:$0x11B00]  }
0x1f8: {  	v58 =	vmul.f32 v60, v59;
	v59 =	vld [tilespmem:$0x10B80];
	v46 =	vadd.f32 v55, v46  }
0x1f9: {  	v60 =	vld [tilespmem:$0x11B80]  }
0x1fa: {  	v61 =	vmul.f32 v63, v62;
	v62 =	vld [tilespmem:$0x10C00];
	v46 =	vadd.f32 v58, v46  }
0x1fb: {  	v63 =	vld [tilespmem:$0x11C00]  }
0x1fc: {  	v56 =	vmul.f32 v57, v56;
	v57 =	vld [tilespmem:$0x10C80];
	v46 =	vadd.f32 v61, v46  }
0x1fd: {  	v58 =	vld [tilespmem:$0x11C80]  }
0x1fe: {  	v59 =	vmul.f32 v60, v59;
	v60 =	vld [tilespmem:$0x10D00];
	v46 =	vadd.f32 v56, v46  }
0x1ff: {  	v61 =	vld [tilespmem:$0x11D00]  }
0x200: {  	v62 =	vmul.f32 v63, v62;
	v63 =	vld [tilespmem:$0x10D80];
	v46 =	vadd.f32 v59, v46  }
0x201: {  	v56 =	vld [tilespmem:$0x11D80]  }
0x202: {  	v57 =	vmul.f32 v58, v57;
	v58 =	vld [tilespmem:$0x10E00];
	v46 =	vadd.f32 v62, v46  }
0x203: {  	v59 =	vld [tilespmem:$0x11E00]  }
0x204: {  	v60 =	vmul.f32 v61, v60;
	v61 =	vld [tilespmem:$0x10E80];
	v46 =	vadd.f32 v57, v46  }
0x205: {  	v62 =	vld [tilespmem:$0x11E80]  }
0x206: {  	v63 =	vmul.f32 v56, v63;
	v56 =	vld [tilespmem:$0x10F00];
	v46 =	vadd.f32 v60, v46  }
0x207: {  	v57 =	vld [tilespmem:$0x11F00]  }
0x208: {  	v58 =	vmul.f32 v59, v58;
	v59 =	vld [tilespmem:$0x10F80];
	v46 =	vadd.f32 v63, v46  }
0x209: {  	v60 =	vld [tilespmem:$0x11F80]  }
0x20a: {  	v61 =	vmul.f32 v62, v61;
	v62 =	vld [tilespmem:$0x11000];
	v46 =	vadd.f32 v58, v46  }
0x20b: {  	v63 =	vld [tilespmem:$0x12000]  }
0x20c: {  	v56 =	vmul.f32 v57, v56;
	v57 =	vld [tilespmem:$0x11080];
	v46 =	vadd.f32 v61, v46  }
0x20d: {  	v58 =	vld [tilespmem:$0x12080]  }
0x20e: {  	v59 =	vmul.f32 v60, v59;
	v60 =	vld [tilespmem:$0x11100];
	v46 =	vadd.f32 v56, v46  }
0x20f: {  	v61 =	vld [tilespmem:$0x12100]  }
0x210: {  	v62 =	vmul.f32 v63, v62;
	v63 =	vld [tilespmem:$0x11180];
	v46 =	vadd.f32 v59, v46  }
0x211: {  	v56 =	vld [tilespmem:$0x12180]  }
0x212: {  	v57 =	vmul.f32 v58, v57;
	v58 =	vld [tilespmem:$0x11200];
	v46 =	vadd.f32 v62, v46  }
0x213: {  	v59 =	vld [tilespmem:$0x12200]  }
0x214: {  	v60 =	vmul.f32 v61, v60;
	v61 =	vld [tilespmem:$0x11280];
	v46 =	vadd.f32 v57, v46  }
0x215: {  	v62 =	vld [tilespmem:$0x12280]  }
0x216: {  	v63 =	vmul.f32 v56, v63;
	v56 =	vld [tilespmem:$0x11300];
	v46 =	vadd.f32 v60, v46  }
0x217: {  	v57 =	vld [tilespmem:$0x12300]  }
0x218: {  	v58 =	vmul.f32 v59, v58;
	v59 =	vld [tilespmem:$0x11380];
	v46 =	vadd.f32 v63, v46  }
0x219: {  	v60 =	vld [tilespmem:$0x12380]  }
0x21a: {  	v61 =	vmul.f32 v62, v61;
	v46 =	vadd.f32 v58, v46;
	_ =	sdelay $0x1  }
0x21b: {  	v62 =	vmul.f32 v57, v56;
	v46 =	vadd.f32 v61, v46  }
0x21c: {  	p0 =	sne.s32 s5, $0x20  }
.Ltmp0:
0x21d: {  	v63 =	vmul.f32 v60, v59;
	v46 =	vadd.f32 v62, v46;
	(pc) =	sbr.rel @p0 .LBB2_2-.Ltmp0, $4  }
0x21e: {  	_ = 	snop  }
0x21f: {  	v46 =	vadd.f32 v63, v46  }
0x220: {  	s3 =	sadd.s32 $0x20, s3  }
0x221: {  	s4 =	sadd.s32 $0x10, s4;
	s5 =	sadd.s32 $0x1, s5;
	[tilespmem:s31+$0x0] =	vst v46;
	s31 =	sadd.s32 $0x10, s31  }
0x222: {  	_ =	swait.ge [sflag:s26], $0x1000  }
0x223: {  	[sflag:s26] =	ssyncset.done $0x0  }
0x224: {  	[sflag:s26] =	ssyncadd.s32 $0xFFFFF000  }
0x225: {  	_ =	swait.ge [sflag:s28], $0x1000  }
0x226: {  	[sflag:s28] =	ssyncset.done $0x0  }
0x227: {  	[sflag:s28] =	ssyncadd.s32 $0xFFFFF000  }
0x228: {  	_ =	swait.ge [sflag:s26], $0x1000  }
0x229: {  	[sflag:s26] =	ssyncset.done $0x0  }
0x22a: {  	[sflag:s26] =	ssyncadd.s32 $0xFFFFF000  }
0x22b: {  	_ =	swait.ge [sflag:s28], $0x1000  }
0x22c: {  	[sflag:s28] =	ssyncset.done $0x0  }
0x22d: {  	[sflag:s28] =	ssyncadd.s32 $0xFFFFF000  }
0x22e: {  	_ =	swait.ge [sflag:s26], $0x1000  }
0x22f: {  	[sflag:s26] =	ssyncset.done $0x0  }
0x230: {  	[sflag:s26] =	ssyncadd.s32 $0xFFFFF000  }
0x231: {  	_ =	swait.ge [sflag:s28], $0x1000  }
0x232: {  	[sflag:s28] =	ssyncset.done $0x0  }
0x233: {  	[sflag:s28] =	ssyncadd.s32 $0xFFFFF000  }
0x234: {  	_ =	swait.ge [sflag:s26], $0x1000  }
0x235: {  	[sflag:s26] =	ssyncset.done $0x0  }
0x236: {  	[sflag:s26] =	ssyncadd.s32 $0xFFFFF000  }
0x237: {  	_ =	swait.ge [sflag:s28], $0x1000  }
0x238: {  	[sflag:s28] =	ssyncset.done $0x0  }
0x239: {  	[sflag:s28] =	ssyncadd.s32 $0xFFFFF000  }
0x23a: {  	_ =	swait.ge [sflag:s26], $0x1000  }
0x23b: {  	[sflag:s26] =	ssyncset.done $0x0  }
0x23c: {  	[sflag:s26] =	ssyncadd.s32 $0xFFFFF000  }
0x23d: {  	_ =	swait.ge [sflag:s28], $0x1000  }
0x23e: {  	[sflag:s28] =	ssyncset.done $0x0  }
0x23f: {  	[sflag:s28] =	ssyncadd.s32 $0xFFFFF000  }
0x240: {  	_ =	swait.ge [sflag:s26], $0x1000  }
0x241: {  	[sflag:s26] =	ssyncset.done $0x0  }
0x242: {  	[sflag:s26] =	ssyncadd.s32 $0xFFFFF000  }
0x243: {  	_ =	swait.ge [sflag:s28], $0x1000  }
0x244: {  	[sflag:s28] =	ssyncset.done $0x0  }
0x245: {  	[sflag:s28] =	ssyncadd.s32 $0xFFFFF000  }
0x246: {  	_ =	swait.ge [sflag:s26], $0x1000  }
0x247: {  	[sflag:s26] =	ssyncset.done $0x0  }
0x248: {  	[sflag:s26] =	ssyncadd.s32 $0xFFFFF000  }
0x249: {  	_ =	swait.ge [sflag:s28], $0x1000  }
0x24a: {  	[sflag:s28] =	ssyncset.done $0x0  }
0x24b: {  	[sflag:s28] =	ssyncadd.s32 $0xFFFFF000  }
0x24c: {  	_ =	swait.ge [sflag:s26], $0x1000  }
0x24d: {  	[sflag:s26] =	ssyncset.done $0x0  }
0x24e: {  	[sflag:s26] =	ssyncadd.s32 $0xFFFFF000  }
0x24f: {  	_ =	swait.ge [sflag:s28], $0x1000  }
0x250: {  	s8 =	simm.s32 $0x0;
	[sflag:s28] =	ssyncset.done $0x0  }
0x251: {  	s4 =	simm.s32 $0x12400;
	s3 =	rddreg [dreg:$0x6];
	[sflag:s28] =	ssyncadd.s32 $0xFFFFF000  }
0x252: {  	[hbm4b:s3+s8] =	stream.linear.scatter [tilespmem:s4], [sflag:$0x3], $0x200, $0x38;
	[tilespmem:$0x12600] =	vst v63  }
0x253: {  	s4 =	simm.s32 $0x3  }
0x254: {  	_ =	swait.ge [sflag:s4], $0x200  }
0x255: {  	s2 =	sadd.s32 $0x1, s2;
	s31 =	rddreg [dreg:$0x7]  }
0x256: {  	p0 =	sne.s32 s2, s31  }
.Ltmp1:
0x257: {  	_ = 	snop;
	(pc) =	sbr.rel @p0 .LBB2_1-.Ltmp1, $3  }
0x258: {  	_ =	sdelay $0x1  }
0x259: {  	[sflag:s4] =	ssyncset.done $0x0  }
0x25a: {  	[sflag:s4] =	ssyncadd.s32 $0xFFFFFE00  }
0x25b: {  	_ =	sfence.sel $0x180000  }
0x25c: {  	[bflag:$0x0] =	sbarrier.arrive $0xFFFF  }
0x25d: {  	_ =	strace $0x90000047  }
0x25e: {  	s0 =	stileid.u32;
	[bflag:$0x2] =	sbarrier.arrive $0xFFFF  }
0x25f: {  	p0 =	sne.s32 s0, $0x0;
	s0 =	rddreg [dreg:$0x4]  }
0x260: {  	s0 =	sadd.s32 @!p0 $0x100000, s0  }
0x261: {  	[sflag:s0] =	ssyncadd.tile.s32 @!p0 $0x1;
	_ =	shalt  }
.Lfunc_end2:
_tile_overlayer_lowered:
.L_overlay_start_2:
0x262: {  	(tag) =	ssettag $0x2  }
0x263: {  	s0 =	rddreg [dreg:$0x0];
	s2 =	stileid.u32  }
0x264: {  	s1 =	rddreg [dreg:$0x1];
	p0 =	sne.s32 s2, $0x0  }
0x265: {  	s3 =	rddreg [dreg:$0x2];
	[bflag:$0x3] =	sbarrier.arrive $0xFFFF;
	s2 =	simm.s32 @!p0 $0x1C03  }
0x266: {  	[timem:s3], [sflag:s2] =	dma.local @!p0 [hbm:s0], s1  }
0x267: {  	s0 =	simm.s32 @!p0 $0x3  }
0x268: {  	_ =	swait.ge @!p0 [sflag:s0], s1  }
0x269: {  	s1 =	ssub.s32 @!p0 $0x0, s1;
	[sflag:s0] =	ssyncset.done @!p0 $0x0  }
0x26a: {  	[sflag:s0] =	ssyncadd.s32 @!p0 s1  }
0x26b: {  	[bflag:$0x3] =	sbarrier.arrive $0xFFFF  }
0x26c: {  	_ =	shalt  }

</sc_bundles>
